<compile_context>
chip_gen: v7x
topology: tpu7x:2x2x1
jax: 0.10.2.dev20260603
libtpu: 0.0.44.dev20260713+nightly
codegen_flags: <defaults>
</compile_context>

<pallas_src>
import functools

import jax
import jax.numpy as jnp
from jax import lax
from jax.experimental import pallas as pl
from jax.experimental.pallas import tpu as pltpu
from jax.experimental.pallas import tpu_sc as plsc

N = 100000
STATE = 128
ACT = 32
MSG = 64
NB = 8
BLK = 12800
NPAD = NB * BLK
ROWS, COLS = 40, 2560
K = 64
NEGF = -1e38
PADV = -1e30
BIGI = 2**31 - 1
EPS = 1e-8


def _dot_t(a, b):
    return lax.dot_general(a, b, (((1,), (1,)), ((), ())),
                           preferred_element_type=jnp.float32)


def _n2n(x):
    return jnp.nan_to_num(x, nan=0.0, posinf=0.0, neginf=0.0)


def _score_body(q_ref, sal_ref, s_ref, wse_ref, bse_r_ref, w9a_ref,
                b9a_r_ref, w9b_ref, b9b_r_ref, topi_ref, w_ref, acc_ref):
    bf = jnp.bfloat16
    f32 = jnp.float32
    cT = (((1,), (1,)), ((), ()))
    cM = (((1,), (0,)), ((), ()))
    q = _n2n(q_ref[...])
    s = s_ref[...]
    wse = wse_ref[...]
    bse_r = bse_r_ref[...]
    kT_bf = lax.dot_general(wse, s, cT,
                            preferred_element_type=f32).astype(bf)
    qe_bf = (lax.dot_general(q, wse, cT, preferred_element_type=f32)
             + bse_r).astype(bf)
    sims_c = lax.dot_general(qe_bf, kT_bf, cM,
                             preferred_element_type=f32)
    w9a = w9a_ref[...]
    b9a_r = b9a_r_ref[...]
    w9b = w9b_ref[...]
    b9b_r = b9b_r_ref[...]
    w9b_bf = w9b.astype(bf)
    tT_bf = jnp.tanh(lax.dot_general(w9a, s[:, :9], cT,
                                     preferred_element_type=f32)).astype(bf)
    k9T_bf = lax.dot_general(w9b_bf, tT_bf, cM,
                             preferred_element_type=f32).astype(bf)
    q9h_bf = jnp.tanh(lax.dot_general(q[:, :9], w9a, cT,
                                      preferred_element_type=f32)
                      + b9a_r).astype(bf)
    q9_bf = (lax.dot_general(q9h_bf, w9b_bf, cT, preferred_element_type=f32)
             + b9b_r).astype(bf)
    sims_9 = lax.dot_general(q9_bf, k9T_bf, cM,
                             preferred_element_type=f32)
    sal = sal_ref[...]
    sims = 0.5 * sims_c + 0.5 * sims_9 + jnp.log(jnp.maximum(sal, 0.0) + EPS)
    sims = _n2n(sims)
    i = pl.program_id(0)
    gi = i * BLK + lax.broadcasted_iota(jnp.int32, (1, BLK), 1)
    acc_ref[pl.ds(i, 1), :] = jnp.where(gi < N, sims, PADV)

    @pl.when(i == NB - 1)
    def _():
        _topk_from_acc(acc_ref, topi_ref, w_ref)


def _topk_from_acc(acc_ref, topi_ref, w_ref):
    acc = acc_ref[...]
    g = BLK // COLS
    x = jnp.concatenate(
        [acc[r:r + 1, j * COLS:(j + 1) * COLS]
         for r in range(NB) for j in range(g)],
        axis=0)
    iota_c = lax.broadcasted_iota(jnp.int32, (1, COLS), 1)
    iota_k = lax.broadcasted_iota(jnp.int32, (1, K), 1)
    colmax = jnp.max(x, axis=0, keepdims=True)

    def loop_a(j, carry):
        cm, cols = carry
        m = jnp.max(cm)
        ci = jnp.min(jnp.where(cm == m, iota_c, BIGI))
        cols = jnp.where(iota_k == j, ci, cols)
        cm = jnp.where(iota_c == ci, NEGF, cm)
        return cm, cols

    _, cols = lax.fori_loop(0, K, loop_a,
                            (colmax, jnp.zeros((1, K), jnp.int32)))

    iota_cc = lax.broadcasted_iota(jnp.int32, (COLS, K), 0)
    oh = (iota_cc == cols).astype(jnp.float32)
    cand = lax.dot_general(x, oh, (((1,), (0,)), ((), ())),
                           precision=lax.Precision.HIGHEST,
                           preferred_element_type=jnp.float32)
    row_i = lax.broadcasted_iota(jnp.int32, (ROWS, K), 0)
    cand_idx = row_i * COLS + cols

    def loop_b(j, carry):
        cd, topv, topi = carry
        m = jnp.max(cd)
        fi = jnp.min(jnp.where(cd == m, cand_idx, BIGI))
        topv = jnp.where(iota_k == j, m, topv)
        topi = jnp.where(iota_k == j, fi, topi)
        cd = jnp.where((cd == m) & (cand_idx == fi), NEGF, cd)
        return cd, topv, topi

    _, topv, topi = lax.fori_loop(
        0, K, loop_b,
        (cand, jnp.full((1, K), NEGF, jnp.float32),
         jnp.zeros((1, K), jnp.int32)))
    mx = jnp.max(topv)
    e = jnp.exp(topv - mx)
    w = e / jnp.sum(e)
    topi_ref[...] = topi
    w_ref[...] = _n2n(w)


def _sc_gather_body(topi_hbm, states_hbm, sel_s_hbm, idx_v, s_v, sem_s):
    wid = lax.axis_index("s") * 2 + lax.axis_index("c")

    @pl.when(wid == 0)
    def _():
        pltpu.sync_copy(topi_hbm, idx_v)
        cp = pltpu.make_async_copy(states_hbm.at[idx_v], s_v, sem_s)
        cp.start()
        cp.wait()
        pltpu.sync_copy(s_v, sel_s_hbm)


@functools.cache
def _get_sc_gather():
    mesh = plsc.VectorSubcoreMesh(core_axis_name="c", subcore_axis_name="s")
    return pl.kernel(
        _sc_gather_body,
        out_type=jax.ShapeDtypeStruct((K, STATE), jnp.float32),
        mesh=mesh,
        scratch_types=[
            pltpu.VMEM((K,), jnp.int32),
            pltpu.VMEM((K, STATE), jnp.float32),
            pltpu.SemaphoreType.DMA,
        ],
    )


def _mlp_body(w_ref, ti_ref, tiv_ref, ss_ref, at_ref, mt_ref,
              w1a_ref, w1b_ref, w1c_ref,
              b1_ref, w2_ref, b2_ref, w3_ref, b3_ref, out_ref,
              a_v, m_v, sem):
    cps = []
    for j in range(K):
        idx = ti_ref[0, j]
        base = pl.multiple_of((idx // 128) * 128, 128)
        cp = pltpu.make_async_copy(at_ref.at[:, pl.ds(base, 128)],
                                   a_v.at[:, pl.ds(j * 128, 128)], sem)
        cp.start()
        cps.append(cp)
        cp = pltpu.make_async_copy(mt_ref.at[:, pl.ds(base, 128)],
                                   m_v.at[:, pl.ds(j * 128, 128)], sem)
        cp.start()
        cps.append(cp)
    for cp in cps:
        cp.wait()
    w = w_ref[...]
    topi_v = tiv_ref[...]
    iota_k = lax.broadcasted_iota(jnp.int32, (1, K), 1)
    cpos = (topi_v & 127) + iota_k * 128
    iota_w = lax.broadcasted_iota(jnp.int32, (K * 128, K), 0)
    oh = (iota_w == cpos).astype(jnp.float32)
    cdim = (((1,), (0,)), ((), ()))
    cT = (((1,), (1,)), ((), ()))
    hi = lax.Precision.HIGHEST
    sel_at = lax.dot_general(a_v[...], oh, cdim, precision=hi,
                             preferred_element_type=jnp.float32)
    sel_mt = lax.dot_general(m_v[...], oh, cdim, precision=hi,
                             preferred_element_type=jnp.float32)
    mean_s = lax.dot_general(w, ss_ref[...], cdim, precision=hi,
                             preferred_element_type=jnp.float32)
    mean_a = lax.dot_general(w, sel_at, cT, precision=hi,
                             preferred_element_type=jnp.float32)
    mean_m = lax.dot_general(w, sel_mt, cT, precision=hi,
                             preferred_element_type=jnp.float32)
    h = (_dot_t(mean_s, w1a_ref[...]) + _dot_t(mean_a, w1b_ref[...]) +
         _dot_t(mean_m, w1c_ref[...]) + b1_ref[...])
    h1 = jnp.tanh(h)
    h2 = jnp.tanh(_dot_t(h1, w2_ref[...]) + b2_ref[...])
    out = _dot_t(h2, w3_ref[...]) + b3_ref[...]
    out_ref[...] = _n2n(out)


def _full(shape):
    return pl.BlockSpec(shape, lambda i: tuple(0 for _ in shape))


def kernel(query_state, states, actions, msgs, salience,
           W_se, b_se, W_9a, b_9a, W_9b, b_9b,
           W_s1, b_s1, W_s2, b_s2, W_s3, b_s3):
    q2 = query_state.reshape(1, STATE)
    sal2 = salience.reshape(1, N)
    topi, w = pl.pallas_call(
        _score_body,
        grid=(NB,),
        in_specs=[
            _full((1, STATE)),
            pl.BlockSpec((1, BLK), lambda i: (0, i)),
            pl.BlockSpec((BLK, STATE), lambda i: (i, 0)),
            _full((32, STATE)),
            _full((1, 32)),
            _full((32, 9)),
            _full((1, 32)),
            _full((32, 32)),
            _full((1, 32)),
        ],
        out_specs=[
            pl.BlockSpec((1, K), lambda i: (0, 0)),
            pl.BlockSpec((1, K), lambda i: (0, 0)),
        ],
        out_shape=[
            jax.ShapeDtypeStruct((1, K), jnp.int32),
            jax.ShapeDtypeStruct((1, K), jnp.float32),
        ],
        scratch_shapes=[pltpu.VMEM((NB, BLK), jnp.float32)],
    )(q2, sal2, states, W_se, b_se.reshape(1, -1), W_9a,
      b_9a.reshape(1, -1), W_9b, b_9b.reshape(1, -1))

    sel_s = _get_sc_gather()(topi.reshape(K), states)

    out = pl.pallas_call(
        _mlp_body,
        in_specs=[
            pl.BlockSpec(memory_space=pltpu.VMEM),
            pl.BlockSpec(memory_space=pltpu.SMEM),
            pl.BlockSpec(memory_space=pltpu.VMEM),
            pl.BlockSpec(memory_space=pltpu.VMEM),
            pl.BlockSpec(memory_space=pl.ANY),
            pl.BlockSpec(memory_space=pl.ANY),
            pl.BlockSpec(memory_space=pltpu.VMEM),
            pl.BlockSpec(memory_space=pltpu.VMEM),
            pl.BlockSpec(memory_space=pltpu.VMEM),
            pl.BlockSpec(memory_space=pltpu.VMEM),
            pl.BlockSpec(memory_space=pltpu.VMEM),
            pl.BlockSpec(memory_space=pltpu.VMEM),
            pl.BlockSpec(memory_space=pltpu.VMEM),
            pl.BlockSpec(memory_space=pltpu.VMEM),
        ],
        scratch_shapes=[
            pltpu.VMEM((ACT, K * 128), jnp.float32),
            pltpu.VMEM((MSG, K * 128), jnp.float32),
            pltpu.SemaphoreType.DMA,
        ],
        out_shape=jax.ShapeDtypeStruct((1, STATE), jnp.float32),
    )(w, topi, topi, sel_s, actions.T, msgs.T,
      W_s1[:, :STATE], W_s1[:, STATE:STATE + ACT], W_s1[:, STATE + ACT:],
      b_s1.reshape(1, -1), W_s2, b_s2.reshape(1, -1),
      W_s3, b_s3.reshape(1, -1))
    return out.reshape(STATE)

# --- scband reference (transcript-rebuilt; emitter-appended) ---
"""Pipeline reference for scband-episodic-memory-11776800325803 (READ-ONLY COPY).

The authoritative reference and input builder live on the scoring server;
editing this copy changes nothing except your own understanding.
"""

import jax, jax.numpy as jnp
import numpy as np

STATE_DIM = 128
ACTION_DIM = 32
MSG_DIM = 64
CAP = 100000
EMBED = 32
TOPK = 64
NINE = 9
EPS = 1e-8


def _linear(x, W, b):
    # torch nn.Linear: y = x @ W.T + b, W is [out, in]
    return x @ W.T + b


def setup_inputs(seed: int = 0) -> dict:
    key = jax.random.key(seed)
    ks = jax.random.split(key, 16)
    inp = {}
    inp["query_state"] = jax.random.normal(ks[0], (STATE_DIM,), dtype=jnp.float32)
    inp["states"] = jax.random.normal(ks[1], (CAP, STATE_DIM), dtype=jnp.float32)
    inp["actions"] = jax.random.normal(ks[2], (CAP, ACTION_DIM), dtype=jnp.float32)
    inp["msgs"] = jax.random.normal(ks[3], (CAP, MSG_DIM), dtype=jnp.float32)
    inp["salience"] = jax.random.uniform(ks[4], (CAP,), dtype=jnp.float32)
    s = 0.05
    inp["W_se"] = jax.random.normal(ks[5], (EMBED, STATE_DIM), dtype=jnp.float32) * s
    inp["b_se"] = jnp.zeros((EMBED,), dtype=jnp.float32)
    inp["W_9a"] = jax.random.normal(ks[6], (EMBED, NINE), dtype=jnp.float32) * s
    inp["b_9a"] = jnp.zeros((EMBED,), dtype=jnp.float32)
    inp["W_9b"] = jax.random.normal(ks[7], (EMBED, EMBED), dtype=jnp.float32) * s
    inp["b_9b"] = jnp.zeros((EMBED,), dtype=jnp.float32)
    inp["W_s1"] = jax.random.normal(ks[8], (64, STATE_DIM + ACTION_DIM + MSG_DIM), dtype=jnp.float32) * s
    inp["b_s1"] = jnp.zeros((64,), dtype=jnp.float32)
    inp["W_s2"] = jax.random.normal(ks[9], (64, 64), dtype=jnp.float32) * s
    inp["b_s2"] = jnp.zeros((64,), dtype=jnp.float32)
    inp["W_s3"] = jax.random.normal(ks[10], (STATE_DIM, 64), dtype=jnp.float32) * s
    inp["b_s3"] = jnp.zeros((STATE_DIM,), dtype=jnp.float32)
    return inp


def reference(query_state, states, actions, msgs, salience,
              W_se, b_se, W_9a, b_9a, W_9b, b_9b,
              W_s1, b_s1, W_s2, b_s2, W_s3, b_s3):
    query_state = jnp.nan_to_num(query_state, nan=0.0, posinf=0.0, neginf=0.0)
    # content scores
    q = _linear(query_state.reshape(1, -1), W_se, b_se)          # [1, E]
    k = _linear(states, W_se, b_se)                               # [N, E]
    sims = (k @ q.T)[:, 0]                                        # [N]
    # 9d projection branch
    q9_h = jnp.tanh(_linear(query_state[:NINE].reshape(1, -1), W_9a, b_9a))
    q9 = _linear(q9_h, W_9b, b_9b)                                # [1, E]
    k9_h = jnp.tanh(_linear(states[:, :NINE], W_9a, b_9a))
    k9 = _linear(k9_h, W_9b, b_9b)                                # [N, E]
    sims_9d = (k9 @ q9.T)[:, 0]
    sims = 0.5 * sims + 0.5 * sims_9d
    # salience weighting
    sal = jnp.maximum(salience, 0.0)
    sims = sims + jnp.log(sal + EPS)
    sims = jnp.nan_to_num(sims, nan=0.0, posinf=0.0, neginf=0.0)
    # top-k recall
    kk = max(1, min(TOPK, sims.shape[0]))
    topv, topi = jax.lax.top_k(sims, kk)
    sel_s = states[topi]
    sel_a = actions[topi]
    sel_m = msgs[topi]
    w = jax.nn.softmax(topv, axis=0).reshape(-1, 1)
    w = jnp.nan_to_num(w, nan=0.0, posinf=0.0, neginf=0.0)
    mean_s = (w * sel_s).sum(axis=0)
    mean_a = (w * sel_a).sum(axis=0)
    mean_m = (w * sel_m).sum(axis=0)
    summary_in = jnp.concatenate([mean_s, mean_a, mean_m], axis=-1)
    h1 = jnp.tanh(_linear(summary_in, W_s1, b_s1))
    h2 = jnp.tanh(_linear(h1, W_s2, b_s2))
    out = _linear(h2, W_s3, b_s3)
    out = jnp.nan_to_num(out, nan=0.0, posinf=0.0, neginf=0.0)
    return out

if __name__ == "__main__":
    import jax
    _d = setup_inputs()
    print(jax.jit(kernel)(*tuple(_d.values())))

</pallas_src>

<mosaic_0001>
#map = affine_map<(d0, d1) -> (0)>
#map1 = affine_map<(d0, d1) -> (0, 0)>
module attributes {stable_mosaic.version = 14 : i64} {
  func.func @_sc_gather_body(%arg0: i32, %arg1: i32, %arg2: memref<64xi32, #tpu.memory_space<hbm>>, %arg3: memref<100000x128xf32, #tpu.memory_space<hbm>>, %arg4: memref<64x128xf32, #tpu.memory_space<hbm>>, %arg5: memref<64xi32, #tpu.memory_space<vmem>>, %arg6: memref<64x128xf32, #tpu.memory_space<vmem>>, %arg7: memref<!tpu.dma_semaphore, #tpu.memory_space<semaphore_mem>>) attributes {dimension_semantics = [#tpu.dimension_semantics<core_parallel>, #tpu.dimension_semantics<subcore_parallel>], iteration_bounds = array<i64: 2, 16>, scalar_prefetch = 0 : i64, scratch_operands = 3 : i64, tpu.core_type = #tpu.core_type<sc_vector_subcore>, window_params = [{transform_indices = #map}, {transform_indices = #map1}, {transform_indices = #map1}]} {
    %mul3A = arith.constant 2 : i32
    %mul3A_0 = arith.muli %arg1, %mul3A : i32
    %add3A = arith.addi %mul3A_0, %arg0 : i32
    %eq3A = arith.constant 0 : i32
    %eq3A_1 = arith.cmpi eq, %add3A, %eq3A : i32
    %convert_element_type3A = arith.extui %eq3A_1 : i1 to i32
    %cond3A = arith.constant 0 : i32
    %cond3A_2 = arith.cmpi ne, %convert_element_type3A, %cond3A : i32
    scf.if %cond3A_2 {
      "tpu.region"() ({
        %run_scoped3A = tpu.sem_alloc : memref<!tpu.dma_semaphore, #tpu.memory_space<semaphore_mem>>
        tpu.enqueue_dma source(%arg2 : memref<64xi32, #tpu.memory_space<hbm>>) target(%arg5 : memref<64xi32, #tpu.memory_space<vmem>>) target_semaphore(%run_scoped3A : memref<!tpu.dma_semaphore, #tpu.memory_space<semaphore_mem>>)
        tpu.wait_dma2 semaphore(%run_scoped3A : memref<!tpu.dma_semaphore, #tpu.memory_space<semaphore_mem>>) src(%arg2 : memref<64xi32, #tpu.memory_space<hbm>>) dst(%arg5 : memref<64xi32, #tpu.memory_space<vmem>>)
        tpu.yield
      }) : () -> ()
      %dma_start3A = arith.constant 0 : i32
      %dma_start3A_3 = arith.constant 0 : i32
      %dma_start3A_4 = tpu.memref_slice %arg3[%dma_start3A, %dma_start3A_3] : memref<100000x128xf32, #tpu.memory_space<hbm>> -> memref<100000x128xf32, #tpu.memory_space<hbm>>
      tpu.enqueue_indirect_dma source(%dma_start3A_4 : memref<100000x128xf32, #tpu.memory_space<hbm>>) target(%arg6 : memref<64x128xf32, #tpu.memory_space<vmem>>) offsets(%arg5 : memref<64xi32, #tpu.memory_space<vmem>>) semaphore(%arg7 : memref<!tpu.dma_semaphore, #tpu.memory_space<semaphore_mem>>)
      %dma_wait3A = arith.constant 0 : i32
      %dma_wait3A_5 = arith.constant 0 : i32
      %dma_wait3A_6 = tpu.memref_slice %arg3[%dma_wait3A, %dma_wait3A_5] : memref<100000x128xf32, #tpu.memory_space<hbm>> -> memref<100000x128xf32, #tpu.memory_space<hbm>>
      tpu.wait_indirect_dma semaphore(%arg7 : memref<!tpu.dma_semaphore, #tpu.memory_space<semaphore_mem>>) src(%dma_wait3A_6 : memref<100000x128xf32, #tpu.memory_space<hbm>>) dst(%arg6 : memref<64x128xf32, #tpu.memory_space<vmem>>)
      "tpu.region"() ({
        %run_scoped3A = tpu.sem_alloc : memref<!tpu.dma_semaphore, #tpu.memory_space<semaphore_mem>>
        tpu.enqueue_dma source(%arg6 : memref<64x128xf32, #tpu.memory_space<vmem>>) target(%arg4 : memref<64x128xf32, #tpu.memory_space<hbm>>) target_semaphore(%run_scoped3A : memref<!tpu.dma_semaphore, #tpu.memory_space<semaphore_mem>>)
        tpu.wait_dma2 semaphore(%run_scoped3A : memref<!tpu.dma_semaphore, #tpu.memory_space<semaphore_mem>>) src(%arg6 : memref<64x128xf32, #tpu.memory_space<vmem>>) dst(%arg4 : memref<64x128xf32, #tpu.memory_space<hbm>>)
        tpu.yield
      }) : () -> ()
    } else {
    }
    return
  }
}

module attributes {stable_mosaic.version = 14 : i64} {
  func.func @_score_body(%arg0: i32, %arg1: memref<1x128xf32, #tpu.memory_space<vmem>>, %arg2: memref<1x12800xf32, #tpu.memory_space<vmem>>, %arg3: memref<12800x128xf32, #tpu.memory_space<vmem>>, %arg4: memref<32x128xf32, #tpu.memory_space<vmem>>, %arg5: memref<1x32xf32, #tpu.memory_space<vmem>>, %arg6: memref<32x9xf32, #tpu.memory_space<vmem>>, %arg7: memref<1x32xf32, #tpu.memory_space<vmem>>, %arg8: memref<32x32xf32, #tpu.memory_space<vmem>>, %arg9: memref<1x32xf32, #tpu.memory_space<vmem>>, %arg10: memref<1x64xi32, #tpu.memory_space<vmem>>, %arg11: memref<1x64xf32, #tpu.memory_space<vmem>>, %arg12: memref<8x12800xf32, #tpu.memory_space<vmem>>) attributes {dimension_semantics = [#tpu.dimension_semantics<arbitrary>], iteration_bounds = array<i64: 8>, scalar_prefetch = 0 : i64, scratch_operands = 1 : i64, tpu.core_type = #tpu.core_type<tc>, window_params = [{pipeline_mode = #tpu.pipeline_mode<synchronous>, transform_indices = @transform_0, window_bounds = array<i64: 1, 128>}, {transform_indices = @transform_1, window_bounds = array<i64: 1, 12800>}, {transform_indices = @transform_2, window_bounds = array<i64: 12800, 128>}, {pipeline_mode = #tpu.pipeline_mode<synchronous>, transform_indices = @transform_3, window_bounds = array<i64: 32, 128>}, {pipeline_mode = #tpu.pipeline_mode<synchronous>, transform_indices = @transform_4, window_bounds = array<i64: 1, 32>}, {pipeline_mode = #tpu.pipeline_mode<synchronous>, transform_indices = @transform_5, window_bounds = array<i64: 32, 9>}, {pipeline_mode = #tpu.pipeline_mode<synchronous>, transform_indices = @transform_6, window_bounds = array<i64: 1, 32>}, {pipeline_mode = #tpu.pipeline_mode<synchronous>, transform_indices = @transform_7, window_bounds = array<i64: 32, 32>}, {pipeline_mode = #tpu.pipeline_mode<synchronous>, transform_indices = @transform_8, window_bounds = array<i64: 1, 32>}, {pipeline_mode = #tpu.pipeline_mode<synchronous>, transform_indices = @transform_9, window_bounds = array<i64: 1, 64>}, {pipeline_mode = #tpu.pipeline_mode<synchronous>, transform_indices = @transform_10, window_bounds = array<i64: 1, 64>}]} {
    %get3A = arith.constant 0 : index
    %get3A_0 = arith.constant 0 : index
    %get3A_1 = vector.load %arg1[%get3A, %get3A_0] : memref<1x128xf32, #tpu.memory_space<vmem>>, vector<1x128xf32>
    %jit3A = arith.constant 0.000000e+00 : f32
    %jit3A_2 = arith.constant 0.000000e+00 : f32
    %jit3A_3 = arith.constant 0.000000e+00 : f32
    %ne3A = arith.cmpf one, %get3A_1, %get3A_1 : vector<1x128xf32>
    %broadcast_in_dim3A = vector.broadcast %jit3A : f32 to vector<1x128xf32>
    %select_n3A = arith.select %ne3A, %broadcast_in_dim3A, %get3A_1 : vector<1x128xi1>, vector<1x128xf32>
    %eq3A = arith.constant 0x7F800000 : f32
    %eq3A_4 = vector.broadcast %eq3A : f32 to vector<1x128xf32>
    %eq3A_5 = arith.cmpf oeq, %select_n3A, %eq3A_4 : vector<1x128xf32>
    %broadcast_in_dim3A_6 = vector.broadcast %jit3A_3 : f32 to vector<1x128xf32>
    %select_n3A_7 = arith.select %eq3A_5, %broadcast_in_dim3A_6, %select_n3A : vector<1x128xi1>, vector<1x128xf32>
    %eq3A_8 = arith.constant 0xFF800000 : f32
    %eq3A_9 = vector.broadcast %eq3A_8 : f32 to vector<1x128xf32>
    %eq3A_10 = arith.cmpf oeq, %select_n3A_7, %eq3A_9 : vector<1x128xf32>
    %broadcast_in_dim3A_11 = vector.broadcast %jit3A_2 : f32 to vector<1x128xf32>
    %select_n3A_12 = arith.select %eq3A_10, %broadcast_in_dim3A_11, %select_n3A_7 : vector<1x128xi1>, vector<1x128xf32>
    %get3A_13 = arith.constant 0 : index
    %get3A_14 = arith.constant 0 : index
    %get3A_15 = vector.load %arg3[%get3A_13, %get3A_14] : memref<12800x128xf32, #tpu.memory_space<vmem>>, vector<12800x128xf32>
    %get3A_16 = arith.constant 0 : index
    %get3A_17 = arith.constant 0 : index
    %get3A_18 = vector.load %arg4[%get3A_16, %get3A_17] : memref<32x128xf32, #tpu.memory_space<vmem>>, vector<32x128xf32>
    %get3A_19 = arith.constant 0 : index
    %get3A_20 = arith.constant 0 : index
    %get3A_21 = vector.load %arg5[%get3A_19, %get3A_20] : memref<1x32xf32, #tpu.memory_space<vmem>>, vector<1x32xf32>
    %dot_general3A = arith.constant dense<0.000000e+00> : vector<32x12800xf32>
    %dot_general3A_22 = tpu.matmul %get3A_18, %get3A_15, %dot_general3A {dimension_numbers = #tpu.dot_dimension_numbers<[1], [1], [0], [0], [0, 0, 1, 0], [], []>, transpose_lhs_hint = false} : vector<32x128xf32>, vector<12800x128xf32>, vector<32x12800xf32> -> vector<32x12800xf32>
    %convert_element_type3A = arith.truncf %dot_general3A_22 : vector<32x12800xf32> to vector<32x12800xbf16>
    %dot_general3A_23 = arith.constant dense<0.000000e+00> : vector<1x32xf32>
    %dot_general3A_24 = tpu.matmul %select_n3A_12, %get3A_18, %dot_general3A_23 {dimension_numbers = #tpu.dot_dimension_numbers<[1], [1], [0], [0], [0, 0, 1, 0], [], []>, transpose_lhs_hint = false} : vector<1x128xf32>, vector<32x128xf32>, vector<1x32xf32> -> vector<1x32xf32>
    %add3A = arith.addf %dot_general3A_24, %get3A_21 : vector<1x32xf32>
    %convert_element_type3A_25 = arith.truncf %add3A : vector<1x32xf32> to vector<1x32xbf16>
    %dot_general3A_26 = arith.constant dense<0.000000e+00> : vector<1x12800xf32>
    %dot_general3A_27 = tpu.matmul %convert_element_type3A_25, %convert_element_type3A, %dot_general3A_26 {dimension_numbers = #tpu.dot_dimension_numbers<[1], [0], [0], [1], [0, 0, 1, 1], [], []>, transpose_lhs_hint = false} : vector<1x32xbf16>, vector<32x12800xbf16>, vector<1x12800xf32> -> vector<1x12800xf32>
    %get3A_28 = arith.constant 0 : index
    %get3A_29 = arith.constant 0 : index
    %get3A_30 = vector.load %arg6[%get3A_28, %get3A_29] : memref<32x9xf32, #tpu.memory_space<vmem>>, vector<32x9xf32>
    %get3A_31 = arith.constant 0 : index
    %get3A_32 = arith.constant 0 : index
    %get3A_33 = vector.load %arg7[%get3A_31, %get3A_32] : memref<1x32xf32, #tpu.memory_space<vmem>>, vector<1x32xf32>
    %get3A_34 = arith.constant 0 : index
    %get3A_35 = arith.constant 0 : index
    %get3A_36 = vector.load %arg8[%get3A_34, %get3A_35] : memref<32x32xf32, #tpu.memory_space<vmem>>, vector<32x32xf32>
    %get3A_37 = arith.constant 0 : index
    %get3A_38 = arith.constant 0 : index
    %get3A_39 = vector.load %arg9[%get3A_37, %get3A_38] : memref<1x32xf32, #tpu.memory_space<vmem>>, vector<1x32xf32>
    %convert_element_type3A_40 = arith.truncf %get3A_36 : vector<32x32xf32> to vector<32x32xbf16>
    %slice3A = vector.extract_strided_slice %get3A_15 {offsets = [0, 0], sizes = [12800, 9], strides = [1, 1]} : vector<12800x128xf32> to vector<12800x9xf32>
    %dot_general3A_41 = arith.constant dense<0.000000e+00> : vector<32x12800xf32>
    %dot_general3A_42 = tpu.matmul %get3A_30, %slice3A, %dot_general3A_41 {dimension_numbers = #tpu.dot_dimension_numbers<[1], [1], [0], [0], [0, 0, 1, 0], [], []>, transpose_lhs_hint = false} : vector<32x9xf32>, vector<12800x9xf32>, vector<32x12800xf32> -> vector<32x12800xf32>
    %tanh3A = math.tanh %dot_general3A_42 : vector<32x12800xf32>
    %convert_element_type3A_43 = arith.truncf %tanh3A : vector<32x12800xf32> to vector<32x12800xbf16>
    %dot_general3A_44 = arith.constant dense<0.000000e+00> : vector<32x12800xf32>
    %dot_general3A_45 = tpu.matmul %convert_element_type3A_40, %convert_element_type3A_43, %dot_general3A_44 {dimension_numbers = #tpu.dot_dimension_numbers<[1], [0], [0], [1], [0, 0, 1, 1], [], []>, transpose_lhs_hint = false} : vector<32x32xbf16>, vector<32x12800xbf16>, vector<32x12800xf32> -> vector<32x12800xf32>
    %convert_element_type3A_46 = arith.truncf %dot_general3A_45 : vector<32x12800xf32> to vector<32x12800xbf16>
    %slice3A_47 = vector.extract_strided_slice %select_n3A_12 {offsets = [0, 0], sizes = [1, 9], strides = [1, 1]} : vector<1x128xf32> to vector<1x9xf32>
    %dot_general3A_48 = arith.constant dense<0.000000e+00> : vector<1x32xf32>
    %dot_general3A_49 = tpu.matmul %slice3A_47, %get3A_30, %dot_general3A_48 {dimension_numbers = #tpu.dot_dimension_numbers<[1], [1], [0], [0], [0, 0, 1, 0], [], []>, transpose_lhs_hint = false} : vector<1x9xf32>, vector<32x9xf32>, vector<1x32xf32> -> vector<1x32xf32>
    %add3A_50 = arith.addf %dot_general3A_49, %get3A_33 : vector<1x32xf32>
    %tanh3A_51 = math.tanh %add3A_50 : vector<1x32xf32>
    %convert_element_type3A_52 = arith.truncf %tanh3A_51 : vector<1x32xf32> to vector<1x32xbf16>
    %dot_general3A_53 = arith.constant dense<0.000000e+00> : vector<1x32xf32>
    %dot_general3A_54 = tpu.matmul %convert_element_type3A_52, %convert_element_type3A_40, %dot_general3A_53 {dimension_numbers = #tpu.dot_dimension_numbers<[1], [1], [0], [0], [0, 0, 1, 0], [], []>, transpose_lhs_hint = false} : vector<1x32xbf16>, vector<32x32xbf16>, vector<1x32xf32> -> vector<1x32xf32>
    %add3A_55 = arith.addf %dot_general3A_54, %get3A_39 : vector<1x32xf32>
    %convert_element_type3A_56 = arith.truncf %add3A_55 : vector<1x32xf32> to vector<1x32xbf16>
    %dot_general3A_57 = arith.constant dense<0.000000e+00> : vector<1x12800xf32>
    %dot_general3A_58 = tpu.matmul %convert_element_type3A_56, %convert_element_type3A_46, %dot_general3A_57 {dimension_numbers = #tpu.dot_dimension_numbers<[1], [0], [0], [1], [0, 0, 1, 1], [], []>, transpose_lhs_hint = false} : vector<1x32xbf16>, vector<32x12800xbf16>, vector<1x12800xf32> -> vector<1x12800xf32>
    %get3A_59 = arith.constant 0 : index
    %get3A_60 = arith.constant 0 : index
    %get3A_61 = vector.load %arg2[%get3A_59, %get3A_60] : memref<1x12800xf32, #tpu.memory_space<vmem>>, vector<1x12800xf32>
    %mul3A = arith.constant 5.000000e-01 : f32
    %mul3A_62 = vector.broadcast %mul3A : f32 to vector<1x12800xf32>
    %mul3A_63 = arith.mulf %mul3A_62, %dot_general3A_27 : vector<1x12800xf32>
    %mul3A_64 = arith.constant 5.000000e-01 : f32
    %mul3A_65 = vector.broadcast %mul3A_64 : f32 to vector<1x12800xf32>
    %mul3A_66 = arith.mulf %mul3A_65, %dot_general3A_58 : vector<1x12800xf32>
    %add3A_67 = arith.addf %mul3A_63, %mul3A_66 : vector<1x12800xf32>
    %max3A = arith.constant 0.000000e+00 : f32
    %max3A_68 = vector.broadcast %max3A : f32 to vector<1x12800xf32>
    %max3A_69 = arith.maximumf %get3A_61, %max3A_68 : vector<1x12800xf32>
    %add3A_70 = arith.constant 9.99999993E-9 : f32
    %add3A_71 = vector.broadcast %add3A_70 : f32 to vector<1x12800xf32>
    %add3A_72 = arith.addf %max3A_69, %add3A_71 : vector<1x12800xf32>
    %log3A = math.log %add3A_72 : vector<1x12800xf32>
    %add3A_73 = arith.addf %add3A_67, %log3A : vector<1x12800xf32>
    %jit3A_74 = arith.constant 0.000000e+00 : f32
    %jit3A_75 = arith.constant 0.000000e+00 : f32
    %jit3A_76 = arith.constant 0.000000e+00 : f32
    %ne3A_77 = arith.cmpf one, %add3A_73, %add3A_73 : vector<1x12800xf32>
    %broadcast_in_dim3A_78 = vector.broadcast %jit3A_74 : f32 to vector<1x12800xf32>
    %select_n3A_79 = arith.select %ne3A_77, %broadcast_in_dim3A_78, %add3A_73 : vector<1x12800xi1>, vector<1x12800xf32>
    %eq3A_80 = arith.constant 0x7F800000 : f32
    %eq3A_81 = vector.broadcast %eq3A_80 : f32 to vector<1x12800xf32>
    %eq3A_82 = arith.cmpf oeq, %select_n3A_79, %eq3A_81 : vector<1x12800xf32>
    %broadcast_in_dim3A_83 = vector.broadcast %jit3A_76 : f32 to vector<1x12800xf32>
    %select_n3A_84 = arith.select %eq3A_82, %broadcast_in_dim3A_83, %select_n3A_79 : vector<1x12800xi1>, vector<1x12800xf32>
    %eq3A_85 = arith.constant 0xFF800000 : f32
    %eq3A_86 = vector.broadcast %eq3A_85 : f32 to vector<1x12800xf32>
    %eq3A_87 = arith.cmpf oeq, %select_n3A_84, %eq3A_86 : vector<1x12800xf32>
    %broadcast_in_dim3A_88 = vector.broadcast %jit3A_75 : f32 to vector<1x12800xf32>
    %select_n3A_89 = arith.select %eq3A_87, %broadcast_in_dim3A_88, %select_n3A_84 : vector<1x12800xi1>, vector<1x12800xf32>
    %mul3A_90 = arith.constant 12800 : i32
    %mul3A_91 = arith.muli %arg0, %mul3A_90 : i32
    %iota3A = tpu.iota {dimensions = array<i32: 1>} : vector<1x12800xi32>
    %add3A_92 = vector.broadcast %mul3A_91 : i32 to vector<1x12800xi32>
    %add3A_93 = arith.addi %add3A_92, %iota3A : vector<1x12800xi32>
    %lt3A = arith.constant 100000 : i32
    %lt3A_94 = vector.broadcast %lt3A : i32 to vector<1x12800xi32>
    %lt3A_95 = arith.cmpi slt, %add3A_93, %lt3A_94 : vector<1x12800xi32>
    %jit3A_96 = arith.constant -1.000000e+30 : f32
    %broadcast_in_dim3A_97 = vector.broadcast %jit3A_96 : f32 to vector<1x12800xf32>
    %select_n3A_98 = arith.select %lt3A_95, %select_n3A_89, %broadcast_in_dim3A_97 : vector<1x12800xi1>, vector<1x12800xf32>
    %swap3A = arith.index_cast %arg0 : i32 to index
    %swap3A_99 = arith.constant 0 : index
    %swap3A_100 = vector.load %arg12[%swap3A, %swap3A_99] : memref<8x12800xf32, #tpu.memory_space<vmem>>, vector<1x12800xf32>
    tpu.vector_store %arg12[%swap3A, %swap3A_99], %select_n3A_98 {strides = array<i32>} : memref<8x12800xf32, #tpu.memory_space<vmem>>, vector<1x12800xf32>,
    %eq3A_101 = arith.constant 7 : i32
    %eq3A_102 = arith.cmpi eq, %arg0, %eq3A_101 : i32
    %convert_element_type3A_103 = arith.extui %eq3A_102 : i1 to i32
    %cond3A = arith.constant 0 : i32
    %cond3A_104 = arith.cmpi ne, %convert_element_type3A_103, %cond3A : i32
    scf.if %cond3A_104 {
      %get3A_105 = arith.constant 0 : index
      %get3A_106 = arith.constant 0 : index
      %get3A_107 = vector.load %arg12[%get3A_105, %get3A_106] : memref<8x12800xf32, #tpu.memory_space<vmem>>, vector<8x12800xf32>
      %slice3A_108 = vector.extract_strided_slice %get3A_107 {offsets = [0, 0], sizes = [1, 2560], strides = [1, 1]} : vector<8x12800xf32> to vector<1x2560xf32>
      %slice3A_109 = vector.extract_strided_slice %get3A_107 {offsets = [0, 2560], sizes = [1, 2560], strides = [1, 1]} : vector<8x12800xf32> to vector<1x2560xf32>
      %slice3A_110 = vector.extract_strided_slice %get3A_107 {offsets = [0, 5120], sizes = [1, 2560], strides = [1, 1]} : vector<8x12800xf32> to vector<1x2560xf32>
      %slice3A_111 = vector.extract_strided_slice %get3A_107 {offsets = [0, 7680], sizes = [1, 2560], strides = [1, 1]} : vector<8x12800xf32> to vector<1x2560xf32>
      %slice3A_112 = vector.extract_strided_slice %get3A_107 {offsets = [0, 10240], sizes = [1, 2560], strides = [1, 1]} : vector<8x12800xf32> to vector<1x2560xf32>
      %slice3A_113 = vector.extract_strided_slice %get3A_107 {offsets = [1, 0], sizes = [1, 2560], strides = [1, 1]} : vector<8x12800xf32> to vector<1x2560xf32>
      %slice3A_114 = vector.extract_strided_slice %get3A_107 {offsets = [1, 2560], sizes = [1, 2560], strides = [1, 1]} : vector<8x12800xf32> to vector<1x2560xf32>
      %slice3A_115 = vector.extract_strided_slice %get3A_107 {offsets = [1, 5120], sizes = [1, 2560], strides = [1, 1]} : vector<8x12800xf32> to vector<1x2560xf32>
      %slice3A_116 = vector.extract_strided_slice %get3A_107 {offsets = [1, 7680], sizes = [1, 2560], strides = [1, 1]} : vector<8x12800xf32> to vector<1x2560xf32>
      %slice3A_117 = vector.extract_strided_slice %get3A_107 {offsets = [1, 10240], sizes = [1, 2560], strides = [1, 1]} : vector<8x12800xf32> to vector<1x2560xf32>
      %slice3A_118 = vector.extract_strided_slice %get3A_107 {offsets = [2, 0], sizes = [1, 2560], strides = [1, 1]} : vector<8x12800xf32> to vector<1x2560xf32>
      %slice3A_119 = vector.extract_strided_slice %get3A_107 {offsets = [2, 2560], sizes = [1, 2560], strides = [1, 1]} : vector<8x12800xf32> to vector<1x2560xf32>
      %slice3A_120 = vector.extract_strided_slice %get3A_107 {offsets = [2, 5120], sizes = [1, 2560], strides = [1, 1]} : vector<8x12800xf32> to vector<1x2560xf32>
      %slice3A_121 = vector.extract_strided_slice %get3A_107 {offsets = [2, 7680], sizes = [1, 2560], strides = [1, 1]} : vector<8x12800xf32> to vector<1x2560xf32>
      %slice3A_122 = vector.extract_strided_slice %get3A_107 {offsets = [2, 10240], sizes = [1, 2560], strides = [1, 1]} : vector<8x12800xf32> to vector<1x2560xf32>
      %slice3A_123 = vector.extract_strided_slice %get3A_107 {offsets = [3, 0], sizes = [1, 2560], strides = [1, 1]} : vector<8x12800xf32> to vector<1x2560xf32>
      %slice3A_124 = vector.extract_strided_slice %get3A_107 {offsets = [3, 2560], sizes = [1, 2560], strides = [1, 1]} : vector<8x12800xf32> to vector<1x2560xf32>
      %slice3A_125 = vector.extract_strided_slice %get3A_107 {offsets = [3, 5120], sizes = [1, 2560], strides = [1, 1]} : vector<8x12800xf32> to vector<1x2560xf32>
      %slice3A_126 = vector.extract_strided_slice %get3A_107 {offsets = [3, 7680], sizes = [1, 2560], strides = [1, 1]} : vector<8x12800xf32> to vector<1x2560xf32>
      %slice3A_127 = vector.extract_strided_slice %get3A_107 {offsets = [3, 10240], sizes = [1, 2560], strides = [1, 1]} : vector<8x12800xf32> to vector<1x2560xf32>
      %slice3A_128 = vector.extract_strided_slice %get3A_107 {offsets = [4, 0], sizes = [1, 2560], strides = [1, 1]} : vector<8x12800xf32> to vector<1x2560xf32>
      %slice3A_129 = vector.extract_strided_slice %get3A_107 {offsets = [4, 2560], sizes = [1, 2560], strides = [1, 1]} : vector<8x12800xf32> to vector<1x2560xf32>
      %slice3A_130 = vector.extract_strided_slice %get3A_107 {offsets = [4, 5120], sizes = [1, 2560], strides = [1, 1]} : vector<8x12800xf32> to vector<1x2560xf32>
      %slice3A_131 = vector.extract_strided_slice %get3A_107 {offsets = [4, 7680], sizes = [1, 2560], strides = [1, 1]} : vector<8x12800xf32> to vector<1x2560xf32>
      %slice3A_132 = vector.extract_strided_slice %get3A_107 {offsets = [4, 10240], sizes = [1, 2560], strides = [1, 1]} : vector<8x12800xf32> to vector<1x2560xf32>
      %slice3A_133 = vector.extract_strided_slice %get3A_107 {offsets = [5, 0], sizes = [1, 2560], strides = [1, 1]} : vector<8x12800xf32> to vector<1x2560xf32>
      %slice3A_134 = vector.extract_strided_slice %get3A_107 {offsets = [5, 2560], sizes = [1, 2560], strides = [1, 1]} : vector<8x12800xf32> to vector<1x2560xf32>
      %slice3A_135 = vector.extract_strided_slice %get3A_107 {offsets = [5, 5120], sizes = [1, 2560], strides = [1, 1]} : vector<8x12800xf32> to vector<1x2560xf32>
      %slice3A_136 = vector.extract_strided_slice %get3A_107 {offsets = [5, 7680], sizes = [1, 2560], strides = [1, 1]} : vector<8x12800xf32> to vector<1x2560xf32>
      %slice3A_137 = vector.extract_strided_slice %get3A_107 {offsets = [5, 10240], sizes = [1, 2560], strides = [1, 1]} : vector<8x12800xf32> to vector<1x2560xf32>
      %slice3A_138 = vector.extract_strided_slice %get3A_107 {offsets = [6, 0], sizes = [1, 2560], strides = [1, 1]} : vector<8x12800xf32> to vector<1x2560xf32>
      %slice3A_139 = vector.extract_strided_slice %get3A_107 {offsets = [6, 2560], sizes = [1, 2560], strides = [1, 1]} : vector<8x12800xf32> to vector<1x2560xf32>
      %slice3A_140 = vector.extract_strided_slice %get3A_107 {offsets = [6, 5120], sizes = [1, 2560], strides = [1, 1]} : vector<8x12800xf32> to vector<1x2560xf32>
      %slice3A_141 = vector.extract_strided_slice %get3A_107 {offsets = [6, 7680], sizes = [1, 2560], strides = [1, 1]} : vector<8x12800xf32> to vector<1x2560xf32>
      %slice3A_142 = vector.extract_strided_slice %get3A_107 {offsets = [6, 10240], sizes = [1, 2560], strides = [1, 1]} : vector<8x12800xf32> to vector<1x2560xf32>
      %slice3A_143 = vector.extract_strided_slice %get3A_107 {offsets = [7, 0], sizes = [1, 2560], strides = [1, 1]} : vector<8x12800xf32> to vector<1x2560xf32>
      %slice3A_144 = vector.extract_strided_slice %get3A_107 {offsets = [7, 2560], sizes = [1, 2560], strides = [1, 1]} : vector<8x12800xf32> to vector<1x2560xf32>
      %slice3A_145 = vector.extract_strided_slice %get3A_107 {offsets = [7, 5120], sizes = [1, 2560], strides = [1, 1]} : vector<8x12800xf32> to vector<1x2560xf32>
      %slice3A_146 = vector.extract_strided_slice %get3A_107 {offsets = [7, 7680], sizes = [1, 2560], strides = [1, 1]} : vector<8x12800xf32> to vector<1x2560xf32>
      %slice3A_147 = vector.extract_strided_slice %get3A_107 {offsets = [7, 10240], sizes = [1, 2560], strides = [1, 1]} : vector<8x12800xf32> to vector<1x2560xf32>
      %concatenate3A = tpu.concatenate %slice3A_108, %slice3A_109, %slice3A_110, %slice3A_111, %slice3A_112, %slice3A_113, %slice3A_114, %slice3A_115, %slice3A_116, %slice3A_117, %slice3A_118, %slice3A_119, %slice3A_120, %slice3A_121, %slice3A_122, %slice3A_123, %slice3A_124, %slice3A_125, %slice3A_126, %slice3A_127, %slice3A_128, %slice3A_129, %slice3A_130, %slice3A_131, %slice3A_132, %slice3A_133, %slice3A_134, %slice3A_135, %slice3A_136, %slice3A_137, %slice3A_138, %slice3A_139, %slice3A_140, %slice3A_141, %slice3A_142, %slice3A_143, %slice3A_144, %slice3A_145, %slice3A_146, %slice3A_147 in 0 : vector<1x2560xf32>, vector<1x2560xf32>, vector<1x2560xf32>, vector<1x2560xf32>, vector<1x2560xf32>, vector<1x2560xf32>, vector<1x2560xf32>, vector<1x2560xf32>, vector<1x2560xf32>, vector<1x2560xf32>, vector<1x2560xf32>, vector<1x2560xf32>, vector<1x2560xf32>, vector<1x2560xf32>, vector<1x2560xf32>, vector<1x2560xf32>, vector<1x2560xf32>, vector<1x2560xf32>, vector<1x2560xf32>, vector<1x2560xf32>, vector<1x2560xf32>, vector<1x2560xf32>, vector<1x2560xf32>, vector<1x2560xf32>, vector<1x2560xf32>, vector<1x2560xf32>, vector<1x2560xf32>, vector<1x2560xf32>, vector<1x2560xf32>, vector<1x2560xf32>, vector<1x2560xf32>, vector<1x2560xf32>, vector<1x2560xf32>, vector<1x2560xf32>, vector<1x2560xf32>, vector<1x2560xf32>, vector<1x2560xf32>, vector<1x2560xf32>, vector<1x2560xf32>, vector<1x2560xf32> -> vector<40x2560xf32>
      %iota3A_148 = tpu.iota {dimensions = array<i32: 1>} : vector<1x2560xi32>
      %iota3A_149 = tpu.iota {dimensions = array<i32: 1>} : vector<1x64xi32>
      %reduce_max3A = arith.constant dense<0xFF800000> : vector<2560xf32>
      %reduce_max3A_150 = vector.multi_reduction <maximumf>, %concatenate3A, %reduce_max3A [0] : vector<40x2560xf32> to vector<2560xf32>
      %broadcast_in_dim3A_151 = vector.shape_cast %reduce_max3A_150 : vector<2560xf32> to vector<1x2560xf32>
      %broadcast_in_dim3A_152 = arith.constant 0 : i32
      %broadcast_in_dim3A_153 = vector.broadcast %broadcast_in_dim3A_152 : i32 to vector<1x64xi32>
      %scan3A = arith.constant 0 : i32
      %scan3A_154 = arith.constant 64 : i32
      %scan3A_155 = arith.addi %scan3A, %scan3A_154 : i32
      %scan3A_156 = arith.constant 1 : i32
      %scan3A_157:2 = scf.for %scan3A_215 = %scan3A to %scan3A_155 step %scan3A_156 iter_args(%scan3A_216 = %broadcast_in_dim3A_151, %scan3A_217 = %broadcast_in_dim3A_153) -> (vector<1x2560xf32>, vector<1x64xi32>)  : i32 {
        %reduce_max3A_218 = vector.shape_cast %scan3A_216 : vector<1x2560xf32> to vector<1x1x2560xf32>
        %reduce_max3A_219 = arith.constant dense<0xFF800000> : vector<1xf32>
        %reduce_max3A_220 = vector.multi_reduction <maximumf>, %reduce_max3A_218, %reduce_max3A_219 [1, 2] : vector<1x1x2560xf32> to vector<1xf32>
        %reduce_max3A_221 = vector.shape_cast %reduce_max3A_220 : vector<1xf32> to vector<1x1x1xf32>
        %reduce_max3A_222 = vector.extract %reduce_max3A_221[0, 0, 0] : f32 from vector<1x1x1xf32>
        %eq3A_223 = vector.broadcast %reduce_max3A_222 : f32 to vector<1x2560xf32>
        %eq3A_224 = arith.cmpf oeq, %scan3A_216, %eq3A_223 : vector<1x2560xf32>
        %jit3A_225 = arith.constant 2147483647 : i32
        %broadcast_in_dim3A_226 = vector.broadcast %jit3A_225 : i32 to vector<1x2560xi32>
        %select_n3A_227 = arith.select %eq3A_224, %iota3A_148, %broadcast_in_dim3A_226 : vector<1x2560xi1>, vector<1x2560xi32>
        %reduce_min3A = vector.shape_cast %select_n3A_227 : vector<1x2560xi32> to vector<1x1x2560xi32>
        %reduce_min3A_228 = arith.constant dense<2147483647> : vector<1xi32>
        %reduce_min3A_229 = vector.multi_reduction <minsi>, %reduce_min3A, %reduce_min3A_228 [1, 2] : vector<1x1x2560xi32> to vector<1xi32>
        %reduce_min3A_230 = vector.shape_cast %reduce_min3A_229 : vector<1xi32> to vector<1x1x1xi32>
        %reduce_min3A_231 = vector.extract %reduce_min3A_230[0, 0, 0] : i32 from vector<1x1x1xi32>
        %eq3A_232 = vector.broadcast %scan3A_215 : i32 to vector<1x64xi32>
        %eq3A_233 = arith.cmpi eq, %iota3A_149, %eq3A_232 : vector<1x64xi32>
        %broadcast_in_dim3A_234 = vector.broadcast %reduce_min3A_231 : i32 to vector<1x64xi32>
        %select_n3A_235 = arith.select %eq3A_233, %broadcast_in_dim3A_234, %scan3A_217 : vector<1x64xi1>, vector<1x64xi32>
        %eq3A_236 = vector.broadcast %reduce_min3A_231 : i32 to vector<1x2560xi32>
        %eq3A_237 = arith.cmpi eq, %iota3A_148, %eq3A_236 : vector<1x2560xi32>
        %jit3A_238 = arith.constant -9.99999968E+37 : f32
        %broadcast_in_dim3A_239 = vector.broadcast %jit3A_238 : f32 to vector<1x2560xf32>
        %select_n3A_240 = arith.select %eq3A_237, %broadcast_in_dim3A_239, %scan3A_216 : vector<1x2560xi1>, vector<1x2560xf32>
        scf.yield %select_n3A_240, %select_n3A_235 : vector<1x2560xf32>, vector<1x64xi32>
      }
      %scan3A_158 = arith.constant 64 : i32
      %iota3A_159 = tpu.iota {dimensions = array<i32: 0>} : vector<2560x64xi32>
      %eq3A_160 = vector.broadcast %scan3A_157#1 : vector<1x64xi32> to vector<2560x64xi32>
      %eq3A_161 = arith.cmpi eq, %iota3A_159, %eq3A_160 : vector<2560x64xi32>
      %convert_element_type3A_162 = arith.extui %eq3A_161 : vector<2560x64xi1> to vector<2560x64xi32>
      %convert_element_type3A_163 = arith.sitofp %convert_element_type3A_162 : vector<2560x64xi32> to vector<2560x64xf32>
      %dot_general3A_164 = arith.constant dense<0.000000e+00> : vector<40x64xf32>
      %dot_general3A_165 = tpu.matmul %concatenate3A, %convert_element_type3A_163, %dot_general3A_164 {dimension_numbers = #tpu.dot_dimension_numbers<[1], [0], [0], [1], [0, 0, 1, 1], [], []>, precision = #tpu.contract_precision<fp32>, transpose_lhs_hint = false} : vector<40x2560xf32>, vector<2560x64xf32>, vector<40x64xf32> -> vector<40x64xf32>
      %iota3A_166 = tpu.iota {dimensions = array<i32: 0>} : vector<40x64xi32>
      %mul3A_167 = arith.constant 2560 : i32
      %mul3A_168 = vector.broadcast %mul3A_167 : i32 to vector<40x64xi32>
      %mul3A_169 = arith.muli %iota3A_166, %mul3A_168 : vector<40x64xi32>
      %add3A_170 = vector.broadcast %scan3A_157#1 : vector<1x64xi32> to vector<40x64xi32>
      %add3A_171 = arith.addi %mul3A_169, %add3A_170 : vector<40x64xi32>
      %broadcast_in_dim3A_172 = arith.constant -9.99999968E+37 : f32
      %broadcast_in_dim3A_173 = vector.broadcast %broadcast_in_dim3A_172 : f32 to vector<1x64xf32>
      %broadcast_in_dim3A_174 = arith.constant 0 : i32
      %broadcast_in_dim3A_175 = vector.broadcast %broadcast_in_dim3A_174 : i32 to vector<1x64xi32>
      %scan3A_176 = arith.constant 0 : i32
      %scan3A_177 = arith.constant 64 : i32
      %scan3A_178 = arith.addi %scan3A_176, %scan3A_177 : i32
      %scan3A_179 = arith.constant 1 : i32
      %scan3A_180:3 = scf.for %scan3A_215 = %scan3A_176 to %scan3A_178 step %scan3A_179 iter_args(%scan3A_216 = %dot_general3A_165, %scan3A_217 = %broadcast_in_dim3A_173, %scan3A_218 = %broadcast_in_dim3A_175) -> (vector<40x64xf32>, vector<1x64xf32>, vector<1x64xi32>)  : i32 {
        %reduce_max3A_219 = vector.shape_cast %scan3A_216 : vector<40x64xf32> to vector<1x40x64xf32>
        %reduce_max3A_220 = arith.constant dense<0xFF800000> : vector<1xf32>
        %reduce_max3A_221 = vector.multi_reduction <maximumf>, %reduce_max3A_219, %reduce_max3A_220 [1, 2] : vector<1x40x64xf32> to vector<1xf32>
        %reduce_max3A_222 = vector.shape_cast %reduce_max3A_221 : vector<1xf32> to vector<1x1x1xf32>
        %reduce_max3A_223 = vector.extract %reduce_max3A_222[0, 0, 0] : f32 from vector<1x1x1xf32>
        %eq3A_224 = vector.broadcast %reduce_max3A_223 : f32 to vector<40x64xf32>
        %eq3A_225 = arith.cmpf oeq, %scan3A_216, %eq3A_224 : vector<40x64xf32>
        %jit3A_226 = arith.constant 2147483647 : i32
        %broadcast_in_dim3A_227 = vector.broadcast %jit3A_226 : i32 to vector<40x64xi32>
        %select_n3A_228 = arith.select %eq3A_225, %add3A_171, %broadcast_in_dim3A_227 : vector<40x64xi1>, vector<40x64xi32>
        %reduce_min3A = vector.shape_cast %select_n3A_228 : vector<40x64xi32> to vector<1x40x64xi32>
        %reduce_min3A_229 = arith.constant dense<2147483647> : vector<1xi32>
        %reduce_min3A_230 = vector.multi_reduction <minsi>, %reduce_min3A, %reduce_min3A_229 [1, 2] : vector<1x40x64xi32> to vector<1xi32>
        %reduce_min3A_231 = vector.shape_cast %reduce_min3A_230 : vector<1xi32> to vector<1x1x1xi32>
        %reduce_min3A_232 = vector.extract %reduce_min3A_231[0, 0, 0] : i32 from vector<1x1x1xi32>
        %eq3A_233 = vector.broadcast %scan3A_215 : i32 to vector<1x64xi32>
        %eq3A_234 = arith.cmpi eq, %iota3A_149, %eq3A_233 : vector<1x64xi32>
        %broadcast_in_dim3A_235 = vector.broadcast %reduce_max3A_223 : f32 to vector<1x64xf32>
        %select_n3A_236 = arith.select %eq3A_234, %broadcast_in_dim3A_235, %scan3A_217 : vector<1x64xi1>, vector<1x64xf32>
        %eq3A_237 = vector.broadcast %scan3A_215 : i32 to vector<1x64xi32>
        %eq3A_238 = arith.cmpi eq, %iota3A_149, %eq3A_237 : vector<1x64xi32>
        %broadcast_in_dim3A_239 = vector.broadcast %reduce_min3A_232 : i32 to vector<1x64xi32>
        %select_n3A_240 = arith.select %eq3A_238, %broadcast_in_dim3A_239, %scan3A_218 : vector<1x64xi1>, vector<1x64xi32>
        %eq3A_241 = vector.broadcast %reduce_max3A_223 : f32 to vector<40x64xf32>
        %eq3A_242 = arith.cmpf oeq, %scan3A_216, %eq3A_241 : vector<40x64xf32>
        %eq3A_243 = vector.broadcast %reduce_min3A_232 : i32 to vector<40x64xi32>
        %eq3A_244 = arith.cmpi eq, %add3A_171, %eq3A_243 : vector<40x64xi32>
        %and3A = arith.andi %eq3A_242, %eq3A_244 : vector<40x64xi1>
        %jit3A_245 = arith.constant -9.99999968E+37 : f32
        %broadcast_in_dim3A_246 = vector.broadcast %jit3A_245 : f32 to vector<40x64xf32>
        %select_n3A_247 = arith.select %and3A, %broadcast_in_dim3A_246, %scan3A_216 : vector<40x64xi1>, vector<40x64xf32>
        scf.yield %select_n3A_247, %select_n3A_236, %select_n3A_240 : vector<40x64xf32>, vector<1x64xf32>, vector<1x64xi32>
      }
      %scan3A_181 = arith.constant 64 : i32
      %reduce_max3A_182 = vector.shape_cast %scan3A_180#1 : vector<1x64xf32> to vector<1x1x64xf32>
      %reduce_max3A_183 = arith.constant dense<0xFF800000> : vector<1xf32>
      %reduce_max3A_184 = vector.multi_reduction <maximumf>, %reduce_max3A_182, %reduce_max3A_183 [1, 2] : vector<1x1x64xf32> to vector<1xf32>
      %reduce_max3A_185 = vector.shape_cast %reduce_max3A_184 : vector<1xf32> to vector<1x1x1xf32>
      %reduce_max3A_186 = vector.extract %reduce_max3A_185[0, 0, 0] : f32 from vector<1x1x1xf32>
      %sub3A = vector.broadcast %reduce_max3A_186 : f32 to vector<1x64xf32>
      %sub3A_187 = arith.subf %scan3A_180#1, %sub3A : vector<1x64xf32>
      %exp3A = math.exp %sub3A_187 : vector<1x64xf32>
      %reduce_sum3A = vector.shape_cast %exp3A : vector<1x64xf32> to vector<1x1x64xf32>
      %reduce_sum3A_188 = arith.constant dense<0.000000e+00> : vector<1xf32>
      %reduce_sum3A_189 = vector.multi_reduction <add>, %reduce_sum3A, %reduce_sum3A_188 [1, 2] : vector<1x1x64xf32> to vector<1xf32>
      %reduce_sum3A_190 = vector.shape_cast %reduce_sum3A_189 : vector<1xf32> to vector<1x1x1xf32>
      %reduce_sum3A_191 = vector.extract %reduce_sum3A_190[0, 0, 0] : f32 from vector<1x1x1xf32>
      %div3A = vector.broadcast %reduce_sum3A_191 : f32 to vector<1x64xf32>
      %div3A_192 = arith.divf %exp3A, %div3A : vector<1x64xf32>
      %swap3A_193 = arith.constant 0 : index
      %swap3A_194 = arith.constant 0 : index
      %swap3A_195 = vector.load %arg10[%swap3A_193, %swap3A_194] : memref<1x64xi32, #tpu.memory_space<vmem>>, vector<1x64xi32>
      tpu.vector_store %arg10[%swap3A_193, %swap3A_194], %scan3A_180#2 {strides = array<i32>} : memref<1x64xi32, #tpu.memory_space<vmem>>, vector<1x64xi32>,
      %jit3A_196 = arith.constant 0.000000e+00 : f32
      %jit3A_197 = arith.constant 0.000000e+00 : f32
      %jit3A_198 = arith.constant 0.000000e+00 : f32
      %ne3A_199 = arith.cmpf one, %div3A_192, %div3A_192 : vector<1x64xf32>
      %broadcast_in_dim3A_200 = vector.broadcast %jit3A_196 : f32 to vector<1x64xf32>
      %select_n3A_201 = arith.select %ne3A_199, %broadcast_in_dim3A_200, %div3A_192 : vector<1x64xi1>, vector<1x64xf32>
      %eq3A_202 = arith.constant 0x7F800000 : f32
      %eq3A_203 = vector.broadcast %eq3A_202 : f32 to vector<1x64xf32>
      %eq3A_204 = arith.cmpf oeq, %select_n3A_201, %eq3A_203 : vector<1x64xf32>
      %broadcast_in_dim3A_205 = vector.broadcast %jit3A_198 : f32 to vector<1x64xf32>
      %select_n3A_206 = arith.select %eq3A_204, %broadcast_in_dim3A_205, %select_n3A_201 : vector<1x64xi1>, vector<1x64xf32>
      %eq3A_207 = arith.constant 0xFF800000 : f32
      %eq3A_208 = vector.broadcast %eq3A_207 : f32 to vector<1x64xf32>
      %eq3A_209 = arith.cmpf oeq, %select_n3A_206, %eq3A_208 : vector<1x64xf32>
      %broadcast_in_dim3A_210 = vector.broadcast %jit3A_197 : f32 to vector<1x64xf32>
      %select_n3A_211 = arith.select %eq3A_209, %broadcast_in_dim3A_210, %select_n3A_206 : vector<1x64xi1>, vector<1x64xf32>
      %swap3A_212 = arith.constant 0 : index
      %swap3A_213 = arith.constant 0 : index
      %swap3A_214 = vector.load %arg11[%swap3A_212, %swap3A_213] : memref<1x64xf32, #tpu.memory_space<vmem>>, vector<1x64xf32>
      tpu.vector_store %arg11[%swap3A_212, %swap3A_213], %select_n3A_211 {strides = array<i32>} : memref<1x64xf32, #tpu.memory_space<vmem>>, vector<1x64xf32>,
    } else {
    }
    return
  }
  func.func @transform_0(%arg0: i32) -> (i32, i32) {
    %c0_i32 = arith.constant 0 : i32
    %c0_i32_0 = arith.constant 0 : i32
    %c0_i32_1 = arith.constant 0 : i32
    return %c0_i32, %c0_i32_0 : i32, i32
  }
  func.func @transform_1(%arg0: i32) -> (i32, i32) {
    %c0_i32 = arith.constant 0 : i32
    %c0_i32_0 = arith.constant 0 : i32
    return %c0_i32, %arg0 : i32, i32
  }
  func.func @transform_2(%arg0: i32) -> (i32, i32) {
    %c0_i32 = arith.constant 0 : i32
    %c0_i32_0 = arith.constant 0 : i32
    return %arg0, %c0_i32 : i32, i32
  }
  func.func @transform_3(%arg0: i32) -> (i32, i32) {
    %c0_i32 = arith.constant 0 : i32
    %c0_i32_0 = arith.constant 0 : i32
    %c0_i32_1 = arith.constant 0 : i32
    return %c0_i32, %c0_i32_0 : i32, i32
  }
  func.func @transform_4(%arg0: i32) -> (i32, i32) {
    %c0_i32 = arith.constant 0 : i32
    %c0_i32_0 = arith.constant 0 : i32
    %c0_i32_1 = arith.constant 0 : i32
    return %c0_i32, %c0_i32_0 : i32, i32
  }
  func.func @transform_5(%arg0: i32) -> (i32, i32) {
    %c0_i32 = arith.constant 0 : i32
    %c0_i32_0 = arith.constant 0 : i32
    %c0_i32_1 = arith.constant 0 : i32
    return %c0_i32, %c0_i32_0 : i32, i32
  }
  func.func @transform_6(%arg0: i32) -> (i32, i32) {
    %c0_i32 = arith.constant 0 : i32
    %c0_i32_0 = arith.constant 0 : i32
    %c0_i32_1 = arith.constant 0 : i32
    return %c0_i32, %c0_i32_0 : i32, i32
  }
  func.func @transform_7(%arg0: i32) -> (i32, i32) {
    %c0_i32 = arith.constant 0 : i32
    %c0_i32_0 = arith.constant 0 : i32
    %c0_i32_1 = arith.constant 0 : i32
    return %c0_i32, %c0_i32_0 : i32, i32
  }
  func.func @transform_8(%arg0: i32) -> (i32, i32) {
    %c0_i32 = arith.constant 0 : i32
    %c0_i32_0 = arith.constant 0 : i32
    %c0_i32_1 = arith.constant 0 : i32
    return %c0_i32, %c0_i32_0 : i32, i32
  }
  func.func @transform_9(%arg0: i32) -> (i32, i32) {
    %c0_i32 = arith.constant 0 : i32
    %c0_i32_0 = arith.constant 0 : i32
    %c0_i32_1 = arith.constant 0 : i32
    return %c0_i32, %c0_i32_0 : i32, i32
  }
  func.func @transform_10(%arg0: i32) -> (i32, i32) {
    %c0_i32 = arith.constant 0 : i32
    %c0_i32_0 = arith.constant 0 : i32
    %c0_i32_1 = arith.constant 0 : i32
    return %c0_i32, %c0_i32_0 : i32, i32
  }
}

module attributes {stable_mosaic.version = 14 : i64} {
  func.func @_mlp_body(%arg0: memref<1x64xf32, #tpu.memory_space<vmem>>, %arg1: memref<1x64xi32, #tpu.memory_space<smem>>, %arg2: memref<1x64xi32, #tpu.memory_space<vmem>>, %arg3: memref<64x128xf32, #tpu.memory_space<vmem>>, %arg4: memref<32x100000xf32, #tpu.memory_space<any>>, %arg5: memref<64x100000xf32, #tpu.memory_space<any>>, %arg6: memref<64x128xf32, #tpu.memory_space<vmem>>, %arg7: memref<64x32xf32, #tpu.memory_space<vmem>>, %arg8: memref<64x64xf32, #tpu.memory_space<vmem>>, %arg9: memref<1x64xf32, #tpu.memory_space<vmem>>, %arg10: memref<64x64xf32, #tpu.memory_space<vmem>>, %arg11: memref<1x64xf32, #tpu.memory_space<vmem>>, %arg12: memref<128x64xf32, #tpu.memory_space<vmem>>, %arg13: memref<1x128xf32, #tpu.memory_space<vmem>>, %arg14: memref<1x128xf32, #tpu.memory_space<vmem>>, %arg15: memref<32x8192xf32, #tpu.memory_space<vmem>>, %arg16: memref<64x8192xf32, #tpu.memory_space<vmem>>, %arg17: memref<!tpu.dma_semaphore, #tpu.memory_space<semaphore_mem>>) attributes {dimension_semantics = [], scalar_prefetch = 0 : i64, scratch_operands = 3 : i64, tpu.core_type = #tpu.core_type<tc>} {
    %get3A = arith.constant 0 : index
    %get3A_0 = arith.constant 0 : index
    %get3A_1 = memref.load %arg1[%get3A, %get3A_0] : memref<1x64xi32, #tpu.memory_space<smem>>
    %jit3A = arith.constant 128 : i32
    %div3A = arith.divsi %get3A_1, %jit3A : i32
    %sign3A = arith.constant 0 : i32
    %sign3A_2 = arith.cmpi sgt, %get3A_1, %sign3A : i32
    %sign3A_3 = arith.extui %sign3A_2 : i1 to i32
    %sign3A_4 = arith.constant 0 : i32
    %sign3A_5 = arith.cmpi slt, %get3A_1, %sign3A_4 : i32
    %sign3A_6 = arith.extui %sign3A_5 : i1 to i32
    %sign3A_7 = arith.subi %sign3A_3, %sign3A_6 : i32
    %sign3A_8 = arith.constant 0 : i32
    %sign3A_9 = arith.cmpi sgt, %jit3A, %sign3A_8 : i32
    %sign3A_10 = arith.extui %sign3A_9 : i1 to i32
    %sign3A_11 = arith.constant 0 : i32
    %sign3A_12 = arith.cmpi slt, %jit3A, %sign3A_11 : i32
    %sign3A_13 = arith.extui %sign3A_12 : i1 to i32
    %sign3A_14 = arith.subi %sign3A_10, %sign3A_13 : i32
    %ne3A = arith.cmpi ne, %sign3A_7, %sign3A_14 : i32
    %rem3A = arith.remsi %get3A_1, %jit3A : i32
    %ne3A_15 = arith.constant 0 : i32
    %ne3A_16 = arith.cmpi ne, %rem3A, %ne3A_15 : i32
    %and3A = arith.andi %ne3A, %ne3A_16 : i1
    %sub3A = arith.constant 1 : i32
    %sub3A_17 = arith.subi %div3A, %sub3A : i32
    %select_n3A = arith.select %and3A, %sub3A_17, %div3A : i32
    %mul3A = arith.constant 128 : i32
    %mul3A_18 = arith.muli %select_n3A, %mul3A : i32
    %multiple_of3A = tpu.assume_multiple %mul3A_18, 128 : i32
    %dma_start3A = arith.constant 0 : i32
    %dma_start3A_19 = arith.constant 0 : i32
    %dma_start3A_20 = tpu.memref_slice %arg15[%dma_start3A, %dma_start3A_19] : memref<32x8192xf32, #tpu.memory_space<vmem>> -> memref<32x128xf32, #tpu.memory_space<vmem>>
    %dma_start3A_21 = arith.constant 0 : i32
    %dma_start3A_22 = tpu.memref_slice %arg4[%dma_start3A_21, %multiple_of3A] : memref<32x100000xf32, #tpu.memory_space<any>> -> memref<32x128xf32, #tpu.memory_space<any>>
    tpu.enqueue_dma source(%dma_start3A_22 : memref<32x128xf32, #tpu.memory_space<any>>) target(%dma_start3A_20 : memref<32x128xf32, #tpu.memory_space<vmem>>) target_semaphore(%arg17 : memref<!tpu.dma_semaphore, #tpu.memory_space<semaphore_mem>>)
    %dma_start3A_23 = arith.constant 0 : i32
    %dma_start3A_24 = arith.constant 0 : i32
    %dma_start3A_25 = tpu.memref_slice %arg16[%dma_start3A_23, %dma_start3A_24] : memref<64x8192xf32, #tpu.memory_space<vmem>> -> memref<64x128xf32, #tpu.memory_space<vmem>>
    %dma_start3A_26 = arith.constant 0 : i32
    %dma_start3A_27 = tpu.memref_slice %arg5[%dma_start3A_26, %multiple_of3A] : memref<64x100000xf32, #tpu.memory_space<any>> -> memref<64x128xf32, #tpu.memory_space<any>>
    tpu.enqueue_dma source(%dma_start3A_27 : memref<64x128xf32, #tpu.memory_space<any>>) target(%dma_start3A_25 : memref<64x128xf32, #tpu.memory_space<vmem>>) target_semaphore(%arg17 : memref<!tpu.dma_semaphore, #tpu.memory_space<semaphore_mem>>)
    %get3A_28 = arith.constant 0 : index
    %get3A_29 = arith.constant 1 : index
    %get3A_30 = memref.load %arg1[%get3A_28, %get3A_29] : memref<1x64xi32, #tpu.memory_space<smem>>
    %jit3A_31 = arith.constant 128 : i32
    %div3A_32 = arith.divsi %get3A_30, %jit3A_31 : i32
    %sign3A_33 = arith.constant 0 : i32
    %sign3A_34 = arith.cmpi sgt, %get3A_30, %sign3A_33 : i32
    %sign3A_35 = arith.extui %sign3A_34 : i1 to i32
    %sign3A_36 = arith.constant 0 : i32
    %sign3A_37 = arith.cmpi slt, %get3A_30, %sign3A_36 : i32
    %sign3A_38 = arith.extui %sign3A_37 : i1 to i32
    %sign3A_39 = arith.subi %sign3A_35, %sign3A_38 : i32
    %sign3A_40 = arith.constant 0 : i32
    %sign3A_41 = arith.cmpi sgt, %jit3A_31, %sign3A_40 : i32
    %sign3A_42 = arith.extui %sign3A_41 : i1 to i32
    %sign3A_43 = arith.constant 0 : i32
    %sign3A_44 = arith.cmpi slt, %jit3A_31, %sign3A_43 : i32
    %sign3A_45 = arith.extui %sign3A_44 : i1 to i32
    %sign3A_46 = arith.subi %sign3A_42, %sign3A_45 : i32
    %ne3A_47 = arith.cmpi ne, %sign3A_39, %sign3A_46 : i32
    %rem3A_48 = arith.remsi %get3A_30, %jit3A_31 : i32
    %ne3A_49 = arith.constant 0 : i32
    %ne3A_50 = arith.cmpi ne, %rem3A_48, %ne3A_49 : i32
    %and3A_51 = arith.andi %ne3A_47, %ne3A_50 : i1
    %sub3A_52 = arith.constant 1 : i32
    %sub3A_53 = arith.subi %div3A_32, %sub3A_52 : i32
    %select_n3A_54 = arith.select %and3A_51, %sub3A_53, %div3A_32 : i32
    %mul3A_55 = arith.constant 128 : i32
    %mul3A_56 = arith.muli %select_n3A_54, %mul3A_55 : i32
    %multiple_of3A_57 = tpu.assume_multiple %mul3A_56, 128 : i32
    %dma_start3A_58 = arith.constant 0 : i32
    %dma_start3A_59 = arith.constant 128 : i32
    %dma_start3A_60 = tpu.memref_slice %arg15[%dma_start3A_58, %dma_start3A_59] : memref<32x8192xf32, #tpu.memory_space<vmem>> -> memref<32x128xf32, #tpu.memory_space<vmem>>
    %dma_start3A_61 = arith.constant 0 : i32
    %dma_start3A_62 = tpu.memref_slice %arg4[%dma_start3A_61, %multiple_of3A_57] : memref<32x100000xf32, #tpu.memory_space<any>> -> memref<32x128xf32, #tpu.memory_space<any>>
    tpu.enqueue_dma source(%dma_start3A_62 : memref<32x128xf32, #tpu.memory_space<any>>) target(%dma_start3A_60 : memref<32x128xf32, #tpu.memory_space<vmem>>) target_semaphore(%arg17 : memref<!tpu.dma_semaphore, #tpu.memory_space<semaphore_mem>>)
    %dma_start3A_63 = arith.constant 0 : i32
    %dma_start3A_64 = arith.constant 128 : i32
    %dma_start3A_65 = tpu.memref_slice %arg16[%dma_start3A_63, %dma_start3A_64] : memref<64x8192xf32, #tpu.memory_space<vmem>> -> memref<64x128xf32, #tpu.memory_space<vmem>>
    %dma_start3A_66 = arith.constant 0 : i32
    %dma_start3A_67 = tpu.memref_slice %arg5[%dma_start3A_66, %multiple_of3A_57] : memref<64x100000xf32, #tpu.memory_space<any>> -> memref<64x128xf32, #tpu.memory_space<any>>
    tpu.enqueue_dma source(%dma_start3A_67 : memref<64x128xf32, #tpu.memory_space<any>>) target(%dma_start3A_65 : memref<64x128xf32, #tpu.memory_space<vmem>>) target_semaphore(%arg17 : memref<!tpu.dma_semaphore, #tpu.memory_space<semaphore_mem>>)
    %get3A_68 = arith.constant 0 : index
    %get3A_69 = arith.constant 2 : index
    %get3A_70 = memref.load %arg1[%get3A_68, %get3A_69] : memref<1x64xi32, #tpu.memory_space<smem>>
    %jit3A_71 = arith.constant 128 : i32
    %div3A_72 = arith.divsi %get3A_70, %jit3A_71 : i32
    %sign3A_73 = arith.constant 0 : i32
    %sign3A_74 = arith.cmpi sgt, %get3A_70, %sign3A_73 : i32
    %sign3A_75 = arith.extui %sign3A_74 : i1 to i32
    %sign3A_76 = arith.constant 0 : i32
    %sign3A_77 = arith.cmpi slt, %get3A_70, %sign3A_76 : i32
    %sign3A_78 = arith.extui %sign3A_77 : i1 to i32
    %sign3A_79 = arith.subi %sign3A_75, %sign3A_78 : i32
    %sign3A_80 = arith.constant 0 : i32
    %sign3A_81 = arith.cmpi sgt, %jit3A_71, %sign3A_80 : i32
    %sign3A_82 = arith.extui %sign3A_81 : i1 to i32
    %sign3A_83 = arith.constant 0 : i32
    %sign3A_84 = arith.cmpi slt, %jit3A_71, %sign3A_83 : i32
    %sign3A_85 = arith.extui %sign3A_84 : i1 to i32
    %sign3A_86 = arith.subi %sign3A_82, %sign3A_85 : i32
    %ne3A_87 = arith.cmpi ne, %sign3A_79, %sign3A_86 : i32
    %rem3A_88 = arith.remsi %get3A_70, %jit3A_71 : i32
    %ne3A_89 = arith.constant 0 : i32
    %ne3A_90 = arith.cmpi ne, %rem3A_88, %ne3A_89 : i32
    %and3A_91 = arith.andi %ne3A_87, %ne3A_90 : i1
    %sub3A_92 = arith.constant 1 : i32
    %sub3A_93 = arith.subi %div3A_72, %sub3A_92 : i32
    %select_n3A_94 = arith.select %and3A_91, %sub3A_93, %div3A_72 : i32
    %mul3A_95 = arith.constant 128 : i32
    %mul3A_96 = arith.muli %select_n3A_94, %mul3A_95 : i32
    %multiple_of3A_97 = tpu.assume_multiple %mul3A_96, 128 : i32
    %dma_start3A_98 = arith.constant 0 : i32
    %dma_start3A_99 = arith.constant 256 : i32
    %dma_start3A_100 = tpu.memref_slice %arg15[%dma_start3A_98, %dma_start3A_99] : memref<32x8192xf32, #tpu.memory_space<vmem>> -> memref<32x128xf32, #tpu.memory_space<vmem>>
    %dma_start3A_101 = arith.constant 0 : i32
    %dma_start3A_102 = tpu.memref_slice %arg4[%dma_start3A_101, %multiple_of3A_97] : memref<32x100000xf32, #tpu.memory_space<any>> -> memref<32x128xf32, #tpu.memory_space<any>>
    tpu.enqueue_dma source(%dma_start3A_102 : memref<32x128xf32, #tpu.memory_space<any>>) target(%dma_start3A_100 : memref<32x128xf32, #tpu.memory_space<vmem>>) target_semaphore(%arg17 : memref<!tpu.dma_semaphore, #tpu.memory_space<semaphore_mem>>)
    %dma_start3A_103 = arith.constant 0 : i32
    %dma_start3A_104 = arith.constant 256 : i32
    %dma_start3A_105 = tpu.memref_slice %arg16[%dma_start3A_103, %dma_start3A_104] : memref<64x8192xf32, #tpu.memory_space<vmem>> -> memref<64x128xf32, #tpu.memory_space<vmem>>
    %dma_start3A_106 = arith.constant 0 : i32
    %dma_start3A_107 = tpu.memref_slice %arg5[%dma_start3A_106, %multiple_of3A_97] : memref<64x100000xf32, #tpu.memory_space<any>> -> memref<64x128xf32, #tpu.memory_space<any>>
    tpu.enqueue_dma source(%dma_start3A_107 : memref<64x128xf32, #tpu.memory_space<any>>) target(%dma_start3A_105 : memref<64x128xf32, #tpu.memory_space<vmem>>) target_semaphore(%arg17 : memref<!tpu.dma_semaphore, #tpu.memory_space<semaphore_mem>>)
    %get3A_108 = arith.constant 0 : index
    %get3A_109 = arith.constant 3 : index
    %get3A_110 = memref.load %arg1[%get3A_108, %get3A_109] : memref<1x64xi32, #tpu.memory_space<smem>>
    %jit3A_111 = arith.constant 128 : i32
    %div3A_112 = arith.divsi %get3A_110, %jit3A_111 : i32
    %sign3A_113 = arith.constant 0 : i32
    %sign3A_114 = arith.cmpi sgt, %get3A_110, %sign3A_113 : i32
    %sign3A_115 = arith.extui %sign3A_114 : i1 to i32
    %sign3A_116 = arith.constant 0 : i32
    %sign3A_117 = arith.cmpi slt, %get3A_110, %sign3A_116 : i32
    %sign3A_118 = arith.extui %sign3A_117 : i1 to i32
    %sign3A_119 = arith.subi %sign3A_115, %sign3A_118 : i32
    %sign3A_120 = arith.constant 0 : i32
    %sign3A_121 = arith.cmpi sgt, %jit3A_111, %sign3A_120 : i32
    %sign3A_122 = arith.extui %sign3A_121 : i1 to i32
    %sign3A_123 = arith.constant 0 : i32
    %sign3A_124 = arith.cmpi slt, %jit3A_111, %sign3A_123 : i32
    %sign3A_125 = arith.extui %sign3A_124 : i1 to i32
    %sign3A_126 = arith.subi %sign3A_122, %sign3A_125 : i32
    %ne3A_127 = arith.cmpi ne, %sign3A_119, %sign3A_126 : i32
    %rem3A_128 = arith.remsi %get3A_110, %jit3A_111 : i32
    %ne3A_129 = arith.constant 0 : i32
    %ne3A_130 = arith.cmpi ne, %rem3A_128, %ne3A_129 : i32
    %and3A_131 = arith.andi %ne3A_127, %ne3A_130 : i1
    %sub3A_132 = arith.constant 1 : i32
    %sub3A_133 = arith.subi %div3A_112, %sub3A_132 : i32
    %select_n3A_134 = arith.select %and3A_131, %sub3A_133, %div3A_112 : i32
    %mul3A_135 = arith.constant 128 : i32
    %mul3A_136 = arith.muli %select_n3A_134, %mul3A_135 : i32
    %multiple_of3A_137 = tpu.assume_multiple %mul3A_136, 128 : i32
    %dma_start3A_138 = arith.constant 0 : i32
    %dma_start3A_139 = arith.constant 384 : i32
    %dma_start3A_140 = tpu.memref_slice %arg15[%dma_start3A_138, %dma_start3A_139] : memref<32x8192xf32, #tpu.memory_space<vmem>> -> memref<32x128xf32, #tpu.memory_space<vmem>>
    %dma_start3A_141 = arith.constant 0 : i32
    %dma_start3A_142 = tpu.memref_slice %arg4[%dma_start3A_141, %multiple_of3A_137] : memref<32x100000xf32, #tpu.memory_space<any>> -> memref<32x128xf32, #tpu.memory_space<any>>
    tpu.enqueue_dma source(%dma_start3A_142 : memref<32x128xf32, #tpu.memory_space<any>>) target(%dma_start3A_140 : memref<32x128xf32, #tpu.memory_space<vmem>>) target_semaphore(%arg17 : memref<!tpu.dma_semaphore, #tpu.memory_space<semaphore_mem>>)
    %dma_start3A_143 = arith.constant 0 : i32
    %dma_start3A_144 = arith.constant 384 : i32
    %dma_start3A_145 = tpu.memref_slice %arg16[%dma_start3A_143, %dma_start3A_144] : memref<64x8192xf32, #tpu.memory_space<vmem>> -> memref<64x128xf32, #tpu.memory_space<vmem>>
    %dma_start3A_146 = arith.constant 0 : i32
    %dma_start3A_147 = tpu.memref_slice %arg5[%dma_start3A_146, %multiple_of3A_137] : memref<64x100000xf32, #tpu.memory_space<any>> -> memref<64x128xf32, #tpu.memory_space<any>>
    tpu.enqueue_dma source(%dma_start3A_147 : memref<64x128xf32, #tpu.memory_space<any>>) target(%dma_start3A_145 : memref<64x128xf32, #tpu.memory_space<vmem>>) target_semaphore(%arg17 : memref<!tpu.dma_semaphore, #tpu.memory_space<semaphore_mem>>)
    %get3A_148 = arith.constant 0 : index
    %get3A_149 = arith.constant 4 : index
    %get3A_150 = memref.load %arg1[%get3A_148, %get3A_149] : memref<1x64xi32, #tpu.memory_space<smem>>
    %jit3A_151 = arith.constant 128 : i32
    %div3A_152 = arith.divsi %get3A_150, %jit3A_151 : i32
    %sign3A_153 = arith.constant 0 : i32
    %sign3A_154 = arith.cmpi sgt, %get3A_150, %sign3A_153 : i32
    %sign3A_155 = arith.extui %sign3A_154 : i1 to i32
    %sign3A_156 = arith.constant 0 : i32
    %sign3A_157 = arith.cmpi slt, %get3A_150, %sign3A_156 : i32
    %sign3A_158 = arith.extui %sign3A_157 : i1 to i32
    %sign3A_159 = arith.subi %sign3A_155, %sign3A_158 : i32
    %sign3A_160 = arith.constant 0 : i32
    %sign3A_161 = arith.cmpi sgt, %jit3A_151, %sign3A_160 : i32
    %sign3A_162 = arith.extui %sign3A_161 : i1 to i32
    %sign3A_163 = arith.constant 0 : i32
    %sign3A_164 = arith.cmpi slt, %jit3A_151, %sign3A_163 : i32
    %sign3A_165 = arith.extui %sign3A_164 : i1 to i32
    %sign3A_166 = arith.subi %sign3A_162, %sign3A_165 : i32
    %ne3A_167 = arith.cmpi ne, %sign3A_159, %sign3A_166 : i32
    %rem3A_168 = arith.remsi %get3A_150, %jit3A_151 : i32
    %ne3A_169 = arith.constant 0 : i32
    %ne3A_170 = arith.cmpi ne, %rem3A_168, %ne3A_169 : i32
    %and3A_171 = arith.andi %ne3A_167, %ne3A_170 : i1
    %sub3A_172 = arith.constant 1 : i32
    %sub3A_173 = arith.subi %div3A_152, %sub3A_172 : i32
    %select_n3A_174 = arith.select %and3A_171, %sub3A_173, %div3A_152 : i32
    %mul3A_175 = arith.constant 128 : i32
    %mul3A_176 = arith.muli %select_n3A_174, %mul3A_175 : i32
    %multiple_of3A_177 = tpu.assume_multiple %mul3A_176, 128 : i32
    %dma_start3A_178 = arith.constant 0 : i32
    %dma_start3A_179 = arith.constant 512 : i32
    %dma_start3A_180 = tpu.memref_slice %arg15[%dma_start3A_178, %dma_start3A_179] : memref<32x8192xf32, #tpu.memory_space<vmem>> -> memref<32x128xf32, #tpu.memory_space<vmem>>
    %dma_start3A_181 = arith.constant 0 : i32
    %dma_start3A_182 = tpu.memref_slice %arg4[%dma_start3A_181, %multiple_of3A_177] : memref<32x100000xf32, #tpu.memory_space<any>> -> memref<32x128xf32, #tpu.memory_space<any>>
    tpu.enqueue_dma source(%dma_start3A_182 : memref<32x128xf32, #tpu.memory_space<any>>) target(%dma_start3A_180 : memref<32x128xf32, #tpu.memory_space<vmem>>) target_semaphore(%arg17 : memref<!tpu.dma_semaphore, #tpu.memory_space<semaphore_mem>>)
    %dma_start3A_183 = arith.constant 0 : i32
    %dma_start3A_184 = arith.constant 512 : i32
    %dma_start3A_185 = tpu.memref_slice %arg16[%dma_start3A_183, %dma_start3A_184] : memref<64x8192xf32, #tpu.memory_space<vmem>> -> memref<64x128xf32, #tpu.memory_space<vmem>>
    %dma_start3A_186 = arith.constant 0 : i32
    %dma_start3A_187 = tpu.memref_slice %arg5[%dma_start3A_186, %multiple_of3A_177] : memref<64x100000xf32, #tpu.memory_space<any>> -> memref<64x128xf32, #tpu.memory_space<any>>
    tpu.enqueue_dma source(%dma_start3A_187 : memref<64x128xf32, #tpu.memory_space<any>>) target(%dma_start3A_185 : memref<64x128xf32, #tpu.memory_space<vmem>>) target_semaphore(%arg17 : memref<!tpu.dma_semaphore, #tpu.memory_space<semaphore_mem>>)
    %get3A_188 = arith.constant 0 : index
    %get3A_189 = arith.constant 5 : index
    %get3A_190 = memref.load %arg1[%get3A_188, %get3A_189] : memref<1x64xi32, #tpu.memory_space<smem>>
    %jit3A_191 = arith.constant 128 : i32
    %div3A_192 = arith.divsi %get3A_190, %jit3A_191 : i32
    %sign3A_193 = arith.constant 0 : i32
    %sign3A_194 = arith.cmpi sgt, %get3A_190, %sign3A_193 : i32
    %sign3A_195 = arith.extui %sign3A_194 : i1 to i32
    %sign3A_196 = arith.constant 0 : i32
    %sign3A_197 = arith.cmpi slt, %get3A_190, %sign3A_196 : i32
    %sign3A_198 = arith.extui %sign3A_197 : i1 to i32
    %sign3A_199 = arith.subi %sign3A_195, %sign3A_198 : i32
    %sign3A_200 = arith.constant 0 : i32
    %sign3A_201 = arith.cmpi sgt, %jit3A_191, %sign3A_200 : i32
    %sign3A_202 = arith.extui %sign3A_201 : i1 to i32
    %sign3A_203 = arith.constant 0 : i32
    %sign3A_204 = arith.cmpi slt, %jit3A_191, %sign3A_203 : i32
    %sign3A_205 = arith.extui %sign3A_204 : i1 to i32
    %sign3A_206 = arith.subi %sign3A_202, %sign3A_205 : i32
    %ne3A_207 = arith.cmpi ne, %sign3A_199, %sign3A_206 : i32
    %rem3A_208 = arith.remsi %get3A_190, %jit3A_191 : i32
    %ne3A_209 = arith.constant 0 : i32
    %ne3A_210 = arith.cmpi ne, %rem3A_208, %ne3A_209 : i32
    %and3A_211 = arith.andi %ne3A_207, %ne3A_210 : i1
    %sub3A_212 = arith.constant 1 : i32
    %sub3A_213 = arith.subi %div3A_192, %sub3A_212 : i32
    %select_n3A_214 = arith.select %and3A_211, %sub3A_213, %div3A_192 : i32
    %mul3A_215 = arith.constant 128 : i32
    %mul3A_216 = arith.muli %select_n3A_214, %mul3A_215 : i32
    %multiple_of3A_217 = tpu.assume_multiple %mul3A_216, 128 : i32
    %dma_start3A_218 = arith.constant 0 : i32
    %dma_start3A_219 = arith.constant 640 : i32
    %dma_start3A_220 = tpu.memref_slice %arg15[%dma_start3A_218, %dma_start3A_219] : memref<32x8192xf32, #tpu.memory_space<vmem>> -> memref<32x128xf32, #tpu.memory_space<vmem>>
    %dma_start3A_221 = arith.constant 0 : i32
    %dma_start3A_222 = tpu.memref_slice %arg4[%dma_start3A_221, %multiple_of3A_217] : memref<32x100000xf32, #tpu.memory_space<any>> -> memref<32x128xf32, #tpu.memory_space<any>>
    tpu.enqueue_dma source(%dma_start3A_222 : memref<32x128xf32, #tpu.memory_space<any>>) target(%dma_start3A_220 : memref<32x128xf32, #tpu.memory_space<vmem>>) target_semaphore(%arg17 : memref<!tpu.dma_semaphore, #tpu.memory_space<semaphore_mem>>)
    %dma_start3A_223 = arith.constant 0 : i32
    %dma_start3A_224 = arith.constant 640 : i32
    %dma_start3A_225 = tpu.memref_slice %arg16[%dma_start3A_223, %dma_start3A_224] : memref<64x8192xf32, #tpu.memory_space<vmem>> -> memref<64x128xf32, #tpu.memory_space<vmem>>
    %dma_start3A_226 = arith.constant 0 : i32
    %dma_start3A_227 = tpu.memref_slice %arg5[%dma_start3A_226, %multiple_of3A_217] : memref<64x100000xf32, #tpu.memory_space<any>> -> memref<64x128xf32, #tpu.memory_space<any>>
    tpu.enqueue_dma source(%dma_start3A_227 : memref<64x128xf32, #tpu.memory_space<any>>) target(%dma_start3A_225 : memref<64x128xf32, #tpu.memory_space<vmem>>) target_semaphore(%arg17 : memref<!tpu.dma_semaphore, #tpu.memory_space<semaphore_mem>>)
    %get3A_228 = arith.constant 0 : index
    %get3A_229 = arith.constant 6 : index
    %get3A_230 = memref.load %arg1[%get3A_228, %get3A_229] : memref<1x64xi32, #tpu.memory_space<smem>>
    %jit3A_231 = arith.constant 128 : i32
    %div3A_232 = arith.divsi %get3A_230, %jit3A_231 : i32
    %sign3A_233 = arith.constant 0 : i32
    %sign3A_234 = arith.cmpi sgt, %get3A_230, %sign3A_233 : i32
    %sign3A_235 = arith.extui %sign3A_234 : i1 to i32
    %sign3A_236 = arith.constant 0 : i32
    %sign3A_237 = arith.cmpi slt, %get3A_230, %sign3A_236 : i32
    %sign3A_238 = arith.extui %sign3A_237 : i1 to i32
    %sign3A_239 = arith.subi %sign3A_235, %sign3A_238 : i32
    %sign3A_240 = arith.constant 0 : i32
    %sign3A_241 = arith.cmpi sgt, %jit3A_231, %sign3A_240 : i32
    %sign3A_242 = arith.extui %sign3A_241 : i1 to i32
    %sign3A_243 = arith.constant 0 : i32
    %sign3A_244 = arith.cmpi slt, %jit3A_231, %sign3A_243 : i32
    %sign3A_245 = arith.extui %sign3A_244 : i1 to i32
    %sign3A_246 = arith.subi %sign3A_242, %sign3A_245 : i32
    %ne3A_247 = arith.cmpi ne, %sign3A_239, %sign3A_246 : i32
    %rem3A_248 = arith.remsi %get3A_230, %jit3A_231 : i32
    %ne3A_249 = arith.constant 0 : i32
    %ne3A_250 = arith.cmpi ne, %rem3A_248, %ne3A_249 : i32
    %and3A_251 = arith.andi %ne3A_247, %ne3A_250 : i1
    %sub3A_252 = arith.constant 1 : i32
    %sub3A_253 = arith.subi %div3A_232, %sub3A_252 : i32
    %select_n3A_254 = arith.select %and3A_251, %sub3A_253, %div3A_232 : i32
    %mul3A_255 = arith.constant 128 : i32
    %mul3A_256 = arith.muli %select_n3A_254, %mul3A_255 : i32
    %multiple_of3A_257 = tpu.assume_multiple %mul3A_256, 128 : i32
    %dma_start3A_258 = arith.constant 0 : i32
    %dma_start3A_259 = arith.constant 768 : i32
    %dma_start3A_260 = tpu.memref_slice %arg15[%dma_start3A_258, %dma_start3A_259] : memref<32x8192xf32, #tpu.memory_space<vmem>> -> memref<32x128xf32, #tpu.memory_space<vmem>>
    %dma_start3A_261 = arith.constant 0 : i32
    %dma_start3A_262 = tpu.memref_slice %arg4[%dma_start3A_261, %multiple_of3A_257] : memref<32x100000xf32, #tpu.memory_space<any>> -> memref<32x128xf32, #tpu.memory_space<any>>
    tpu.enqueue_dma source(%dma_start3A_262 : memref<32x128xf32, #tpu.memory_space<any>>) target(%dma_start3A_260 : memref<32x128xf32, #tpu.memory_space<vmem>>) target_semaphore(%arg17 : memref<!tpu.dma_semaphore, #tpu.memory_space<semaphore_mem>>)
    %dma_start3A_263 = arith.constant 0 : i32
    %dma_start3A_264 = arith.constant 768 : i32
    %dma_start3A_265 = tpu.memref_slice %arg16[%dma_start3A_263, %dma_start3A_264] : memref<64x8192xf32, #tpu.memory_space<vmem>> -> memref<64x128xf32, #tpu.memory_space<vmem>>
    %dma_start3A_266 = arith.constant 0 : i32
    %dma_start3A_267 = tpu.memref_slice %arg5[%dma_start3A_266, %multiple_of3A_257] : memref<64x100000xf32, #tpu.memory_space<any>> -> memref<64x128xf32, #tpu.memory_space<any>>
    tpu.enqueue_dma source(%dma_start3A_267 : memref<64x128xf32, #tpu.memory_space<any>>) target(%dma_start3A_265 : memref<64x128xf32, #tpu.memory_space<vmem>>) target_semaphore(%arg17 : memref<!tpu.dma_semaphore, #tpu.memory_space<semaphore_mem>>)
    %get3A_268 = arith.constant 0 : index
    %get3A_269 = arith.constant 7 : index
    %get3A_270 = memref.load %arg1[%get3A_268, %get3A_269] : memref<1x64xi32, #tpu.memory_space<smem>>
    %jit3A_271 = arith.constant 128 : i32
    %div3A_272 = arith.divsi %get3A_270, %jit3A_271 : i32
    %sign3A_273 = arith.constant 0 : i32
    %sign3A_274 = arith.cmpi sgt, %get3A_270, %sign3A_273 : i32
    %sign3A_275 = arith.extui %sign3A_274 : i1 to i32
    %sign3A_276 = arith.constant 0 : i32
    %sign3A_277 = arith.cmpi slt, %get3A_270, %sign3A_276 : i32
    %sign3A_278 = arith.extui %sign3A_277 : i1 to i32
    %sign3A_279 = arith.subi %sign3A_275, %sign3A_278 : i32
    %sign3A_280 = arith.constant 0 : i32
    %sign3A_281 = arith.cmpi sgt, %jit3A_271, %sign3A_280 : i32
    %sign3A_282 = arith.extui %sign3A_281 : i1 to i32
    %sign3A_283 = arith.constant 0 : i32
    %sign3A_284 = arith.cmpi slt, %jit3A_271, %sign3A_283 : i32
    %sign3A_285 = arith.extui %sign3A_284 : i1 to i32
    %sign3A_286 = arith.subi %sign3A_282, %sign3A_285 : i32
    %ne3A_287 = arith.cmpi ne, %sign3A_279, %sign3A_286 : i32
    %rem3A_288 = arith.remsi %get3A_270, %jit3A_271 : i32
    %ne3A_289 = arith.constant 0 : i32
    %ne3A_290 = arith.cmpi ne, %rem3A_288, %ne3A_289 : i32
    %and3A_291 = arith.andi %ne3A_287, %ne3A_290 : i1
    %sub3A_292 = arith.constant 1 : i32
    %sub3A_293 = arith.subi %div3A_272, %sub3A_292 : i32
    %select_n3A_294 = arith.select %and3A_291, %sub3A_293, %div3A_272 : i32
    %mul3A_295 = arith.constant 128 : i32
    %mul3A_296 = arith.muli %select_n3A_294, %mul3A_295 : i32
    %multiple_of3A_297 = tpu.assume_multiple %mul3A_296, 128 : i32
    %dma_start3A_298 = arith.constant 0 : i32
    %dma_start3A_299 = arith.constant 896 : i32
    %dma_start3A_300 = tpu.memref_slice %arg15[%dma_start3A_298, %dma_start3A_299] : memref<32x8192xf32, #tpu.memory_space<vmem>> -> memref<32x128xf32, #tpu.memory_space<vmem>>
    %dma_start3A_301 = arith.constant 0 : i32
    %dma_start3A_302 = tpu.memref_slice %arg4[%dma_start3A_301, %multiple_of3A_297] : memref<32x100000xf32, #tpu.memory_space<any>> -> memref<32x128xf32, #tpu.memory_space<any>>
    tpu.enqueue_dma source(%dma_start3A_302 : memref<32x128xf32, #tpu.memory_space<any>>) target(%dma_start3A_300 : memref<32x128xf32, #tpu.memory_space<vmem>>) target_semaphore(%arg17 : memref<!tpu.dma_semaphore, #tpu.memory_space<semaphore_mem>>)
    %dma_start3A_303 = arith.constant 0 : i32
    %dma_start3A_304 = arith.constant 896 : i32
    %dma_start3A_305 = tpu.memref_slice %arg16[%dma_start3A_303, %dma_start3A_304] : memref<64x8192xf32, #tpu.memory_space<vmem>> -> memref<64x128xf32, #tpu.memory_space<vmem>>
    %dma_start3A_306 = arith.constant 0 : i32
    %dma_start3A_307 = tpu.memref_slice %arg5[%dma_start3A_306, %multiple_of3A_297] : memref<64x100000xf32, #tpu.memory_space<any>> -> memref<64x128xf32, #tpu.memory_space<any>>
    tpu.enqueue_dma source(%dma_start3A_307 : memref<64x128xf32, #tpu.memory_space<any>>) target(%dma_start3A_305 : memref<64x128xf32, #tpu.memory_space<vmem>>) target_semaphore(%arg17 : memref<!tpu.dma_semaphore, #tpu.memory_space<semaphore_mem>>)
    %get3A_308 = arith.constant 0 : index
    %get3A_309 = arith.constant 8 : index
    %get3A_310 = memref.load %arg1[%get3A_308, %get3A_309] : memref<1x64xi32, #tpu.memory_space<smem>>
    %jit3A_311 = arith.constant 128 : i32
    %div3A_312 = arith.divsi %get3A_310, %jit3A_311 : i32
    %sign3A_313 = arith.constant 0 : i32
    %sign3A_314 = arith.cmpi sgt, %get3A_310, %sign3A_313 : i32
    %sign3A_315 = arith.extui %sign3A_314 : i1 to i32
    %sign3A_316 = arith.constant 0 : i32
    %sign3A_317 = arith.cmpi slt, %get3A_310, %sign3A_316 : i32
    %sign3A_318 = arith.extui %sign3A_317 : i1 to i32
    %sign3A_319 = arith.subi %sign3A_315, %sign3A_318 : i32
    %sign3A_320 = arith.constant 0 : i32
    %sign3A_321 = arith.cmpi sgt, %jit3A_311, %sign3A_320 : i32
    %sign3A_322 = arith.extui %sign3A_321 : i1 to i32
    %sign3A_323 = arith.constant 0 : i32
    %sign3A_324 = arith.cmpi slt, %jit3A_311, %sign3A_323 : i32
    %sign3A_325 = arith.extui %sign3A_324 : i1 to i32
    %sign3A_326 = arith.subi %sign3A_322, %sign3A_325 : i32
    %ne3A_327 = arith.cmpi ne, %sign3A_319, %sign3A_326 : i32
    %rem3A_328 = arith.remsi %get3A_310, %jit3A_311 : i32
    %ne3A_329 = arith.constant 0 : i32
    %ne3A_330 = arith.cmpi ne, %rem3A_328, %ne3A_329 : i32
    %and3A_331 = arith.andi %ne3A_327, %ne3A_330 : i1
    %sub3A_332 = arith.constant 1 : i32
    %sub3A_333 = arith.subi %div3A_312, %sub3A_332 : i32
    %select_n3A_334 = arith.select %and3A_331, %sub3A_333, %div3A_312 : i32
    %mul3A_335 = arith.constant 128 : i32
    %mul3A_336 = arith.muli %select_n3A_334, %mul3A_335 : i32
    %multiple_of3A_337 = tpu.assume_multiple %mul3A_336, 128 : i32
    %dma_start3A_338 = arith.constant 0 : i32
    %dma_start3A_339 = arith.constant 1024 : i32
    %dma_start3A_340 = tpu.memref_slice %arg15[%dma_start3A_338, %dma_start3A_339] : memref<32x8192xf32, #tpu.memory_space<vmem>> -> memref<32x128xf32, #tpu.memory_space<vmem>>
    %dma_start3A_341 = arith.constant 0 : i32
    %dma_start3A_342 = tpu.memref_slice %arg4[%dma_start3A_341, %multiple_of3A_337] : memref<32x100000xf32, #tpu.memory_space<any>> -> memref<32x128xf32, #tpu.memory_space<any>>
    tpu.enqueue_dma source(%dma_start3A_342 : memref<32x128xf32, #tpu.memory_space<any>>) target(%dma_start3A_340 : memref<32x128xf32, #tpu.memory_space<vmem>>) target_semaphore(%arg17 : memref<!tpu.dma_semaphore, #tpu.memory_space<semaphore_mem>>)
    %dma_start3A_343 = arith.constant 0 : i32
    %dma_start3A_344 = arith.constant 1024 : i32
    %dma_start3A_345 = tpu.memref_slice %arg16[%dma_start3A_343, %dma_start3A_344] : memref<64x8192xf32, #tpu.memory_space<vmem>> -> memref<64x128xf32, #tpu.memory_space<vmem>>
    %dma_start3A_346 = arith.constant 0 : i32
    %dma_start3A_347 = tpu.memref_slice %arg5[%dma_start3A_346, %multiple_of3A_337] : memref<64x100000xf32, #tpu.memory_space<any>> -> memref<64x128xf32, #tpu.memory_space<any>>
    tpu.enqueue_dma source(%dma_start3A_347 : memref<64x128xf32, #tpu.memory_space<any>>) target(%dma_start3A_345 : memref<64x128xf32, #tpu.memory_space<vmem>>) target_semaphore(%arg17 : memref<!tpu.dma_semaphore, #tpu.memory_space<semaphore_mem>>)
    %get3A_348 = arith.constant 0 : index
    %get3A_349 = arith.constant 9 : index
    %get3A_350 = memref.load %arg1[%get3A_348, %get3A_349] : memref<1x64xi32, #tpu.memory_space<smem>>
    %jit3A_351 = arith.constant 128 : i32
    %div3A_352 = arith.divsi %get3A_350, %jit3A_351 : i32
    %sign3A_353 = arith.constant 0 : i32
    %sign3A_354 = arith.cmpi sgt, %get3A_350, %sign3A_353 : i32
    %sign3A_355 = arith.extui %sign3A_354 : i1 to i32
    %sign3A_356 = arith.constant 0 : i32
    %sign3A_357 = arith.cmpi slt, %get3A_350, %sign3A_356 : i32
    %sign3A_358 = arith.extui %sign3A_357 : i1 to i32
    %sign3A_359 = arith.subi %sign3A_355, %sign3A_358 : i32
    %sign3A_360 = arith.constant 0 : i32
    %sign3A_361 = arith.cmpi sgt, %jit3A_351, %sign3A_360 : i32
    %sign3A_362 = arith.extui %sign3A_361 : i1 to i32
    %sign3A_363 = arith.constant 0 : i32
    %sign3A_364 = arith.cmpi slt, %jit3A_351, %sign3A_363 : i32
    %sign3A_365 = arith.extui %sign3A_364 : i1 to i32
    %sign3A_366 = arith.subi %sign3A_362, %sign3A_365 : i32
    %ne3A_367 = arith.cmpi ne, %sign3A_359, %sign3A_366 : i32
    %rem3A_368 = arith.remsi %get3A_350, %jit3A_351 : i32
    %ne3A_369 = arith.constant 0 : i32
    %ne3A_370 = arith.cmpi ne, %rem3A_368, %ne3A_369 : i32
    %and3A_371 = arith.andi %ne3A_367, %ne3A_370 : i1
    %sub3A_372 = arith.constant 1 : i32
    %sub3A_373 = arith.subi %div3A_352, %sub3A_372 : i32
    %select_n3A_374 = arith.select %and3A_371, %sub3A_373, %div3A_352 : i32
    %mul3A_375 = arith.constant 128 : i32
    %mul3A_376 = arith.muli %select_n3A_374, %mul3A_375 : i32
    %multiple_of3A_377 = tpu.assume_multiple %mul3A_376, 128 : i32
    %dma_start3A_378 = arith.constant 0 : i32
    %dma_start3A_379 = arith.constant 1152 : i32
    %dma_start3A_380 = tpu.memref_slice %arg15[%dma_start3A_378, %dma_start3A_379] : memref<32x8192xf32, #tpu.memory_space<vmem>> -> memref<32x128xf32, #tpu.memory_space<vmem>>
    %dma_start3A_381 = arith.constant 0 : i32
    %dma_start3A_382 = tpu.memref_slice %arg4[%dma_start3A_381, %multiple_of3A_377] : memref<32x100000xf32, #tpu.memory_space<any>> -> memref<32x128xf32, #tpu.memory_space<any>>
    tpu.enqueue_dma source(%dma_start3A_382 : memref<32x128xf32, #tpu.memory_space<any>>) target(%dma_start3A_380 : memref<32x128xf32, #tpu.memory_space<vmem>>) target_semaphore(%arg17 : memref<!tpu.dma_semaphore, #tpu.memory_space<semaphore_mem>>)
    %dma_start3A_383 = arith.constant 0 : i32
    %dma_start3A_384 = arith.constant 1152 : i32
    %dma_start3A_385 = tpu.memref_slice %arg16[%dma_start3A_383, %dma_start3A_384] : memref<64x8192xf32, #tpu.memory_space<vmem>> -> memref<64x128xf32, #tpu.memory_space<vmem>>
    %dma_start3A_386 = arith.constant 0 : i32
    %dma_start3A_387 = tpu.memref_slice %arg5[%dma_start3A_386, %multiple_of3A_377] : memref<64x100000xf32, #tpu.memory_space<any>> -> memref<64x128xf32, #tpu.memory_space<any>>
    tpu.enqueue_dma source(%dma_start3A_387 : memref<64x128xf32, #tpu.memory_space<any>>) target(%dma_start3A_385 : memref<64x128xf32, #tpu.memory_space<vmem>>) target_semaphore(%arg17 : memref<!tpu.dma_semaphore, #tpu.memory_space<semaphore_mem>>)
    %get3A_388 = arith.constant 0 : index
    %get3A_389 = arith.constant 10 : index
    %get3A_390 = memref.load %arg1[%get3A_388, %get3A_389] : memref<1x64xi32, #tpu.memory_space<smem>>
    %jit3A_391 = arith.constant 128 : i32
    %div3A_392 = arith.divsi %get3A_390, %jit3A_391 : i32
    %sign3A_393 = arith.constant 0 : i32
    %sign3A_394 = arith.cmpi sgt, %get3A_390, %sign3A_393 : i32
    %sign3A_395 = arith.extui %sign3A_394 : i1 to i32
    %sign3A_396 = arith.constant 0 : i32
    %sign3A_397 = arith.cmpi slt, %get3A_390, %sign3A_396 : i32
    %sign3A_398 = arith.extui %sign3A_397 : i1 to i32
    %sign3A_399 = arith.subi %sign3A_395, %sign3A_398 : i32
    %sign3A_400 = arith.constant 0 : i32
    %sign3A_401 = arith.cmpi sgt, %jit3A_391, %sign3A_400 : i32
    %sign3A_402 = arith.extui %sign3A_401 : i1 to i32
    %sign3A_403 = arith.constant 0 : i32
    %sign3A_404 = arith.cmpi slt, %jit3A_391, %sign3A_403 : i32
    %sign3A_405 = arith.extui %sign3A_404 : i1 to i32
    %sign3A_406 = arith.subi %sign3A_402, %sign3A_405 : i32
    %ne3A_407 = arith.cmpi ne, %sign3A_399, %sign3A_406 : i32
    %rem3A_408 = arith.remsi %get3A_390, %jit3A_391 : i32
    %ne3A_409 = arith.constant 0 : i32
    %ne3A_410 = arith.cmpi ne, %rem3A_408, %ne3A_409 : i32
    %and3A_411 = arith.andi %ne3A_407, %ne3A_410 : i1
    %sub3A_412 = arith.constant 1 : i32
    %sub3A_413 = arith.subi %div3A_392, %sub3A_412 : i32
    %select_n3A_414 = arith.select %and3A_411, %sub3A_413, %div3A_392 : i32
    %mul3A_415 = arith.constant 128 : i32
    %mul3A_416 = arith.muli %select_n3A_414, %mul3A_415 : i32
    %multiple_of3A_417 = tpu.assume_multiple %mul3A_416, 128 : i32
    %dma_start3A_418 = arith.constant 0 : i32
    %dma_start3A_419 = arith.constant 1280 : i32
    %dma_start3A_420 = tpu.memref_slice %arg15[%dma_start3A_418, %dma_start3A_419] : memref<32x8192xf32, #tpu.memory_space<vmem>> -> memref<32x128xf32, #tpu.memory_space<vmem>>
    %dma_start3A_421 = arith.constant 0 : i32
    %dma_start3A_422 = tpu.memref_slice %arg4[%dma_start3A_421, %multiple_of3A_417] : memref<32x100000xf32, #tpu.memory_space<any>> -> memref<32x128xf32, #tpu.memory_space<any>>
    tpu.enqueue_dma source(%dma_start3A_422 : memref<32x128xf32, #tpu.memory_space<any>>) target(%dma_start3A_420 : memref<32x128xf32, #tpu.memory_space<vmem>>) target_semaphore(%arg17 : memref<!tpu.dma_semaphore, #tpu.memory_space<semaphore_mem>>)
    %dma_start3A_423 = arith.constant 0 : i32
    %dma_start3A_424 = arith.constant 1280 : i32
    %dma_start3A_425 = tpu.memref_slice %arg16[%dma_start3A_423, %dma_start3A_424] : memref<64x8192xf32, #tpu.memory_space<vmem>> -> memref<64x128xf32, #tpu.memory_space<vmem>>
    %dma_start3A_426 = arith.constant 0 : i32
    %dma_start3A_427 = tpu.memref_slice %arg5[%dma_start3A_426, %multiple_of3A_417] : memref<64x100000xf32, #tpu.memory_space<any>> -> memref<64x128xf32, #tpu.memory_space<any>>
    tpu.enqueue_dma source(%dma_start3A_427 : memref<64x128xf32, #tpu.memory_space<any>>) target(%dma_start3A_425 : memref<64x128xf32, #tpu.memory_space<vmem>>) target_semaphore(%arg17 : memref<!tpu.dma_semaphore, #tpu.memory_space<semaphore_mem>>)
    %get3A_428 = arith.constant 0 : index
    %get3A_429 = arith.constant 11 : index
    %get3A_430 = memref.load %arg1[%get3A_428, %get3A_429] : memref<1x64xi32, #tpu.memory_space<smem>>
    %jit3A_431 = arith.constant 128 : i32
    %div3A_432 = arith.divsi %get3A_430, %jit3A_431 : i32
    %sign3A_433 = arith.constant 0 : i32
    %sign3A_434 = arith.cmpi sgt, %get3A_430, %sign3A_433 : i32
    %sign3A_435 = arith.extui %sign3A_434 : i1 to i32
    %sign3A_436 = arith.constant 0 : i32
    %sign3A_437 = arith.cmpi slt, %get3A_430, %sign3A_436 : i32
    %sign3A_438 = arith.extui %sign3A_437 : i1 to i32
    %sign3A_439 = arith.subi %sign3A_435, %sign3A_438 : i32
    %sign3A_440 = arith.constant 0 : i32
    %sign3A_441 = arith.cmpi sgt, %jit3A_431, %sign3A_440 : i32
    %sign3A_442 = arith.extui %sign3A_441 : i1 to i32
    %sign3A_443 = arith.constant 0 : i32
    %sign3A_444 = arith.cmpi slt, %jit3A_431, %sign3A_443 : i32
    %sign3A_445 = arith.extui %sign3A_444 : i1 to i32
    %sign3A_446 = arith.subi %sign3A_442, %sign3A_445 : i32
    %ne3A_447 = arith.cmpi ne, %sign3A_439, %sign3A_446 : i32
    %rem3A_448 = arith.remsi %get3A_430, %jit3A_431 : i32
    %ne3A_449 = arith.constant 0 : i32
    %ne3A_450 = arith.cmpi ne, %rem3A_448, %ne3A_449 : i32
    %and3A_451 = arith.andi %ne3A_447, %ne3A_450 : i1
    %sub3A_452 = arith.constant 1 : i32
    %sub3A_453 = arith.subi %div3A_432, %sub3A_452 : i32
    %select_n3A_454 = arith.select %and3A_451, %sub3A_453, %div3A_432 : i32
    %mul3A_455 = arith.constant 128 : i32
    %mul3A_456 = arith.muli %select_n3A_454, %mul3A_455 : i32
    %multiple_of3A_457 = tpu.assume_multiple %mul3A_456, 128 : i32
    %dma_start3A_458 = arith.constant 0 : i32
    %dma_start3A_459 = arith.constant 1408 : i32
    %dma_start3A_460 = tpu.memref_slice %arg15[%dma_start3A_458, %dma_start3A_459] : memref<32x8192xf32, #tpu.memory_space<vmem>> -> memref<32x128xf32, #tpu.memory_space<vmem>>
    %dma_start3A_461 = arith.constant 0 : i32
    %dma_start3A_462 = tpu.memref_slice %arg4[%dma_start3A_461, %multiple_of3A_457] : memref<32x100000xf32, #tpu.memory_space<any>> -> memref<32x128xf32, #tpu.memory_space<any>>
    tpu.enqueue_dma source(%dma_start3A_462 : memref<32x128xf32, #tpu.memory_space<any>>) target(%dma_start3A_460 : memref<32x128xf32, #tpu.memory_space<vmem>>) target_semaphore(%arg17 : memref<!tpu.dma_semaphore, #tpu.memory_space<semaphore_mem>>)
    %dma_start3A_463 = arith.constant 0 : i32
    %dma_start3A_464 = arith.constant 1408 : i32
    %dma_start3A_465 = tpu.memref_slice %arg16[%dma_start3A_463, %dma_start3A_464] : memref<64x8192xf32, #tpu.memory_space<vmem>> -> memref<64x128xf32, #tpu.memory_space<vmem>>
    %dma_start3A_466 = arith.constant 0 : i32
    %dma_start3A_467 = tpu.memref_slice %arg5[%dma_start3A_466, %multiple_of3A_457] : memref<64x100000xf32, #tpu.memory_space<any>> -> memref<64x128xf32, #tpu.memory_space<any>>
    tpu.enqueue_dma source(%dma_start3A_467 : memref<64x128xf32, #tpu.memory_space<any>>) target(%dma_start3A_465 : memref<64x128xf32, #tpu.memory_space<vmem>>) target_semaphore(%arg17 : memref<!tpu.dma_semaphore, #tpu.memory_space<semaphore_mem>>)
    %get3A_468 = arith.constant 0 : index
    %get3A_469 = arith.constant 12 : index
    %get3A_470 = memref.load %arg1[%get3A_468, %get3A_469] : memref<1x64xi32, #tpu.memory_space<smem>>
    %jit3A_471 = arith.constant 128 : i32
    %div3A_472 = arith.divsi %get3A_470, %jit3A_471 : i32
    %sign3A_473 = arith.constant 0 : i32
    %sign3A_474 = arith.cmpi sgt, %get3A_470, %sign3A_473 : i32
    %sign3A_475 = arith.extui %sign3A_474 : i1 to i32
    %sign3A_476 = arith.constant 0 : i32
    %sign3A_477 = arith.cmpi slt, %get3A_470, %sign3A_476 : i32
    %sign3A_478 = arith.extui %sign3A_477 : i1 to i32
    %sign3A_479 = arith.subi %sign3A_475, %sign3A_478 : i32
    %sign3A_480 = arith.constant 0 : i32
    %sign3A_481 = arith.cmpi sgt, %jit3A_471, %sign3A_480 : i32
    %sign3A_482 = arith.extui %sign3A_481 : i1 to i32
    %sign3A_483 = arith.constant 0 : i32
    %sign3A_484 = arith.cmpi slt, %jit3A_471, %sign3A_483 : i32
    %sign3A_485 = arith.extui %sign3A_484 : i1 to i32
    %sign3A_486 = arith.subi %sign3A_482, %sign3A_485 : i32
    %ne3A_487 = arith.cmpi ne, %sign3A_479, %sign3A_486 : i32
    %rem3A_488 = arith.remsi %get3A_470, %jit3A_471 : i32
    %ne3A_489 = arith.constant 0 : i32
    %ne3A_490 = arith.cmpi ne, %rem3A_488, %ne3A_489 : i32
    %and3A_491 = arith.andi %ne3A_487, %ne3A_490 : i1
    %sub3A_492 = arith.constant 1 : i32
    %sub3A_493 = arith.subi %div3A_472, %sub3A_492 : i32
    %select_n3A_494 = arith.select %and3A_491, %sub3A_493, %div3A_472 : i32
    %mul3A_495 = arith.constant 128 : i32
    %mul3A_496 = arith.muli %select_n3A_494, %mul3A_495 : i32
    %multiple_of3A_497 = tpu.assume_multiple %mul3A_496, 128 : i32
    %dma_start3A_498 = arith.constant 0 : i32
    %dma_start3A_499 = arith.constant 1536 : i32
    %dma_start3A_500 = tpu.memref_slice %arg15[%dma_start3A_498, %dma_start3A_499] : memref<32x8192xf32, #tpu.memory_space<vmem>> -> memref<32x128xf32, #tpu.memory_space<vmem>>
    %dma_start3A_501 = arith.constant 0 : i32
    %dma_start3A_502 = tpu.memref_slice %arg4[%dma_start3A_501, %multiple_of3A_497] : memref<32x100000xf32, #tpu.memory_space<any>> -> memref<32x128xf32, #tpu.memory_space<any>>
    tpu.enqueue_dma source(%dma_start3A_502 : memref<32x128xf32, #tpu.memory_space<any>>) target(%dma_start3A_500 : memref<32x128xf32, #tpu.memory_space<vmem>>) target_semaphore(%arg17 : memref<!tpu.dma_semaphore, #tpu.memory_space<semaphore_mem>>)
    %dma_start3A_503 = arith.constant 0 : i32
    %dma_start3A_504 = arith.constant 1536 : i32
    %dma_start3A_505 = tpu.memref_slice %arg16[%dma_start3A_503, %dma_start3A_504] : memref<64x8192xf32, #tpu.memory_space<vmem>> -> memref<64x128xf32, #tpu.memory_space<vmem>>
    %dma_start3A_506 = arith.constant 0 : i32
    %dma_start3A_507 = tpu.memref_slice %arg5[%dma_start3A_506, %multiple_of3A_497] : memref<64x100000xf32, #tpu.memory_space<any>> -> memref<64x128xf32, #tpu.memory_space<any>>
    tpu.enqueue_dma source(%dma_start3A_507 : memref<64x128xf32, #tpu.memory_space<any>>) target(%dma_start3A_505 : memref<64x128xf32, #tpu.memory_space<vmem>>) target_semaphore(%arg17 : memref<!tpu.dma_semaphore, #tpu.memory_space<semaphore_mem>>)
    %get3A_508 = arith.constant 0 : index
    %get3A_509 = arith.constant 13 : index
    %get3A_510 = memref.load %arg1[%get3A_508, %get3A_509] : memref<1x64xi32, #tpu.memory_space<smem>>
    %jit3A_511 = arith.constant 128 : i32
    %div3A_512 = arith.divsi %get3A_510, %jit3A_511 : i32
    %sign3A_513 = arith.constant 0 : i32
    %sign3A_514 = arith.cmpi sgt, %get3A_510, %sign3A_513 : i32
    %sign3A_515 = arith.extui %sign3A_514 : i1 to i32
    %sign3A_516 = arith.constant 0 : i32
    %sign3A_517 = arith.cmpi slt, %get3A_510, %sign3A_516 : i32
    %sign3A_518 = arith.extui %sign3A_517 : i1 to i32
    %sign3A_519 = arith.subi %sign3A_515, %sign3A_518 : i32
    %sign3A_520 = arith.constant 0 : i32
    %sign3A_521 = arith.cmpi sgt, %jit3A_511, %sign3A_520 : i32
    %sign3A_522 = arith.extui %sign3A_521 : i1 to i32
    %sign3A_523 = arith.constant 0 : i32
    %sign3A_524 = arith.cmpi slt, %jit3A_511, %sign3A_523 : i32
    %sign3A_525 = arith.extui %sign3A_524 : i1 to i32
    %sign3A_526 = arith.subi %sign3A_522, %sign3A_525 : i32
    %ne3A_527 = arith.cmpi ne, %sign3A_519, %sign3A_526 : i32
    %rem3A_528 = arith.remsi %get3A_510, %jit3A_511 : i32
    %ne3A_529 = arith.constant 0 : i32
    %ne3A_530 = arith.cmpi ne, %rem3A_528, %ne3A_529 : i32
    %and3A_531 = arith.andi %ne3A_527, %ne3A_530 : i1
    %sub3A_532 = arith.constant 1 : i32
    %sub3A_533 = arith.subi %div3A_512, %sub3A_532 : i32
    %select_n3A_534 = arith.select %and3A_531, %sub3A_533, %div3A_512 : i32
    %mul3A_535 = arith.constant 128 : i32
    %mul3A_536 = arith.muli %select_n3A_534, %mul3A_535 : i32
    %multiple_of3A_537 = tpu.assume_multiple %mul3A_536, 128 : i32
    %dma_start3A_538 = arith.constant 0 : i32
    %dma_start3A_539 = arith.constant 1664 : i32
    %dma_start3A_540 = tpu.memref_slice %arg15[%dma_start3A_538, %dma_start3A_539] : memref<32x8192xf32, #tpu.memory_space<vmem>> -> memref<32x128xf32, #tpu.memory_space<vmem>>
    %dma_start3A_541 = arith.constant 0 : i32
    %dma_start3A_542 = tpu.memref_slice %arg4[%dma_start3A_541, %multiple_of3A_537] : memref<32x100000xf32, #tpu.memory_space<any>> -> memref<32x128xf32, #tpu.memory_space<any>>
    tpu.enqueue_dma source(%dma_start3A_542 : memref<32x128xf32, #tpu.memory_space<any>>) target(%dma_start3A_540 : memref<32x128xf32, #tpu.memory_space<vmem>>) target_semaphore(%arg17 : memref<!tpu.dma_semaphore, #tpu.memory_space<semaphore_mem>>)
    %dma_start3A_543 = arith.constant 0 : i32
    %dma_start3A_544 = arith.constant 1664 : i32
    %dma_start3A_545 = tpu.memref_slice %arg16[%dma_start3A_543, %dma_start3A_544] : memref<64x8192xf32, #tpu.memory_space<vmem>> -> memref<64x128xf32, #tpu.memory_space<vmem>>
    %dma_start3A_546 = arith.constant 0 : i32
    %dma_start3A_547 = tpu.memref_slice %arg5[%dma_start3A_546, %multiple_of3A_537] : memref<64x100000xf32, #tpu.memory_space<any>> -> memref<64x128xf32, #tpu.memory_space<any>>
    tpu.enqueue_dma source(%dma_start3A_547 : memref<64x128xf32, #tpu.memory_space<any>>) target(%dma_start3A_545 : memref<64x128xf32, #tpu.memory_space<vmem>>) target_semaphore(%arg17 : memref<!tpu.dma_semaphore, #tpu.memory_space<semaphore_mem>>)
    %get3A_548 = arith.constant 0 : index
    %get3A_549 = arith.constant 14 : index
    %get3A_550 = memref.load %arg1[%get3A_548, %get3A_549] : memref<1x64xi32, #tpu.memory_space<smem>>
    %jit3A_551 = arith.constant 128 : i32
    %div3A_552 = arith.divsi %get3A_550, %jit3A_551 : i32
    %sign3A_553 = arith.constant 0 : i32
    %sign3A_554 = arith.cmpi sgt, %get3A_550, %sign3A_553 : i32
    %sign3A_555 = arith.extui %sign3A_554 : i1 to i32
    %sign3A_556 = arith.constant 0 : i32
    %sign3A_557 = arith.cmpi slt, %get3A_550, %sign3A_556 : i32
    %sign3A_558 = arith.extui %sign3A_557 : i1 to i32
    %sign3A_559 = arith.subi %sign3A_555, %sign3A_558 : i32
    %sign3A_560 = arith.constant 0 : i32
    %sign3A_561 = arith.cmpi sgt, %jit3A_551, %sign3A_560 : i32
    %sign3A_562 = arith.extui %sign3A_561 : i1 to i32
    %sign3A_563 = arith.constant 0 : i32
    %sign3A_564 = arith.cmpi slt, %jit3A_551, %sign3A_563 : i32
    %sign3A_565 = arith.extui %sign3A_564 : i1 to i32
    %sign3A_566 = arith.subi %sign3A_562, %sign3A_565 : i32
    %ne3A_567 = arith.cmpi ne, %sign3A_559, %sign3A_566 : i32
    %rem3A_568 = arith.remsi %get3A_550, %jit3A_551 : i32
    %ne3A_569 = arith.constant 0 : i32
    %ne3A_570 = arith.cmpi ne, %rem3A_568, %ne3A_569 : i32
    %and3A_571 = arith.andi %ne3A_567, %ne3A_570 : i1
    %sub3A_572 = arith.constant 1 : i32
    %sub3A_573 = arith.subi %div3A_552, %sub3A_572 : i32
    %select_n3A_574 = arith.select %and3A_571, %sub3A_573, %div3A_552 : i32
    %mul3A_575 = arith.constant 128 : i32
    %mul3A_576 = arith.muli %select_n3A_574, %mul3A_575 : i32
    %multiple_of3A_577 = tpu.assume_multiple %mul3A_576, 128 : i32
    %dma_start3A_578 = arith.constant 0 : i32
    %dma_start3A_579 = arith.constant 1792 : i32
    %dma_start3A_580 = tpu.memref_slice %arg15[%dma_start3A_578, %dma_start3A_579] : memref<32x8192xf32, #tpu.memory_space<vmem>> -> memref<32x128xf32, #tpu.memory_space<vmem>>
    %dma_start3A_581 = arith.constant 0 : i32
    %dma_start3A_582 = tpu.memref_slice %arg4[%dma_start3A_581, %multiple_of3A_577] : memref<32x100000xf32, #tpu.memory_space<any>> -> memref<32x128xf32, #tpu.memory_space<any>>
    tpu.enqueue_dma source(%dma_start3A_582 : memref<32x128xf32, #tpu.memory_space<any>>) target(%dma_start3A_580 : memref<32x128xf32, #tpu.memory_space<vmem>>) target_semaphore(%arg17 : memref<!tpu.dma_semaphore, #tpu.memory_space<semaphore_mem>>)
    %dma_start3A_583 = arith.constant 0 : i32
    %dma_start3A_584 = arith.constant 1792 : i32
    %dma_start3A_585 = tpu.memref_slice %arg16[%dma_start3A_583, %dma_start3A_584] : memref<64x8192xf32, #tpu.memory_space<vmem>> -> memref<64x128xf32, #tpu.memory_space<vmem>>
    %dma_start3A_586 = arith.constant 0 : i32
    %dma_start3A_587 = tpu.memref_slice %arg5[%dma_start3A_586, %multiple_of3A_577] : memref<64x100000xf32, #tpu.memory_space<any>> -> memref<64x128xf32, #tpu.memory_space<any>>
    tpu.enqueue_dma source(%dma_start3A_587 : memref<64x128xf32, #tpu.memory_space<any>>) target(%dma_start3A_585 : memref<64x128xf32, #tpu.memory_space<vmem>>) target_semaphore(%arg17 : memref<!tpu.dma_semaphore, #tpu.memory_space<semaphore_mem>>)
    %get3A_588 = arith.constant 0 : index
    %get3A_589 = arith.constant 15 : index
    %get3A_590 = memref.load %arg1[%get3A_588, %get3A_589] : memref<1x64xi32, #tpu.memory_space<smem>>
    %jit3A_591 = arith.constant 128 : i32
    %div3A_592 = arith.divsi %get3A_590, %jit3A_591 : i32
    %sign3A_593 = arith.constant 0 : i32
    %sign3A_594 = arith.cmpi sgt, %get3A_590, %sign3A_593 : i32
    %sign3A_595 = arith.extui %sign3A_594 : i1 to i32
    %sign3A_596 = arith.constant 0 : i32
    %sign3A_597 = arith.cmpi slt, %get3A_590, %sign3A_596 : i32
    %sign3A_598 = arith.extui %sign3A_597 : i1 to i32
    %sign3A_599 = arith.subi %sign3A_595, %sign3A_598 : i32
    %sign3A_600 = arith.constant 0 : i32
    %sign3A_601 = arith.cmpi sgt, %jit3A_591, %sign3A_600 : i32
    %sign3A_602 = arith.extui %sign3A_601 : i1 to i32
    %sign3A_603 = arith.constant 0 : i32
    %sign3A_604 = arith.cmpi slt, %jit3A_591, %sign3A_603 : i32
    %sign3A_605 = arith.extui %sign3A_604 : i1 to i32
    %sign3A_606 = arith.subi %sign3A_602, %sign3A_605 : i32
    %ne3A_607 = arith.cmpi ne, %sign3A_599, %sign3A_606 : i32
    %rem3A_608 = arith.remsi %get3A_590, %jit3A_591 : i32
    %ne3A_609 = arith.constant 0 : i32
    %ne3A_610 = arith.cmpi ne, %rem3A_608, %ne3A_609 : i32
    %and3A_611 = arith.andi %ne3A_607, %ne3A_610 : i1
    %sub3A_612 = arith.constant 1 : i32
    %sub3A_613 = arith.subi %div3A_592, %sub3A_612 : i32
    %select_n3A_614 = arith.select %and3A_611, %sub3A_613, %div3A_592 : i32
    %mul3A_615 = arith.constant 128 : i32
    %mul3A_616 = arith.muli %select_n3A_614, %mul3A_615 : i32
    %multiple_of3A_617 = tpu.assume_multiple %mul3A_616, 128 : i32
    %dma_start3A_618 = arith.constant 0 : i32
    %dma_start3A_619 = arith.constant 1920 : i32
    %dma_start3A_620 = tpu.memref_slice %arg15[%dma_start3A_618, %dma_start3A_619] : memref<32x8192xf32, #tpu.memory_space<vmem>> -> memref<32x128xf32, #tpu.memory_space<vmem>>
    %dma_start3A_621 = arith.constant 0 : i32
    %dma_start3A_622 = tpu.memref_slice %arg4[%dma_start3A_621, %multiple_of3A_617] : memref<32x100000xf32, #tpu.memory_space<any>> -> memref<32x128xf32, #tpu.memory_space<any>>
    tpu.enqueue_dma source(%dma_start3A_622 : memref<32x128xf32, #tpu.memory_space<any>>) target(%dma_start3A_620 : memref<32x128xf32, #tpu.memory_space<vmem>>) target_semaphore(%arg17 : memref<!tpu.dma_semaphore, #tpu.memory_space<semaphore_mem>>)
    %dma_start3A_623 = arith.constant 0 : i32
    %dma_start3A_624 = arith.constant 1920 : i32
    %dma_start3A_625 = tpu.memref_slice %arg16[%dma_start3A_623, %dma_start3A_624] : memref<64x8192xf32, #tpu.memory_space<vmem>> -> memref<64x128xf32, #tpu.memory_space<vmem>>
    %dma_start3A_626 = arith.constant 0 : i32
    %dma_start3A_627 = tpu.memref_slice %arg5[%dma_start3A_626, %multiple_of3A_617] : memref<64x100000xf32, #tpu.memory_space<any>> -> memref<64x128xf32, #tpu.memory_space<any>>
    tpu.enqueue_dma source(%dma_start3A_627 : memref<64x128xf32, #tpu.memory_space<any>>) target(%dma_start3A_625 : memref<64x128xf32, #tpu.memory_space<vmem>>) target_semaphore(%arg17 : memref<!tpu.dma_semaphore, #tpu.memory_space<semaphore_mem>>)
    %get3A_628 = arith.constant 0 : index
    %get3A_629 = arith.constant 16 : index
    %get3A_630 = memref.load %arg1[%get3A_628, %get3A_629] : memref<1x64xi32, #tpu.memory_space<smem>>
    %jit3A_631 = arith.constant 128 : i32
    %div3A_632 = arith.divsi %get3A_630, %jit3A_631 : i32
    %sign3A_633 = arith.constant 0 : i32
    %sign3A_634 = arith.cmpi sgt, %get3A_630, %sign3A_633 : i32
    %sign3A_635 = arith.extui %sign3A_634 : i1 to i32
    %sign3A_636 = arith.constant 0 : i32
    %sign3A_637 = arith.cmpi slt, %get3A_630, %sign3A_636 : i32
    %sign3A_638 = arith.extui %sign3A_637 : i1 to i32
    %sign3A_639 = arith.subi %sign3A_635, %sign3A_638 : i32
    %sign3A_640 = arith.constant 0 : i32
    %sign3A_641 = arith.cmpi sgt, %jit3A_631, %sign3A_640 : i32
    %sign3A_642 = arith.extui %sign3A_641 : i1 to i32
    %sign3A_643 = arith.constant 0 : i32
    %sign3A_644 = arith.cmpi slt, %jit3A_631, %sign3A_643 : i32
    %sign3A_645 = arith.extui %sign3A_644 : i1 to i32
    %sign3A_646 = arith.subi %sign3A_642, %sign3A_645 : i32
    %ne3A_647 = arith.cmpi ne, %sign3A_639, %sign3A_646 : i32
    %rem3A_648 = arith.remsi %get3A_630, %jit3A_631 : i32
    %ne3A_649 = arith.constant 0 : i32
    %ne3A_650 = arith.cmpi ne, %rem3A_648, %ne3A_649 : i32
    %and3A_651 = arith.andi %ne3A_647, %ne3A_650 : i1
    %sub3A_652 = arith.constant 1 : i32
    %sub3A_653 = arith.subi %div3A_632, %sub3A_652 : i32
    %select_n3A_654 = arith.select %and3A_651, %sub3A_653, %div3A_632 : i32
    %mul3A_655 = arith.constant 128 : i32
    %mul3A_656 = arith.muli %select_n3A_654, %mul3A_655 : i32
    %multiple_of3A_657 = tpu.assume_multiple %mul3A_656, 128 : i32
    %dma_start3A_658 = arith.constant 0 : i32
    %dma_start3A_659 = arith.constant 2048 : i32
    %dma_start3A_660 = tpu.memref_slice %arg15[%dma_start3A_658, %dma_start3A_659] : memref<32x8192xf32, #tpu.memory_space<vmem>> -> memref<32x128xf32, #tpu.memory_space<vmem>>
    %dma_start3A_661 = arith.constant 0 : i32
    %dma_start3A_662 = tpu.memref_slice %arg4[%dma_start3A_661, %multiple_of3A_657] : memref<32x100000xf32, #tpu.memory_space<any>> -> memref<32x128xf32, #tpu.memory_space<any>>
    tpu.enqueue_dma source(%dma_start3A_662 : memref<32x128xf32, #tpu.memory_space<any>>) target(%dma_start3A_660 : memref<32x128xf32, #tpu.memory_space<vmem>>) target_semaphore(%arg17 : memref<!tpu.dma_semaphore, #tpu.memory_space<semaphore_mem>>)
    %dma_start3A_663 = arith.constant 0 : i32
    %dma_start3A_664 = arith.constant 2048 : i32
    %dma_start3A_665 = tpu.memref_slice %arg16[%dma_start3A_663, %dma_start3A_664] : memref<64x8192xf32, #tpu.memory_space<vmem>> -> memref<64x128xf32, #tpu.memory_space<vmem>>
    %dma_start3A_666 = arith.constant 0 : i32
    %dma_start3A_667 = tpu.memref_slice %arg5[%dma_start3A_666, %multiple_of3A_657] : memref<64x100000xf32, #tpu.memory_space<any>> -> memref<64x128xf32, #tpu.memory_space<any>>
    tpu.enqueue_dma source(%dma_start3A_667 : memref<64x128xf32, #tpu.memory_space<any>>) target(%dma_start3A_665 : memref<64x128xf32, #tpu.memory_space<vmem>>) target_semaphore(%arg17 : memref<!tpu.dma_semaphore, #tpu.memory_space<semaphore_mem>>)
    %get3A_668 = arith.constant 0 : index
    %get3A_669 = arith.constant 17 : index
    %get3A_670 = memref.load %arg1[%get3A_668, %get3A_669] : memref<1x64xi32, #tpu.memory_space<smem>>
    %jit3A_671 = arith.constant 128 : i32
    %div3A_672 = arith.divsi %get3A_670, %jit3A_671 : i32
    %sign3A_673 = arith.constant 0 : i32
    %sign3A_674 = arith.cmpi sgt, %get3A_670, %sign3A_673 : i32
    %sign3A_675 = arith.extui %sign3A_674 : i1 to i32
    %sign3A_676 = arith.constant 0 : i32
    %sign3A_677 = arith.cmpi slt, %get3A_670, %sign3A_676 : i32
    %sign3A_678 = arith.extui %sign3A_677 : i1 to i32
    %sign3A_679 = arith.subi %sign3A_675, %sign3A_678 : i32
    %sign3A_680 = arith.constant 0 : i32
    %sign3A_681 = arith.cmpi sgt, %jit3A_671, %sign3A_680 : i32
    %sign3A_682 = arith.extui %sign3A_681 : i1 to i32
    %sign3A_683 = arith.constant 0 : i32
    %sign3A_684 = arith.cmpi slt, %jit3A_671, %sign3A_683 : i32
    %sign3A_685 = arith.extui %sign3A_684 : i1 to i32
    %sign3A_686 = arith.subi %sign3A_682, %sign3A_685 : i32
    %ne3A_687 = arith.cmpi ne, %sign3A_679, %sign3A_686 : i32
    %rem3A_688 = arith.remsi %get3A_670, %jit3A_671 : i32
    %ne3A_689 = arith.constant 0 : i32
    %ne3A_690 = arith.cmpi ne, %rem3A_688, %ne3A_689 : i32
    %and3A_691 = arith.andi %ne3A_687, %ne3A_690 : i1
    %sub3A_692 = arith.constant 1 : i32
    %sub3A_693 = arith.subi %div3A_672, %sub3A_692 : i32
    %select_n3A_694 = arith.select %and3A_691, %sub3A_693, %div3A_672 : i32
    %mul3A_695 = arith.constant 128 : i32
    %mul3A_696 = arith.muli %select_n3A_694, %mul3A_695 : i32
    %multiple_of3A_697 = tpu.assume_multiple %mul3A_696, 128 : i32
    %dma_start3A_698 = arith.constant 0 : i32
    %dma_start3A_699 = arith.constant 2176 : i32
    %dma_start3A_700 = tpu.memref_slice %arg15[%dma_start3A_698, %dma_start3A_699] : memref<32x8192xf32, #tpu.memory_space<vmem>> -> memref<32x128xf32, #tpu.memory_space<vmem>>
    %dma_start3A_701 = arith.constant 0 : i32
    %dma_start3A_702 = tpu.memref_slice %arg4[%dma_start3A_701, %multiple_of3A_697] : memref<32x100000xf32, #tpu.memory_space<any>> -> memref<32x128xf32, #tpu.memory_space<any>>
    tpu.enqueue_dma source(%dma_start3A_702 : memref<32x128xf32, #tpu.memory_space<any>>) target(%dma_start3A_700 : memref<32x128xf32, #tpu.memory_space<vmem>>) target_semaphore(%arg17 : memref<!tpu.dma_semaphore, #tpu.memory_space<semaphore_mem>>)
    %dma_start3A_703 = arith.constant 0 : i32
    %dma_start3A_704 = arith.constant 2176 : i32
    %dma_start3A_705 = tpu.memref_slice %arg16[%dma_start3A_703, %dma_start3A_704] : memref<64x8192xf32, #tpu.memory_space<vmem>> -> memref<64x128xf32, #tpu.memory_space<vmem>>
    %dma_start3A_706 = arith.constant 0 : i32
    %dma_start3A_707 = tpu.memref_slice %arg5[%dma_start3A_706, %multiple_of3A_697] : memref<64x100000xf32, #tpu.memory_space<any>> -> memref<64x128xf32, #tpu.memory_space<any>>
    tpu.enqueue_dma source(%dma_start3A_707 : memref<64x128xf32, #tpu.memory_space<any>>) target(%dma_start3A_705 : memref<64x128xf32, #tpu.memory_space<vmem>>) target_semaphore(%arg17 : memref<!tpu.dma_semaphore, #tpu.memory_space<semaphore_mem>>)
    %get3A_708 = arith.constant 0 : index
    %get3A_709 = arith.constant 18 : index
    %get3A_710 = memref.load %arg1[%get3A_708, %get3A_709] : memref<1x64xi32, #tpu.memory_space<smem>>
    %jit3A_711 = arith.constant 128 : i32
    %div3A_712 = arith.divsi %get3A_710, %jit3A_711 : i32
    %sign3A_713 = arith.constant 0 : i32
    %sign3A_714 = arith.cmpi sgt, %get3A_710, %sign3A_713 : i32
    %sign3A_715 = arith.extui %sign3A_714 : i1 to i32
    %sign3A_716 = arith.constant 0 : i32
    %sign3A_717 = arith.cmpi slt, %get3A_710, %sign3A_716 : i32
    %sign3A_718 = arith.extui %sign3A_717 : i1 to i32
    %sign3A_719 = arith.subi %sign3A_715, %sign3A_718 : i32
    %sign3A_720 = arith.constant 0 : i32
    %sign3A_721 = arith.cmpi sgt, %jit3A_711, %sign3A_720 : i32
    %sign3A_722 = arith.extui %sign3A_721 : i1 to i32
    %sign3A_723 = arith.constant 0 : i32
    %sign3A_724 = arith.cmpi slt, %jit3A_711, %sign3A_723 : i32
    %sign3A_725 = arith.extui %sign3A_724 : i1 to i32
    %sign3A_726 = arith.subi %sign3A_722, %sign3A_725 : i32
    %ne3A_727 = arith.cmpi ne, %sign3A_719, %sign3A_726 : i32
    %rem3A_728 = arith.remsi %get3A_710, %jit3A_711 : i32
    %ne3A_729 = arith.constant 0 : i32
    %ne3A_730 = arith.cmpi ne, %rem3A_728, %ne3A_729 : i32
    %and3A_731 = arith.andi %ne3A_727, %ne3A_730 : i1
    %sub3A_732 = arith.constant 1 : i32
    %sub3A_733 = arith.subi %div3A_712, %sub3A_732 : i32
    %select_n3A_734 = arith.select %and3A_731, %sub3A_733, %div3A_712 : i32
    %mul3A_735 = arith.constant 128 : i32
    %mul3A_736 = arith.muli %select_n3A_734, %mul3A_735 : i32
    %multiple_of3A_737 = tpu.assume_multiple %mul3A_736, 128 : i32
    %dma_start3A_738 = arith.constant 0 : i32
    %dma_start3A_739 = arith.constant 2304 : i32
    %dma_start3A_740 = tpu.memref_slice %arg15[%dma_start3A_738, %dma_start3A_739] : memref<32x8192xf32, #tpu.memory_space<vmem>> -> memref<32x128xf32, #tpu.memory_space<vmem>>
    %dma_start3A_741 = arith.constant 0 : i32
    %dma_start3A_742 = tpu.memref_slice %arg4[%dma_start3A_741, %multiple_of3A_737] : memref<32x100000xf32, #tpu.memory_space<any>> -> memref<32x128xf32, #tpu.memory_space<any>>
    tpu.enqueue_dma source(%dma_start3A_742 : memref<32x128xf32, #tpu.memory_space<any>>) target(%dma_start3A_740 : memref<32x128xf32, #tpu.memory_space<vmem>>) target_semaphore(%arg17 : memref<!tpu.dma_semaphore, #tpu.memory_space<semaphore_mem>>)
    %dma_start3A_743 = arith.constant 0 : i32
    %dma_start3A_744 = arith.constant 2304 : i32
    %dma_start3A_745 = tpu.memref_slice %arg16[%dma_start3A_743, %dma_start3A_744] : memref<64x8192xf32, #tpu.memory_space<vmem>> -> memref<64x128xf32, #tpu.memory_space<vmem>>
    %dma_start3A_746 = arith.constant 0 : i32
    %dma_start3A_747 = tpu.memref_slice %arg5[%dma_start3A_746, %multiple_of3A_737] : memref<64x100000xf32, #tpu.memory_space<any>> -> memref<64x128xf32, #tpu.memory_space<any>>
    tpu.enqueue_dma source(%dma_start3A_747 : memref<64x128xf32, #tpu.memory_space<any>>) target(%dma_start3A_745 : memref<64x128xf32, #tpu.memory_space<vmem>>) target_semaphore(%arg17 : memref<!tpu.dma_semaphore, #tpu.memory_space<semaphore_mem>>)
    %get3A_748 = arith.constant 0 : index
    %get3A_749 = arith.constant 19 : index
    %get3A_750 = memref.load %arg1[%get3A_748, %get3A_749] : memref<1x64xi32, #tpu.memory_space<smem>>
    %jit3A_751 = arith.constant 128 : i32
    %div3A_752 = arith.divsi %get3A_750, %jit3A_751 : i32
    %sign3A_753 = arith.constant 0 : i32
    %sign3A_754 = arith.cmpi sgt, %get3A_750, %sign3A_753 : i32
    %sign3A_755 = arith.extui %sign3A_754 : i1 to i32
    %sign3A_756 = arith.constant 0 : i32
    %sign3A_757 = arith.cmpi slt, %get3A_750, %sign3A_756 : i32
    %sign3A_758 = arith.extui %sign3A_757 : i1 to i32
    %sign3A_759 = arith.subi %sign3A_755, %sign3A_758 : i32
    %sign3A_760 = arith.constant 0 : i32
    %sign3A_761 = arith.cmpi sgt, %jit3A_751, %sign3A_760 : i32
    %sign3A_762 = arith.extui %sign3A_761 : i1 to i32
    %sign3A_763 = arith.constant 0 : i32
    %sign3A_764 = arith.cmpi slt, %jit3A_751, %sign3A_763 : i32
    %sign3A_765 = arith.extui %sign3A_764 : i1 to i32
    %sign3A_766 = arith.subi %sign3A_762, %sign3A_765 : i32
    %ne3A_767 = arith.cmpi ne, %sign3A_759, %sign3A_766 : i32
    %rem3A_768 = arith.remsi %get3A_750, %jit3A_751 : i32
    %ne3A_769 = arith.constant 0 : i32
    %ne3A_770 = arith.cmpi ne, %rem3A_768, %ne3A_769 : i32
    %and3A_771 = arith.andi %ne3A_767, %ne3A_770 : i1
    %sub3A_772 = arith.constant 1 : i32
    %sub3A_773 = arith.subi %div3A_752, %sub3A_772 : i32
    %select_n3A_774 = arith.select %and3A_771, %sub3A_773, %div3A_752 : i32
    %mul3A_775 = arith.constant 128 : i32
    %mul3A_776 = arith.muli %select_n3A_774, %mul3A_775 : i32
    %multiple_of3A_777 = tpu.assume_multiple %mul3A_776, 128 : i32
    %dma_start3A_778 = arith.constant 0 : i32
    %dma_start3A_779 = arith.constant 2432 : i32
    %dma_start3A_780 = tpu.memref_slice %arg15[%dma_start3A_778, %dma_start3A_779] : memref<32x8192xf32, #tpu.memory_space<vmem>> -> memref<32x128xf32, #tpu.memory_space<vmem>>
    %dma_start3A_781 = arith.constant 0 : i32
    %dma_start3A_782 = tpu.memref_slice %arg4[%dma_start3A_781, %multiple_of3A_777] : memref<32x100000xf32, #tpu.memory_space<any>> -> memref<32x128xf32, #tpu.memory_space<any>>
    tpu.enqueue_dma source(%dma_start3A_782 : memref<32x128xf32, #tpu.memory_space<any>>) target(%dma_start3A_780 : memref<32x128xf32, #tpu.memory_space<vmem>>) target_semaphore(%arg17 : memref<!tpu.dma_semaphore, #tpu.memory_space<semaphore_mem>>)
    %dma_start3A_783 = arith.constant 0 : i32
    %dma_start3A_784 = arith.constant 2432 : i32
    %dma_start3A_785 = tpu.memref_slice %arg16[%dma_start3A_783, %dma_start3A_784] : memref<64x8192xf32, #tpu.memory_space<vmem>> -> memref<64x128xf32, #tpu.memory_space<vmem>>
    %dma_start3A_786 = arith.constant 0 : i32
    %dma_start3A_787 = tpu.memref_slice %arg5[%dma_start3A_786, %multiple_of3A_777] : memref<64x100000xf32, #tpu.memory_space<any>> -> memref<64x128xf32, #tpu.memory_space<any>>
    tpu.enqueue_dma source(%dma_start3A_787 : memref<64x128xf32, #tpu.memory_space<any>>) target(%dma_start3A_785 : memref<64x128xf32, #tpu.memory_space<vmem>>) target_semaphore(%arg17 : memref<!tpu.dma_semaphore, #tpu.memory_space<semaphore_mem>>)
    %get3A_788 = arith.constant 0 : index
    %get3A_789 = arith.constant 20 : index
    %get3A_790 = memref.load %arg1[%get3A_788, %get3A_789] : memref<1x64xi32, #tpu.memory_space<smem>>
    %jit3A_791 = arith.constant 128 : i32
    %div3A_792 = arith.divsi %get3A_790, %jit3A_791 : i32
    %sign3A_793 = arith.constant 0 : i32
    %sign3A_794 = arith.cmpi sgt, %get3A_790, %sign3A_793 : i32
    %sign3A_795 = arith.extui %sign3A_794 : i1 to i32
    %sign3A_796 = arith.constant 0 : i32
    %sign3A_797 = arith.cmpi slt, %get3A_790, %sign3A_796 : i32
    %sign3A_798 = arith.extui %sign3A_797 : i1 to i32
    %sign3A_799 = arith.subi %sign3A_795, %sign3A_798 : i32
    %sign3A_800 = arith.constant 0 : i32
    %sign3A_801 = arith.cmpi sgt, %jit3A_791, %sign3A_800 : i32
    %sign3A_802 = arith.extui %sign3A_801 : i1 to i32
    %sign3A_803 = arith.constant 0 : i32
    %sign3A_804 = arith.cmpi slt, %jit3A_791, %sign3A_803 : i32
    %sign3A_805 = arith.extui %sign3A_804 : i1 to i32
    %sign3A_806 = arith.subi %sign3A_802, %sign3A_805 : i32
    %ne3A_807 = arith.cmpi ne, %sign3A_799, %sign3A_806 : i32
    %rem3A_808 = arith.remsi %get3A_790, %jit3A_791 : i32
    %ne3A_809 = arith.constant 0 : i32
    %ne3A_810 = arith.cmpi ne, %rem3A_808, %ne3A_809 : i32
    %and3A_811 = arith.andi %ne3A_807, %ne3A_810 : i1
    %sub3A_812 = arith.constant 1 : i32
    %sub3A_813 = arith.subi %div3A_792, %sub3A_812 : i32
    %select_n3A_814 = arith.select %and3A_811, %sub3A_813, %div3A_792 : i32
    %mul3A_815 = arith.constant 128 : i32
    %mul3A_816 = arith.muli %select_n3A_814, %mul3A_815 : i32
    %multiple_of3A_817 = tpu.assume_multiple %mul3A_816, 128 : i32
    %dma_start3A_818 = arith.constant 0 : i32
    %dma_start3A_819 = arith.constant 2560 : i32
    %dma_start3A_820 = tpu.memref_slice %arg15[%dma_start3A_818, %dma_start3A_819] : memref<32x8192xf32, #tpu.memory_space<vmem>> -> memref<32x128xf32, #tpu.memory_space<vmem>>
    %dma_start3A_821 = arith.constant 0 : i32
    %dma_start3A_822 = tpu.memref_slice %arg4[%dma_start3A_821, %multiple_of3A_817] : memref<32x100000xf32, #tpu.memory_space<any>> -> memref<32x128xf32, #tpu.memory_space<any>>
    tpu.enqueue_dma source(%dma_start3A_822 : memref<32x128xf32, #tpu.memory_space<any>>) target(%dma_start3A_820 : memref<32x128xf32, #tpu.memory_space<vmem>>) target_semaphore(%arg17 : memref<!tpu.dma_semaphore, #tpu.memory_space<semaphore_mem>>)
    %dma_start3A_823 = arith.constant 0 : i32
    %dma_start3A_824 = arith.constant 2560 : i32
    %dma_start3A_825 = tpu.memref_slice %arg16[%dma_start3A_823, %dma_start3A_824] : memref<64x8192xf32, #tpu.memory_space<vmem>> -> memref<64x128xf32, #tpu.memory_space<vmem>>
    %dma_start3A_826 = arith.constant 0 : i32
    %dma_start3A_827 = tpu.memref_slice %arg5[%dma_start3A_826, %multiple_of3A_817] : memref<64x100000xf32, #tpu.memory_space<any>> -> memref<64x128xf32, #tpu.memory_space<any>>
    tpu.enqueue_dma source(%dma_start3A_827 : memref<64x128xf32, #tpu.memory_space<any>>) target(%dma_start3A_825 : memref<64x128xf32, #tpu.memory_space<vmem>>) target_semaphore(%arg17 : memref<!tpu.dma_semaphore, #tpu.memory_space<semaphore_mem>>)
    %get3A_828 = arith.constant 0 : index
    %get3A_829 = arith.constant 21 : index
    %get3A_830 = memref.load %arg1[%get3A_828, %get3A_829] : memref<1x64xi32, #tpu.memory_space<smem>>
    %jit3A_831 = arith.constant 128 : i32
    %div3A_832 = arith.divsi %get3A_830, %jit3A_831 : i32
    %sign3A_833 = arith.constant 0 : i32
    %sign3A_834 = arith.cmpi sgt, %get3A_830, %sign3A_833 : i32
    %sign3A_835 = arith.extui %sign3A_834 : i1 to i32
    %sign3A_836 = arith.constant 0 : i32
    %sign3A_837 = arith.cmpi slt, %get3A_830, %sign3A_836 : i32
    %sign3A_838 = arith.extui %sign3A_837 : i1 to i32
    %sign3A_839 = arith.subi %sign3A_835, %sign3A_838 : i32
    %sign3A_840 = arith.constant 0 : i32
    %sign3A_841 = arith.cmpi sgt, %jit3A_831, %sign3A_840 : i32
    %sign3A_842 = arith.extui %sign3A_841 : i1 to i32
    %sign3A_843 = arith.constant 0 : i32
    %sign3A_844 = arith.cmpi slt, %jit3A_831, %sign3A_843 : i32
    %sign3A_845 = arith.extui %sign3A_844 : i1 to i32
    %sign3A_846 = arith.subi %sign3A_842, %sign3A_845 : i32
    %ne3A_847 = arith.cmpi ne, %sign3A_839, %sign3A_846 : i32
    %rem3A_848 = arith.remsi %get3A_830, %jit3A_831 : i32
    %ne3A_849 = arith.constant 0 : i32
    %ne3A_850 = arith.cmpi ne, %rem3A_848, %ne3A_849 : i32
    %and3A_851 = arith.andi %ne3A_847, %ne3A_850 : i1
    %sub3A_852 = arith.constant 1 : i32
    %sub3A_853 = arith.subi %div3A_832, %sub3A_852 : i32
    %select_n3A_854 = arith.select %and3A_851, %sub3A_853, %div3A_832 : i32
    %mul3A_855 = arith.constant 128 : i32
    %mul3A_856 = arith.muli %select_n3A_854, %mul3A_855 : i32
    %multiple_of3A_857 = tpu.assume_multiple %mul3A_856, 128 : i32
    %dma_start3A_858 = arith.constant 0 : i32
    %dma_start3A_859 = arith.constant 2688 : i32
    %dma_start3A_860 = tpu.memref_slice %arg15[%dma_start3A_858, %dma_start3A_859] : memref<32x8192xf32, #tpu.memory_space<vmem>> -> memref<32x128xf32, #tpu.memory_space<vmem>>
    %dma_start3A_861 = arith.constant 0 : i32
    %dma_start3A_862 = tpu.memref_slice %arg4[%dma_start3A_861, %multiple_of3A_857] : memref<32x100000xf32, #tpu.memory_space<any>> -> memref<32x128xf32, #tpu.memory_space<any>>
    tpu.enqueue_dma source(%dma_start3A_862 : memref<32x128xf32, #tpu.memory_space<any>>) target(%dma_start3A_860 : memref<32x128xf32, #tpu.memory_space<vmem>>) target_semaphore(%arg17 : memref<!tpu.dma_semaphore, #tpu.memory_space<semaphore_mem>>)
    %dma_start3A_863 = arith.constant 0 : i32
    %dma_start3A_864 = arith.constant 2688 : i32
    %dma_start3A_865 = tpu.memref_slice %arg16[%dma_start3A_863, %dma_start3A_864] : memref<64x8192xf32, #tpu.memory_space<vmem>> -> memref<64x128xf32, #tpu.memory_space<vmem>>
    %dma_start3A_866 = arith.constant 0 : i32
    %dma_start3A_867 = tpu.memref_slice %arg5[%dma_start3A_866, %multiple_of3A_857] : memref<64x100000xf32, #tpu.memory_space<any>> -> memref<64x128xf32, #tpu.memory_space<any>>
    tpu.enqueue_dma source(%dma_start3A_867 : memref<64x128xf32, #tpu.memory_space<any>>) target(%dma_start3A_865 : memref<64x128xf32, #tpu.memory_space<vmem>>) target_semaphore(%arg17 : memref<!tpu.dma_semaphore, #tpu.memory_space<semaphore_mem>>)
    %get3A_868 = arith.constant 0 : index
    %get3A_869 = arith.constant 22 : index
    %get3A_870 = memref.load %arg1[%get3A_868, %get3A_869] : memref<1x64xi32, #tpu.memory_space<smem>>
    %jit3A_871 = arith.constant 128 : i32
    %div3A_872 = arith.divsi %get3A_870, %jit3A_871 : i32
    %sign3A_873 = arith.constant 0 : i32
    %sign3A_874 = arith.cmpi sgt, %get3A_870, %sign3A_873 : i32
    %sign3A_875 = arith.extui %sign3A_874 : i1 to i32
    %sign3A_876 = arith.constant 0 : i32
    %sign3A_877 = arith.cmpi slt, %get3A_870, %sign3A_876 : i32
    %sign3A_878 = arith.extui %sign3A_877 : i1 to i32
    %sign3A_879 = arith.subi %sign3A_875, %sign3A_878 : i32
    %sign3A_880 = arith.constant 0 : i32
    %sign3A_881 = arith.cmpi sgt, %jit3A_871, %sign3A_880 : i32
    %sign3A_882 = arith.extui %sign3A_881 : i1 to i32
    %sign3A_883 = arith.constant 0 : i32
    %sign3A_884 = arith.cmpi slt, %jit3A_871, %sign3A_883 : i32
    %sign3A_885 = arith.extui %sign3A_884 : i1 to i32
    %sign3A_886 = arith.subi %sign3A_882, %sign3A_885 : i32
    %ne3A_887 = arith.cmpi ne, %sign3A_879, %sign3A_886 : i32
    %rem3A_888 = arith.remsi %get3A_870, %jit3A_871 : i32
    %ne3A_889 = arith.constant 0 : i32
    %ne3A_890 = arith.cmpi ne, %rem3A_888, %ne3A_889 : i32
    %and3A_891 = arith.andi %ne3A_887, %ne3A_890 : i1
    %sub3A_892 = arith.constant 1 : i32
    %sub3A_893 = arith.subi %div3A_872, %sub3A_892 : i32
    %select_n3A_894 = arith.select %and3A_891, %sub3A_893, %div3A_872 : i32
    %mul3A_895 = arith.constant 128 : i32
    %mul3A_896 = arith.muli %select_n3A_894, %mul3A_895 : i32
    %multiple_of3A_897 = tpu.assume_multiple %mul3A_896, 128 : i32
    %dma_start3A_898 = arith.constant 0 : i32
    %dma_start3A_899 = arith.constant 2816 : i32
    %dma_start3A_900 = tpu.memref_slice %arg15[%dma_start3A_898, %dma_start3A_899] : memref<32x8192xf32, #tpu.memory_space<vmem>> -> memref<32x128xf32, #tpu.memory_space<vmem>>
    %dma_start3A_901 = arith.constant 0 : i32
    %dma_start3A_902 = tpu.memref_slice %arg4[%dma_start3A_901, %multiple_of3A_897] : memref<32x100000xf32, #tpu.memory_space<any>> -> memref<32x128xf32, #tpu.memory_space<any>>
    tpu.enqueue_dma source(%dma_start3A_902 : memref<32x128xf32, #tpu.memory_space<any>>) target(%dma_start3A_900 : memref<32x128xf32, #tpu.memory_space<vmem>>) target_semaphore(%arg17 : memref<!tpu.dma_semaphore, #tpu.memory_space<semaphore_mem>>)
    %dma_start3A_903 = arith.constant 0 : i32
    %dma_start3A_904 = arith.constant 2816 : i32
    %dma_start3A_905 = tpu.memref_slice %arg16[%dma_start3A_903, %dma_start3A_904] : memref<64x8192xf32, #tpu.memory_space<vmem>> -> memref<64x128xf32, #tpu.memory_space<vmem>>
    %dma_start3A_906 = arith.constant 0 : i32
    %dma_start3A_907 = tpu.memref_slice %arg5[%dma_start3A_906, %multiple_of3A_897] : memref<64x100000xf32, #tpu.memory_space<any>> -> memref<64x128xf32, #tpu.memory_space<any>>
    tpu.enqueue_dma source(%dma_start3A_907 : memref<64x128xf32, #tpu.memory_space<any>>) target(%dma_start3A_905 : memref<64x128xf32, #tpu.memory_space<vmem>>) target_semaphore(%arg17 : memref<!tpu.dma_semaphore, #tpu.memory_space<semaphore_mem>>)
    %get3A_908 = arith.constant 0 : index
    %get3A_909 = arith.constant 23 : index
    %get3A_910 = memref.load %arg1[%get3A_908, %get3A_909] : memref<1x64xi32, #tpu.memory_space<smem>>
    %jit3A_911 = arith.constant 128 : i32
    %div3A_912 = arith.divsi %get3A_910, %jit3A_911 : i32
    %sign3A_913 = arith.constant 0 : i32
    %sign3A_914 = arith.cmpi sgt, %get3A_910, %sign3A_913 : i32
    %sign3A_915 = arith.extui %sign3A_914 : i1 to i32
    %sign3A_916 = arith.constant 0 : i32
    %sign3A_917 = arith.cmpi slt, %get3A_910, %sign3A_916 : i32
    %sign3A_918 = arith.extui %sign3A_917 : i1 to i32
    %sign3A_919 = arith.subi %sign3A_915, %sign3A_918 : i32
    %sign3A_920 = arith.constant 0 : i32
    %sign3A_921 = arith.cmpi sgt, %jit3A_911, %sign3A_920 : i32
    %sign3A_922 = arith.extui %sign3A_921 : i1 to i32
    %sign3A_923 = arith.constant 0 : i32
    %sign3A_924 = arith.cmpi slt, %jit3A_911, %sign3A_923 : i32
    %sign3A_925 = arith.extui %sign3A_924 : i1 to i32
    %sign3A_926 = arith.subi %sign3A_922, %sign3A_925 : i32
    %ne3A_927 = arith.cmpi ne, %sign3A_919, %sign3A_926 : i32
    %rem3A_928 = arith.remsi %get3A_910, %jit3A_911 : i32
    %ne3A_929 = arith.constant 0 : i32
    %ne3A_930 = arith.cmpi ne, %rem3A_928, %ne3A_929 : i32
    %and3A_931 = arith.andi %ne3A_927, %ne3A_930 : i1
    %sub3A_932 = arith.constant 1 : i32
    %sub3A_933 = arith.subi %div3A_912, %sub3A_932 : i32
    %select_n3A_934 = arith.select %and3A_931, %sub3A_933, %div3A_912 : i32
    %mul3A_935 = arith.constant 128 : i32
    %mul3A_936 = arith.muli %select_n3A_934, %mul3A_935 : i32
    %multiple_of3A_937 = tpu.assume_multiple %mul3A_936, 128 : i32
    %dma_start3A_938 = arith.constant 0 : i32
    %dma_start3A_939 = arith.constant 2944 : i32
    %dma_start3A_940 = tpu.memref_slice %arg15[%dma_start3A_938, %dma_start3A_939] : memref<32x8192xf32, #tpu.memory_space<vmem>> -> memref<32x128xf32, #tpu.memory_space<vmem>>
    %dma_start3A_941 = arith.constant 0 : i32
    %dma_start3A_942 = tpu.memref_slice %arg4[%dma_start3A_941, %multiple_of3A_937] : memref<32x100000xf32, #tpu.memory_space<any>> -> memref<32x128xf32, #tpu.memory_space<any>>
    tpu.enqueue_dma source(%dma_start3A_942 : memref<32x128xf32, #tpu.memory_space<any>>) target(%dma_start3A_940 : memref<32x128xf32, #tpu.memory_space<vmem>>) target_semaphore(%arg17 : memref<!tpu.dma_semaphore, #tpu.memory_space<semaphore_mem>>)
    %dma_start3A_943 = arith.constant 0 : i32
    %dma_start3A_944 = arith.constant 2944 : i32
    %dma_start3A_945 = tpu.memref_slice %arg16[%dma_start3A_943, %dma_start3A_944] : memref<64x8192xf32, #tpu.memory_space<vmem>> -> memref<64x128xf32, #tpu.memory_space<vmem>>
    %dma_start3A_946 = arith.constant 0 : i32
    %dma_start3A_947 = tpu.memref_slice %arg5[%dma_start3A_946, %multiple_of3A_937] : memref<64x100000xf32, #tpu.memory_space<any>> -> memref<64x128xf32, #tpu.memory_space<any>>
    tpu.enqueue_dma source(%dma_start3A_947 : memref<64x128xf32, #tpu.memory_space<any>>) target(%dma_start3A_945 : memref<64x128xf32, #tpu.memory_space<vmem>>) target_semaphore(%arg17 : memref<!tpu.dma_semaphore, #tpu.memory_space<semaphore_mem>>)
    %get3A_948 = arith.constant 0 : index
    %get3A_949 = arith.constant 24 : index
    %get3A_950 = memref.load %arg1[%get3A_948, %get3A_949] : memref<1x64xi32, #tpu.memory_space<smem>>
    %jit3A_951 = arith.constant 128 : i32
    %div3A_952 = arith.divsi %get3A_950, %jit3A_951 : i32
    %sign3A_953 = arith.constant 0 : i32
    %sign3A_954 = arith.cmpi sgt, %get3A_950, %sign3A_953 : i32
    %sign3A_955 = arith.extui %sign3A_954 : i1 to i32
    %sign3A_956 = arith.constant 0 : i32
    %sign3A_957 = arith.cmpi slt, %get3A_950, %sign3A_956 : i32
    %sign3A_958 = arith.extui %sign3A_957 : i1 to i32
    %sign3A_959 = arith.subi %sign3A_955, %sign3A_958 : i32
    %sign3A_960 = arith.constant 0 : i32
    %sign3A_961 = arith.cmpi sgt, %jit3A_951, %sign3A_960 : i32
    %sign3A_962 = arith.extui %sign3A_961 : i1 to i32
    %sign3A_963 = arith.constant 0 : i32
    %sign3A_964 = arith.cmpi slt, %jit3A_951, %sign3A_963 : i32
    %sign3A_965 = arith.extui %sign3A_964 : i1 to i32
    %sign3A_966 = arith.subi %sign3A_962, %sign3A_965 : i32
    %ne3A_967 = arith.cmpi ne, %sign3A_959, %sign3A_966 : i32
    %rem3A_968 = arith.remsi %get3A_950, %jit3A_951 : i32
    %ne3A_969 = arith.constant 0 : i32
    %ne3A_970 = arith.cmpi ne, %rem3A_968, %ne3A_969 : i32
    %and3A_971 = arith.andi %ne3A_967, %ne3A_970 : i1
    %sub3A_972 = arith.constant 1 : i32
    %sub3A_973 = arith.subi %div3A_952, %sub3A_972 : i32
    %select_n3A_974 = arith.select %and3A_971, %sub3A_973, %div3A_952 : i32
    %mul3A_975 = arith.constant 128 : i32
    %mul3A_976 = arith.muli %select_n3A_974, %mul3A_975 : i32
    %multiple_of3A_977 = tpu.assume_multiple %mul3A_976, 128 : i32
    %dma_start3A_978 = arith.constant 0 : i32
    %dma_start3A_979 = arith.constant 3072 : i32
    %dma_start3A_980 = tpu.memref_slice %arg15[%dma_start3A_978, %dma_start3A_979] : memref<32x8192xf32, #tpu.memory_space<vmem>> -> memref<32x128xf32, #tpu.memory_space<vmem>>
    %dma_start3A_981 = arith.constant 0 : i32
    %dma_start3A_982 = tpu.memref_slice %arg4[%dma_start3A_981, %multiple_of3A_977] : memref<32x100000xf32, #tpu.memory_space<any>> -> memref<32x128xf32, #tpu.memory_space<any>>
    tpu.enqueue_dma source(%dma_start3A_982 : memref<32x128xf32, #tpu.memory_space<any>>) target(%dma_start3A_980 : memref<32x128xf32, #tpu.memory_space<vmem>>) target_semaphore(%arg17 : memref<!tpu.dma_semaphore, #tpu.memory_space<semaphore_mem>>)
    %dma_start3A_983 = arith.constant 0 : i32
    %dma_start3A_984 = arith.constant 3072 : i32
    %dma_start3A_985 = tpu.memref_slice %arg16[%dma_start3A_983, %dma_start3A_984] : memref<64x8192xf32, #tpu.memory_space<vmem>> -> memref<64x128xf32, #tpu.memory_space<vmem>>
    %dma_start3A_986 = arith.constant 0 : i32
    %dma_start3A_987 = tpu.memref_slice %arg5[%dma_start3A_986, %multiple_of3A_977] : memref<64x100000xf32, #tpu.memory_space<any>> -> memref<64x128xf32, #tpu.memory_space<any>>
    tpu.enqueue_dma source(%dma_start3A_987 : memref<64x128xf32, #tpu.memory_space<any>>) target(%dma_start3A_985 : memref<64x128xf32, #tpu.memory_space<vmem>>) target_semaphore(%arg17 : memref<!tpu.dma_semaphore, #tpu.memory_space<semaphore_mem>>)
    %get3A_988 = arith.constant 0 : index
    %get3A_989 = arith.constant 25 : index
    %get3A_990 = memref.load %arg1[%get3A_988, %get3A_989] : memref<1x64xi32, #tpu.memory_space<smem>>
    %jit3A_991 = arith.constant 128 : i32
    %div3A_992 = arith.divsi %get3A_990, %jit3A_991 : i32
    %sign3A_993 = arith.constant 0 : i32
    %sign3A_994 = arith.cmpi sgt, %get3A_990, %sign3A_993 : i32
    %sign3A_995 = arith.extui %sign3A_994 : i1 to i32
    %sign3A_996 = arith.constant 0 : i32
    %sign3A_997 = arith.cmpi slt, %get3A_990, %sign3A_996 : i32
    %sign3A_998 = arith.extui %sign3A_997 : i1 to i32
    %sign3A_999 = arith.subi %sign3A_995, %sign3A_998 : i32
    %sign3A_1000 = arith.constant 0 : i32
    %sign3A_1001 = arith.cmpi sgt, %jit3A_991, %sign3A_1000 : i32
    %sign3A_1002 = arith.extui %sign3A_1001 : i1 to i32
    %sign3A_1003 = arith.constant 0 : i32
    %sign3A_1004 = arith.cmpi slt, %jit3A_991, %sign3A_1003 : i32
    %sign3A_1005 = arith.extui %sign3A_1004 : i1 to i32
    %sign3A_1006 = arith.subi %sign3A_1002, %sign3A_1005 : i32
    %ne3A_1007 = arith.cmpi ne, %sign3A_999, %sign3A_1006 : i32
    %rem3A_1008 = arith.remsi %get3A_990, %jit3A_991 : i32
    %ne3A_1009 = arith.constant 0 : i32
    %ne3A_1010 = arith.cmpi ne, %rem3A_1008, %ne3A_1009 : i32
    %and3A_1011 = arith.andi %ne3A_1007, %ne3A_1010 : i1
    %sub3A_1012 = arith.constant 1 : i32
    %sub3A_1013 = arith.subi %div3A_992, %sub3A_1012 : i32
    %select_n3A_1014 = arith.select %and3A_1011, %sub3A_1013, %div3A_992 : i32
    %mul3A_1015 = arith.constant 128 : i32
    %mul3A_1016 = arith.muli %select_n3A_1014, %mul3A_1015 : i32
    %multiple_of3A_1017 = tpu.assume_multiple %mul3A_1016, 128 : i32
    %dma_start3A_1018 = arith.constant 0 : i32
    %dma_start3A_1019 = arith.constant 3200 : i32
    %dma_start3A_1020 = tpu.memref_slice %arg15[%dma_start3A_1018, %dma_start3A_1019] : memref<32x8192xf32, #tpu.memory_space<vmem>> -> memref<32x128xf32, #tpu.memory_space<vmem>>
    %dma_start3A_1021 = arith.constant 0 : i32
    %dma_start3A_1022 = tpu.memref_slice %arg4[%dma_start3A_1021, %multiple_of3A_1017] : memref<32x100000xf32, #tpu.memory_space<any>> -> memref<32x128xf32, #tpu.memory_space<any>>
    tpu.enqueue_dma source(%dma_start3A_1022 : memref<32x128xf32, #tpu.memory_space<any>>) target(%dma_start3A_1020 : memref<32x128xf32, #tpu.memory_space<vmem>>) target_semaphore(%arg17 : memref<!tpu.dma_semaphore, #tpu.memory_space<semaphore_mem>>)
    %dma_start3A_1023 = arith.constant 0 : i32
    %dma_start3A_1024 = arith.constant 3200 : i32
    %dma_start3A_1025 = tpu.memref_slice %arg16[%dma_start3A_1023, %dma_start3A_1024] : memref<64x8192xf32, #tpu.memory_space<vmem>> -> memref<64x128xf32, #tpu.memory_space<vmem>>
    %dma_start3A_1026 = arith.constant 0 : i32
    %dma_start3A_1027 = tpu.memref_slice %arg5[%dma_start3A_1026, %multiple_of3A_1017] : memref<64x100000xf32, #tpu.memory_space<any>> -> memref<64x128xf32, #tpu.memory_space<any>>
    tpu.enqueue_dma source(%dma_start3A_1027 : memref<64x128xf32, #tpu.memory_space<any>>) target(%dma_start3A_1025 : memref<64x128xf32, #tpu.memory_space<vmem>>) target_semaphore(%arg17 : memref<!tpu.dma_semaphore, #tpu.memory_space<semaphore_mem>>)
    %get3A_1028 = arith.constant 0 : index
    %get3A_1029 = arith.constant 26 : index
    %get3A_1030 = memref.load %arg1[%get3A_1028, %get3A_1029] : memref<1x64xi32, #tpu.memory_space<smem>>
    %jit3A_1031 = arith.constant 128 : i32
    %div3A_1032 = arith.divsi %get3A_1030, %jit3A_1031 : i32
    %sign3A_1033 = arith.constant 0 : i32
    %sign3A_1034 = arith.cmpi sgt, %get3A_1030, %sign3A_1033 : i32
    %sign3A_1035 = arith.extui %sign3A_1034 : i1 to i32
    %sign3A_1036 = arith.constant 0 : i32
    %sign3A_1037 = arith.cmpi slt, %get3A_1030, %sign3A_1036 : i32
    %sign3A_1038 = arith.extui %sign3A_1037 : i1 to i32
    %sign3A_1039 = arith.subi %sign3A_1035, %sign3A_1038 : i32
    %sign3A_1040 = arith.constant 0 : i32
    %sign3A_1041 = arith.cmpi sgt, %jit3A_1031, %sign3A_1040 : i32
    %sign3A_1042 = arith.extui %sign3A_1041 : i1 to i32
    %sign3A_1043 = arith.constant 0 : i32
    %sign3A_1044 = arith.cmpi slt, %jit3A_1031, %sign3A_1043 : i32
    %sign3A_1045 = arith.extui %sign3A_1044 : i1 to i32
    %sign3A_1046 = arith.subi %sign3A_1042, %sign3A_1045 : i32
    %ne3A_1047 = arith.cmpi ne, %sign3A_1039, %sign3A_1046 : i32
    %rem3A_1048 = arith.remsi %get3A_1030, %jit3A_1031 : i32
    %ne3A_1049 = arith.constant 0 : i32
    %ne3A_1050 = arith.cmpi ne, %rem3A_1048, %ne3A_1049 : i32
    %and3A_1051 = arith.andi %ne3A_1047, %ne3A_1050 : i1
    %sub3A_1052 = arith.constant 1 : i32
    %sub3A_1053 = arith.subi %div3A_1032, %sub3A_1052 : i32
    %select_n3A_1054 = arith.select %and3A_1051, %sub3A_1053, %div3A_1032 : i32
    %mul3A_1055 = arith.constant 128 : i32
    %mul3A_1056 = arith.muli %select_n3A_1054, %mul3A_1055 : i32
    %multiple_of3A_1057 = tpu.assume_multiple %mul3A_1056, 128 : i32
    %dma_start3A_1058 = arith.constant 0 : i32
    %dma_start3A_1059 = arith.constant 3328 : i32
    %dma_start3A_1060 = tpu.memref_slice %arg15[%dma_start3A_1058, %dma_start3A_1059] : memref<32x8192xf32, #tpu.memory_space<vmem>> -> memref<32x128xf32, #tpu.memory_space<vmem>>
    %dma_start3A_1061 = arith.constant 0 : i32
    %dma_start3A_1062 = tpu.memref_slice %arg4[%dma_start3A_1061, %multiple_of3A_1057] : memref<32x100000xf32, #tpu.memory_space<any>> -> memref<32x128xf32, #tpu.memory_space<any>>
    tpu.enqueue_dma source(%dma_start3A_1062 : memref<32x128xf32, #tpu.memory_space<any>>) target(%dma_start3A_1060 : memref<32x128xf32, #tpu.memory_space<vmem>>) target_semaphore(%arg17 : memref<!tpu.dma_semaphore, #tpu.memory_space<semaphore_mem>>)
    %dma_start3A_1063 = arith.constant 0 : i32
    %dma_start3A_1064 = arith.constant 3328 : i32
    %dma_start3A_1065 = tpu.memref_slice %arg16[%dma_start3A_1063, %dma_start3A_1064] : memref<64x8192xf32, #tpu.memory_space<vmem>> -> memref<64x128xf32, #tpu.memory_space<vmem>>
    %dma_start3A_1066 = arith.constant 0 : i32
    %dma_start3A_1067 = tpu.memref_slice %arg5[%dma_start3A_1066, %multiple_of3A_1057] : memref<64x100000xf32, #tpu.memory_space<any>> -> memref<64x128xf32, #tpu.memory_space<any>>
    tpu.enqueue_dma source(%dma_start3A_1067 : memref<64x128xf32, #tpu.memory_space<any>>) target(%dma_start3A_1065 : memref<64x128xf32, #tpu.memory_space<vmem>>) target_semaphore(%arg17 : memref<!tpu.dma_semaphore, #tpu.memory_space<semaphore_mem>>)
    %get3A_1068 = arith.constant 0 : index
    %get3A_1069 = arith.constant 27 : index
    %get3A_1070 = memref.load %arg1[%get3A_1068, %get3A_1069] : memref<1x64xi32, #tpu.memory_space<smem>>
    %jit3A_1071 = arith.constant 128 : i32
    %div3A_1072 = arith.divsi %get3A_1070, %jit3A_1071 : i32
    %sign3A_1073 = arith.constant 0 : i32
    %sign3A_1074 = arith.cmpi sgt, %get3A_1070, %sign3A_1073 : i32
    %sign3A_1075 = arith.extui %sign3A_1074 : i1 to i32
    %sign3A_1076 = arith.constant 0 : i32
    %sign3A_1077 = arith.cmpi slt, %get3A_1070, %sign3A_1076 : i32
    %sign3A_1078 = arith.extui %sign3A_1077 : i1 to i32
    %sign3A_1079 = arith.subi %sign3A_1075, %sign3A_1078 : i32
    %sign3A_1080 = arith.constant 0 : i32
    %sign3A_1081 = arith.cmpi sgt, %jit3A_1071, %sign3A_1080 : i32
    %sign3A_1082 = arith.extui %sign3A_1081 : i1 to i32
    %sign3A_1083 = arith.constant 0 : i32
    %sign3A_1084 = arith.cmpi slt, %jit3A_1071, %sign3A_1083 : i32
    %sign3A_1085 = arith.extui %sign3A_1084 : i1 to i32
    %sign3A_1086 = arith.subi %sign3A_1082, %sign3A_1085 : i32
    %ne3A_1087 = arith.cmpi ne, %sign3A_1079, %sign3A_1086 : i32
    %rem3A_1088 = arith.remsi %get3A_1070, %jit3A_1071 : i32
    %ne3A_1089 = arith.constant 0 : i32
    %ne3A_1090 = arith.cmpi ne, %rem3A_1088, %ne3A_1089 : i32
    %and3A_1091 = arith.andi %ne3A_1087, %ne3A_1090 : i1
    %sub3A_1092 = arith.constant 1 : i32
    %sub3A_1093 = arith.subi %div3A_1072, %sub3A_1092 : i32
    %select_n3A_1094 = arith.select %and3A_1091, %sub3A_1093, %div3A_1072 : i32
    %mul3A_1095 = arith.constant 128 : i32
    %mul3A_1096 = arith.muli %select_n3A_1094, %mul3A_1095 : i32
    %multiple_of3A_1097 = tpu.assume_multiple %mul3A_1096, 128 : i32
    %dma_start3A_1098 = arith.constant 0 : i32
    %dma_start3A_1099 = arith.constant 3456 : i32
    %dma_start3A_1100 = tpu.memref_slice %arg15[%dma_start3A_1098, %dma_start3A_1099] : memref<32x8192xf32, #tpu.memory_space<vmem>> -> memref<32x128xf32, #tpu.memory_space<vmem>>
    %dma_start3A_1101 = arith.constant 0 : i32
    %dma_start3A_1102 = tpu.memref_slice %arg4[%dma_start3A_1101, %multiple_of3A_1097] : memref<32x100000xf32, #tpu.memory_space<any>> -> memref<32x128xf32, #tpu.memory_space<any>>
    tpu.enqueue_dma source(%dma_start3A_1102 : memref<32x128xf32, #tpu.memory_space<any>>) target(%dma_start3A_1100 : memref<32x128xf32, #tpu.memory_space<vmem>>) target_semaphore(%arg17 : memref<!tpu.dma_semaphore, #tpu.memory_space<semaphore_mem>>)
    %dma_start3A_1103 = arith.constant 0 : i32
    %dma_start3A_1104 = arith.constant 3456 : i32
    %dma_start3A_1105 = tpu.memref_slice %arg16[%dma_start3A_1103, %dma_start3A_1104] : memref<64x8192xf32, #tpu.memory_space<vmem>> -> memref<64x128xf32, #tpu.memory_space<vmem>>
    %dma_start3A_1106 = arith.constant 0 : i32
    %dma_start3A_1107 = tpu.memref_slice %arg5[%dma_start3A_1106, %multiple_of3A_1097] : memref<64x100000xf32, #tpu.memory_space<any>> -> memref<64x128xf32, #tpu.memory_space<any>>
    tpu.enqueue_dma source(%dma_start3A_1107 : memref<64x128xf32, #tpu.memory_space<any>>) target(%dma_start3A_1105 : memref<64x128xf32, #tpu.memory_space<vmem>>) target_semaphore(%arg17 : memref<!tpu.dma_semaphore, #tpu.memory_space<semaphore_mem>>)
    %get3A_1108 = arith.constant 0 : index
    %get3A_1109 = arith.constant 28 : index
    %get3A_1110 = memref.load %arg1[%get3A_1108, %get3A_1109] : memref<1x64xi32, #tpu.memory_space<smem>>
    %jit3A_1111 = arith.constant 128 : i32
    %div3A_1112 = arith.divsi %get3A_1110, %jit3A_1111 : i32
    %sign3A_1113 = arith.constant 0 : i32
    %sign3A_1114 = arith.cmpi sgt, %get3A_1110, %sign3A_1113 : i32
    %sign3A_1115 = arith.extui %sign3A_1114 : i1 to i32
    %sign3A_1116 = arith.constant 0 : i32
    %sign3A_1117 = arith.cmpi slt, %get3A_1110, %sign3A_1116 : i32
    %sign3A_1118 = arith.extui %sign3A_1117 : i1 to i32
    %sign3A_1119 = arith.subi %sign3A_1115, %sign3A_1118 : i32
    %sign3A_1120 = arith.constant 0 : i32
    %sign3A_1121 = arith.cmpi sgt, %jit3A_1111, %sign3A_1120 : i32
    %sign3A_1122 = arith.extui %sign3A_1121 : i1 to i32
    %sign3A_1123 = arith.constant 0 : i32
    %sign3A_1124 = arith.cmpi slt, %jit3A_1111, %sign3A_1123 : i32
    %sign3A_1125 = arith.extui %sign3A_1124 : i1 to i32
    %sign3A_1126 = arith.subi %sign3A_1122, %sign3A_1125 : i32
    %ne3A_1127 = arith.cmpi ne, %sign3A_1119, %sign3A_1126 : i32
    %rem3A_1128 = arith.remsi %get3A_1110, %jit3A_1111 : i32
    %ne3A_1129 = arith.constant 0 : i32
    %ne3A_1130 = arith.cmpi ne, %rem3A_1128, %ne3A_1129 : i32
    %and3A_1131 = arith.andi %ne3A_1127, %ne3A_1130 : i1
    %sub3A_1132 = arith.constant 1 : i32
    %sub3A_1133 = arith.subi %div3A_1112, %sub3A_1132 : i32
    %select_n3A_1134 = arith.select %and3A_1131, %sub3A_1133, %div3A_1112 : i32
    %mul3A_1135 = arith.constant 128 : i32
    %mul3A_1136 = arith.muli %select_n3A_1134, %mul3A_1135 : i32
    %multiple_of3A_1137 = tpu.assume_multiple %mul3A_1136, 128 : i32
    %dma_start3A_1138 = arith.constant 0 : i32
    %dma_start3A_1139 = arith.constant 3584 : i32
    %dma_start3A_1140 = tpu.memref_slice %arg15[%dma_start3A_1138, %dma_start3A_1139] : memref<32x8192xf32, #tpu.memory_space<vmem>> -> memref<32x128xf32, #tpu.memory_space<vmem>>
    %dma_start3A_1141 = arith.constant 0 : i32
    %dma_start3A_1142 = tpu.memref_slice %arg4[%dma_start3A_1141, %multiple_of3A_1137] : memref<32x100000xf32, #tpu.memory_space<any>> -> memref<32x128xf32, #tpu.memory_space<any>>
    tpu.enqueue_dma source(%dma_start3A_1142 : memref<32x128xf32, #tpu.memory_space<any>>) target(%dma_start3A_1140 : memref<32x128xf32, #tpu.memory_space<vmem>>) target_semaphore(%arg17 : memref<!tpu.dma_semaphore, #tpu.memory_space<semaphore_mem>>)
    %dma_start3A_1143 = arith.constant 0 : i32
    %dma_start3A_1144 = arith.constant 3584 : i32
    %dma_start3A_1145 = tpu.memref_slice %arg16[%dma_start3A_1143, %dma_start3A_1144] : memref<64x8192xf32, #tpu.memory_space<vmem>> -> memref<64x128xf32, #tpu.memory_space<vmem>>
    %dma_start3A_1146 = arith.constant 0 : i32
    %dma_start3A_1147 = tpu.memref_slice %arg5[%dma_start3A_1146, %multiple_of3A_1137] : memref<64x100000xf32, #tpu.memory_space<any>> -> memref<64x128xf32, #tpu.memory_space<any>>
    tpu.enqueue_dma source(%dma_start3A_1147 : memref<64x128xf32, #tpu.memory_space<any>>) target(%dma_start3A_1145 : memref<64x128xf32, #tpu.memory_space<vmem>>) target_semaphore(%arg17 : memref<!tpu.dma_semaphore, #tpu.memory_space<semaphore_mem>>)
    %get3A_1148 = arith.constant 0 : index
    %get3A_1149 = arith.constant 29 : index
    %get3A_1150 = memref.load %arg1[%get3A_1148, %get3A_1149] : memref<1x64xi32, #tpu.memory_space<smem>>
    %jit3A_1151 = arith.constant 128 : i32
    %div3A_1152 = arith.divsi %get3A_1150, %jit3A_1151 : i32
    %sign3A_1153 = arith.constant 0 : i32
    %sign3A_1154 = arith.cmpi sgt, %get3A_1150, %sign3A_1153 : i32
    %sign3A_1155 = arith.extui %sign3A_1154 : i1 to i32
    %sign3A_1156 = arith.constant 0 : i32
    %sign3A_1157 = arith.cmpi slt, %get3A_1150, %sign3A_1156 : i32
    %sign3A_1158 = arith.extui %sign3A_1157 : i1 to i32
    %sign3A_1159 = arith.subi %sign3A_1155, %sign3A_1158 : i32
    %sign3A_1160 = arith.constant 0 : i32
    %sign3A_1161 = arith.cmpi sgt, %jit3A_1151, %sign3A_1160 : i32
    %sign3A_1162 = arith.extui %sign3A_1161 : i1 to i32
    %sign3A_1163 = arith.constant 0 : i32
    %sign3A_1164 = arith.cmpi slt, %jit3A_1151, %sign3A_1163 : i32
    %sign3A_1165 = arith.extui %sign3A_1164 : i1 to i32
    %sign3A_1166 = arith.subi %sign3A_1162, %sign3A_1165 : i32
    %ne3A_1167 = arith.cmpi ne, %sign3A_1159, %sign3A_1166 : i32
    %rem3A_1168 = arith.remsi %get3A_1150, %jit3A_1151 : i32
    %ne3A_1169 = arith.constant 0 : i32
    %ne3A_1170 = arith.cmpi ne, %rem3A_1168, %ne3A_1169 : i32
    %and3A_1171 = arith.andi %ne3A_1167, %ne3A_1170 : i1
    %sub3A_1172 = arith.constant 1 : i32
    %sub3A_1173 = arith.subi %div3A_1152, %sub3A_1172 : i32
    %select_n3A_1174 = arith.select %and3A_1171, %sub3A_1173, %div3A_1152 : i32
    %mul3A_1175 = arith.constant 128 : i32
    %mul3A_1176 = arith.muli %select_n3A_1174, %mul3A_1175 : i32
    %multiple_of3A_1177 = tpu.assume_multiple %mul3A_1176, 128 : i32
    %dma_start3A_1178 = arith.constant 0 : i32
    %dma_start3A_1179 = arith.constant 3712 : i32
    %dma_start3A_1180 = tpu.memref_slice %arg15[%dma_start3A_1178, %dma_start3A_1179] : memref<32x8192xf32, #tpu.memory_space<vmem>> -> memref<32x128xf32, #tpu.memory_space<vmem>>
    %dma_start3A_1181 = arith.constant 0 : i32
    %dma_start3A_1182 = tpu.memref_slice %arg4[%dma_start3A_1181, %multiple_of3A_1177] : memref<32x100000xf32, #tpu.memory_space<any>> -> memref<32x128xf32, #tpu.memory_space<any>>
    tpu.enqueue_dma source(%dma_start3A_1182 : memref<32x128xf32, #tpu.memory_space<any>>) target(%dma_start3A_1180 : memref<32x128xf32, #tpu.memory_space<vmem>>) target_semaphore(%arg17 : memref<!tpu.dma_semaphore, #tpu.memory_space<semaphore_mem>>)
    %dma_start3A_1183 = arith.constant 0 : i32
    %dma_start3A_1184 = arith.constant 3712 : i32
    %dma_start3A_1185 = tpu.memref_slice %arg16[%dma_start3A_1183, %dma_start3A_1184] : memref<64x8192xf32, #tpu.memory_space<vmem>> -> memref<64x128xf32, #tpu.memory_space<vmem>>
    %dma_start3A_1186 = arith.constant 0 : i32
    %dma_start3A_1187 = tpu.memref_slice %arg5[%dma_start3A_1186, %multiple_of3A_1177] : memref<64x100000xf32, #tpu.memory_space<any>> -> memref<64x128xf32, #tpu.memory_space<any>>
    tpu.enqueue_dma source(%dma_start3A_1187 : memref<64x128xf32, #tpu.memory_space<any>>) target(%dma_start3A_1185 : memref<64x128xf32, #tpu.memory_space<vmem>>) target_semaphore(%arg17 : memref<!tpu.dma_semaphore, #tpu.memory_space<semaphore_mem>>)
    %get3A_1188 = arith.constant 0 : index
    %get3A_1189 = arith.constant 30 : index
    %get3A_1190 = memref.load %arg1[%get3A_1188, %get3A_1189] : memref<1x64xi32, #tpu.memory_space<smem>>
    %jit3A_1191 = arith.constant 128 : i32
    %div3A_1192 = arith.divsi %get3A_1190, %jit3A_1191 : i32
    %sign3A_1193 = arith.constant 0 : i32
    %sign3A_1194 = arith.cmpi sgt, %get3A_1190, %sign3A_1193 : i32
    %sign3A_1195 = arith.extui %sign3A_1194 : i1 to i32
    %sign3A_1196 = arith.constant 0 : i32
    %sign3A_1197 = arith.cmpi slt, %get3A_1190, %sign3A_1196 : i32
    %sign3A_1198 = arith.extui %sign3A_1197 : i1 to i32
    %sign3A_1199 = arith.subi %sign3A_1195, %sign3A_1198 : i32
    %sign3A_1200 = arith.constant 0 : i32
    %sign3A_1201 = arith.cmpi sgt, %jit3A_1191, %sign3A_1200 : i32
    %sign3A_1202 = arith.extui %sign3A_1201 : i1 to i32
    %sign3A_1203 = arith.constant 0 : i32
    %sign3A_1204 = arith.cmpi slt, %jit3A_1191, %sign3A_1203 : i32
    %sign3A_1205 = arith.extui %sign3A_1204 : i1 to i32
    %sign3A_1206 = arith.subi %sign3A_1202, %sign3A_1205 : i32
    %ne3A_1207 = arith.cmpi ne, %sign3A_1199, %sign3A_1206 : i32
    %rem3A_1208 = arith.remsi %get3A_1190, %jit3A_1191 : i32
    %ne3A_1209 = arith.constant 0 : i32
    %ne3A_1210 = arith.cmpi ne, %rem3A_1208, %ne3A_1209 : i32
    %and3A_1211 = arith.andi %ne3A_1207, %ne3A_1210 : i1
    %sub3A_1212 = arith.constant 1 : i32
    %sub3A_1213 = arith.subi %div3A_1192, %sub3A_1212 : i32
    %select_n3A_1214 = arith.select %and3A_1211, %sub3A_1213, %div3A_1192 : i32
    %mul3A_1215 = arith.constant 128 : i32
    %mul3A_1216 = arith.muli %select_n3A_1214, %mul3A_1215 : i32
    %multiple_of3A_1217 = tpu.assume_multiple %mul3A_1216, 128 : i32
    %dma_start3A_1218 = arith.constant 0 : i32
    %dma_start3A_1219 = arith.constant 3840 : i32
    %dma_start3A_1220 = tpu.memref_slice %arg15[%dma_start3A_1218, %dma_start3A_1219] : memref<32x8192xf32, #tpu.memory_space<vmem>> -> memref<32x128xf32, #tpu.memory_space<vmem>>
    %dma_start3A_1221 = arith.constant 0 : i32
    %dma_start3A_1222 = tpu.memref_slice %arg4[%dma_start3A_1221, %multiple_of3A_1217] : memref<32x100000xf32, #tpu.memory_space<any>> -> memref<32x128xf32, #tpu.memory_space<any>>
    tpu.enqueue_dma source(%dma_start3A_1222 : memref<32x128xf32, #tpu.memory_space<any>>) target(%dma_start3A_1220 : memref<32x128xf32, #tpu.memory_space<vmem>>) target_semaphore(%arg17 : memref<!tpu.dma_semaphore, #tpu.memory_space<semaphore_mem>>)
    %dma_start3A_1223 = arith.constant 0 : i32
    %dma_start3A_1224 = arith.constant 3840 : i32
    %dma_start3A_1225 = tpu.memref_slice %arg16[%dma_start3A_1223, %dma_start3A_1224] : memref<64x8192xf32, #tpu.memory_space<vmem>> -> memref<64x128xf32, #tpu.memory_space<vmem>>
    %dma_start3A_1226 = arith.constant 0 : i32
    %dma_start3A_1227 = tpu.memref_slice %arg5[%dma_start3A_1226, %multiple_of3A_1217] : memref<64x100000xf32, #tpu.memory_space<any>> -> memref<64x128xf32, #tpu.memory_space<any>>
    tpu.enqueue_dma source(%dma_start3A_1227 : memref<64x128xf32, #tpu.memory_space<any>>) target(%dma_start3A_1225 : memref<64x128xf32, #tpu.memory_space<vmem>>) target_semaphore(%arg17 : memref<!tpu.dma_semaphore, #tpu.memory_space<semaphore_mem>>)
    %get3A_1228 = arith.constant 0 : index
    %get3A_1229 = arith.constant 31 : index
    %get3A_1230 = memref.load %arg1[%get3A_1228, %get3A_1229] : memref<1x64xi32, #tpu.memory_space<smem>>
    %jit3A_1231 = arith.constant 128 : i32
    %div3A_1232 = arith.divsi %get3A_1230, %jit3A_1231 : i32
    %sign3A_1233 = arith.constant 0 : i32
    %sign3A_1234 = arith.cmpi sgt, %get3A_1230, %sign3A_1233 : i32
    %sign3A_1235 = arith.extui %sign3A_1234 : i1 to i32
    %sign3A_1236 = arith.constant 0 : i32
    %sign3A_1237 = arith.cmpi slt, %get3A_1230, %sign3A_1236 : i32
    %sign3A_1238 = arith.extui %sign3A_1237 : i1 to i32
    %sign3A_1239 = arith.subi %sign3A_1235, %sign3A_1238 : i32
    %sign3A_1240 = arith.constant 0 : i32
    %sign3A_1241 = arith.cmpi sgt, %jit3A_1231, %sign3A_1240 : i32
    %sign3A_1242 = arith.extui %sign3A_1241 : i1 to i32
    %sign3A_1243 = arith.constant 0 : i32
    %sign3A_1244 = arith.cmpi slt, %jit3A_1231, %sign3A_1243 : i32
    %sign3A_1245 = arith.extui %sign3A_1244 : i1 to i32
    %sign3A_1246 = arith.subi %sign3A_1242, %sign3A_1245 : i32
    %ne3A_1247 = arith.cmpi ne, %sign3A_1239, %sign3A_1246 : i32
    %rem3A_1248 = arith.remsi %get3A_1230, %jit3A_1231 : i32
    %ne3A_1249 = arith.constant 0 : i32
    %ne3A_1250 = arith.cmpi ne, %rem3A_1248, %ne3A_1249 : i32
    %and3A_1251 = arith.andi %ne3A_1247, %ne3A_1250 : i1
    %sub3A_1252 = arith.constant 1 : i32
    %sub3A_1253 = arith.subi %div3A_1232, %sub3A_1252 : i32
    %select_n3A_1254 = arith.select %and3A_1251, %sub3A_1253, %div3A_1232 : i32
    %mul3A_1255 = arith.constant 128 : i32
    %mul3A_1256 = arith.muli %select_n3A_1254, %mul3A_1255 : i32
    %multiple_of3A_1257 = tpu.assume_multiple %mul3A_1256, 128 : i32
    %dma_start3A_1258 = arith.constant 0 : i32
    %dma_start3A_1259 = arith.constant 3968 : i32
    %dma_start3A_1260 = tpu.memref_slice %arg15[%dma_start3A_1258, %dma_start3A_1259] : memref<32x8192xf32, #tpu.memory_space<vmem>> -> memref<32x128xf32, #tpu.memory_space<vmem>>
    %dma_start3A_1261 = arith.constant 0 : i32
    %dma_start3A_1262 = tpu.memref_slice %arg4[%dma_start3A_1261, %multiple_of3A_1257] : memref<32x100000xf32, #tpu.memory_space<any>> -> memref<32x128xf32, #tpu.memory_space<any>>
    tpu.enqueue_dma source(%dma_start3A_1262 : memref<32x128xf32, #tpu.memory_space<any>>) target(%dma_start3A_1260 : memref<32x128xf32, #tpu.memory_space<vmem>>) target_semaphore(%arg17 : memref<!tpu.dma_semaphore, #tpu.memory_space<semaphore_mem>>)
    %dma_start3A_1263 = arith.constant 0 : i32
    %dma_start3A_1264 = arith.constant 3968 : i32
    %dma_start3A_1265 = tpu.memref_slice %arg16[%dma_start3A_1263, %dma_start3A_1264] : memref<64x8192xf32, #tpu.memory_space<vmem>> -> memref<64x128xf32, #tpu.memory_space<vmem>>
    %dma_start3A_1266 = arith.constant 0 : i32
    %dma_start3A_1267 = tpu.memref_slice %arg5[%dma_start3A_1266, %multiple_of3A_1257] : memref<64x100000xf32, #tpu.memory_space<any>> -> memref<64x128xf32, #tpu.memory_space<any>>
    tpu.enqueue_dma source(%dma_start3A_1267 : memref<64x128xf32, #tpu.memory_space<any>>) target(%dma_start3A_1265 : memref<64x128xf32, #tpu.memory_space<vmem>>) target_semaphore(%arg17 : memref<!tpu.dma_semaphore, #tpu.memory_space<semaphore_mem>>)
    %get3A_1268 = arith.constant 0 : index
    %get3A_1269 = arith.constant 32 : index
    %get3A_1270 = memref.load %arg1[%get3A_1268, %get3A_1269] : memref<1x64xi32, #tpu.memory_space<smem>>
    %jit3A_1271 = arith.constant 128 : i32
    %div3A_1272 = arith.divsi %get3A_1270, %jit3A_1271 : i32
    %sign3A_1273 = arith.constant 0 : i32
    %sign3A_1274 = arith.cmpi sgt, %get3A_1270, %sign3A_1273 : i32
    %sign3A_1275 = arith.extui %sign3A_1274 : i1 to i32
    %sign3A_1276 = arith.constant 0 : i32
    %sign3A_1277 = arith.cmpi slt, %get3A_1270, %sign3A_1276 : i32
    %sign3A_1278 = arith.extui %sign3A_1277 : i1 to i32
    %sign3A_1279 = arith.subi %sign3A_1275, %sign3A_1278 : i32
    %sign3A_1280 = arith.constant 0 : i32
    %sign3A_1281 = arith.cmpi sgt, %jit3A_1271, %sign3A_1280 : i32
    %sign3A_1282 = arith.extui %sign3A_1281 : i1 to i32
    %sign3A_1283 = arith.constant 0 : i32
    %sign3A_1284 = arith.cmpi slt, %jit3A_1271, %sign3A_1283 : i32
    %sign3A_1285 = arith.extui %sign3A_1284 : i1 to i32
    %sign3A_1286 = arith.subi %sign3A_1282, %sign3A_1285 : i32
    %ne3A_1287 = arith.cmpi ne, %sign3A_1279, %sign3A_1286 : i32
    %rem3A_1288 = arith.remsi %get3A_1270, %jit3A_1271 : i32
    %ne3A_1289 = arith.constant 0 : i32
    %ne3A_1290 = arith.cmpi ne, %rem3A_1288, %ne3A_1289 : i32
    %and3A_1291 = arith.andi %ne3A_1287, %ne3A_1290 : i1
    %sub3A_1292 = arith.constant 1 : i32
    %sub3A_1293 = arith.subi %div3A_1272, %sub3A_1292 : i32
    %select_n3A_1294 = arith.select %and3A_1291, %sub3A_1293, %div3A_1272 : i32
    %mul3A_1295 = arith.constant 128 : i32
    %mul3A_1296 = arith.muli %select_n3A_1294, %mul3A_1295 : i32
    %multiple_of3A_1297 = tpu.assume_multiple %mul3A_1296, 128 : i32
    %dma_start3A_1298 = arith.constant 0 : i32
    %dma_start3A_1299 = arith.constant 4096 : i32
    %dma_start3A_1300 = tpu.memref_slice %arg15[%dma_start3A_1298, %dma_start3A_1299] : memref<32x8192xf32, #tpu.memory_space<vmem>> -> memref<32x128xf32, #tpu.memory_space<vmem>>
    %dma_start3A_1301 = arith.constant 0 : i32
    %dma_start3A_1302 = tpu.memref_slice %arg4[%dma_start3A_1301, %multiple_of3A_1297] : memref<32x100000xf32, #tpu.memory_space<any>> -> memref<32x128xf32, #tpu.memory_space<any>>
    tpu.enqueue_dma source(%dma_start3A_1302 : memref<32x128xf32, #tpu.memory_space<any>>) target(%dma_start3A_1300 : memref<32x128xf32, #tpu.memory_space<vmem>>) target_semaphore(%arg17 : memref<!tpu.dma_semaphore, #tpu.memory_space<semaphore_mem>>)
    %dma_start3A_1303 = arith.constant 0 : i32
    %dma_start3A_1304 = arith.constant 4096 : i32
    %dma_start3A_1305 = tpu.memref_slice %arg16[%dma_start3A_1303, %dma_start3A_1304] : memref<64x8192xf32, #tpu.memory_space<vmem>> -> memref<64x128xf32, #tpu.memory_space<vmem>>
    %dma_start3A_1306 = arith.constant 0 : i32
    %dma_start3A_1307 = tpu.memref_slice %arg5[%dma_start3A_1306, %multiple_of3A_1297] : memref<64x100000xf32, #tpu.memory_space<any>> -> memref<64x128xf32, #tpu.memory_space<any>>
    tpu.enqueue_dma source(%dma_start3A_1307 : memref<64x128xf32, #tpu.memory_space<any>>) target(%dma_start3A_1305 : memref<64x128xf32, #tpu.memory_space<vmem>>) target_semaphore(%arg17 : memref<!tpu.dma_semaphore, #tpu.memory_space<semaphore_mem>>)
    %get3A_1308 = arith.constant 0 : index
    %get3A_1309 = arith.constant 33 : index
    %get3A_1310 = memref.load %arg1[%get3A_1308, %get3A_1309] : memref<1x64xi32, #tpu.memory_space<smem>>
    %jit3A_1311 = arith.constant 128 : i32
    %div3A_1312 = arith.divsi %get3A_1310, %jit3A_1311 : i32
    %sign3A_1313 = arith.constant 0 : i32
    %sign3A_1314 = arith.cmpi sgt, %get3A_1310, %sign3A_1313 : i32
    %sign3A_1315 = arith.extui %sign3A_1314 : i1 to i32
    %sign3A_1316 = arith.constant 0 : i32
    %sign3A_1317 = arith.cmpi slt, %get3A_1310, %sign3A_1316 : i32
    %sign3A_1318 = arith.extui %sign3A_1317 : i1 to i32
    %sign3A_1319 = arith.subi %sign3A_1315, %sign3A_1318 : i32
    %sign3A_1320 = arith.constant 0 : i32
    %sign3A_1321 = arith.cmpi sgt, %jit3A_1311, %sign3A_1320 : i32
    %sign3A_1322 = arith.extui %sign3A_1321 : i1 to i32
    %sign3A_1323 = arith.constant 0 : i32
    %sign3A_1324 = arith.cmpi slt, %jit3A_1311, %sign3A_1323 : i32
    %sign3A_1325 = arith.extui %sign3A_1324 : i1 to i32
    %sign3A_1326 = arith.subi %sign3A_1322, %sign3A_1325 : i32
    %ne3A_1327 = arith.cmpi ne, %sign3A_1319, %sign3A_1326 : i32
    %rem3A_1328 = arith.remsi %get3A_1310, %jit3A_1311 : i32
    %ne3A_1329 = arith.constant 0 : i32
    %ne3A_1330 = arith.cmpi ne, %rem3A_1328, %ne3A_1329 : i32
    %and3A_1331 = arith.andi %ne3A_1327, %ne3A_1330 : i1
    %sub3A_1332 = arith.constant 1 : i32
    %sub3A_1333 = arith.subi %div3A_1312, %sub3A_1332 : i32
    %select_n3A_1334 = arith.select %and3A_1331, %sub3A_1333, %div3A_1312 : i32
    %mul3A_1335 = arith.constant 128 : i32
    %mul3A_1336 = arith.muli %select_n3A_1334, %mul3A_1335 : i32
    %multiple_of3A_1337 = tpu.assume_multiple %mul3A_1336, 128 : i32
    %dma_start3A_1338 = arith.constant 0 : i32
    %dma_start3A_1339 = arith.constant 4224 : i32
    %dma_start3A_1340 = tpu.memref_slice %arg15[%dma_start3A_1338, %dma_start3A_1339] : memref<32x8192xf32, #tpu.memory_space<vmem>> -> memref<32x128xf32, #tpu.memory_space<vmem>>
    %dma_start3A_1341 = arith.constant 0 : i32
    %dma_start3A_1342 = tpu.memref_slice %arg4[%dma_start3A_1341, %multiple_of3A_1337] : memref<32x100000xf32, #tpu.memory_space<any>> -> memref<32x128xf32, #tpu.memory_space<any>>
    tpu.enqueue_dma source(%dma_start3A_1342 : memref<32x128xf32, #tpu.memory_space<any>>) target(%dma_start3A_1340 : memref<32x128xf32, #tpu.memory_space<vmem>>) target_semaphore(%arg17 : memref<!tpu.dma_semaphore, #tpu.memory_space<semaphore_mem>>)
    %dma_start3A_1343 = arith.constant 0 : i32
    %dma_start3A_1344 = arith.constant 4224 : i32
    %dma_start3A_1345 = tpu.memref_slice %arg16[%dma_start3A_1343, %dma_start3A_1344] : memref<64x8192xf32, #tpu.memory_space<vmem>> -> memref<64x128xf32, #tpu.memory_space<vmem>>
    %dma_start3A_1346 = arith.constant 0 : i32
    %dma_start3A_1347 = tpu.memref_slice %arg5[%dma_start3A_1346, %multiple_of3A_1337] : memref<64x100000xf32, #tpu.memory_space<any>> -> memref<64x128xf32, #tpu.memory_space<any>>
    tpu.enqueue_dma source(%dma_start3A_1347 : memref<64x128xf32, #tpu.memory_space<any>>) target(%dma_start3A_1345 : memref<64x128xf32, #tpu.memory_space<vmem>>) target_semaphore(%arg17 : memref<!tpu.dma_semaphore, #tpu.memory_space<semaphore_mem>>)
    %get3A_1348 = arith.constant 0 : index
    %get3A_1349 = arith.constant 34 : index
    %get3A_1350 = memref.load %arg1[%get3A_1348, %get3A_1349] : memref<1x64xi32, #tpu.memory_space<smem>>
    %jit3A_1351 = arith.constant 128 : i32
    %div3A_1352 = arith.divsi %get3A_1350, %jit3A_1351 : i32
    %sign3A_1353 = arith.constant 0 : i32
    %sign3A_1354 = arith.cmpi sgt, %get3A_1350, %sign3A_1353 : i32
    %sign3A_1355 = arith.extui %sign3A_1354 : i1 to i32
    %sign3A_1356 = arith.constant 0 : i32
    %sign3A_1357 = arith.cmpi slt, %get3A_1350, %sign3A_1356 : i32
    %sign3A_1358 = arith.extui %sign3A_1357 : i1 to i32
    %sign3A_1359 = arith.subi %sign3A_1355, %sign3A_1358 : i32
    %sign3A_1360 = arith.constant 0 : i32
    %sign3A_1361 = arith.cmpi sgt, %jit3A_1351, %sign3A_1360 : i32
    %sign3A_1362 = arith.extui %sign3A_1361 : i1 to i32
    %sign3A_1363 = arith.constant 0 : i32
    %sign3A_1364 = arith.cmpi slt, %jit3A_1351, %sign3A_1363 : i32
    %sign3A_1365 = arith.extui %sign3A_1364 : i1 to i32
    %sign3A_1366 = arith.subi %sign3A_1362, %sign3A_1365 : i32
    %ne3A_1367 = arith.cmpi ne, %sign3A_1359, %sign3A_1366 : i32
    %rem3A_1368 = arith.remsi %get3A_1350, %jit3A_1351 : i32
    %ne3A_1369 = arith.constant 0 : i32
    %ne3A_1370 = arith.cmpi ne, %rem3A_1368, %ne3A_1369 : i32
    %and3A_1371 = arith.andi %ne3A_1367, %ne3A_1370 : i1
    %sub3A_1372 = arith.constant 1 : i32
    %sub3A_1373 = arith.subi %div3A_1352, %sub3A_1372 : i32
    %select_n3A_1374 = arith.select %and3A_1371, %sub3A_1373, %div3A_1352 : i32
    %mul3A_1375 = arith.constant 128 : i32
    %mul3A_1376 = arith.muli %select_n3A_1374, %mul3A_1375 : i32
    %multiple_of3A_1377 = tpu.assume_multiple %mul3A_1376, 128 : i32
    %dma_start3A_1378 = arith.constant 0 : i32
    %dma_start3A_1379 = arith.constant 4352 : i32
    %dma_start3A_1380 = tpu.memref_slice %arg15[%dma_start3A_1378, %dma_start3A_1379] : memref<32x8192xf32, #tpu.memory_space<vmem>> -> memref<32x128xf32, #tpu.memory_space<vmem>>
    %dma_start3A_1381 = arith.constant 0 : i32
    %dma_start3A_1382 = tpu.memref_slice %arg4[%dma_start3A_1381, %multiple_of3A_1377] : memref<32x100000xf32, #tpu.memory_space<any>> -> memref<32x128xf32, #tpu.memory_space<any>>
    tpu.enqueue_dma source(%dma_start3A_1382 : memref<32x128xf32, #tpu.memory_space<any>>) target(%dma_start3A_1380 : memref<32x128xf32, #tpu.memory_space<vmem>>) target_semaphore(%arg17 : memref<!tpu.dma_semaphore, #tpu.memory_space<semaphore_mem>>)
    %dma_start3A_1383 = arith.constant 0 : i32
    %dma_start3A_1384 = arith.constant 4352 : i32
    %dma_start3A_1385 = tpu.memref_slice %arg16[%dma_start3A_1383, %dma_start3A_1384] : memref<64x8192xf32, #tpu.memory_space<vmem>> -> memref<64x128xf32, #tpu.memory_space<vmem>>
    %dma_start3A_1386 = arith.constant 0 : i32
    %dma_start3A_1387 = tpu.memref_slice %arg5[%dma_start3A_1386, %multiple_of3A_1377] : memref<64x100000xf32, #tpu.memory_space<any>> -> memref<64x128xf32, #tpu.memory_space<any>>
    tpu.enqueue_dma source(%dma_start3A_1387 : memref<64x128xf32, #tpu.memory_space<any>>) target(%dma_start3A_1385 : memref<64x128xf32, #tpu.memory_space<vmem>>) target_semaphore(%arg17 : memref<!tpu.dma_semaphore, #tpu.memory_space<semaphore_mem>>)
    %get3A_1388 = arith.constant 0 : index
    %get3A_1389 = arith.constant 35 : index
    %get3A_1390 = memref.load %arg1[%get3A_1388, %get3A_1389] : memref<1x64xi32, #tpu.memory_space<smem>>
    %jit3A_1391 = arith.constant 128 : i32
    %div3A_1392 = arith.divsi %get3A_1390, %jit3A_1391 : i32
    %sign3A_1393 = arith.constant 0 : i32
    %sign3A_1394 = arith.cmpi sgt, %get3A_1390, %sign3A_1393 : i32
    %sign3A_1395 = arith.extui %sign3A_1394 : i1 to i32
    %sign3A_1396 = arith.constant 0 : i32
    %sign3A_1397 = arith.cmpi slt, %get3A_1390, %sign3A_1396 : i32
    %sign3A_1398 = arith.extui %sign3A_1397 : i1 to i32
    %sign3A_1399 = arith.subi %sign3A_1395, %sign3A_1398 : i32
    %sign3A_1400 = arith.constant 0 : i32
    %sign3A_1401 = arith.cmpi sgt, %jit3A_1391, %sign3A_1400 : i32
    %sign3A_1402 = arith.extui %sign3A_1401 : i1 to i32
    %sign3A_1403 = arith.constant 0 : i32
    %sign3A_1404 = arith.cmpi slt, %jit3A_1391, %sign3A_1403 : i32
    %sign3A_1405 = arith.extui %sign3A_1404 : i1 to i32
    %sign3A_1406 = arith.subi %sign3A_1402, %sign3A_1405 : i32
    %ne3A_1407 = arith.cmpi ne, %sign3A_1399, %sign3A_1406 : i32
    %rem3A_1408 = arith.remsi %get3A_1390, %jit3A_1391 : i32
    %ne3A_1409 = arith.constant 0 : i32
    %ne3A_1410 = arith.cmpi ne, %rem3A_1408, %ne3A_1409 : i32
    %and3A_1411 = arith.andi %ne3A_1407, %ne3A_1410 : i1
    %sub3A_1412 = arith.constant 1 : i32
    %sub3A_1413 = arith.subi %div3A_1392, %sub3A_1412 : i32
    %select_n3A_1414 = arith.select %and3A_1411, %sub3A_1413, %div3A_1392 : i32
    %mul3A_1415 = arith.constant 128 : i32
    %mul3A_1416 = arith.muli %select_n3A_1414, %mul3A_1415 : i32
    %multiple_of3A_1417 = tpu.assume_multiple %mul3A_1416, 128 : i32
    %dma_start3A_1418 = arith.constant 0 : i32
    %dma_start3A_1419 = arith.constant 4480 : i32
    %dma_start3A_1420 = tpu.memref_slice %arg15[%dma_start3A_1418, %dma_start3A_1419] : memref<32x8192xf32, #tpu.memory_space<vmem>> -> memref<32x128xf32, #tpu.memory_space<vmem>>
    %dma_start3A_1421 = arith.constant 0 : i32
    %dma_start3A_1422 = tpu.memref_slice %arg4[%dma_start3A_1421, %multiple_of3A_1417] : memref<32x100000xf32, #tpu.memory_space<any>> -> memref<32x128xf32, #tpu.memory_space<any>>
    tpu.enqueue_dma source(%dma_start3A_1422 : memref<32x128xf32, #tpu.memory_space<any>>) target(%dma_start3A_1420 : memref<32x128xf32, #tpu.memory_space<vmem>>) target_semaphore(%arg17 : memref<!tpu.dma_semaphore, #tpu.memory_space<semaphore_mem>>)
    %dma_start3A_1423 = arith.constant 0 : i32
    %dma_start3A_1424 = arith.constant 4480 : i32
    %dma_start3A_1425 = tpu.memref_slice %arg16[%dma_start3A_1423, %dma_start3A_1424] : memref<64x8192xf32, #tpu.memory_space<vmem>> -> memref<64x128xf32, #tpu.memory_space<vmem>>
    %dma_start3A_1426 = arith.constant 0 : i32
    %dma_start3A_1427 = tpu.memref_slice %arg5[%dma_start3A_1426, %multiple_of3A_1417] : memref<64x100000xf32, #tpu.memory_space<any>> -> memref<64x128xf32, #tpu.memory_space<any>>
    tpu.enqueue_dma source(%dma_start3A_1427 : memref<64x128xf32, #tpu.memory_space<any>>) target(%dma_start3A_1425 : memref<64x128xf32, #tpu.memory_space<vmem>>) target_semaphore(%arg17 : memref<!tpu.dma_semaphore, #tpu.memory_space<semaphore_mem>>)
    %get3A_1428 = arith.constant 0 : index
    %get3A_1429 = arith.constant 36 : index
    %get3A_1430 = memref.load %arg1[%get3A_1428, %get3A_1429] : memref<1x64xi32, #tpu.memory_space<smem>>
    %jit3A_1431 = arith.constant 128 : i32
    %div3A_1432 = arith.divsi %get3A_1430, %jit3A_1431 : i32
    %sign3A_1433 = arith.constant 0 : i32
    %sign3A_1434 = arith.cmpi sgt, %get3A_1430, %sign3A_1433 : i32
    %sign3A_1435 = arith.extui %sign3A_1434 : i1 to i32
    %sign3A_1436 = arith.constant 0 : i32
    %sign3A_1437 = arith.cmpi slt, %get3A_1430, %sign3A_1436 : i32
    %sign3A_1438 = arith.extui %sign3A_1437 : i1 to i32
    %sign3A_1439 = arith.subi %sign3A_1435, %sign3A_1438 : i32
    %sign3A_1440 = arith.constant 0 : i32
    %sign3A_1441 = arith.cmpi sgt, %jit3A_1431, %sign3A_1440 : i32
    %sign3A_1442 = arith.extui %sign3A_1441 : i1 to i32
    %sign3A_1443 = arith.constant 0 : i32
    %sign3A_1444 = arith.cmpi slt, %jit3A_1431, %sign3A_1443 : i32
    %sign3A_1445 = arith.extui %sign3A_1444 : i1 to i32
    %sign3A_1446 = arith.subi %sign3A_1442, %sign3A_1445 : i32
    %ne3A_1447 = arith.cmpi ne, %sign3A_1439, %sign3A_1446 : i32
    %rem3A_1448 = arith.remsi %get3A_1430, %jit3A_1431 : i32
    %ne3A_1449 = arith.constant 0 : i32
    %ne3A_1450 = arith.cmpi ne, %rem3A_1448, %ne3A_1449 : i32
    %and3A_1451 = arith.andi %ne3A_1447, %ne3A_1450 : i1
    %sub3A_1452 = arith.constant 1 : i32
    %sub3A_1453 = arith.subi %div3A_1432, %sub3A_1452 : i32
    %select_n3A_1454 = arith.select %and3A_1451, %sub3A_1453, %div3A_1432 : i32
    %mul3A_1455 = arith.constant 128 : i32
    %mul3A_1456 = arith.muli %select_n3A_1454, %mul3A_1455 : i32
    %multiple_of3A_1457 = tpu.assume_multiple %mul3A_1456, 128 : i32
    %dma_start3A_1458 = arith.constant 0 : i32
    %dma_start3A_1459 = arith.constant 4608 : i32
    %dma_start3A_1460 = tpu.memref_slice %arg15[%dma_start3A_1458, %dma_start3A_1459] : memref<32x8192xf32, #tpu.memory_space<vmem>> -> memref<32x128xf32, #tpu.memory_space<vmem>>
    %dma_start3A_1461 = arith.constant 0 : i32
    %dma_start3A_1462 = tpu.memref_slice %arg4[%dma_start3A_1461, %multiple_of3A_1457] : memref<32x100000xf32, #tpu.memory_space<any>> -> memref<32x128xf32, #tpu.memory_space<any>>
    tpu.enqueue_dma source(%dma_start3A_1462 : memref<32x128xf32, #tpu.memory_space<any>>) target(%dma_start3A_1460 : memref<32x128xf32, #tpu.memory_space<vmem>>) target_semaphore(%arg17 : memref<!tpu.dma_semaphore, #tpu.memory_space<semaphore_mem>>)
    %dma_start3A_1463 = arith.constant 0 : i32
    %dma_start3A_1464 = arith.constant 4608 : i32
    %dma_start3A_1465 = tpu.memref_slice %arg16[%dma_start3A_1463, %dma_start3A_1464] : memref<64x8192xf32, #tpu.memory_space<vmem>> -> memref<64x128xf32, #tpu.memory_space<vmem>>
    %dma_start3A_1466 = arith.constant 0 : i32
    %dma_start3A_1467 = tpu.memref_slice %arg5[%dma_start3A_1466, %multiple_of3A_1457] : memref<64x100000xf32, #tpu.memory_space<any>> -> memref<64x128xf32, #tpu.memory_space<any>>
    tpu.enqueue_dma source(%dma_start3A_1467 : memref<64x128xf32, #tpu.memory_space<any>>) target(%dma_start3A_1465 : memref<64x128xf32, #tpu.memory_space<vmem>>) target_semaphore(%arg17 : memref<!tpu.dma_semaphore, #tpu.memory_space<semaphore_mem>>)
    %get3A_1468 = arith.constant 0 : index
    %get3A_1469 = arith.constant 37 : index
    %get3A_1470 = memref.load %arg1[%get3A_1468, %get3A_1469] : memref<1x64xi32, #tpu.memory_space<smem>>
    %jit3A_1471 = arith.constant 128 : i32
    %div3A_1472 = arith.divsi %get3A_1470, %jit3A_1471 : i32
    %sign3A_1473 = arith.constant 0 : i32
    %sign3A_1474 = arith.cmpi sgt, %get3A_1470, %sign3A_1473 : i32
    %sign3A_1475 = arith.extui %sign3A_1474 : i1 to i32
    %sign3A_1476 = arith.constant 0 : i32
    %sign3A_1477 = arith.cmpi slt, %get3A_1470, %sign3A_1476 : i32
    %sign3A_1478 = arith.extui %sign3A_1477 : i1 to i32
    %sign3A_1479 = arith.subi %sign3A_1475, %sign3A_1478 : i32
    %sign3A_1480 = arith.constant 0 : i32
    %sign3A_1481 = arith.cmpi sgt, %jit3A_1471, %sign3A_1480 : i32
    %sign3A_1482 = arith.extui %sign3A_1481 : i1 to i32
    %sign3A_1483 = arith.constant 0 : i32
    %sign3A_1484 = arith.cmpi slt, %jit3A_1471, %sign3A_1483 : i32
    %sign3A_1485 = arith.extui %sign3A_1484 : i1 to i32
    %sign3A_1486 = arith.subi %sign3A_1482, %sign3A_1485 : i32
    %ne3A_1487 = arith.cmpi ne, %sign3A_1479, %sign3A_1486 : i32
    %rem3A_1488 = arith.remsi %get3A_1470, %jit3A_1471 : i32
    %ne3A_1489 = arith.constant 0 : i32
    %ne3A_1490 = arith.cmpi ne, %rem3A_1488, %ne3A_1489 : i32
    %and3A_1491 = arith.andi %ne3A_1487, %ne3A_1490 : i1
    %sub3A_1492 = arith.constant 1 : i32
    %sub3A_1493 = arith.subi %div3A_1472, %sub3A_1492 : i32
    %select_n3A_1494 = arith.select %and3A_1491, %sub3A_1493, %div3A_1472 : i32
    %mul3A_1495 = arith.constant 128 : i32
    %mul3A_1496 = arith.muli %select_n3A_1494, %mul3A_1495 : i32
    %multiple_of3A_1497 = tpu.assume_multiple %mul3A_1496, 128 : i32
    %dma_start3A_1498 = arith.constant 0 : i32
    %dma_start3A_1499 = arith.constant 4736 : i32
    %dma_start3A_1500 = tpu.memref_slice %arg15[%dma_start3A_1498, %dma_start3A_1499] : memref<32x8192xf32, #tpu.memory_space<vmem>> -> memref<32x128xf32, #tpu.memory_space<vmem>>
    %dma_start3A_1501 = arith.constant 0 : i32
    %dma_start3A_1502 = tpu.memref_slice %arg4[%dma_start3A_1501, %multiple_of3A_1497] : memref<32x100000xf32, #tpu.memory_space<any>> -> memref<32x128xf32, #tpu.memory_space<any>>
    tpu.enqueue_dma source(%dma_start3A_1502 : memref<32x128xf32, #tpu.memory_space<any>>) target(%dma_start3A_1500 : memref<32x128xf32, #tpu.memory_space<vmem>>) target_semaphore(%arg17 : memref<!tpu.dma_semaphore, #tpu.memory_space<semaphore_mem>>)
    %dma_start3A_1503 = arith.constant 0 : i32
    %dma_start3A_1504 = arith.constant 4736 : i32
    %dma_start3A_1505 = tpu.memref_slice %arg16[%dma_start3A_1503, %dma_start3A_1504] : memref<64x8192xf32, #tpu.memory_space<vmem>> -> memref<64x128xf32, #tpu.memory_space<vmem>>
    %dma_start3A_1506 = arith.constant 0 : i32
    %dma_start3A_1507 = tpu.memref_slice %arg5[%dma_start3A_1506, %multiple_of3A_1497] : memref<64x100000xf32, #tpu.memory_space<any>> -> memref<64x128xf32, #tpu.memory_space<any>>
    tpu.enqueue_dma source(%dma_start3A_1507 : memref<64x128xf32, #tpu.memory_space<any>>) target(%dma_start3A_1505 : memref<64x128xf32, #tpu.memory_space<vmem>>) target_semaphore(%arg17 : memref<!tpu.dma_semaphore, #tpu.memory_space<semaphore_mem>>)
    %get3A_1508 = arith.constant 0 : index
    %get3A_1509 = arith.constant 38 : index
    %get3A_1510 = memref.load %arg1[%get3A_1508, %get3A_1509] : memref<1x64xi32, #tpu.memory_space<smem>>
    %jit3A_1511 = arith.constant 128 : i32
    %div3A_1512 = arith.divsi %get3A_1510, %jit3A_1511 : i32
    %sign3A_1513 = arith.constant 0 : i32
    %sign3A_1514 = arith.cmpi sgt, %get3A_1510, %sign3A_1513 : i32
    %sign3A_1515 = arith.extui %sign3A_1514 : i1 to i32
    %sign3A_1516 = arith.constant 0 : i32
    %sign3A_1517 = arith.cmpi slt, %get3A_1510, %sign3A_1516 : i32
    %sign3A_1518 = arith.extui %sign3A_1517 : i1 to i32
    %sign3A_1519 = arith.subi %sign3A_1515, %sign3A_1518 : i32
    %sign3A_1520 = arith.constant 0 : i32
    %sign3A_1521 = arith.cmpi sgt, %jit3A_1511, %sign3A_1520 : i32
    %sign3A_1522 = arith.extui %sign3A_1521 : i1 to i32
    %sign3A_1523 = arith.constant 0 : i32
    %sign3A_1524 = arith.cmpi slt, %jit3A_1511, %sign3A_1523 : i32
    %sign3A_1525 = arith.extui %sign3A_1524 : i1 to i32
    %sign3A_1526 = arith.subi %sign3A_1522, %sign3A_1525 : i32
    %ne3A_1527 = arith.cmpi ne, %sign3A_1519, %sign3A_1526 : i32
    %rem3A_1528 = arith.remsi %get3A_1510, %jit3A_1511 : i32
    %ne3A_1529 = arith.constant 0 : i32
    %ne3A_1530 = arith.cmpi ne, %rem3A_1528, %ne3A_1529 : i32
    %and3A_1531 = arith.andi %ne3A_1527, %ne3A_1530 : i1
    %sub3A_1532 = arith.constant 1 : i32
    %sub3A_1533 = arith.subi %div3A_1512, %sub3A_1532 : i32
    %select_n3A_1534 = arith.select %and3A_1531, %sub3A_1533, %div3A_1512 : i32
    %mul3A_1535 = arith.constant 128 : i32
    %mul3A_1536 = arith.muli %select_n3A_1534, %mul3A_1535 : i32
    %multiple_of3A_1537 = tpu.assume_multiple %mul3A_1536, 128 : i32
    %dma_start3A_1538 = arith.constant 0 : i32
    %dma_start3A_1539 = arith.constant 4864 : i32
    %dma_start3A_1540 = tpu.memref_slice %arg15[%dma_start3A_1538, %dma_start3A_1539] : memref<32x8192xf32, #tpu.memory_space<vmem>> -> memref<32x128xf32, #tpu.memory_space<vmem>>
    %dma_start3A_1541 = arith.constant 0 : i32
    %dma_start3A_1542 = tpu.memref_slice %arg4[%dma_start3A_1541, %multiple_of3A_1537] : memref<32x100000xf32, #tpu.memory_space<any>> -> memref<32x128xf32, #tpu.memory_space<any>>
    tpu.enqueue_dma source(%dma_start3A_1542 : memref<32x128xf32, #tpu.memory_space<any>>) target(%dma_start3A_1540 : memref<32x128xf32, #tpu.memory_space<vmem>>) target_semaphore(%arg17 : memref<!tpu.dma_semaphore, #tpu.memory_space<semaphore_mem>>)
    %dma_start3A_1543 = arith.constant 0 : i32
    %dma_start3A_1544 = arith.constant 4864 : i32
    %dma_start3A_1545 = tpu.memref_slice %arg16[%dma_start3A_1543, %dma_start3A_1544] : memref<64x8192xf32, #tpu.memory_space<vmem>> -> memref<64x128xf32, #tpu.memory_space<vmem>>
    %dma_start3A_1546 = arith.constant 0 : i32
    %dma_start3A_1547 = tpu.memref_slice %arg5[%dma_start3A_1546, %multiple_of3A_1537] : memref<64x100000xf32, #tpu.memory_space<any>> -> memref<64x128xf32, #tpu.memory_space<any>>
    tpu.enqueue_dma source(%dma_start3A_1547 : memref<64x128xf32, #tpu.memory_space<any>>) target(%dma_start3A_1545 : memref<64x128xf32, #tpu.memory_space<vmem>>) target_semaphore(%arg17 : memref<!tpu.dma_semaphore, #tpu.memory_space<semaphore_mem>>)
    %get3A_1548 = arith.constant 0 : index
    %get3A_1549 = arith.constant 39 : index
    %get3A_1550 = memref.load %arg1[%get3A_1548, %get3A_1549] : memref<1x64xi32, #tpu.memory_space<smem>>
    %jit3A_1551 = arith.constant 128 : i32
    %div3A_1552 = arith.divsi %get3A_1550, %jit3A_1551 : i32
    %sign3A_1553 = arith.constant 0 : i32
    %sign3A_1554 = arith.cmpi sgt, %get3A_1550, %sign3A_1553 : i32
    %sign3A_1555 = arith.extui %sign3A_1554 : i1 to i32
    %sign3A_1556 = arith.constant 0 : i32
    %sign3A_1557 = arith.cmpi slt, %get3A_1550, %sign3A_1556 : i32
    %sign3A_1558 = arith.extui %sign3A_1557 : i1 to i32
    %sign3A_1559 = arith.subi %sign3A_1555, %sign3A_1558 : i32
    %sign3A_1560 = arith.constant 0 : i32
    %sign3A_1561 = arith.cmpi sgt, %jit3A_1551, %sign3A_1560 : i32
    %sign3A_1562 = arith.extui %sign3A_1561 : i1 to i32
    %sign3A_1563 = arith.constant 0 : i32
    %sign3A_1564 = arith.cmpi slt, %jit3A_1551, %sign3A_1563 : i32
    %sign3A_1565 = arith.extui %sign3A_1564 : i1 to i32
    %sign3A_1566 = arith.subi %sign3A_1562, %sign3A_1565 : i32
    %ne3A_1567 = arith.cmpi ne, %sign3A_1559, %sign3A_1566 : i32
    %rem3A_1568 = arith.remsi %get3A_1550, %jit3A_1551 : i32
    %ne3A_1569 = arith.constant 0 : i32
    %ne3A_1570 = arith.cmpi ne, %rem3A_1568, %ne3A_1569 : i32
    %and3A_1571 = arith.andi %ne3A_1567, %ne3A_1570 : i1
    %sub3A_1572 = arith.constant 1 : i32
    %sub3A_1573 = arith.subi %div3A_1552, %sub3A_1572 : i32
    %select_n3A_1574 = arith.select %and3A_1571, %sub3A_1573, %div3A_1552 : i32
    %mul3A_1575 = arith.constant 128 : i32
    %mul3A_1576 = arith.muli %select_n3A_1574, %mul3A_1575 : i32
    %multiple_of3A_1577 = tpu.assume_multiple %mul3A_1576, 128 : i32
    %dma_start3A_1578 = arith.constant 0 : i32
    %dma_start3A_1579 = arith.constant 4992 : i32
    %dma_start3A_1580 = tpu.memref_slice %arg15[%dma_start3A_1578, %dma_start3A_1579] : memref<32x8192xf32, #tpu.memory_space<vmem>> -> memref<32x128xf32, #tpu.memory_space<vmem>>
    %dma_start3A_1581 = arith.constant 0 : i32
    %dma_start3A_1582 = tpu.memref_slice %arg4[%dma_start3A_1581, %multiple_of3A_1577] : memref<32x100000xf32, #tpu.memory_space<any>> -> memref<32x128xf32, #tpu.memory_space<any>>
    tpu.enqueue_dma source(%dma_start3A_1582 : memref<32x128xf32, #tpu.memory_space<any>>) target(%dma_start3A_1580 : memref<32x128xf32, #tpu.memory_space<vmem>>) target_semaphore(%arg17 : memref<!tpu.dma_semaphore, #tpu.memory_space<semaphore_mem>>)
    %dma_start3A_1583 = arith.constant 0 : i32
    %dma_start3A_1584 = arith.constant 4992 : i32
    %dma_start3A_1585 = tpu.memref_slice %arg16[%dma_start3A_1583, %dma_start3A_1584] : memref<64x8192xf32, #tpu.memory_space<vmem>> -> memref<64x128xf32, #tpu.memory_space<vmem>>
    %dma_start3A_1586 = arith.constant 0 : i32
    %dma_start3A_1587 = tpu.memref_slice %arg5[%dma_start3A_1586, %multiple_of3A_1577] : memref<64x100000xf32, #tpu.memory_space<any>> -> memref<64x128xf32, #tpu.memory_space<any>>
    tpu.enqueue_dma source(%dma_start3A_1587 : memref<64x128xf32, #tpu.memory_space<any>>) target(%dma_start3A_1585 : memref<64x128xf32, #tpu.memory_space<vmem>>) target_semaphore(%arg17 : memref<!tpu.dma_semaphore, #tpu.memory_space<semaphore_mem>>)
    %get3A_1588 = arith.constant 0 : index
    %get3A_1589 = arith.constant 40 : index
    %get3A_1590 = memref.load %arg1[%get3A_1588, %get3A_1589] : memref<1x64xi32, #tpu.memory_space<smem>>
    %jit3A_1591 = arith.constant 128 : i32
    %div3A_1592 = arith.divsi %get3A_1590, %jit3A_1591 : i32
    %sign3A_1593 = arith.constant 0 : i32
    %sign3A_1594 = arith.cmpi sgt, %get3A_1590, %sign3A_1593 : i32
    %sign3A_1595 = arith.extui %sign3A_1594 : i1 to i32
    %sign3A_1596 = arith.constant 0 : i32
    %sign3A_1597 = arith.cmpi slt, %get3A_1590, %sign3A_1596 : i32
    %sign3A_1598 = arith.extui %sign3A_1597 : i1 to i32
    %sign3A_1599 = arith.subi %sign3A_1595, %sign3A_1598 : i32
    %sign3A_1600 = arith.constant 0 : i32
    %sign3A_1601 = arith.cmpi sgt, %jit3A_1591, %sign3A_1600 : i32
    %sign3A_1602 = arith.extui %sign3A_1601 : i1 to i32
    %sign3A_1603 = arith.constant 0 : i32
    %sign3A_1604 = arith.cmpi slt, %jit3A_1591, %sign3A_1603 : i32
    %sign3A_1605 = arith.extui %sign3A_1604 : i1 to i32
    %sign3A_1606 = arith.subi %sign3A_1602, %sign3A_1605 : i32
    %ne3A_1607 = arith.cmpi ne, %sign3A_1599, %sign3A_1606 : i32
    %rem3A_1608 = arith.remsi %get3A_1590, %jit3A_1591 : i32
    %ne3A_1609 = arith.constant 0 : i32
    %ne3A_1610 = arith.cmpi ne, %rem3A_1608, %ne3A_1609 : i32
    %and3A_1611 = arith.andi %ne3A_1607, %ne3A_1610 : i1
    %sub3A_1612 = arith.constant 1 : i32
    %sub3A_1613 = arith.subi %div3A_1592, %sub3A_1612 : i32
    %select_n3A_1614 = arith.select %and3A_1611, %sub3A_1613, %div3A_1592 : i32
    %mul3A_1615 = arith.constant 128 : i32
    %mul3A_1616 = arith.muli %select_n3A_1614, %mul3A_1615 : i32
    %multiple_of3A_1617 = tpu.assume_multiple %mul3A_1616, 128 : i32
    %dma_start3A_1618 = arith.constant 0 : i32
    %dma_start3A_1619 = arith.constant 5120 : i32
    %dma_start3A_1620 = tpu.memref_slice %arg15[%dma_start3A_1618, %dma_start3A_1619] : memref<32x8192xf32, #tpu.memory_space<vmem>> -> memref<32x128xf32, #tpu.memory_space<vmem>>
    %dma_start3A_1621 = arith.constant 0 : i32
    %dma_start3A_1622 = tpu.memref_slice %arg4[%dma_start3A_1621, %multiple_of3A_1617] : memref<32x100000xf32, #tpu.memory_space<any>> -> memref<32x128xf32, #tpu.memory_space<any>>
    tpu.enqueue_dma source(%dma_start3A_1622 : memref<32x128xf32, #tpu.memory_space<any>>) target(%dma_start3A_1620 : memref<32x128xf32, #tpu.memory_space<vmem>>) target_semaphore(%arg17 : memref<!tpu.dma_semaphore, #tpu.memory_space<semaphore_mem>>)
    %dma_start3A_1623 = arith.constant 0 : i32
    %dma_start3A_1624 = arith.constant 5120 : i32
    %dma_start3A_1625 = tpu.memref_slice %arg16[%dma_start3A_1623, %dma_start3A_1624] : memref<64x8192xf32, #tpu.memory_space<vmem>> -> memref<64x128xf32, #tpu.memory_space<vmem>>
    %dma_start3A_1626 = arith.constant 0 : i32
    %dma_start3A_1627 = tpu.memref_slice %arg5[%dma_start3A_1626, %multiple_of3A_1617] : memref<64x100000xf32, #tpu.memory_space<any>> -> memref<64x128xf32, #tpu.memory_space<any>>
    tpu.enqueue_dma source(%dma_start3A_1627 : memref<64x128xf32, #tpu.memory_space<any>>) target(%dma_start3A_1625 : memref<64x128xf32, #tpu.memory_space<vmem>>) target_semaphore(%arg17 : memref<!tpu.dma_semaphore, #tpu.memory_space<semaphore_mem>>)
    %get3A_1628 = arith.constant 0 : index
    %get3A_1629 = arith.constant 41 : index
    %get3A_1630 = memref.load %arg1[%get3A_1628, %get3A_1629] : memref<1x64xi32, #tpu.memory_space<smem>>
    %jit3A_1631 = arith.constant 128 : i32
    %div3A_1632 = arith.divsi %get3A_1630, %jit3A_1631 : i32
    %sign3A_1633 = arith.constant 0 : i32
    %sign3A_1634 = arith.cmpi sgt, %get3A_1630, %sign3A_1633 : i32
    %sign3A_1635 = arith.extui %sign3A_1634 : i1 to i32
    %sign3A_1636 = arith.constant 0 : i32
    %sign3A_1637 = arith.cmpi slt, %get3A_1630, %sign3A_1636 : i32
    %sign3A_1638 = arith.extui %sign3A_1637 : i1 to i32
    %sign3A_1639 = arith.subi %sign3A_1635, %sign3A_1638 : i32
    %sign3A_1640 = arith.constant 0 : i32
    %sign3A_1641 = arith.cmpi sgt, %jit3A_1631, %sign3A_1640 : i32
    %sign3A_1642 = arith.extui %sign3A_1641 : i1 to i32
    %sign3A_1643 = arith.constant 0 : i32
    %sign3A_1644 = arith.cmpi slt, %jit3A_1631, %sign3A_1643 : i32
    %sign3A_1645 = arith.extui %sign3A_1644 : i1 to i32
    %sign3A_1646 = arith.subi %sign3A_1642, %sign3A_1645 : i32
    %ne3A_1647 = arith.cmpi ne, %sign3A_1639, %sign3A_1646 : i32
    %rem3A_1648 = arith.remsi %get3A_1630, %jit3A_1631 : i32
    %ne3A_1649 = arith.constant 0 : i32
    %ne3A_1650 = arith.cmpi ne, %rem3A_1648, %ne3A_1649 : i32
    %and3A_1651 = arith.andi %ne3A_1647, %ne3A_1650 : i1
    %sub3A_1652 = arith.constant 1 : i32
    %sub3A_1653 = arith.subi %div3A_1632, %sub3A_1652 : i32
    %select_n3A_1654 = arith.select %and3A_1651, %sub3A_1653, %div3A_1632 : i32
    %mul3A_1655 = arith.constant 128 : i32
    %mul3A_1656 = arith.muli %select_n3A_1654, %mul3A_1655 : i32
    %multiple_of3A_1657 = tpu.assume_multiple %mul3A_1656, 128 : i32
    %dma_start3A_1658 = arith.constant 0 : i32
    %dma_start3A_1659 = arith.constant 5248 : i32
    %dma_start3A_1660 = tpu.memref_slice %arg15[%dma_start3A_1658, %dma_start3A_1659] : memref<32x8192xf32, #tpu.memory_space<vmem>> -> memref<32x128xf32, #tpu.memory_space<vmem>>
    %dma_start3A_1661 = arith.constant 0 : i32
    %dma_start3A_1662 = tpu.memref_slice %arg4[%dma_start3A_1661, %multiple_of3A_1657] : memref<32x100000xf32, #tpu.memory_space<any>> -> memref<32x128xf32, #tpu.memory_space<any>>
    tpu.enqueue_dma source(%dma_start3A_1662 : memref<32x128xf32, #tpu.memory_space<any>>) target(%dma_start3A_1660 : memref<32x128xf32, #tpu.memory_space<vmem>>) target_semaphore(%arg17 : memref<!tpu.dma_semaphore, #tpu.memory_space<semaphore_mem>>)
    %dma_start3A_1663 = arith.constant 0 : i32
    %dma_start3A_1664 = arith.constant 5248 : i32
    %dma_start3A_1665 = tpu.memref_slice %arg16[%dma_start3A_1663, %dma_start3A_1664] : memref<64x8192xf32, #tpu.memory_space<vmem>> -> memref<64x128xf32, #tpu.memory_space<vmem>>
    %dma_start3A_1666 = arith.constant 0 : i32
    %dma_start3A_1667 = tpu.memref_slice %arg5[%dma_start3A_1666, %multiple_of3A_1657] : memref<64x100000xf32, #tpu.memory_space<any>> -> memref<64x128xf32, #tpu.memory_space<any>>
    tpu.enqueue_dma source(%dma_start3A_1667 : memref<64x128xf32, #tpu.memory_space<any>>) target(%dma_start3A_1665 : memref<64x128xf32, #tpu.memory_space<vmem>>) target_semaphore(%arg17 : memref<!tpu.dma_semaphore, #tpu.memory_space<semaphore_mem>>)
    %get3A_1668 = arith.constant 0 : index
    %get3A_1669 = arith.constant 42 : index
    %get3A_1670 = memref.load %arg1[%get3A_1668, %get3A_1669] : memref<1x64xi32, #tpu.memory_space<smem>>
    %jit3A_1671 = arith.constant 128 : i32
    %div3A_1672 = arith.divsi %get3A_1670, %jit3A_1671 : i32
    %sign3A_1673 = arith.constant 0 : i32
    %sign3A_1674 = arith.cmpi sgt, %get3A_1670, %sign3A_1673 : i32
    %sign3A_1675 = arith.extui %sign3A_1674 : i1 to i32
    %sign3A_1676 = arith.constant 0 : i32
    %sign3A_1677 = arith.cmpi slt, %get3A_1670, %sign3A_1676 : i32
    %sign3A_1678 = arith.extui %sign3A_1677 : i1 to i32
    %sign3A_1679 = arith.subi %sign3A_1675, %sign3A_1678 : i32
    %sign3A_1680 = arith.constant 0 : i32
    %sign3A_1681 = arith.cmpi sgt, %jit3A_1671, %sign3A_1680 : i32
    %sign3A_1682 = arith.extui %sign3A_1681 : i1 to i32
    %sign3A_1683 = arith.constant 0 : i32
    %sign3A_1684 = arith.cmpi slt, %jit3A_1671, %sign3A_1683 : i32
    %sign3A_1685 = arith.extui %sign3A_1684 : i1 to i32
    %sign3A_1686 = arith.subi %sign3A_1682, %sign3A_1685 : i32
    %ne3A_1687 = arith.cmpi ne, %sign3A_1679, %sign3A_1686 : i32
    %rem3A_1688 = arith.remsi %get3A_1670, %jit3A_1671 : i32
    %ne3A_1689 = arith.constant 0 : i32
    %ne3A_1690 = arith.cmpi ne, %rem3A_1688, %ne3A_1689 : i32
    %and3A_1691 = arith.andi %ne3A_1687, %ne3A_1690 : i1
    %sub3A_1692 = arith.constant 1 : i32
    %sub3A_1693 = arith.subi %div3A_1672, %sub3A_1692 : i32
    %select_n3A_1694 = arith.select %and3A_1691, %sub3A_1693, %div3A_1672 : i32
    %mul3A_1695 = arith.constant 128 : i32
    %mul3A_1696 = arith.muli %select_n3A_1694, %mul3A_1695 : i32
    %multiple_of3A_1697 = tpu.assume_multiple %mul3A_1696, 128 : i32
    %dma_start3A_1698 = arith.constant 0 : i32
    %dma_start3A_1699 = arith.constant 5376 : i32
    %dma_start3A_1700 = tpu.memref_slice %arg15[%dma_start3A_1698, %dma_start3A_1699] : memref<32x8192xf32, #tpu.memory_space<vmem>> -> memref<32x128xf32, #tpu.memory_space<vmem>>
    %dma_start3A_1701 = arith.constant 0 : i32
    %dma_start3A_1702 = tpu.memref_slice %arg4[%dma_start3A_1701, %multiple_of3A_1697] : memref<32x100000xf32, #tpu.memory_space<any>> -> memref<32x128xf32, #tpu.memory_space<any>>
    tpu.enqueue_dma source(%dma_start3A_1702 : memref<32x128xf32, #tpu.memory_space<any>>) target(%dma_start3A_1700 : memref<32x128xf32, #tpu.memory_space<vmem>>) target_semaphore(%arg17 : memref<!tpu.dma_semaphore, #tpu.memory_space<semaphore_mem>>)
    %dma_start3A_1703 = arith.constant 0 : i32
    %dma_start3A_1704 = arith.constant 5376 : i32
    %dma_start3A_1705 = tpu.memref_slice %arg16[%dma_start3A_1703, %dma_start3A_1704] : memref<64x8192xf32, #tpu.memory_space<vmem>> -> memref<64x128xf32, #tpu.memory_space<vmem>>
    %dma_start3A_1706 = arith.constant 0 : i32
    %dma_start3A_1707 = tpu.memref_slice %arg5[%dma_start3A_1706, %multiple_of3A_1697] : memref<64x100000xf32, #tpu.memory_space<any>> -> memref<64x128xf32, #tpu.memory_space<any>>
    tpu.enqueue_dma source(%dma_start3A_1707 : memref<64x128xf32, #tpu.memory_space<any>>) target(%dma_start3A_1705 : memref<64x128xf32, #tpu.memory_space<vmem>>) target_semaphore(%arg17 : memref<!tpu.dma_semaphore, #tpu.memory_space<semaphore_mem>>)
    %get3A_1708 = arith.constant 0 : index
    %get3A_1709 = arith.constant 43 : index
    %get3A_1710 = memref.load %arg1[%get3A_1708, %get3A_1709] : memref<1x64xi32, #tpu.memory_space<smem>>
    %jit3A_1711 = arith.constant 128 : i32
    %div3A_1712 = arith.divsi %get3A_1710, %jit3A_1711 : i32
    %sign3A_1713 = arith.constant 0 : i32
    %sign3A_1714 = arith.cmpi sgt, %get3A_1710, %sign3A_1713 : i32
    %sign3A_1715 = arith.extui %sign3A_1714 : i1 to i32
    %sign3A_1716 = arith.constant 0 : i32
    %sign3A_1717 = arith.cmpi slt, %get3A_1710, %sign3A_1716 : i32
    %sign3A_1718 = arith.extui %sign3A_1717 : i1 to i32
    %sign3A_1719 = arith.subi %sign3A_1715, %sign3A_1718 : i32
    %sign3A_1720 = arith.constant 0 : i32
    %sign3A_1721 = arith.cmpi sgt, %jit3A_1711, %sign3A_1720 : i32
    %sign3A_1722 = arith.extui %sign3A_1721 : i1 to i32
    %sign3A_1723 = arith.constant 0 : i32
    %sign3A_1724 = arith.cmpi slt, %jit3A_1711, %sign3A_1723 : i32
    %sign3A_1725 = arith.extui %sign3A_1724 : i1 to i32
    %sign3A_1726 = arith.subi %sign3A_1722, %sign3A_1725 : i32
    %ne3A_1727 = arith.cmpi ne, %sign3A_1719, %sign3A_1726 : i32
    %rem3A_1728 = arith.remsi %get3A_1710, %jit3A_1711 : i32
    %ne3A_1729 = arith.constant 0 : i32
    %ne3A_1730 = arith.cmpi ne, %rem3A_1728, %ne3A_1729 : i32
    %and3A_1731 = arith.andi %ne3A_1727, %ne3A_1730 : i1
    %sub3A_1732 = arith.constant 1 : i32
    %sub3A_1733 = arith.subi %div3A_1712, %sub3A_1732 : i32
    %select_n3A_1734 = arith.select %and3A_1731, %sub3A_1733, %div3A_1712 : i32
    %mul3A_1735 = arith.constant 128 : i32
    %mul3A_1736 = arith.muli %select_n3A_1734, %mul3A_1735 : i32
    %multiple_of3A_1737 = tpu.assume_multiple %mul3A_1736, 128 : i32
    %dma_start3A_1738 = arith.constant 0 : i32
    %dma_start3A_1739 = arith.constant 5504 : i32
    %dma_start3A_1740 = tpu.memref_slice %arg15[%dma_start3A_1738, %dma_start3A_1739] : memref<32x8192xf32, #tpu.memory_space<vmem>> -> memref<32x128xf32, #tpu.memory_space<vmem>>
    %dma_start3A_1741 = arith.constant 0 : i32
    %dma_start3A_1742 = tpu.memref_slice %arg4[%dma_start3A_1741, %multiple_of3A_1737] : memref<32x100000xf32, #tpu.memory_space<any>> -> memref<32x128xf32, #tpu.memory_space<any>>
    tpu.enqueue_dma source(%dma_start3A_1742 : memref<32x128xf32, #tpu.memory_space<any>>) target(%dma_start3A_1740 : memref<32x128xf32, #tpu.memory_space<vmem>>) target_semaphore(%arg17 : memref<!tpu.dma_semaphore, #tpu.memory_space<semaphore_mem>>)
    %dma_start3A_1743 = arith.constant 0 : i32
    %dma_start3A_1744 = arith.constant 5504 : i32
    %dma_start3A_1745 = tpu.memref_slice %arg16[%dma_start3A_1743, %dma_start3A_1744] : memref<64x8192xf32, #tpu.memory_space<vmem>> -> memref<64x128xf32, #tpu.memory_space<vmem>>
    %dma_start3A_1746 = arith.constant 0 : i32
    %dma_start3A_1747 = tpu.memref_slice %arg5[%dma_start3A_1746, %multiple_of3A_1737] : memref<64x100000xf32, #tpu.memory_space<any>> -> memref<64x128xf32, #tpu.memory_space<any>>
    tpu.enqueue_dma source(%dma_start3A_1747 : memref<64x128xf32, #tpu.memory_space<any>>) target(%dma_start3A_1745 : memref<64x128xf32, #tpu.memory_space<vmem>>) target_semaphore(%arg17 : memref<!tpu.dma_semaphore, #tpu.memory_space<semaphore_mem>>)
    %get3A_1748 = arith.constant 0 : index
    %get3A_1749 = arith.constant 44 : index
    %get3A_1750 = memref.load %arg1[%get3A_1748, %get3A_1749] : memref<1x64xi32, #tpu.memory_space<smem>>
    %jit3A_1751 = arith.constant 128 : i32
    %div3A_1752 = arith.divsi %get3A_1750, %jit3A_1751 : i32
    %sign3A_1753 = arith.constant 0 : i32
    %sign3A_1754 = arith.cmpi sgt, %get3A_1750, %sign3A_1753 : i32
    %sign3A_1755 = arith.extui %sign3A_1754 : i1 to i32
    %sign3A_1756 = arith.constant 0 : i32
    %sign3A_1757 = arith.cmpi slt, %get3A_1750, %sign3A_1756 : i32
    %sign3A_1758 = arith.extui %sign3A_1757 : i1 to i32
    %sign3A_1759 = arith.subi %sign3A_1755, %sign3A_1758 : i32
    %sign3A_1760 = arith.constant 0 : i32
    %sign3A_1761 = arith.cmpi sgt, %jit3A_1751, %sign3A_1760 : i32
    %sign3A_1762 = arith.extui %sign3A_1761 : i1 to i32
    %sign3A_1763 = arith.constant 0 : i32
    %sign3A_1764 = arith.cmpi slt, %jit3A_1751, %sign3A_1763 : i32
    %sign3A_1765 = arith.extui %sign3A_1764 : i1 to i32
    %sign3A_1766 = arith.subi %sign3A_1762, %sign3A_1765 : i32
    %ne3A_1767 = arith.cmpi ne, %sign3A_1759, %sign3A_1766 : i32
    %rem3A_1768 = arith.remsi %get3A_1750, %jit3A_1751 : i32
    %ne3A_1769 = arith.constant 0 : i32
    %ne3A_1770 = arith.cmpi ne, %rem3A_1768, %ne3A_1769 : i32
    %and3A_1771 = arith.andi %ne3A_1767, %ne3A_1770 : i1
    %sub3A_1772 = arith.constant 1 : i32
    %sub3A_1773 = arith.subi %div3A_1752, %sub3A_1772 : i32
    %select_n3A_1774 = arith.select %and3A_1771, %sub3A_1773, %div3A_1752 : i32
    %mul3A_1775 = arith.constant 128 : i32
    %mul3A_1776 = arith.muli %select_n3A_1774, %mul3A_1775 : i32
    %multiple_of3A_1777 = tpu.assume_multiple %mul3A_1776, 128 : i32
    %dma_start3A_1778 = arith.constant 0 : i32
    %dma_start3A_1779 = arith.constant 5632 : i32
    %dma_start3A_1780 = tpu.memref_slice %arg15[%dma_start3A_1778, %dma_start3A_1779] : memref<32x8192xf32, #tpu.memory_space<vmem>> -> memref<32x128xf32, #tpu.memory_space<vmem>>
    %dma_start3A_1781 = arith.constant 0 : i32
    %dma_start3A_1782 = tpu.memref_slice %arg4[%dma_start3A_1781, %multiple_of3A_1777] : memref<32x100000xf32, #tpu.memory_space<any>> -> memref<32x128xf32, #tpu.memory_space<any>>
    tpu.enqueue_dma source(%dma_start3A_1782 : memref<32x128xf32, #tpu.memory_space<any>>) target(%dma_start3A_1780 : memref<32x128xf32, #tpu.memory_space<vmem>>) target_semaphore(%arg17 : memref<!tpu.dma_semaphore, #tpu.memory_space<semaphore_mem>>)
    %dma_start3A_1783 = arith.constant 0 : i32
    %dma_start3A_1784 = arith.constant 5632 : i32
    %dma_start3A_1785 = tpu.memref_slice %arg16[%dma_start3A_1783, %dma_start3A_1784] : memref<64x8192xf32, #tpu.memory_space<vmem>> -> memref<64x128xf32, #tpu.memory_space<vmem>>
    %dma_start3A_1786 = arith.constant 0 : i32
    %dma_start3A_1787 = tpu.memref_slice %arg5[%dma_start3A_1786, %multiple_of3A_1777] : memref<64x100000xf32, #tpu.memory_space<any>> -> memref<64x128xf32, #tpu.memory_space<any>>
    tpu.enqueue_dma source(%dma_start3A_1787 : memref<64x128xf32, #tpu.memory_space<any>>) target(%dma_start3A_1785 : memref<64x128xf32, #tpu.memory_space<vmem>>) target_semaphore(%arg17 : memref<!tpu.dma_semaphore, #tpu.memory_space<semaphore_mem>>)
    %get3A_1788 = arith.constant 0 : index
    %get3A_1789 = arith.constant 45 : index
    %get3A_1790 = memref.load %arg1[%get3A_1788, %get3A_1789] : memref<1x64xi32, #tpu.memory_space<smem>>
    %jit3A_1791 = arith.constant 128 : i32
    %div3A_1792 = arith.divsi %get3A_1790, %jit3A_1791 : i32
    %sign3A_1793 = arith.constant 0 : i32
    %sign3A_1794 = arith.cmpi sgt, %get3A_1790, %sign3A_1793 : i32
    %sign3A_1795 = arith.extui %sign3A_1794 : i1 to i32
    %sign3A_1796 = arith.constant 0 : i32
    %sign3A_1797 = arith.cmpi slt, %get3A_1790, %sign3A_1796 : i32
    %sign3A_1798 = arith.extui %sign3A_1797 : i1 to i32
    %sign3A_1799 = arith.subi %sign3A_1795, %sign3A_1798 : i32
    %sign3A_1800 = arith.constant 0 : i32
    %sign3A_1801 = arith.cmpi sgt, %jit3A_1791, %sign3A_1800 : i32
    %sign3A_1802 = arith.extui %sign3A_1801 : i1 to i32
    %sign3A_1803 = arith.constant 0 : i32
    %sign3A_1804 = arith.cmpi slt, %jit3A_1791, %sign3A_1803 : i32
    %sign3A_1805 = arith.extui %sign3A_1804 : i1 to i32
    %sign3A_1806 = arith.subi %sign3A_1802, %sign3A_1805 : i32
    %ne3A_1807 = arith.cmpi ne, %sign3A_1799, %sign3A_1806 : i32
    %rem3A_1808 = arith.remsi %get3A_1790, %jit3A_1791 : i32
    %ne3A_1809 = arith.constant 0 : i32
    %ne3A_1810 = arith.cmpi ne, %rem3A_1808, %ne3A_1809 : i32
    %and3A_1811 = arith.andi %ne3A_1807, %ne3A_1810 : i1
    %sub3A_1812 = arith.constant 1 : i32
    %sub3A_1813 = arith.subi %div3A_1792, %sub3A_1812 : i32
    %select_n3A_1814 = arith.select %and3A_1811, %sub3A_1813, %div3A_1792 : i32
    %mul3A_1815 = arith.constant 128 : i32
    %mul3A_1816 = arith.muli %select_n3A_1814, %mul3A_1815 : i32
    %multiple_of3A_1817 = tpu.assume_multiple %mul3A_1816, 128 : i32
    %dma_start3A_1818 = arith.constant 0 : i32
    %dma_start3A_1819 = arith.constant 5760 : i32
    %dma_start3A_1820 = tpu.memref_slice %arg15[%dma_start3A_1818, %dma_start3A_1819] : memref<32x8192xf32, #tpu.memory_space<vmem>> -> memref<32x128xf32, #tpu.memory_space<vmem>>
    %dma_start3A_1821 = arith.constant 0 : i32
    %dma_start3A_1822 = tpu.memref_slice %arg4[%dma_start3A_1821, %multiple_of3A_1817] : memref<32x100000xf32, #tpu.memory_space<any>> -> memref<32x128xf32, #tpu.memory_space<any>>
    tpu.enqueue_dma source(%dma_start3A_1822 : memref<32x128xf32, #tpu.memory_space<any>>) target(%dma_start3A_1820 : memref<32x128xf32, #tpu.memory_space<vmem>>) target_semaphore(%arg17 : memref<!tpu.dma_semaphore, #tpu.memory_space<semaphore_mem>>)
    %dma_start3A_1823 = arith.constant 0 : i32
    %dma_start3A_1824 = arith.constant 5760 : i32
    %dma_start3A_1825 = tpu.memref_slice %arg16[%dma_start3A_1823, %dma_start3A_1824] : memref<64x8192xf32, #tpu.memory_space<vmem>> -> memref<64x128xf32, #tpu.memory_space<vmem>>
    %dma_start3A_1826 = arith.constant 0 : i32
    %dma_start3A_1827 = tpu.memref_slice %arg5[%dma_start3A_1826, %multiple_of3A_1817] : memref<64x100000xf32, #tpu.memory_space<any>> -> memref<64x128xf32, #tpu.memory_space<any>>
    tpu.enqueue_dma source(%dma_start3A_1827 : memref<64x128xf32, #tpu.memory_space<any>>) target(%dma_start3A_1825 : memref<64x128xf32, #tpu.memory_space<vmem>>) target_semaphore(%arg17 : memref<!tpu.dma_semaphore, #tpu.memory_space<semaphore_mem>>)
    %get3A_1828 = arith.constant 0 : index
    %get3A_1829 = arith.constant 46 : index
    %get3A_1830 = memref.load %arg1[%get3A_1828, %get3A_1829] : memref<1x64xi32, #tpu.memory_space<smem>>
    %jit3A_1831 = arith.constant 128 : i32
    %div3A_1832 = arith.divsi %get3A_1830, %jit3A_1831 : i32
    %sign3A_1833 = arith.constant 0 : i32
    %sign3A_1834 = arith.cmpi sgt, %get3A_1830, %sign3A_1833 : i32
    %sign3A_1835 = arith.extui %sign3A_1834 : i1 to i32
    %sign3A_1836 = arith.constant 0 : i32
    %sign3A_1837 = arith.cmpi slt, %get3A_1830, %sign3A_1836 : i32
    %sign3A_1838 = arith.extui %sign3A_1837 : i1 to i32
    %sign3A_1839 = arith.subi %sign3A_1835, %sign3A_1838 : i32
    %sign3A_1840 = arith.constant 0 : i32
    %sign3A_1841 = arith.cmpi sgt, %jit3A_1831, %sign3A_1840 : i32
    %sign3A_1842 = arith.extui %sign3A_1841 : i1 to i32
    %sign3A_1843 = arith.constant 0 : i32
    %sign3A_1844 = arith.cmpi slt, %jit3A_1831, %sign3A_1843 : i32
    %sign3A_1845 = arith.extui %sign3A_1844 : i1 to i32
    %sign3A_1846 = arith.subi %sign3A_1842, %sign3A_1845 : i32
    %ne3A_1847 = arith.cmpi ne, %sign3A_1839, %sign3A_1846 : i32
    %rem3A_1848 = arith.remsi %get3A_1830, %jit3A_1831 : i32
    %ne3A_1849 = arith.constant 0 : i32
    %ne3A_1850 = arith.cmpi ne, %rem3A_1848, %ne3A_1849 : i32
    %and3A_1851 = arith.andi %ne3A_1847, %ne3A_1850 : i1
    %sub3A_1852 = arith.constant 1 : i32
    %sub3A_1853 = arith.subi %div3A_1832, %sub3A_1852 : i32
    %select_n3A_1854 = arith.select %and3A_1851, %sub3A_1853, %div3A_1832 : i32
    %mul3A_1855 = arith.constant 128 : i32
    %mul3A_1856 = arith.muli %select_n3A_1854, %mul3A_1855 : i32
    %multiple_of3A_1857 = tpu.assume_multiple %mul3A_1856, 128 : i32
    %dma_start3A_1858 = arith.constant 0 : i32
    %dma_start3A_1859 = arith.constant 5888 : i32
    %dma_start3A_1860 = tpu.memref_slice %arg15[%dma_start3A_1858, %dma_start3A_1859] : memref<32x8192xf32, #tpu.memory_space<vmem>> -> memref<32x128xf32, #tpu.memory_space<vmem>>
    %dma_start3A_1861 = arith.constant 0 : i32
    %dma_start3A_1862 = tpu.memref_slice %arg4[%dma_start3A_1861, %multiple_of3A_1857] : memref<32x100000xf32, #tpu.memory_space<any>> -> memref<32x128xf32, #tpu.memory_space<any>>
    tpu.enqueue_dma source(%dma_start3A_1862 : memref<32x128xf32, #tpu.memory_space<any>>) target(%dma_start3A_1860 : memref<32x128xf32, #tpu.memory_space<vmem>>) target_semaphore(%arg17 : memref<!tpu.dma_semaphore, #tpu.memory_space<semaphore_mem>>)
    %dma_start3A_1863 = arith.constant 0 : i32
    %dma_start3A_1864 = arith.constant 5888 : i32
    %dma_start3A_1865 = tpu.memref_slice %arg16[%dma_start3A_1863, %dma_start3A_1864] : memref<64x8192xf32, #tpu.memory_space<vmem>> -> memref<64x128xf32, #tpu.memory_space<vmem>>
    %dma_start3A_1866 = arith.constant 0 : i32
    %dma_start3A_1867 = tpu.memref_slice %arg5[%dma_start3A_1866, %multiple_of3A_1857] : memref<64x100000xf32, #tpu.memory_space<any>> -> memref<64x128xf32, #tpu.memory_space<any>>
    tpu.enqueue_dma source(%dma_start3A_1867 : memref<64x128xf32, #tpu.memory_space<any>>) target(%dma_start3A_1865 : memref<64x128xf32, #tpu.memory_space<vmem>>) target_semaphore(%arg17 : memref<!tpu.dma_semaphore, #tpu.memory_space<semaphore_mem>>)
    %get3A_1868 = arith.constant 0 : index
    %get3A_1869 = arith.constant 47 : index
    %get3A_1870 = memref.load %arg1[%get3A_1868, %get3A_1869] : memref<1x64xi32, #tpu.memory_space<smem>>
    %jit3A_1871 = arith.constant 128 : i32
    %div3A_1872 = arith.divsi %get3A_1870, %jit3A_1871 : i32
    %sign3A_1873 = arith.constant 0 : i32
    %sign3A_1874 = arith.cmpi sgt, %get3A_1870, %sign3A_1873 : i32
    %sign3A_1875 = arith.extui %sign3A_1874 : i1 to i32
    %sign3A_1876 = arith.constant 0 : i32
    %sign3A_1877 = arith.cmpi slt, %get3A_1870, %sign3A_1876 : i32
    %sign3A_1878 = arith.extui %sign3A_1877 : i1 to i32
    %sign3A_1879 = arith.subi %sign3A_1875, %sign3A_1878 : i32
    %sign3A_1880 = arith.constant 0 : i32
    %sign3A_1881 = arith.cmpi sgt, %jit3A_1871, %sign3A_1880 : i32
    %sign3A_1882 = arith.extui %sign3A_1881 : i1 to i32
    %sign3A_1883 = arith.constant 0 : i32
    %sign3A_1884 = arith.cmpi slt, %jit3A_1871, %sign3A_1883 : i32
    %sign3A_1885 = arith.extui %sign3A_1884 : i1 to i32
    %sign3A_1886 = arith.subi %sign3A_1882, %sign3A_1885 : i32
    %ne3A_1887 = arith.cmpi ne, %sign3A_1879, %sign3A_1886 : i32
    %rem3A_1888 = arith.remsi %get3A_1870, %jit3A_1871 : i32
    %ne3A_1889 = arith.constant 0 : i32
    %ne3A_1890 = arith.cmpi ne, %rem3A_1888, %ne3A_1889 : i32
    %and3A_1891 = arith.andi %ne3A_1887, %ne3A_1890 : i1
    %sub3A_1892 = arith.constant 1 : i32
    %sub3A_1893 = arith.subi %div3A_1872, %sub3A_1892 : i32
    %select_n3A_1894 = arith.select %and3A_1891, %sub3A_1893, %div3A_1872 : i32
    %mul3A_1895 = arith.constant 128 : i32
    %mul3A_1896 = arith.muli %select_n3A_1894, %mul3A_1895 : i32
    %multiple_of3A_1897 = tpu.assume_multiple %mul3A_1896, 128 : i32
    %dma_start3A_1898 = arith.constant 0 : i32
    %dma_start3A_1899 = arith.constant 6016 : i32
    %dma_start3A_1900 = tpu.memref_slice %arg15[%dma_start3A_1898, %dma_start3A_1899] : memref<32x8192xf32, #tpu.memory_space<vmem>> -> memref<32x128xf32, #tpu.memory_space<vmem>>
    %dma_start3A_1901 = arith.constant 0 : i32
    %dma_start3A_1902 = tpu.memref_slice %arg4[%dma_start3A_1901, %multiple_of3A_1897] : memref<32x100000xf32, #tpu.memory_space<any>> -> memref<32x128xf32, #tpu.memory_space<any>>
    tpu.enqueue_dma source(%dma_start3A_1902 : memref<32x128xf32, #tpu.memory_space<any>>) target(%dma_start3A_1900 : memref<32x128xf32, #tpu.memory_space<vmem>>) target_semaphore(%arg17 : memref<!tpu.dma_semaphore, #tpu.memory_space<semaphore_mem>>)
    %dma_start3A_1903 = arith.constant 0 : i32
    %dma_start3A_1904 = arith.constant 6016 : i32
    %dma_start3A_1905 = tpu.memref_slice %arg16[%dma_start3A_1903, %dma_start3A_1904] : memref<64x8192xf32, #tpu.memory_space<vmem>> -> memref<64x128xf32, #tpu.memory_space<vmem>>
    %dma_start3A_1906 = arith.constant 0 : i32
    %dma_start3A_1907 = tpu.memref_slice %arg5[%dma_start3A_1906, %multiple_of3A_1897] : memref<64x100000xf32, #tpu.memory_space<any>> -> memref<64x128xf32, #tpu.memory_space<any>>
    tpu.enqueue_dma source(%dma_start3A_1907 : memref<64x128xf32, #tpu.memory_space<any>>) target(%dma_start3A_1905 : memref<64x128xf32, #tpu.memory_space<vmem>>) target_semaphore(%arg17 : memref<!tpu.dma_semaphore, #tpu.memory_space<semaphore_mem>>)
    %get3A_1908 = arith.constant 0 : index
    %get3A_1909 = arith.constant 48 : index
    %get3A_1910 = memref.load %arg1[%get3A_1908, %get3A_1909] : memref<1x64xi32, #tpu.memory_space<smem>>
    %jit3A_1911 = arith.constant 128 : i32
    %div3A_1912 = arith.divsi %get3A_1910, %jit3A_1911 : i32
    %sign3A_1913 = arith.constant 0 : i32
    %sign3A_1914 = arith.cmpi sgt, %get3A_1910, %sign3A_1913 : i32
    %sign3A_1915 = arith.extui %sign3A_1914 : i1 to i32
    %sign3A_1916 = arith.constant 0 : i32
    %sign3A_1917 = arith.cmpi slt, %get3A_1910, %sign3A_1916 : i32
    %sign3A_1918 = arith.extui %sign3A_1917 : i1 to i32
    %sign3A_1919 = arith.subi %sign3A_1915, %sign3A_1918 : i32
    %sign3A_1920 = arith.constant 0 : i32
    %sign3A_1921 = arith.cmpi sgt, %jit3A_1911, %sign3A_1920 : i32
    %sign3A_1922 = arith.extui %sign3A_1921 : i1 to i32
    %sign3A_1923 = arith.constant 0 : i32
    %sign3A_1924 = arith.cmpi slt, %jit3A_1911, %sign3A_1923 : i32
    %sign3A_1925 = arith.extui %sign3A_1924 : i1 to i32
    %sign3A_1926 = arith.subi %sign3A_1922, %sign3A_1925 : i32
    %ne3A_1927 = arith.cmpi ne, %sign3A_1919, %sign3A_1926 : i32
    %rem3A_1928 = arith.remsi %get3A_1910, %jit3A_1911 : i32
    %ne3A_1929 = arith.constant 0 : i32
    %ne3A_1930 = arith.cmpi ne, %rem3A_1928, %ne3A_1929 : i32
    %and3A_1931 = arith.andi %ne3A_1927, %ne3A_1930 : i1
    %sub3A_1932 = arith.constant 1 : i32
    %sub3A_1933 = arith.subi %div3A_1912, %sub3A_1932 : i32
    %select_n3A_1934 = arith.select %and3A_1931, %sub3A_1933, %div3A_1912 : i32
    %mul3A_1935 = arith.constant 128 : i32
    %mul3A_1936 = arith.muli %select_n3A_1934, %mul3A_1935 : i32
    %multiple_of3A_1937 = tpu.assume_multiple %mul3A_1936, 128 : i32
    %dma_start3A_1938 = arith.constant 0 : i32
    %dma_start3A_1939 = arith.constant 6144 : i32
    %dma_start3A_1940 = tpu.memref_slice %arg15[%dma_start3A_1938, %dma_start3A_1939] : memref<32x8192xf32, #tpu.memory_space<vmem>> -> memref<32x128xf32, #tpu.memory_space<vmem>>
    %dma_start3A_1941 = arith.constant 0 : i32
    %dma_start3A_1942 = tpu.memref_slice %arg4[%dma_start3A_1941, %multiple_of3A_1937] : memref<32x100000xf32, #tpu.memory_space<any>> -> memref<32x128xf32, #tpu.memory_space<any>>
    tpu.enqueue_dma source(%dma_start3A_1942 : memref<32x128xf32, #tpu.memory_space<any>>) target(%dma_start3A_1940 : memref<32x128xf32, #tpu.memory_space<vmem>>) target_semaphore(%arg17 : memref<!tpu.dma_semaphore, #tpu.memory_space<semaphore_mem>>)
    %dma_start3A_1943 = arith.constant 0 : i32
    %dma_start3A_1944 = arith.constant 6144 : i32
    %dma_start3A_1945 = tpu.memref_slice %arg16[%dma_start3A_1943, %dma_start3A_1944] : memref<64x8192xf32, #tpu.memory_space<vmem>> -> memref<64x128xf32, #tpu.memory_space<vmem>>
    %dma_start3A_1946 = arith.constant 0 : i32
    %dma_start3A_1947 = tpu.memref_slice %arg5[%dma_start3A_1946, %multiple_of3A_1937] : memref<64x100000xf32, #tpu.memory_space<any>> -> memref<64x128xf32, #tpu.memory_space<any>>
    tpu.enqueue_dma source(%dma_start3A_1947 : memref<64x128xf32, #tpu.memory_space<any>>) target(%dma_start3A_1945 : memref<64x128xf32, #tpu.memory_space<vmem>>) target_semaphore(%arg17 : memref<!tpu.dma_semaphore, #tpu.memory_space<semaphore_mem>>)
    %get3A_1948 = arith.constant 0 : index
    %get3A_1949 = arith.constant 49 : index
    %get3A_1950 = memref.load %arg1[%get3A_1948, %get3A_1949] : memref<1x64xi32, #tpu.memory_space<smem>>
    %jit3A_1951 = arith.constant 128 : i32
    %div3A_1952 = arith.divsi %get3A_1950, %jit3A_1951 : i32
    %sign3A_1953 = arith.constant 0 : i32
    %sign3A_1954 = arith.cmpi sgt, %get3A_1950, %sign3A_1953 : i32
    %sign3A_1955 = arith.extui %sign3A_1954 : i1 to i32
    %sign3A_1956 = arith.constant 0 : i32
    %sign3A_1957 = arith.cmpi slt, %get3A_1950, %sign3A_1956 : i32
    %sign3A_1958 = arith.extui %sign3A_1957 : i1 to i32
    %sign3A_1959 = arith.subi %sign3A_1955, %sign3A_1958 : i32
    %sign3A_1960 = arith.constant 0 : i32
    %sign3A_1961 = arith.cmpi sgt, %jit3A_1951, %sign3A_1960 : i32
    %sign3A_1962 = arith.extui %sign3A_1961 : i1 to i32
    %sign3A_1963 = arith.constant 0 : i32
    %sign3A_1964 = arith.cmpi slt, %jit3A_1951, %sign3A_1963 : i32
    %sign3A_1965 = arith.extui %sign3A_1964 : i1 to i32
    %sign3A_1966 = arith.subi %sign3A_1962, %sign3A_1965 : i32
    %ne3A_1967 = arith.cmpi ne, %sign3A_1959, %sign3A_1966 : i32
    %rem3A_1968 = arith.remsi %get3A_1950, %jit3A_1951 : i32
    %ne3A_1969 = arith.constant 0 : i32
    %ne3A_1970 = arith.cmpi ne, %rem3A_1968, %ne3A_1969 : i32
    %and3A_1971 = arith.andi %ne3A_1967, %ne3A_1970 : i1
    %sub3A_1972 = arith.constant 1 : i32
    %sub3A_1973 = arith.subi %div3A_1952, %sub3A_1972 : i32
    %select_n3A_1974 = arith.select %and3A_1971, %sub3A_1973, %div3A_1952 : i32
    %mul3A_1975 = arith.constant 128 : i32
    %mul3A_1976 = arith.muli %select_n3A_1974, %mul3A_1975 : i32
    %multiple_of3A_1977 = tpu.assume_multiple %mul3A_1976, 128 : i32
    %dma_start3A_1978 = arith.constant 0 : i32
    %dma_start3A_1979 = arith.constant 6272 : i32
    %dma_start3A_1980 = tpu.memref_slice %arg15[%dma_start3A_1978, %dma_start3A_1979] : memref<32x8192xf32, #tpu.memory_space<vmem>> -> memref<32x128xf32, #tpu.memory_space<vmem>>
    %dma_start3A_1981 = arith.constant 0 : i32
    %dma_start3A_1982 = tpu.memref_slice %arg4[%dma_start3A_1981, %multiple_of3A_1977] : memref<32x100000xf32, #tpu.memory_space<any>> -> memref<32x128xf32, #tpu.memory_space<any>>
    tpu.enqueue_dma source(%dma_start3A_1982 : memref<32x128xf32, #tpu.memory_space<any>>) target(%dma_start3A_1980 : memref<32x128xf32, #tpu.memory_space<vmem>>) target_semaphore(%arg17 : memref<!tpu.dma_semaphore, #tpu.memory_space<semaphore_mem>>)
    %dma_start3A_1983 = arith.constant 0 : i32
    %dma_start3A_1984 = arith.constant 6272 : i32
    %dma_start3A_1985 = tpu.memref_slice %arg16[%dma_start3A_1983, %dma_start3A_1984] : memref<64x8192xf32, #tpu.memory_space<vmem>> -> memref<64x128xf32, #tpu.memory_space<vmem>>
    %dma_start3A_1986 = arith.constant 0 : i32
    %dma_start3A_1987 = tpu.memref_slice %arg5[%dma_start3A_1986, %multiple_of3A_1977] : memref<64x100000xf32, #tpu.memory_space<any>> -> memref<64x128xf32, #tpu.memory_space<any>>
    tpu.enqueue_dma source(%dma_start3A_1987 : memref<64x128xf32, #tpu.memory_space<any>>) target(%dma_start3A_1985 : memref<64x128xf32, #tpu.memory_space<vmem>>) target_semaphore(%arg17 : memref<!tpu.dma_semaphore, #tpu.memory_space<semaphore_mem>>)
    %get3A_1988 = arith.constant 0 : index
    %get3A_1989 = arith.constant 50 : index
    %get3A_1990 = memref.load %arg1[%get3A_1988, %get3A_1989] : memref<1x64xi32, #tpu.memory_space<smem>>
    %jit3A_1991 = arith.constant 128 : i32
    %div3A_1992 = arith.divsi %get3A_1990, %jit3A_1991 : i32
    %sign3A_1993 = arith.constant 0 : i32
    %sign3A_1994 = arith.cmpi sgt, %get3A_1990, %sign3A_1993 : i32
    %sign3A_1995 = arith.extui %sign3A_1994 : i1 to i32
    %sign3A_1996 = arith.constant 0 : i32
    %sign3A_1997 = arith.cmpi slt, %get3A_1990, %sign3A_1996 : i32
    %sign3A_1998 = arith.extui %sign3A_1997 : i1 to i32
    %sign3A_1999 = arith.subi %sign3A_1995, %sign3A_1998 : i32
    %sign3A_2000 = arith.constant 0 : i32
    %sign3A_2001 = arith.cmpi sgt, %jit3A_1991, %sign3A_2000 : i32
    %sign3A_2002 = arith.extui %sign3A_2001 : i1 to i32
    %sign3A_2003 = arith.constant 0 : i32
    %sign3A_2004 = arith.cmpi slt, %jit3A_1991, %sign3A_2003 : i32
    %sign3A_2005 = arith.extui %sign3A_2004 : i1 to i32
    %sign3A_2006 = arith.subi %sign3A_2002, %sign3A_2005 : i32
    %ne3A_2007 = arith.cmpi ne, %sign3A_1999, %sign3A_2006 : i32
    %rem3A_2008 = arith.remsi %get3A_1990, %jit3A_1991 : i32
    %ne3A_2009 = arith.constant 0 : i32
    %ne3A_2010 = arith.cmpi ne, %rem3A_2008, %ne3A_2009 : i32
    %and3A_2011 = arith.andi %ne3A_2007, %ne3A_2010 : i1
    %sub3A_2012 = arith.constant 1 : i32
    %sub3A_2013 = arith.subi %div3A_1992, %sub3A_2012 : i32
    %select_n3A_2014 = arith.select %and3A_2011, %sub3A_2013, %div3A_1992 : i32
    %mul3A_2015 = arith.constant 128 : i32
    %mul3A_2016 = arith.muli %select_n3A_2014, %mul3A_2015 : i32
    %multiple_of3A_2017 = tpu.assume_multiple %mul3A_2016, 128 : i32
    %dma_start3A_2018 = arith.constant 0 : i32
    %dma_start3A_2019 = arith.constant 6400 : i32
    %dma_start3A_2020 = tpu.memref_slice %arg15[%dma_start3A_2018, %dma_start3A_2019] : memref<32x8192xf32, #tpu.memory_space<vmem>> -> memref<32x128xf32, #tpu.memory_space<vmem>>
    %dma_start3A_2021 = arith.constant 0 : i32
    %dma_start3A_2022 = tpu.memref_slice %arg4[%dma_start3A_2021, %multiple_of3A_2017] : memref<32x100000xf32, #tpu.memory_space<any>> -> memref<32x128xf32, #tpu.memory_space<any>>
    tpu.enqueue_dma source(%dma_start3A_2022 : memref<32x128xf32, #tpu.memory_space<any>>) target(%dma_start3A_2020 : memref<32x128xf32, #tpu.memory_space<vmem>>) target_semaphore(%arg17 : memref<!tpu.dma_semaphore, #tpu.memory_space<semaphore_mem>>)
    %dma_start3A_2023 = arith.constant 0 : i32
    %dma_start3A_2024 = arith.constant 6400 : i32
    %dma_start3A_2025 = tpu.memref_slice %arg16[%dma_start3A_2023, %dma_start3A_2024] : memref<64x8192xf32, #tpu.memory_space<vmem>> -> memref<64x128xf32, #tpu.memory_space<vmem>>
    %dma_start3A_2026 = arith.constant 0 : i32
    %dma_start3A_2027 = tpu.memref_slice %arg5[%dma_start3A_2026, %multiple_of3A_2017] : memref<64x100000xf32, #tpu.memory_space<any>> -> memref<64x128xf32, #tpu.memory_space<any>>
    tpu.enqueue_dma source(%dma_start3A_2027 : memref<64x128xf32, #tpu.memory_space<any>>) target(%dma_start3A_2025 : memref<64x128xf32, #tpu.memory_space<vmem>>) target_semaphore(%arg17 : memref<!tpu.dma_semaphore, #tpu.memory_space<semaphore_mem>>)
    %get3A_2028 = arith.constant 0 : index
    %get3A_2029 = arith.constant 51 : index
    %get3A_2030 = memref.load %arg1[%get3A_2028, %get3A_2029] : memref<1x64xi32, #tpu.memory_space<smem>>
    %jit3A_2031 = arith.constant 128 : i32
    %div3A_2032 = arith.divsi %get3A_2030, %jit3A_2031 : i32
    %sign3A_2033 = arith.constant 0 : i32
    %sign3A_2034 = arith.cmpi sgt, %get3A_2030, %sign3A_2033 : i32
    %sign3A_2035 = arith.extui %sign3A_2034 : i1 to i32
    %sign3A_2036 = arith.constant 0 : i32
    %sign3A_2037 = arith.cmpi slt, %get3A_2030, %sign3A_2036 : i32
    %sign3A_2038 = arith.extui %sign3A_2037 : i1 to i32
    %sign3A_2039 = arith.subi %sign3A_2035, %sign3A_2038 : i32
    %sign3A_2040 = arith.constant 0 : i32
    %sign3A_2041 = arith.cmpi sgt, %jit3A_2031, %sign3A_2040 : i32
    %sign3A_2042 = arith.extui %sign3A_2041 : i1 to i32
    %sign3A_2043 = arith.constant 0 : i32
    %sign3A_2044 = arith.cmpi slt, %jit3A_2031, %sign3A_2043 : i32
    %sign3A_2045 = arith.extui %sign3A_2044 : i1 to i32
    %sign3A_2046 = arith.subi %sign3A_2042, %sign3A_2045 : i32
    %ne3A_2047 = arith.cmpi ne, %sign3A_2039, %sign3A_2046 : i32
    %rem3A_2048 = arith.remsi %get3A_2030, %jit3A_2031 : i32
    %ne3A_2049 = arith.constant 0 : i32
    %ne3A_2050 = arith.cmpi ne, %rem3A_2048, %ne3A_2049 : i32
    %and3A_2051 = arith.andi %ne3A_2047, %ne3A_2050 : i1
    %sub3A_2052 = arith.constant 1 : i32
    %sub3A_2053 = arith.subi %div3A_2032, %sub3A_2052 : i32
    %select_n3A_2054 = arith.select %and3A_2051, %sub3A_2053, %div3A_2032 : i32
    %mul3A_2055 = arith.constant 128 : i32
    %mul3A_2056 = arith.muli %select_n3A_2054, %mul3A_2055 : i32
    %multiple_of3A_2057 = tpu.assume_multiple %mul3A_2056, 128 : i32
    %dma_start3A_2058 = arith.constant 0 : i32
    %dma_start3A_2059 = arith.constant 6528 : i32
    %dma_start3A_2060 = tpu.memref_slice %arg15[%dma_start3A_2058, %dma_start3A_2059] : memref<32x8192xf32, #tpu.memory_space<vmem>> -> memref<32x128xf32, #tpu.memory_space<vmem>>
    %dma_start3A_2061 = arith.constant 0 : i32
    %dma_start3A_2062 = tpu.memref_slice %arg4[%dma_start3A_2061, %multiple_of3A_2057] : memref<32x100000xf32, #tpu.memory_space<any>> -> memref<32x128xf32, #tpu.memory_space<any>>
    tpu.enqueue_dma source(%dma_start3A_2062 : memref<32x128xf32, #tpu.memory_space<any>>) target(%dma_start3A_2060 : memref<32x128xf32, #tpu.memory_space<vmem>>) target_semaphore(%arg17 : memref<!tpu.dma_semaphore, #tpu.memory_space<semaphore_mem>>)
    %dma_start3A_2063 = arith.constant 0 : i32
    %dma_start3A_2064 = arith.constant 6528 : i32
    %dma_start3A_2065 = tpu.memref_slice %arg16[%dma_start3A_2063, %dma_start3A_2064] : memref<64x8192xf32, #tpu.memory_space<vmem>> -> memref<64x128xf32, #tpu.memory_space<vmem>>
    %dma_start3A_2066 = arith.constant 0 : i32
    %dma_start3A_2067 = tpu.memref_slice %arg5[%dma_start3A_2066, %multiple_of3A_2057] : memref<64x100000xf32, #tpu.memory_space<any>> -> memref<64x128xf32, #tpu.memory_space<any>>
    tpu.enqueue_dma source(%dma_start3A_2067 : memref<64x128xf32, #tpu.memory_space<any>>) target(%dma_start3A_2065 : memref<64x128xf32, #tpu.memory_space<vmem>>) target_semaphore(%arg17 : memref<!tpu.dma_semaphore, #tpu.memory_space<semaphore_mem>>)
    %get3A_2068 = arith.constant 0 : index
    %get3A_2069 = arith.constant 52 : index
    %get3A_2070 = memref.load %arg1[%get3A_2068, %get3A_2069] : memref<1x64xi32, #tpu.memory_space<smem>>
    %jit3A_2071 = arith.constant 128 : i32
    %div3A_2072 = arith.divsi %get3A_2070, %jit3A_2071 : i32
    %sign3A_2073 = arith.constant 0 : i32
    %sign3A_2074 = arith.cmpi sgt, %get3A_2070, %sign3A_2073 : i32
    %sign3A_2075 = arith.extui %sign3A_2074 : i1 to i32
    %sign3A_2076 = arith.constant 0 : i32
    %sign3A_2077 = arith.cmpi slt, %get3A_2070, %sign3A_2076 : i32
    %sign3A_2078 = arith.extui %sign3A_2077 : i1 to i32
    %sign3A_2079 = arith.subi %sign3A_2075, %sign3A_2078 : i32
    %sign3A_2080 = arith.constant 0 : i32
    %sign3A_2081 = arith.cmpi sgt, %jit3A_2071, %sign3A_2080 : i32
    %sign3A_2082 = arith.extui %sign3A_2081 : i1 to i32
    %sign3A_2083 = arith.constant 0 : i32
    %sign3A_2084 = arith.cmpi slt, %jit3A_2071, %sign3A_2083 : i32
    %sign3A_2085 = arith.extui %sign3A_2084 : i1 to i32
    %sign3A_2086 = arith.subi %sign3A_2082, %sign3A_2085 : i32
    %ne3A_2087 = arith.cmpi ne, %sign3A_2079, %sign3A_2086 : i32
    %rem3A_2088 = arith.remsi %get3A_2070, %jit3A_2071 : i32
    %ne3A_2089 = arith.constant 0 : i32
    %ne3A_2090 = arith.cmpi ne, %rem3A_2088, %ne3A_2089 : i32
    %and3A_2091 = arith.andi %ne3A_2087, %ne3A_2090 : i1
    %sub3A_2092 = arith.constant 1 : i32
    %sub3A_2093 = arith.subi %div3A_2072, %sub3A_2092 : i32
    %select_n3A_2094 = arith.select %and3A_2091, %sub3A_2093, %div3A_2072 : i32
    %mul3A_2095 = arith.constant 128 : i32
    %mul3A_2096 = arith.muli %select_n3A_2094, %mul3A_2095 : i32
    %multiple_of3A_2097 = tpu.assume_multiple %mul3A_2096, 128 : i32
    %dma_start3A_2098 = arith.constant 0 : i32
    %dma_start3A_2099 = arith.constant 6656 : i32
    %dma_start3A_2100 = tpu.memref_slice %arg15[%dma_start3A_2098, %dma_start3A_2099] : memref<32x8192xf32, #tpu.memory_space<vmem>> -> memref<32x128xf32, #tpu.memory_space<vmem>>
    %dma_start3A_2101 = arith.constant 0 : i32
    %dma_start3A_2102 = tpu.memref_slice %arg4[%dma_start3A_2101, %multiple_of3A_2097] : memref<32x100000xf32, #tpu.memory_space<any>> -> memref<32x128xf32, #tpu.memory_space<any>>
    tpu.enqueue_dma source(%dma_start3A_2102 : memref<32x128xf32, #tpu.memory_space<any>>) target(%dma_start3A_2100 : memref<32x128xf32, #tpu.memory_space<vmem>>) target_semaphore(%arg17 : memref<!tpu.dma_semaphore, #tpu.memory_space<semaphore_mem>>)
    %dma_start3A_2103 = arith.constant 0 : i32
    %dma_start3A_2104 = arith.constant 6656 : i32
    %dma_start3A_2105 = tpu.memref_slice %arg16[%dma_start3A_2103, %dma_start3A_2104] : memref<64x8192xf32, #tpu.memory_space<vmem>> -> memref<64x128xf32, #tpu.memory_space<vmem>>
    %dma_start3A_2106 = arith.constant 0 : i32
    %dma_start3A_2107 = tpu.memref_slice %arg5[%dma_start3A_2106, %multiple_of3A_2097] : memref<64x100000xf32, #tpu.memory_space<any>> -> memref<64x128xf32, #tpu.memory_space<any>>
    tpu.enqueue_dma source(%dma_start3A_2107 : memref<64x128xf32, #tpu.memory_space<any>>) target(%dma_start3A_2105 : memref<64x128xf32, #tpu.memory_space<vmem>>) target_semaphore(%arg17 : memref<!tpu.dma_semaphore, #tpu.memory_space<semaphore_mem>>)
    %get3A_2108 = arith.constant 0 : index
    %get3A_2109 = arith.constant 53 : index
    %get3A_2110 = memref.load %arg1[%get3A_2108, %get3A_2109] : memref<1x64xi32, #tpu.memory_space<smem>>
    %jit3A_2111 = arith.constant 128 : i32
    %div3A_2112 = arith.divsi %get3A_2110, %jit3A_2111 : i32
    %sign3A_2113 = arith.constant 0 : i32
    %sign3A_2114 = arith.cmpi sgt, %get3A_2110, %sign3A_2113 : i32
    %sign3A_2115 = arith.extui %sign3A_2114 : i1 to i32
    %sign3A_2116 = arith.constant 0 : i32
    %sign3A_2117 = arith.cmpi slt, %get3A_2110, %sign3A_2116 : i32
    %sign3A_2118 = arith.extui %sign3A_2117 : i1 to i32
    %sign3A_2119 = arith.subi %sign3A_2115, %sign3A_2118 : i32
    %sign3A_2120 = arith.constant 0 : i32
    %sign3A_2121 = arith.cmpi sgt, %jit3A_2111, %sign3A_2120 : i32
    %sign3A_2122 = arith.extui %sign3A_2121 : i1 to i32
    %sign3A_2123 = arith.constant 0 : i32
    %sign3A_2124 = arith.cmpi slt, %jit3A_2111, %sign3A_2123 : i32
    %sign3A_2125 = arith.extui %sign3A_2124 : i1 to i32
    %sign3A_2126 = arith.subi %sign3A_2122, %sign3A_2125 : i32
    %ne3A_2127 = arith.cmpi ne, %sign3A_2119, %sign3A_2126 : i32
    %rem3A_2128 = arith.remsi %get3A_2110, %jit3A_2111 : i32
    %ne3A_2129 = arith.constant 0 : i32
    %ne3A_2130 = arith.cmpi ne, %rem3A_2128, %ne3A_2129 : i32
    %and3A_2131 = arith.andi %ne3A_2127, %ne3A_2130 : i1
    %sub3A_2132 = arith.constant 1 : i32
    %sub3A_2133 = arith.subi %div3A_2112, %sub3A_2132 : i32
    %select_n3A_2134 = arith.select %and3A_2131, %sub3A_2133, %div3A_2112 : i32
    %mul3A_2135 = arith.constant 128 : i32
    %mul3A_2136 = arith.muli %select_n3A_2134, %mul3A_2135 : i32
    %multiple_of3A_2137 = tpu.assume_multiple %mul3A_2136, 128 : i32
    %dma_start3A_2138 = arith.constant 0 : i32
    %dma_start3A_2139 = arith.constant 6784 : i32
    %dma_start3A_2140 = tpu.memref_slice %arg15[%dma_start3A_2138, %dma_start3A_2139] : memref<32x8192xf32, #tpu.memory_space<vmem>> -> memref<32x128xf32, #tpu.memory_space<vmem>>
    %dma_start3A_2141 = arith.constant 0 : i32
    %dma_start3A_2142 = tpu.memref_slice %arg4[%dma_start3A_2141, %multiple_of3A_2137] : memref<32x100000xf32, #tpu.memory_space<any>> -> memref<32x128xf32, #tpu.memory_space<any>>
    tpu.enqueue_dma source(%dma_start3A_2142 : memref<32x128xf32, #tpu.memory_space<any>>) target(%dma_start3A_2140 : memref<32x128xf32, #tpu.memory_space<vmem>>) target_semaphore(%arg17 : memref<!tpu.dma_semaphore, #tpu.memory_space<semaphore_mem>>)
    %dma_start3A_2143 = arith.constant 0 : i32
    %dma_start3A_2144 = arith.constant 6784 : i32
    %dma_start3A_2145 = tpu.memref_slice %arg16[%dma_start3A_2143, %dma_start3A_2144] : memref<64x8192xf32, #tpu.memory_space<vmem>> -> memref<64x128xf32, #tpu.memory_space<vmem>>
    %dma_start3A_2146 = arith.constant 0 : i32
    %dma_start3A_2147 = tpu.memref_slice %arg5[%dma_start3A_2146, %multiple_of3A_2137] : memref<64x100000xf32, #tpu.memory_space<any>> -> memref<64x128xf32, #tpu.memory_space<any>>
    tpu.enqueue_dma source(%dma_start3A_2147 : memref<64x128xf32, #tpu.memory_space<any>>) target(%dma_start3A_2145 : memref<64x128xf32, #tpu.memory_space<vmem>>) target_semaphore(%arg17 : memref<!tpu.dma_semaphore, #tpu.memory_space<semaphore_mem>>)
    %get3A_2148 = arith.constant 0 : index
    %get3A_2149 = arith.constant 54 : index
    %get3A_2150 = memref.load %arg1[%get3A_2148, %get3A_2149] : memref<1x64xi32, #tpu.memory_space<smem>>
    %jit3A_2151 = arith.constant 128 : i32
    %div3A_2152 = arith.divsi %get3A_2150, %jit3A_2151 : i32
    %sign3A_2153 = arith.constant 0 : i32
    %sign3A_2154 = arith.cmpi sgt, %get3A_2150, %sign3A_2153 : i32
    %sign3A_2155 = arith.extui %sign3A_2154 : i1 to i32
    %sign3A_2156 = arith.constant 0 : i32
    %sign3A_2157 = arith.cmpi slt, %get3A_2150, %sign3A_2156 : i32
    %sign3A_2158 = arith.extui %sign3A_2157 : i1 to i32
    %sign3A_2159 = arith.subi %sign3A_2155, %sign3A_2158 : i32
    %sign3A_2160 = arith.constant 0 : i32
    %sign3A_2161 = arith.cmpi sgt, %jit3A_2151, %sign3A_2160 : i32
    %sign3A_2162 = arith.extui %sign3A_2161 : i1 to i32
    %sign3A_2163 = arith.constant 0 : i32
    %sign3A_2164 = arith.cmpi slt, %jit3A_2151, %sign3A_2163 : i32
    %sign3A_2165 = arith.extui %sign3A_2164 : i1 to i32
    %sign3A_2166 = arith.subi %sign3A_2162, %sign3A_2165 : i32
    %ne3A_2167 = arith.cmpi ne, %sign3A_2159, %sign3A_2166 : i32
    %rem3A_2168 = arith.remsi %get3A_2150, %jit3A_2151 : i32
    %ne3A_2169 = arith.constant 0 : i32
    %ne3A_2170 = arith.cmpi ne, %rem3A_2168, %ne3A_2169 : i32
    %and3A_2171 = arith.andi %ne3A_2167, %ne3A_2170 : i1
    %sub3A_2172 = arith.constant 1 : i32
    %sub3A_2173 = arith.subi %div3A_2152, %sub3A_2172 : i32
    %select_n3A_2174 = arith.select %and3A_2171, %sub3A_2173, %div3A_2152 : i32
    %mul3A_2175 = arith.constant 128 : i32
    %mul3A_2176 = arith.muli %select_n3A_2174, %mul3A_2175 : i32
    %multiple_of3A_2177 = tpu.assume_multiple %mul3A_2176, 128 : i32
    %dma_start3A_2178 = arith.constant 0 : i32
    %dma_start3A_2179 = arith.constant 6912 : i32
    %dma_start3A_2180 = tpu.memref_slice %arg15[%dma_start3A_2178, %dma_start3A_2179] : memref<32x8192xf32, #tpu.memory_space<vmem>> -> memref<32x128xf32, #tpu.memory_space<vmem>>
    %dma_start3A_2181 = arith.constant 0 : i32
    %dma_start3A_2182 = tpu.memref_slice %arg4[%dma_start3A_2181, %multiple_of3A_2177] : memref<32x100000xf32, #tpu.memory_space<any>> -> memref<32x128xf32, #tpu.memory_space<any>>
    tpu.enqueue_dma source(%dma_start3A_2182 : memref<32x128xf32, #tpu.memory_space<any>>) target(%dma_start3A_2180 : memref<32x128xf32, #tpu.memory_space<vmem>>) target_semaphore(%arg17 : memref<!tpu.dma_semaphore, #tpu.memory_space<semaphore_mem>>)
    %dma_start3A_2183 = arith.constant 0 : i32
    %dma_start3A_2184 = arith.constant 6912 : i32
    %dma_start3A_2185 = tpu.memref_slice %arg16[%dma_start3A_2183, %dma_start3A_2184] : memref<64x8192xf32, #tpu.memory_space<vmem>> -> memref<64x128xf32, #tpu.memory_space<vmem>>
    %dma_start3A_2186 = arith.constant 0 : i32
    %dma_start3A_2187 = tpu.memref_slice %arg5[%dma_start3A_2186, %multiple_of3A_2177] : memref<64x100000xf32, #tpu.memory_space<any>> -> memref<64x128xf32, #tpu.memory_space<any>>
    tpu.enqueue_dma source(%dma_start3A_2187 : memref<64x128xf32, #tpu.memory_space<any>>) target(%dma_start3A_2185 : memref<64x128xf32, #tpu.memory_space<vmem>>) target_semaphore(%arg17 : memref<!tpu.dma_semaphore, #tpu.memory_space<semaphore_mem>>)
    %get3A_2188 = arith.constant 0 : index
    %get3A_2189 = arith.constant 55 : index
    %get3A_2190 = memref.load %arg1[%get3A_2188, %get3A_2189] : memref<1x64xi32, #tpu.memory_space<smem>>
    %jit3A_2191 = arith.constant 128 : i32
    %div3A_2192 = arith.divsi %get3A_2190, %jit3A_2191 : i32
    %sign3A_2193 = arith.constant 0 : i32
    %sign3A_2194 = arith.cmpi sgt, %get3A_2190, %sign3A_2193 : i32
    %sign3A_2195 = arith.extui %sign3A_2194 : i1 to i32
    %sign3A_2196 = arith.constant 0 : i32
    %sign3A_2197 = arith.cmpi slt, %get3A_2190, %sign3A_2196 : i32
    %sign3A_2198 = arith.extui %sign3A_2197 : i1 to i32
    %sign3A_2199 = arith.subi %sign3A_2195, %sign3A_2198 : i32
    %sign3A_2200 = arith.constant 0 : i32
    %sign3A_2201 = arith.cmpi sgt, %jit3A_2191, %sign3A_2200 : i32
    %sign3A_2202 = arith.extui %sign3A_2201 : i1 to i32
    %sign3A_2203 = arith.constant 0 : i32
    %sign3A_2204 = arith.cmpi slt, %jit3A_2191, %sign3A_2203 : i32
    %sign3A_2205 = arith.extui %sign3A_2204 : i1 to i32
    %sign3A_2206 = arith.subi %sign3A_2202, %sign3A_2205 : i32
    %ne3A_2207 = arith.cmpi ne, %sign3A_2199, %sign3A_2206 : i32
    %rem3A_2208 = arith.remsi %get3A_2190, %jit3A_2191 : i32
    %ne3A_2209 = arith.constant 0 : i32
    %ne3A_2210 = arith.cmpi ne, %rem3A_2208, %ne3A_2209 : i32
    %and3A_2211 = arith.andi %ne3A_2207, %ne3A_2210 : i1
    %sub3A_2212 = arith.constant 1 : i32
    %sub3A_2213 = arith.subi %div3A_2192, %sub3A_2212 : i32
    %select_n3A_2214 = arith.select %and3A_2211, %sub3A_2213, %div3A_2192 : i32
    %mul3A_2215 = arith.constant 128 : i32
    %mul3A_2216 = arith.muli %select_n3A_2214, %mul3A_2215 : i32
    %multiple_of3A_2217 = tpu.assume_multiple %mul3A_2216, 128 : i32
    %dma_start3A_2218 = arith.constant 0 : i32
    %dma_start3A_2219 = arith.constant 7040 : i32
    %dma_start3A_2220 = tpu.memref_slice %arg15[%dma_start3A_2218, %dma_start3A_2219] : memref<32x8192xf32, #tpu.memory_space<vmem>> -> memref<32x128xf32, #tpu.memory_space<vmem>>
    %dma_start3A_2221 = arith.constant 0 : i32
    %dma_start3A_2222 = tpu.memref_slice %arg4[%dma_start3A_2221, %multiple_of3A_2217] : memref<32x100000xf32, #tpu.memory_space<any>> -> memref<32x128xf32, #tpu.memory_space<any>>
    tpu.enqueue_dma source(%dma_start3A_2222 : memref<32x128xf32, #tpu.memory_space<any>>) target(%dma_start3A_2220 : memref<32x128xf32, #tpu.memory_space<vmem>>) target_semaphore(%arg17 : memref<!tpu.dma_semaphore, #tpu.memory_space<semaphore_mem>>)
    %dma_start3A_2223 = arith.constant 0 : i32
    %dma_start3A_2224 = arith.constant 7040 : i32
    %dma_start3A_2225 = tpu.memref_slice %arg16[%dma_start3A_2223, %dma_start3A_2224] : memref<64x8192xf32, #tpu.memory_space<vmem>> -> memref<64x128xf32, #tpu.memory_space<vmem>>
    %dma_start3A_2226 = arith.constant 0 : i32
    %dma_start3A_2227 = tpu.memref_slice %arg5[%dma_start3A_2226, %multiple_of3A_2217] : memref<64x100000xf32, #tpu.memory_space<any>> -> memref<64x128xf32, #tpu.memory_space<any>>
    tpu.enqueue_dma source(%dma_start3A_2227 : memref<64x128xf32, #tpu.memory_space<any>>) target(%dma_start3A_2225 : memref<64x128xf32, #tpu.memory_space<vmem>>) target_semaphore(%arg17 : memref<!tpu.dma_semaphore, #tpu.memory_space<semaphore_mem>>)
    %get3A_2228 = arith.constant 0 : index
    %get3A_2229 = arith.constant 56 : index
    %get3A_2230 = memref.load %arg1[%get3A_2228, %get3A_2229] : memref<1x64xi32, #tpu.memory_space<smem>>
    %jit3A_2231 = arith.constant 128 : i32
    %div3A_2232 = arith.divsi %get3A_2230, %jit3A_2231 : i32
    %sign3A_2233 = arith.constant 0 : i32
    %sign3A_2234 = arith.cmpi sgt, %get3A_2230, %sign3A_2233 : i32
    %sign3A_2235 = arith.extui %sign3A_2234 : i1 to i32
    %sign3A_2236 = arith.constant 0 : i32
    %sign3A_2237 = arith.cmpi slt, %get3A_2230, %sign3A_2236 : i32
    %sign3A_2238 = arith.extui %sign3A_2237 : i1 to i32
    %sign3A_2239 = arith.subi %sign3A_2235, %sign3A_2238 : i32
    %sign3A_2240 = arith.constant 0 : i32
    %sign3A_2241 = arith.cmpi sgt, %jit3A_2231, %sign3A_2240 : i32
    %sign3A_2242 = arith.extui %sign3A_2241 : i1 to i32
    %sign3A_2243 = arith.constant 0 : i32
    %sign3A_2244 = arith.cmpi slt, %jit3A_2231, %sign3A_2243 : i32
    %sign3A_2245 = arith.extui %sign3A_2244 : i1 to i32
    %sign3A_2246 = arith.subi %sign3A_2242, %sign3A_2245 : i32
    %ne3A_2247 = arith.cmpi ne, %sign3A_2239, %sign3A_2246 : i32
    %rem3A_2248 = arith.remsi %get3A_2230, %jit3A_2231 : i32
    %ne3A_2249 = arith.constant 0 : i32
    %ne3A_2250 = arith.cmpi ne, %rem3A_2248, %ne3A_2249 : i32
    %and3A_2251 = arith.andi %ne3A_2247, %ne3A_2250 : i1
    %sub3A_2252 = arith.constant 1 : i32
    %sub3A_2253 = arith.subi %div3A_2232, %sub3A_2252 : i32
    %select_n3A_2254 = arith.select %and3A_2251, %sub3A_2253, %div3A_2232 : i32
    %mul3A_2255 = arith.constant 128 : i32
    %mul3A_2256 = arith.muli %select_n3A_2254, %mul3A_2255 : i32
    %multiple_of3A_2257 = tpu.assume_multiple %mul3A_2256, 128 : i32
    %dma_start3A_2258 = arith.constant 0 : i32
    %dma_start3A_2259 = arith.constant 7168 : i32
    %dma_start3A_2260 = tpu.memref_slice %arg15[%dma_start3A_2258, %dma_start3A_2259] : memref<32x8192xf32, #tpu.memory_space<vmem>> -> memref<32x128xf32, #tpu.memory_space<vmem>>
    %dma_start3A_2261 = arith.constant 0 : i32
    %dma_start3A_2262 = tpu.memref_slice %arg4[%dma_start3A_2261, %multiple_of3A_2257] : memref<32x100000xf32, #tpu.memory_space<any>> -> memref<32x128xf32, #tpu.memory_space<any>>
    tpu.enqueue_dma source(%dma_start3A_2262 : memref<32x128xf32, #tpu.memory_space<any>>) target(%dma_start3A_2260 : memref<32x128xf32, #tpu.memory_space<vmem>>) target_semaphore(%arg17 : memref<!tpu.dma_semaphore, #tpu.memory_space<semaphore_mem>>)
    %dma_start3A_2263 = arith.constant 0 : i32
    %dma_start3A_2264 = arith.constant 7168 : i32
    %dma_start3A_2265 = tpu.memref_slice %arg16[%dma_start3A_2263, %dma_start3A_2264] : memref<64x8192xf32, #tpu.memory_space<vmem>> -> memref<64x128xf32, #tpu.memory_space<vmem>>
    %dma_start3A_2266 = arith.constant 0 : i32
    %dma_start3A_2267 = tpu.memref_slice %arg5[%dma_start3A_2266, %multiple_of3A_2257] : memref<64x100000xf32, #tpu.memory_space<any>> -> memref<64x128xf32, #tpu.memory_space<any>>
    tpu.enqueue_dma source(%dma_start3A_2267 : memref<64x128xf32, #tpu.memory_space<any>>) target(%dma_start3A_2265 : memref<64x128xf32, #tpu.memory_space<vmem>>) target_semaphore(%arg17 : memref<!tpu.dma_semaphore, #tpu.memory_space<semaphore_mem>>)
    %get3A_2268 = arith.constant 0 : index
    %get3A_2269 = arith.constant 57 : index
    %get3A_2270 = memref.load %arg1[%get3A_2268, %get3A_2269] : memref<1x64xi32, #tpu.memory_space<smem>>
    %jit3A_2271 = arith.constant 128 : i32
    %div3A_2272 = arith.divsi %get3A_2270, %jit3A_2271 : i32
    %sign3A_2273 = arith.constant 0 : i32
    %sign3A_2274 = arith.cmpi sgt, %get3A_2270, %sign3A_2273 : i32
    %sign3A_2275 = arith.extui %sign3A_2274 : i1 to i32
    %sign3A_2276 = arith.constant 0 : i32
    %sign3A_2277 = arith.cmpi slt, %get3A_2270, %sign3A_2276 : i32
    %sign3A_2278 = arith.extui %sign3A_2277 : i1 to i32
    %sign3A_2279 = arith.subi %sign3A_2275, %sign3A_2278 : i32
    %sign3A_2280 = arith.constant 0 : i32
    %sign3A_2281 = arith.cmpi sgt, %jit3A_2271, %sign3A_2280 : i32
    %sign3A_2282 = arith.extui %sign3A_2281 : i1 to i32
    %sign3A_2283 = arith.constant 0 : i32
    %sign3A_2284 = arith.cmpi slt, %jit3A_2271, %sign3A_2283 : i32
    %sign3A_2285 = arith.extui %sign3A_2284 : i1 to i32
    %sign3A_2286 = arith.subi %sign3A_2282, %sign3A_2285 : i32
    %ne3A_2287 = arith.cmpi ne, %sign3A_2279, %sign3A_2286 : i32
    %rem3A_2288 = arith.remsi %get3A_2270, %jit3A_2271 : i32
    %ne3A_2289 = arith.constant 0 : i32
    %ne3A_2290 = arith.cmpi ne, %rem3A_2288, %ne3A_2289 : i32
    %and3A_2291 = arith.andi %ne3A_2287, %ne3A_2290 : i1
    %sub3A_2292 = arith.constant 1 : i32
    %sub3A_2293 = arith.subi %div3A_2272, %sub3A_2292 : i32
    %select_n3A_2294 = arith.select %and3A_2291, %sub3A_2293, %div3A_2272 : i32
    %mul3A_2295 = arith.constant 128 : i32
    %mul3A_2296 = arith.muli %select_n3A_2294, %mul3A_2295 : i32
    %multiple_of3A_2297 = tpu.assume_multiple %mul3A_2296, 128 : i32
    %dma_start3A_2298 = arith.constant 0 : i32
    %dma_start3A_2299 = arith.constant 7296 : i32
    %dma_start3A_2300 = tpu.memref_slice %arg15[%dma_start3A_2298, %dma_start3A_2299] : memref<32x8192xf32, #tpu.memory_space<vmem>> -> memref<32x128xf32, #tpu.memory_space<vmem>>
    %dma_start3A_2301 = arith.constant 0 : i32
    %dma_start3A_2302 = tpu.memref_slice %arg4[%dma_start3A_2301, %multiple_of3A_2297] : memref<32x100000xf32, #tpu.memory_space<any>> -> memref<32x128xf32, #tpu.memory_space<any>>
    tpu.enqueue_dma source(%dma_start3A_2302 : memref<32x128xf32, #tpu.memory_space<any>>) target(%dma_start3A_2300 : memref<32x128xf32, #tpu.memory_space<vmem>>) target_semaphore(%arg17 : memref<!tpu.dma_semaphore, #tpu.memory_space<semaphore_mem>>)
    %dma_start3A_2303 = arith.constant 0 : i32
    %dma_start3A_2304 = arith.constant 7296 : i32
    %dma_start3A_2305 = tpu.memref_slice %arg16[%dma_start3A_2303, %dma_start3A_2304] : memref<64x8192xf32, #tpu.memory_space<vmem>> -> memref<64x128xf32, #tpu.memory_space<vmem>>
    %dma_start3A_2306 = arith.constant 0 : i32
    %dma_start3A_2307 = tpu.memref_slice %arg5[%dma_start3A_2306, %multiple_of3A_2297] : memref<64x100000xf32, #tpu.memory_space<any>> -> memref<64x128xf32, #tpu.memory_space<any>>
    tpu.enqueue_dma source(%dma_start3A_2307 : memref<64x128xf32, #tpu.memory_space<any>>) target(%dma_start3A_2305 : memref<64x128xf32, #tpu.memory_space<vmem>>) target_semaphore(%arg17 : memref<!tpu.dma_semaphore, #tpu.memory_space<semaphore_mem>>)
    %get3A_2308 = arith.constant 0 : index
    %get3A_2309 = arith.constant 58 : index
    %get3A_2310 = memref.load %arg1[%get3A_2308, %get3A_2309] : memref<1x64xi32, #tpu.memory_space<smem>>
    %jit3A_2311 = arith.constant 128 : i32
    %div3A_2312 = arith.divsi %get3A_2310, %jit3A_2311 : i32
    %sign3A_2313 = arith.constant 0 : i32
    %sign3A_2314 = arith.cmpi sgt, %get3A_2310, %sign3A_2313 : i32
    %sign3A_2315 = arith.extui %sign3A_2314 : i1 to i32
    %sign3A_2316 = arith.constant 0 : i32
    %sign3A_2317 = arith.cmpi slt, %get3A_2310, %sign3A_2316 : i32
    %sign3A_2318 = arith.extui %sign3A_2317 : i1 to i32
    %sign3A_2319 = arith.subi %sign3A_2315, %sign3A_2318 : i32
    %sign3A_2320 = arith.constant 0 : i32
    %sign3A_2321 = arith.cmpi sgt, %jit3A_2311, %sign3A_2320 : i32
    %sign3A_2322 = arith.extui %sign3A_2321 : i1 to i32
    %sign3A_2323 = arith.constant 0 : i32
    %sign3A_2324 = arith.cmpi slt, %jit3A_2311, %sign3A_2323 : i32
    %sign3A_2325 = arith.extui %sign3A_2324 : i1 to i32
    %sign3A_2326 = arith.subi %sign3A_2322, %sign3A_2325 : i32
    %ne3A_2327 = arith.cmpi ne, %sign3A_2319, %sign3A_2326 : i32
    %rem3A_2328 = arith.remsi %get3A_2310, %jit3A_2311 : i32
    %ne3A_2329 = arith.constant 0 : i32
    %ne3A_2330 = arith.cmpi ne, %rem3A_2328, %ne3A_2329 : i32
    %and3A_2331 = arith.andi %ne3A_2327, %ne3A_2330 : i1
    %sub3A_2332 = arith.constant 1 : i32
    %sub3A_2333 = arith.subi %div3A_2312, %sub3A_2332 : i32
    %select_n3A_2334 = arith.select %and3A_2331, %sub3A_2333, %div3A_2312 : i32
    %mul3A_2335 = arith.constant 128 : i32
    %mul3A_2336 = arith.muli %select_n3A_2334, %mul3A_2335 : i32
    %multiple_of3A_2337 = tpu.assume_multiple %mul3A_2336, 128 : i32
    %dma_start3A_2338 = arith.constant 0 : i32
    %dma_start3A_2339 = arith.constant 7424 : i32
    %dma_start3A_2340 = tpu.memref_slice %arg15[%dma_start3A_2338, %dma_start3A_2339] : memref<32x8192xf32, #tpu.memory_space<vmem>> -> memref<32x128xf32, #tpu.memory_space<vmem>>
    %dma_start3A_2341 = arith.constant 0 : i32
    %dma_start3A_2342 = tpu.memref_slice %arg4[%dma_start3A_2341, %multiple_of3A_2337] : memref<32x100000xf32, #tpu.memory_space<any>> -> memref<32x128xf32, #tpu.memory_space<any>>
    tpu.enqueue_dma source(%dma_start3A_2342 : memref<32x128xf32, #tpu.memory_space<any>>) target(%dma_start3A_2340 : memref<32x128xf32, #tpu.memory_space<vmem>>) target_semaphore(%arg17 : memref<!tpu.dma_semaphore, #tpu.memory_space<semaphore_mem>>)
    %dma_start3A_2343 = arith.constant 0 : i32
    %dma_start3A_2344 = arith.constant 7424 : i32
    %dma_start3A_2345 = tpu.memref_slice %arg16[%dma_start3A_2343, %dma_start3A_2344] : memref<64x8192xf32, #tpu.memory_space<vmem>> -> memref<64x128xf32, #tpu.memory_space<vmem>>
    %dma_start3A_2346 = arith.constant 0 : i32
    %dma_start3A_2347 = tpu.memref_slice %arg5[%dma_start3A_2346, %multiple_of3A_2337] : memref<64x100000xf32, #tpu.memory_space<any>> -> memref<64x128xf32, #tpu.memory_space<any>>
    tpu.enqueue_dma source(%dma_start3A_2347 : memref<64x128xf32, #tpu.memory_space<any>>) target(%dma_start3A_2345 : memref<64x128xf32, #tpu.memory_space<vmem>>) target_semaphore(%arg17 : memref<!tpu.dma_semaphore, #tpu.memory_space<semaphore_mem>>)
    %get3A_2348 = arith.constant 0 : index
    %get3A_2349 = arith.constant 59 : index
    %get3A_2350 = memref.load %arg1[%get3A_2348, %get3A_2349] : memref<1x64xi32, #tpu.memory_space<smem>>
    %jit3A_2351 = arith.constant 128 : i32
    %div3A_2352 = arith.divsi %get3A_2350, %jit3A_2351 : i32
    %sign3A_2353 = arith.constant 0 : i32
    %sign3A_2354 = arith.cmpi sgt, %get3A_2350, %sign3A_2353 : i32
    %sign3A_2355 = arith.extui %sign3A_2354 : i1 to i32
    %sign3A_2356 = arith.constant 0 : i32
    %sign3A_2357 = arith.cmpi slt, %get3A_2350, %sign3A_2356 : i32
    %sign3A_2358 = arith.extui %sign3A_2357 : i1 to i32
    %sign3A_2359 = arith.subi %sign3A_2355, %sign3A_2358 : i32
    %sign3A_2360 = arith.constant 0 : i32
    %sign3A_2361 = arith.cmpi sgt, %jit3A_2351, %sign3A_2360 : i32
    %sign3A_2362 = arith.extui %sign3A_2361 : i1 to i32
    %sign3A_2363 = arith.constant 0 : i32
    %sign3A_2364 = arith.cmpi slt, %jit3A_2351, %sign3A_2363 : i32
    %sign3A_2365 = arith.extui %sign3A_2364 : i1 to i32
    %sign3A_2366 = arith.subi %sign3A_2362, %sign3A_2365 : i32
    %ne3A_2367 = arith.cmpi ne, %sign3A_2359, %sign3A_2366 : i32
    %rem3A_2368 = arith.remsi %get3A_2350, %jit3A_2351 : i32
    %ne3A_2369 = arith.constant 0 : i32
    %ne3A_2370 = arith.cmpi ne, %rem3A_2368, %ne3A_2369 : i32
    %and3A_2371 = arith.andi %ne3A_2367, %ne3A_2370 : i1
    %sub3A_2372 = arith.constant 1 : i32
    %sub3A_2373 = arith.subi %div3A_2352, %sub3A_2372 : i32
    %select_n3A_2374 = arith.select %and3A_2371, %sub3A_2373, %div3A_2352 : i32
    %mul3A_2375 = arith.constant 128 : i32
    %mul3A_2376 = arith.muli %select_n3A_2374, %mul3A_2375 : i32
    %multiple_of3A_2377 = tpu.assume_multiple %mul3A_2376, 128 : i32
    %dma_start3A_2378 = arith.constant 0 : i32
    %dma_start3A_2379 = arith.constant 7552 : i32
    %dma_start3A_2380 = tpu.memref_slice %arg15[%dma_start3A_2378, %dma_start3A_2379] : memref<32x8192xf32, #tpu.memory_space<vmem>> -> memref<32x128xf32, #tpu.memory_space<vmem>>
    %dma_start3A_2381 = arith.constant 0 : i32
    %dma_start3A_2382 = tpu.memref_slice %arg4[%dma_start3A_2381, %multiple_of3A_2377] : memref<32x100000xf32, #tpu.memory_space<any>> -> memref<32x128xf32, #tpu.memory_space<any>>
    tpu.enqueue_dma source(%dma_start3A_2382 : memref<32x128xf32, #tpu.memory_space<any>>) target(%dma_start3A_2380 : memref<32x128xf32, #tpu.memory_space<vmem>>) target_semaphore(%arg17 : memref<!tpu.dma_semaphore, #tpu.memory_space<semaphore_mem>>)
    %dma_start3A_2383 = arith.constant 0 : i32
    %dma_start3A_2384 = arith.constant 7552 : i32
    %dma_start3A_2385 = tpu.memref_slice %arg16[%dma_start3A_2383, %dma_start3A_2384] : memref<64x8192xf32, #tpu.memory_space<vmem>> -> memref<64x128xf32, #tpu.memory_space<vmem>>
    %dma_start3A_2386 = arith.constant 0 : i32
    %dma_start3A_2387 = tpu.memref_slice %arg5[%dma_start3A_2386, %multiple_of3A_2377] : memref<64x100000xf32, #tpu.memory_space<any>> -> memref<64x128xf32, #tpu.memory_space<any>>
    tpu.enqueue_dma source(%dma_start3A_2387 : memref<64x128xf32, #tpu.memory_space<any>>) target(%dma_start3A_2385 : memref<64x128xf32, #tpu.memory_space<vmem>>) target_semaphore(%arg17 : memref<!tpu.dma_semaphore, #tpu.memory_space<semaphore_mem>>)
    %get3A_2388 = arith.constant 0 : index
    %get3A_2389 = arith.constant 60 : index
    %get3A_2390 = memref.load %arg1[%get3A_2388, %get3A_2389] : memref<1x64xi32, #tpu.memory_space<smem>>
    %jit3A_2391 = arith.constant 128 : i32
    %div3A_2392 = arith.divsi %get3A_2390, %jit3A_2391 : i32
    %sign3A_2393 = arith.constant 0 : i32
    %sign3A_2394 = arith.cmpi sgt, %get3A_2390, %sign3A_2393 : i32
    %sign3A_2395 = arith.extui %sign3A_2394 : i1 to i32
    %sign3A_2396 = arith.constant 0 : i32
    %sign3A_2397 = arith.cmpi slt, %get3A_2390, %sign3A_2396 : i32
    %sign3A_2398 = arith.extui %sign3A_2397 : i1 to i32
    %sign3A_2399 = arith.subi %sign3A_2395, %sign3A_2398 : i32
    %sign3A_2400 = arith.constant 0 : i32
    %sign3A_2401 = arith.cmpi sgt, %jit3A_2391, %sign3A_2400 : i32
    %sign3A_2402 = arith.extui %sign3A_2401 : i1 to i32
    %sign3A_2403 = arith.constant 0 : i32
    %sign3A_2404 = arith.cmpi slt, %jit3A_2391, %sign3A_2403 : i32
    %sign3A_2405 = arith.extui %sign3A_2404 : i1 to i32
    %sign3A_2406 = arith.subi %sign3A_2402, %sign3A_2405 : i32
    %ne3A_2407 = arith.cmpi ne, %sign3A_2399, %sign3A_2406 : i32
    %rem3A_2408 = arith.remsi %get3A_2390, %jit3A_2391 : i32
    %ne3A_2409 = arith.constant 0 : i32
    %ne3A_2410 = arith.cmpi ne, %rem3A_2408, %ne3A_2409 : i32
    %and3A_2411 = arith.andi %ne3A_2407, %ne3A_2410 : i1
    %sub3A_2412 = arith.constant 1 : i32
    %sub3A_2413 = arith.subi %div3A_2392, %sub3A_2412 : i32
    %select_n3A_2414 = arith.select %and3A_2411, %sub3A_2413, %div3A_2392 : i32
    %mul3A_2415 = arith.constant 128 : i32
    %mul3A_2416 = arith.muli %select_n3A_2414, %mul3A_2415 : i32
    %multiple_of3A_2417 = tpu.assume_multiple %mul3A_2416, 128 : i32
    %dma_start3A_2418 = arith.constant 0 : i32
    %dma_start3A_2419 = arith.constant 7680 : i32
    %dma_start3A_2420 = tpu.memref_slice %arg15[%dma_start3A_2418, %dma_start3A_2419] : memref<32x8192xf32, #tpu.memory_space<vmem>> -> memref<32x128xf32, #tpu.memory_space<vmem>>
    %dma_start3A_2421 = arith.constant 0 : i32
    %dma_start3A_2422 = tpu.memref_slice %arg4[%dma_start3A_2421, %multiple_of3A_2417] : memref<32x100000xf32, #tpu.memory_space<any>> -> memref<32x128xf32, #tpu.memory_space<any>>
    tpu.enqueue_dma source(%dma_start3A_2422 : memref<32x128xf32, #tpu.memory_space<any>>) target(%dma_start3A_2420 : memref<32x128xf32, #tpu.memory_space<vmem>>) target_semaphore(%arg17 : memref<!tpu.dma_semaphore, #tpu.memory_space<semaphore_mem>>)
    %dma_start3A_2423 = arith.constant 0 : i32
    %dma_start3A_2424 = arith.constant 7680 : i32
    %dma_start3A_2425 = tpu.memref_slice %arg16[%dma_start3A_2423, %dma_start3A_2424] : memref<64x8192xf32, #tpu.memory_space<vmem>> -> memref<64x128xf32, #tpu.memory_space<vmem>>
    %dma_start3A_2426 = arith.constant 0 : i32
    %dma_start3A_2427 = tpu.memref_slice %arg5[%dma_start3A_2426, %multiple_of3A_2417] : memref<64x100000xf32, #tpu.memory_space<any>> -> memref<64x128xf32, #tpu.memory_space<any>>
    tpu.enqueue_dma source(%dma_start3A_2427 : memref<64x128xf32, #tpu.memory_space<any>>) target(%dma_start3A_2425 : memref<64x128xf32, #tpu.memory_space<vmem>>) target_semaphore(%arg17 : memref<!tpu.dma_semaphore, #tpu.memory_space<semaphore_mem>>)
    %get3A_2428 = arith.constant 0 : index
    %get3A_2429 = arith.constant 61 : index
    %get3A_2430 = memref.load %arg1[%get3A_2428, %get3A_2429] : memref<1x64xi32, #tpu.memory_space<smem>>
    %jit3A_2431 = arith.constant 128 : i32
    %div3A_2432 = arith.divsi %get3A_2430, %jit3A_2431 : i32
    %sign3A_2433 = arith.constant 0 : i32
    %sign3A_2434 = arith.cmpi sgt, %get3A_2430, %sign3A_2433 : i32
    %sign3A_2435 = arith.extui %sign3A_2434 : i1 to i32
    %sign3A_2436 = arith.constant 0 : i32
    %sign3A_2437 = arith.cmpi slt, %get3A_2430, %sign3A_2436 : i32
    %sign3A_2438 = arith.extui %sign3A_2437 : i1 to i32
    %sign3A_2439 = arith.subi %sign3A_2435, %sign3A_2438 : i32
    %sign3A_2440 = arith.constant 0 : i32
    %sign3A_2441 = arith.cmpi sgt, %jit3A_2431, %sign3A_2440 : i32
    %sign3A_2442 = arith.extui %sign3A_2441 : i1 to i32
    %sign3A_2443 = arith.constant 0 : i32
    %sign3A_2444 = arith.cmpi slt, %jit3A_2431, %sign3A_2443 : i32
    %sign3A_2445 = arith.extui %sign3A_2444 : i1 to i32
    %sign3A_2446 = arith.subi %sign3A_2442, %sign3A_2445 : i32
    %ne3A_2447 = arith.cmpi ne, %sign3A_2439, %sign3A_2446 : i32
    %rem3A_2448 = arith.remsi %get3A_2430, %jit3A_2431 : i32
    %ne3A_2449 = arith.constant 0 : i32
    %ne3A_2450 = arith.cmpi ne, %rem3A_2448, %ne3A_2449 : i32
    %and3A_2451 = arith.andi %ne3A_2447, %ne3A_2450 : i1
    %sub3A_2452 = arith.constant 1 : i32
    %sub3A_2453 = arith.subi %div3A_2432, %sub3A_2452 : i32
    %select_n3A_2454 = arith.select %and3A_2451, %sub3A_2453, %div3A_2432 : i32
    %mul3A_2455 = arith.constant 128 : i32
    %mul3A_2456 = arith.muli %select_n3A_2454, %mul3A_2455 : i32
    %multiple_of3A_2457 = tpu.assume_multiple %mul3A_2456, 128 : i32
    %dma_start3A_2458 = arith.constant 0 : i32
    %dma_start3A_2459 = arith.constant 7808 : i32
    %dma_start3A_2460 = tpu.memref_slice %arg15[%dma_start3A_2458, %dma_start3A_2459] : memref<32x8192xf32, #tpu.memory_space<vmem>> -> memref<32x128xf32, #tpu.memory_space<vmem>>
    %dma_start3A_2461 = arith.constant 0 : i32
    %dma_start3A_2462 = tpu.memref_slice %arg4[%dma_start3A_2461, %multiple_of3A_2457] : memref<32x100000xf32, #tpu.memory_space<any>> -> memref<32x128xf32, #tpu.memory_space<any>>
    tpu.enqueue_dma source(%dma_start3A_2462 : memref<32x128xf32, #tpu.memory_space<any>>) target(%dma_start3A_2460 : memref<32x128xf32, #tpu.memory_space<vmem>>) target_semaphore(%arg17 : memref<!tpu.dma_semaphore, #tpu.memory_space<semaphore_mem>>)
    %dma_start3A_2463 = arith.constant 0 : i32
    %dma_start3A_2464 = arith.constant 7808 : i32
    %dma_start3A_2465 = tpu.memref_slice %arg16[%dma_start3A_2463, %dma_start3A_2464] : memref<64x8192xf32, #tpu.memory_space<vmem>> -> memref<64x128xf32, #tpu.memory_space<vmem>>
    %dma_start3A_2466 = arith.constant 0 : i32
    %dma_start3A_2467 = tpu.memref_slice %arg5[%dma_start3A_2466, %multiple_of3A_2457] : memref<64x100000xf32, #tpu.memory_space<any>> -> memref<64x128xf32, #tpu.memory_space<any>>
    tpu.enqueue_dma source(%dma_start3A_2467 : memref<64x128xf32, #tpu.memory_space<any>>) target(%dma_start3A_2465 : memref<64x128xf32, #tpu.memory_space<vmem>>) target_semaphore(%arg17 : memref<!tpu.dma_semaphore, #tpu.memory_space<semaphore_mem>>)
    %get3A_2468 = arith.constant 0 : index
    %get3A_2469 = arith.constant 62 : index
    %get3A_2470 = memref.load %arg1[%get3A_2468, %get3A_2469] : memref<1x64xi32, #tpu.memory_space<smem>>
    %jit3A_2471 = arith.constant 128 : i32
    %div3A_2472 = arith.divsi %get3A_2470, %jit3A_2471 : i32
    %sign3A_2473 = arith.constant 0 : i32
    %sign3A_2474 = arith.cmpi sgt, %get3A_2470, %sign3A_2473 : i32
    %sign3A_2475 = arith.extui %sign3A_2474 : i1 to i32
    %sign3A_2476 = arith.constant 0 : i32
    %sign3A_2477 = arith.cmpi slt, %get3A_2470, %sign3A_2476 : i32
    %sign3A_2478 = arith.extui %sign3A_2477 : i1 to i32
    %sign3A_2479 = arith.subi %sign3A_2475, %sign3A_2478 : i32
    %sign3A_2480 = arith.constant 0 : i32
    %sign3A_2481 = arith.cmpi sgt, %jit3A_2471, %sign3A_2480 : i32
    %sign3A_2482 = arith.extui %sign3A_2481 : i1 to i32
    %sign3A_2483 = arith.constant 0 : i32
    %sign3A_2484 = arith.cmpi slt, %jit3A_2471, %sign3A_2483 : i32
    %sign3A_2485 = arith.extui %sign3A_2484 : i1 to i32
    %sign3A_2486 = arith.subi %sign3A_2482, %sign3A_2485 : i32
    %ne3A_2487 = arith.cmpi ne, %sign3A_2479, %sign3A_2486 : i32
    %rem3A_2488 = arith.remsi %get3A_2470, %jit3A_2471 : i32
    %ne3A_2489 = arith.constant 0 : i32
    %ne3A_2490 = arith.cmpi ne, %rem3A_2488, %ne3A_2489 : i32
    %and3A_2491 = arith.andi %ne3A_2487, %ne3A_2490 : i1
    %sub3A_2492 = arith.constant 1 : i32
    %sub3A_2493 = arith.subi %div3A_2472, %sub3A_2492 : i32
    %select_n3A_2494 = arith.select %and3A_2491, %sub3A_2493, %div3A_2472 : i32
    %mul3A_2495 = arith.constant 128 : i32
    %mul3A_2496 = arith.muli %select_n3A_2494, %mul3A_2495 : i32
    %multiple_of3A_2497 = tpu.assume_multiple %mul3A_2496, 128 : i32
    %dma_start3A_2498 = arith.constant 0 : i32
    %dma_start3A_2499 = arith.constant 7936 : i32
    %dma_start3A_2500 = tpu.memref_slice %arg15[%dma_start3A_2498, %dma_start3A_2499] : memref<32x8192xf32, #tpu.memory_space<vmem>> -> memref<32x128xf32, #tpu.memory_space<vmem>>
    %dma_start3A_2501 = arith.constant 0 : i32
    %dma_start3A_2502 = tpu.memref_slice %arg4[%dma_start3A_2501, %multiple_of3A_2497] : memref<32x100000xf32, #tpu.memory_space<any>> -> memref<32x128xf32, #tpu.memory_space<any>>
    tpu.enqueue_dma source(%dma_start3A_2502 : memref<32x128xf32, #tpu.memory_space<any>>) target(%dma_start3A_2500 : memref<32x128xf32, #tpu.memory_space<vmem>>) target_semaphore(%arg17 : memref<!tpu.dma_semaphore, #tpu.memory_space<semaphore_mem>>)
    %dma_start3A_2503 = arith.constant 0 : i32
    %dma_start3A_2504 = arith.constant 7936 : i32
    %dma_start3A_2505 = tpu.memref_slice %arg16[%dma_start3A_2503, %dma_start3A_2504] : memref<64x8192xf32, #tpu.memory_space<vmem>> -> memref<64x128xf32, #tpu.memory_space<vmem>>
    %dma_start3A_2506 = arith.constant 0 : i32
    %dma_start3A_2507 = tpu.memref_slice %arg5[%dma_start3A_2506, %multiple_of3A_2497] : memref<64x100000xf32, #tpu.memory_space<any>> -> memref<64x128xf32, #tpu.memory_space<any>>
    tpu.enqueue_dma source(%dma_start3A_2507 : memref<64x128xf32, #tpu.memory_space<any>>) target(%dma_start3A_2505 : memref<64x128xf32, #tpu.memory_space<vmem>>) target_semaphore(%arg17 : memref<!tpu.dma_semaphore, #tpu.memory_space<semaphore_mem>>)
    %get3A_2508 = arith.constant 0 : index
    %get3A_2509 = arith.constant 63 : index
    %get3A_2510 = memref.load %arg1[%get3A_2508, %get3A_2509] : memref<1x64xi32, #tpu.memory_space<smem>>
    %jit3A_2511 = arith.constant 128 : i32
    %div3A_2512 = arith.divsi %get3A_2510, %jit3A_2511 : i32
    %sign3A_2513 = arith.constant 0 : i32
    %sign3A_2514 = arith.cmpi sgt, %get3A_2510, %sign3A_2513 : i32
    %sign3A_2515 = arith.extui %sign3A_2514 : i1 to i32
    %sign3A_2516 = arith.constant 0 : i32
    %sign3A_2517 = arith.cmpi slt, %get3A_2510, %sign3A_2516 : i32
    %sign3A_2518 = arith.extui %sign3A_2517 : i1 to i32
    %sign3A_2519 = arith.subi %sign3A_2515, %sign3A_2518 : i32
    %sign3A_2520 = arith.constant 0 : i32
    %sign3A_2521 = arith.cmpi sgt, %jit3A_2511, %sign3A_2520 : i32
    %sign3A_2522 = arith.extui %sign3A_2521 : i1 to i32
    %sign3A_2523 = arith.constant 0 : i32
    %sign3A_2524 = arith.cmpi slt, %jit3A_2511, %sign3A_2523 : i32
    %sign3A_2525 = arith.extui %sign3A_2524 : i1 to i32
    %sign3A_2526 = arith.subi %sign3A_2522, %sign3A_2525 : i32
    %ne3A_2527 = arith.cmpi ne, %sign3A_2519, %sign3A_2526 : i32
    %rem3A_2528 = arith.remsi %get3A_2510, %jit3A_2511 : i32
    %ne3A_2529 = arith.constant 0 : i32
    %ne3A_2530 = arith.cmpi ne, %rem3A_2528, %ne3A_2529 : i32
    %and3A_2531 = arith.andi %ne3A_2527, %ne3A_2530 : i1
    %sub3A_2532 = arith.constant 1 : i32
    %sub3A_2533 = arith.subi %div3A_2512, %sub3A_2532 : i32
    %select_n3A_2534 = arith.select %and3A_2531, %sub3A_2533, %div3A_2512 : i32
    %mul3A_2535 = arith.constant 128 : i32
    %mul3A_2536 = arith.muli %select_n3A_2534, %mul3A_2535 : i32
    %multiple_of3A_2537 = tpu.assume_multiple %mul3A_2536, 128 : i32
    %dma_start3A_2538 = arith.constant 0 : i32
    %dma_start3A_2539 = arith.constant 8064 : i32
    %dma_start3A_2540 = tpu.memref_slice %arg15[%dma_start3A_2538, %dma_start3A_2539] : memref<32x8192xf32, #tpu.memory_space<vmem>> -> memref<32x128xf32, #tpu.memory_space<vmem>>
    %dma_start3A_2541 = arith.constant 0 : i32
    %dma_start3A_2542 = tpu.memref_slice %arg4[%dma_start3A_2541, %multiple_of3A_2537] : memref<32x100000xf32, #tpu.memory_space<any>> -> memref<32x128xf32, #tpu.memory_space<any>>
    tpu.enqueue_dma source(%dma_start3A_2542 : memref<32x128xf32, #tpu.memory_space<any>>) target(%dma_start3A_2540 : memref<32x128xf32, #tpu.memory_space<vmem>>) target_semaphore(%arg17 : memref<!tpu.dma_semaphore, #tpu.memory_space<semaphore_mem>>)
    %dma_start3A_2543 = arith.constant 0 : i32
    %dma_start3A_2544 = arith.constant 8064 : i32
    %dma_start3A_2545 = tpu.memref_slice %arg16[%dma_start3A_2543, %dma_start3A_2544] : memref<64x8192xf32, #tpu.memory_space<vmem>> -> memref<64x128xf32, #tpu.memory_space<vmem>>
    %dma_start3A_2546 = arith.constant 0 : i32
    %dma_start3A_2547 = tpu.memref_slice %arg5[%dma_start3A_2546, %multiple_of3A_2537] : memref<64x100000xf32, #tpu.memory_space<any>> -> memref<64x128xf32, #tpu.memory_space<any>>
    tpu.enqueue_dma source(%dma_start3A_2547 : memref<64x128xf32, #tpu.memory_space<any>>) target(%dma_start3A_2545 : memref<64x128xf32, #tpu.memory_space<vmem>>) target_semaphore(%arg17 : memref<!tpu.dma_semaphore, #tpu.memory_space<semaphore_mem>>)
    %dma_wait3A = arith.constant 0 : i32
    %dma_wait3A_2548 = arith.constant 0 : i32
    %dma_wait3A_2549 = tpu.memref_slice %arg15[%dma_wait3A, %dma_wait3A_2548] : memref<32x8192xf32, #tpu.memory_space<vmem>> -> memref<32x128xf32, #tpu.memory_space<vmem>>
    %dma_wait3A_2550 = arith.constant 0 : i32
    %dma_wait3A_2551 = tpu.memref_slice %arg4[%dma_wait3A_2550, %multiple_of3A] : memref<32x100000xf32, #tpu.memory_space<any>> -> memref<32x128xf32, #tpu.memory_space<any>>
    tpu.wait_dma2 semaphore(%arg17 : memref<!tpu.dma_semaphore, #tpu.memory_space<semaphore_mem>>) src(%dma_wait3A_2551 : memref<32x128xf32, #tpu.memory_space<any>>) dst(%dma_wait3A_2549 : memref<32x128xf32, #tpu.memory_space<vmem>>)
    %dma_wait3A_2552 = arith.constant 0 : i32
    %dma_wait3A_2553 = arith.constant 0 : i32
    %dma_wait3A_2554 = tpu.memref_slice %arg16[%dma_wait3A_2552, %dma_wait3A_2553] : memref<64x8192xf32, #tpu.memory_space<vmem>> -> memref<64x128xf32, #tpu.memory_space<vmem>>
    %dma_wait3A_2555 = arith.constant 0 : i32
    %dma_wait3A_2556 = tpu.memref_slice %arg5[%dma_wait3A_2555, %multiple_of3A] : memref<64x100000xf32, #tpu.memory_space<any>> -> memref<64x128xf32, #tpu.memory_space<any>>
    tpu.wait_dma2 semaphore(%arg17 : memref<!tpu.dma_semaphore, #tpu.memory_space<semaphore_mem>>) src(%dma_wait3A_2556 : memref<64x128xf32, #tpu.memory_space<any>>) dst(%dma_wait3A_2554 : memref<64x128xf32, #tpu.memory_space<vmem>>)
    %dma_wait3A_2557 = arith.constant 0 : i32
    %dma_wait3A_2558 = arith.constant 128 : i32
    %dma_wait3A_2559 = tpu.memref_slice %arg15[%dma_wait3A_2557, %dma_wait3A_2558] : memref<32x8192xf32, #tpu.memory_space<vmem>> -> memref<32x128xf32, #tpu.memory_space<vmem>>
    %dma_wait3A_2560 = arith.constant 0 : i32
    %dma_wait3A_2561 = tpu.memref_slice %arg4[%dma_wait3A_2560, %multiple_of3A_57] : memref<32x100000xf32, #tpu.memory_space<any>> -> memref<32x128xf32, #tpu.memory_space<any>>
    tpu.wait_dma2 semaphore(%arg17 : memref<!tpu.dma_semaphore, #tpu.memory_space<semaphore_mem>>) src(%dma_wait3A_2561 : memref<32x128xf32, #tpu.memory_space<any>>) dst(%dma_wait3A_2559 : memref<32x128xf32, #tpu.memory_space<vmem>>)
    %dma_wait3A_2562 = arith.constant 0 : i32
    %dma_wait3A_2563 = arith.constant 128 : i32
    %dma_wait3A_2564 = tpu.memref_slice %arg16[%dma_wait3A_2562, %dma_wait3A_2563] : memref<64x8192xf32, #tpu.memory_space<vmem>> -> memref<64x128xf32, #tpu.memory_space<vmem>>
    %dma_wait3A_2565 = arith.constant 0 : i32
    %dma_wait3A_2566 = tpu.memref_slice %arg5[%dma_wait3A_2565, %multiple_of3A_57] : memref<64x100000xf32, #tpu.memory_space<any>> -> memref<64x128xf32, #tpu.memory_space<any>>
    tpu.wait_dma2 semaphore(%arg17 : memref<!tpu.dma_semaphore, #tpu.memory_space<semaphore_mem>>) src(%dma_wait3A_2566 : memref<64x128xf32, #tpu.memory_space<any>>) dst(%dma_wait3A_2564 : memref<64x128xf32, #tpu.memory_space<vmem>>)
    %dma_wait3A_2567 = arith.constant 0 : i32
    %dma_wait3A_2568 = arith.constant 256 : i32
    %dma_wait3A_2569 = tpu.memref_slice %arg15[%dma_wait3A_2567, %dma_wait3A_2568] : memref<32x8192xf32, #tpu.memory_space<vmem>> -> memref<32x128xf32, #tpu.memory_space<vmem>>
    %dma_wait3A_2570 = arith.constant 0 : i32
    %dma_wait3A_2571 = tpu.memref_slice %arg4[%dma_wait3A_2570, %multiple_of3A_97] : memref<32x100000xf32, #tpu.memory_space<any>> -> memref<32x128xf32, #tpu.memory_space<any>>
    tpu.wait_dma2 semaphore(%arg17 : memref<!tpu.dma_semaphore, #tpu.memory_space<semaphore_mem>>) src(%dma_wait3A_2571 : memref<32x128xf32, #tpu.memory_space<any>>) dst(%dma_wait3A_2569 : memref<32x128xf32, #tpu.memory_space<vmem>>)
    %dma_wait3A_2572 = arith.constant 0 : i32
    %dma_wait3A_2573 = arith.constant 256 : i32
    %dma_wait3A_2574 = tpu.memref_slice %arg16[%dma_wait3A_2572, %dma_wait3A_2573] : memref<64x8192xf32, #tpu.memory_space<vmem>> -> memref<64x128xf32, #tpu.memory_space<vmem>>
    %dma_wait3A_2575 = arith.constant 0 : i32
    %dma_wait3A_2576 = tpu.memref_slice %arg5[%dma_wait3A_2575, %multiple_of3A_97] : memref<64x100000xf32, #tpu.memory_space<any>> -> memref<64x128xf32, #tpu.memory_space<any>>
    tpu.wait_dma2 semaphore(%arg17 : memref<!tpu.dma_semaphore, #tpu.memory_space<semaphore_mem>>) src(%dma_wait3A_2576 : memref<64x128xf32, #tpu.memory_space<any>>) dst(%dma_wait3A_2574 : memref<64x128xf32, #tpu.memory_space<vmem>>)
    %dma_wait3A_2577 = arith.constant 0 : i32
    %dma_wait3A_2578 = arith.constant 384 : i32
    %dma_wait3A_2579 = tpu.memref_slice %arg15[%dma_wait3A_2577, %dma_wait3A_2578] : memref<32x8192xf32, #tpu.memory_space<vmem>> -> memref<32x128xf32, #tpu.memory_space<vmem>>
    %dma_wait3A_2580 = arith.constant 0 : i32
    %dma_wait3A_2581 = tpu.memref_slice %arg4[%dma_wait3A_2580, %multiple_of3A_137] : memref<32x100000xf32, #tpu.memory_space<any>> -> memref<32x128xf32, #tpu.memory_space<any>>
    tpu.wait_dma2 semaphore(%arg17 : memref<!tpu.dma_semaphore, #tpu.memory_space<semaphore_mem>>) src(%dma_wait3A_2581 : memref<32x128xf32, #tpu.memory_space<any>>) dst(%dma_wait3A_2579 : memref<32x128xf32, #tpu.memory_space<vmem>>)
    %dma_wait3A_2582 = arith.constant 0 : i32
    %dma_wait3A_2583 = arith.constant 384 : i32
    %dma_wait3A_2584 = tpu.memref_slice %arg16[%dma_wait3A_2582, %dma_wait3A_2583] : memref<64x8192xf32, #tpu.memory_space<vmem>> -> memref<64x128xf32, #tpu.memory_space<vmem>>
    %dma_wait3A_2585 = arith.constant 0 : i32
    %dma_wait3A_2586 = tpu.memref_slice %arg5[%dma_wait3A_2585, %multiple_of3A_137] : memref<64x100000xf32, #tpu.memory_space<any>> -> memref<64x128xf32, #tpu.memory_space<any>>
    tpu.wait_dma2 semaphore(%arg17 : memref<!tpu.dma_semaphore, #tpu.memory_space<semaphore_mem>>) src(%dma_wait3A_2586 : memref<64x128xf32, #tpu.memory_space<any>>) dst(%dma_wait3A_2584 : memref<64x128xf32, #tpu.memory_space<vmem>>)
    %dma_wait3A_2587 = arith.constant 0 : i32
    %dma_wait3A_2588 = arith.constant 512 : i32
    %dma_wait3A_2589 = tpu.memref_slice %arg15[%dma_wait3A_2587, %dma_wait3A_2588] : memref<32x8192xf32, #tpu.memory_space<vmem>> -> memref<32x128xf32, #tpu.memory_space<vmem>>
    %dma_wait3A_2590 = arith.constant 0 : i32
    %dma_wait3A_2591 = tpu.memref_slice %arg4[%dma_wait3A_2590, %multiple_of3A_177] : memref<32x100000xf32, #tpu.memory_space<any>> -> memref<32x128xf32, #tpu.memory_space<any>>
    tpu.wait_dma2 semaphore(%arg17 : memref<!tpu.dma_semaphore, #tpu.memory_space<semaphore_mem>>) src(%dma_wait3A_2591 : memref<32x128xf32, #tpu.memory_space<any>>) dst(%dma_wait3A_2589 : memref<32x128xf32, #tpu.memory_space<vmem>>)
    %dma_wait3A_2592 = arith.constant 0 : i32
    %dma_wait3A_2593 = arith.constant 512 : i32
    %dma_wait3A_2594 = tpu.memref_slice %arg16[%dma_wait3A_2592, %dma_wait3A_2593] : memref<64x8192xf32, #tpu.memory_space<vmem>> -> memref<64x128xf32, #tpu.memory_space<vmem>>
    %dma_wait3A_2595 = arith.constant 0 : i32
    %dma_wait3A_2596 = tpu.memref_slice %arg5[%dma_wait3A_2595, %multiple_of3A_177] : memref<64x100000xf32, #tpu.memory_space<any>> -> memref<64x128xf32, #tpu.memory_space<any>>
    tpu.wait_dma2 semaphore(%arg17 : memref<!tpu.dma_semaphore, #tpu.memory_space<semaphore_mem>>) src(%dma_wait3A_2596 : memref<64x128xf32, #tpu.memory_space<any>>) dst(%dma_wait3A_2594 : memref<64x128xf32, #tpu.memory_space<vmem>>)
    %dma_wait3A_2597 = arith.constant 0 : i32
    %dma_wait3A_2598 = arith.constant 640 : i32
    %dma_wait3A_2599 = tpu.memref_slice %arg15[%dma_wait3A_2597, %dma_wait3A_2598] : memref<32x8192xf32, #tpu.memory_space<vmem>> -> memref<32x128xf32, #tpu.memory_space<vmem>>
    %dma_wait3A_2600 = arith.constant 0 : i32
    %dma_wait3A_2601 = tpu.memref_slice %arg4[%dma_wait3A_2600, %multiple_of3A_217] : memref<32x100000xf32, #tpu.memory_space<any>> -> memref<32x128xf32, #tpu.memory_space<any>>
    tpu.wait_dma2 semaphore(%arg17 : memref<!tpu.dma_semaphore, #tpu.memory_space<semaphore_mem>>) src(%dma_wait3A_2601 : memref<32x128xf32, #tpu.memory_space<any>>) dst(%dma_wait3A_2599 : memref<32x128xf32, #tpu.memory_space<vmem>>)
    %dma_wait3A_2602 = arith.constant 0 : i32
    %dma_wait3A_2603 = arith.constant 640 : i32
    %dma_wait3A_2604 = tpu.memref_slice %arg16[%dma_wait3A_2602, %dma_wait3A_2603] : memref<64x8192xf32, #tpu.memory_space<vmem>> -> memref<64x128xf32, #tpu.memory_space<vmem>>
    %dma_wait3A_2605 = arith.constant 0 : i32
    %dma_wait3A_2606 = tpu.memref_slice %arg5[%dma_wait3A_2605, %multiple_of3A_217] : memref<64x100000xf32, #tpu.memory_space<any>> -> memref<64x128xf32, #tpu.memory_space<any>>
    tpu.wait_dma2 semaphore(%arg17 : memref<!tpu.dma_semaphore, #tpu.memory_space<semaphore_mem>>) src(%dma_wait3A_2606 : memref<64x128xf32, #tpu.memory_space<any>>) dst(%dma_wait3A_2604 : memref<64x128xf32, #tpu.memory_space<vmem>>)
    %dma_wait3A_2607 = arith.constant 0 : i32
    %dma_wait3A_2608 = arith.constant 768 : i32
    %dma_wait3A_2609 = tpu.memref_slice %arg15[%dma_wait3A_2607, %dma_wait3A_2608] : memref<32x8192xf32, #tpu.memory_space<vmem>> -> memref<32x128xf32, #tpu.memory_space<vmem>>
    %dma_wait3A_2610 = arith.constant 0 : i32
    %dma_wait3A_2611 = tpu.memref_slice %arg4[%dma_wait3A_2610, %multiple_of3A_257] : memref<32x100000xf32, #tpu.memory_space<any>> -> memref<32x128xf32, #tpu.memory_space<any>>
    tpu.wait_dma2 semaphore(%arg17 : memref<!tpu.dma_semaphore, #tpu.memory_space<semaphore_mem>>) src(%dma_wait3A_2611 : memref<32x128xf32, #tpu.memory_space<any>>) dst(%dma_wait3A_2609 : memref<32x128xf32, #tpu.memory_space<vmem>>)
    %dma_wait3A_2612 = arith.constant 0 : i32
    %dma_wait3A_2613 = arith.constant 768 : i32
    %dma_wait3A_2614 = tpu.memref_slice %arg16[%dma_wait3A_2612, %dma_wait3A_2613] : memref<64x8192xf32, #tpu.memory_space<vmem>> -> memref<64x128xf32, #tpu.memory_space<vmem>>
    %dma_wait3A_2615 = arith.constant 0 : i32
    %dma_wait3A_2616 = tpu.memref_slice %arg5[%dma_wait3A_2615, %multiple_of3A_257] : memref<64x100000xf32, #tpu.memory_space<any>> -> memref<64x128xf32, #tpu.memory_space<any>>
    tpu.wait_dma2 semaphore(%arg17 : memref<!tpu.dma_semaphore, #tpu.memory_space<semaphore_mem>>) src(%dma_wait3A_2616 : memref<64x128xf32, #tpu.memory_space<any>>) dst(%dma_wait3A_2614 : memref<64x128xf32, #tpu.memory_space<vmem>>)
    %dma_wait3A_2617 = arith.constant 0 : i32
    %dma_wait3A_2618 = arith.constant 896 : i32
    %dma_wait3A_2619 = tpu.memref_slice %arg15[%dma_wait3A_2617, %dma_wait3A_2618] : memref<32x8192xf32, #tpu.memory_space<vmem>> -> memref<32x128xf32, #tpu.memory_space<vmem>>
    %dma_wait3A_2620 = arith.constant 0 : i32
    %dma_wait3A_2621 = tpu.memref_slice %arg4[%dma_wait3A_2620, %multiple_of3A_297] : memref<32x100000xf32, #tpu.memory_space<any>> -> memref<32x128xf32, #tpu.memory_space<any>>
    tpu.wait_dma2 semaphore(%arg17 : memref<!tpu.dma_semaphore, #tpu.memory_space<semaphore_mem>>) src(%dma_wait3A_2621 : memref<32x128xf32, #tpu.memory_space<any>>) dst(%dma_wait3A_2619 : memref<32x128xf32, #tpu.memory_space<vmem>>)
    %dma_wait3A_2622 = arith.constant 0 : i32
    %dma_wait3A_2623 = arith.constant 896 : i32
    %dma_wait3A_2624 = tpu.memref_slice %arg16[%dma_wait3A_2622, %dma_wait3A_2623] : memref<64x8192xf32, #tpu.memory_space<vmem>> -> memref<64x128xf32, #tpu.memory_space<vmem>>
    %dma_wait3A_2625 = arith.constant 0 : i32
    %dma_wait3A_2626 = tpu.memref_slice %arg5[%dma_wait3A_2625, %multiple_of3A_297] : memref<64x100000xf32, #tpu.memory_space<any>> -> memref<64x128xf32, #tpu.memory_space<any>>
    tpu.wait_dma2 semaphore(%arg17 : memref<!tpu.dma_semaphore, #tpu.memory_space<semaphore_mem>>) src(%dma_wait3A_2626 : memref<64x128xf32, #tpu.memory_space<any>>) dst(%dma_wait3A_2624 : memref<64x128xf32, #tpu.memory_space<vmem>>)
    %dma_wait3A_2627 = arith.constant 0 : i32
    %dma_wait3A_2628 = arith.constant 1024 : i32
    %dma_wait3A_2629 = tpu.memref_slice %arg15[%dma_wait3A_2627, %dma_wait3A_2628] : memref<32x8192xf32, #tpu.memory_space<vmem>> -> memref<32x128xf32, #tpu.memory_space<vmem>>
    %dma_wait3A_2630 = arith.constant 0 : i32
    %dma_wait3A_2631 = tpu.memref_slice %arg4[%dma_wait3A_2630, %multiple_of3A_337] : memref<32x100000xf32, #tpu.memory_space<any>> -> memref<32x128xf32, #tpu.memory_space<any>>
    tpu.wait_dma2 semaphore(%arg17 : memref<!tpu.dma_semaphore, #tpu.memory_space<semaphore_mem>>) src(%dma_wait3A_2631 : memref<32x128xf32, #tpu.memory_space<any>>) dst(%dma_wait3A_2629 : memref<32x128xf32, #tpu.memory_space<vmem>>)
    %dma_wait3A_2632 = arith.constant 0 : i32
    %dma_wait3A_2633 = arith.constant 1024 : i32
    %dma_wait3A_2634 = tpu.memref_slice %arg16[%dma_wait3A_2632, %dma_wait3A_2633] : memref<64x8192xf32, #tpu.memory_space<vmem>> -> memref<64x128xf32, #tpu.memory_space<vmem>>
    %dma_wait3A_2635 = arith.constant 0 : i32
    %dma_wait3A_2636 = tpu.memref_slice %arg5[%dma_wait3A_2635, %multiple_of3A_337] : memref<64x100000xf32, #tpu.memory_space<any>> -> memref<64x128xf32, #tpu.memory_space<any>>
    tpu.wait_dma2 semaphore(%arg17 : memref<!tpu.dma_semaphore, #tpu.memory_space<semaphore_mem>>) src(%dma_wait3A_2636 : memref<64x128xf32, #tpu.memory_space<any>>) dst(%dma_wait3A_2634 : memref<64x128xf32, #tpu.memory_space<vmem>>)
    %dma_wait3A_2637 = arith.constant 0 : i32
    %dma_wait3A_2638 = arith.constant 1152 : i32
    %dma_wait3A_2639 = tpu.memref_slice %arg15[%dma_wait3A_2637, %dma_wait3A_2638] : memref<32x8192xf32, #tpu.memory_space<vmem>> -> memref<32x128xf32, #tpu.memory_space<vmem>>
    %dma_wait3A_2640 = arith.constant 0 : i32
    %dma_wait3A_2641 = tpu.memref_slice %arg4[%dma_wait3A_2640, %multiple_of3A_377] : memref<32x100000xf32, #tpu.memory_space<any>> -> memref<32x128xf32, #tpu.memory_space<any>>
    tpu.wait_dma2 semaphore(%arg17 : memref<!tpu.dma_semaphore, #tpu.memory_space<semaphore_mem>>) src(%dma_wait3A_2641 : memref<32x128xf32, #tpu.memory_space<any>>) dst(%dma_wait3A_2639 : memref<32x128xf32, #tpu.memory_space<vmem>>)
    %dma_wait3A_2642 = arith.constant 0 : i32
    %dma_wait3A_2643 = arith.constant 1152 : i32
    %dma_wait3A_2644 = tpu.memref_slice %arg16[%dma_wait3A_2642, %dma_wait3A_2643] : memref<64x8192xf32, #tpu.memory_space<vmem>> -> memref<64x128xf32, #tpu.memory_space<vmem>>
    %dma_wait3A_2645 = arith.constant 0 : i32
    %dma_wait3A_2646 = tpu.memref_slice %arg5[%dma_wait3A_2645, %multiple_of3A_377] : memref<64x100000xf32, #tpu.memory_space<any>> -> memref<64x128xf32, #tpu.memory_space<any>>
    tpu.wait_dma2 semaphore(%arg17 : memref<!tpu.dma_semaphore, #tpu.memory_space<semaphore_mem>>) src(%dma_wait3A_2646 : memref<64x128xf32, #tpu.memory_space<any>>) dst(%dma_wait3A_2644 : memref<64x128xf32, #tpu.memory_space<vmem>>)
    %dma_wait3A_2647 = arith.constant 0 : i32
    %dma_wait3A_2648 = arith.constant 1280 : i32
    %dma_wait3A_2649 = tpu.memref_slice %arg15[%dma_wait3A_2647, %dma_wait3A_2648] : memref<32x8192xf32, #tpu.memory_space<vmem>> -> memref<32x128xf32, #tpu.memory_space<vmem>>
    %dma_wait3A_2650 = arith.constant 0 : i32
    %dma_wait3A_2651 = tpu.memref_slice %arg4[%dma_wait3A_2650, %multiple_of3A_417] : memref<32x100000xf32, #tpu.memory_space<any>> -> memref<32x128xf32, #tpu.memory_space<any>>
    tpu.wait_dma2 semaphore(%arg17 : memref<!tpu.dma_semaphore, #tpu.memory_space<semaphore_mem>>) src(%dma_wait3A_2651 : memref<32x128xf32, #tpu.memory_space<any>>) dst(%dma_wait3A_2649 : memref<32x128xf32, #tpu.memory_space<vmem>>)
    %dma_wait3A_2652 = arith.constant 0 : i32
    %dma_wait3A_2653 = arith.constant 1280 : i32
    %dma_wait3A_2654 = tpu.memref_slice %arg16[%dma_wait3A_2652, %dma_wait3A_2653] : memref<64x8192xf32, #tpu.memory_space<vmem>> -> memref<64x128xf32, #tpu.memory_space<vmem>>
    %dma_wait3A_2655 = arith.constant 0 : i32
    %dma_wait3A_2656 = tpu.memref_slice %arg5[%dma_wait3A_2655, %multiple_of3A_417] : memref<64x100000xf32, #tpu.memory_space<any>> -> memref<64x128xf32, #tpu.memory_space<any>>
    tpu.wait_dma2 semaphore(%arg17 : memref<!tpu.dma_semaphore, #tpu.memory_space<semaphore_mem>>) src(%dma_wait3A_2656 : memref<64x128xf32, #tpu.memory_space<any>>) dst(%dma_wait3A_2654 : memref<64x128xf32, #tpu.memory_space<vmem>>)
    %dma_wait3A_2657 = arith.constant 0 : i32
    %dma_wait3A_2658 = arith.constant 1408 : i32
    %dma_wait3A_2659 = tpu.memref_slice %arg15[%dma_wait3A_2657, %dma_wait3A_2658] : memref<32x8192xf32, #tpu.memory_space<vmem>> -> memref<32x128xf32, #tpu.memory_space<vmem>>
    %dma_wait3A_2660 = arith.constant 0 : i32
    %dma_wait3A_2661 = tpu.memref_slice %arg4[%dma_wait3A_2660, %multiple_of3A_457] : memref<32x100000xf32, #tpu.memory_space<any>> -> memref<32x128xf32, #tpu.memory_space<any>>
    tpu.wait_dma2 semaphore(%arg17 : memref<!tpu.dma_semaphore, #tpu.memory_space<semaphore_mem>>) src(%dma_wait3A_2661 : memref<32x128xf32, #tpu.memory_space<any>>) dst(%dma_wait3A_2659 : memref<32x128xf32, #tpu.memory_space<vmem>>)
    %dma_wait3A_2662 = arith.constant 0 : i32
    %dma_wait3A_2663 = arith.constant 1408 : i32
    %dma_wait3A_2664 = tpu.memref_slice %arg16[%dma_wait3A_2662, %dma_wait3A_2663] : memref<64x8192xf32, #tpu.memory_space<vmem>> -> memref<64x128xf32, #tpu.memory_space<vmem>>
    %dma_wait3A_2665 = arith.constant 0 : i32
    %dma_wait3A_2666 = tpu.memref_slice %arg5[%dma_wait3A_2665, %multiple_of3A_457] : memref<64x100000xf32, #tpu.memory_space<any>> -> memref<64x128xf32, #tpu.memory_space<any>>
    tpu.wait_dma2 semaphore(%arg17 : memref<!tpu.dma_semaphore, #tpu.memory_space<semaphore_mem>>) src(%dma_wait3A_2666 : memref<64x128xf32, #tpu.memory_space<any>>) dst(%dma_wait3A_2664 : memref<64x128xf32, #tpu.memory_space<vmem>>)
    %dma_wait3A_2667 = arith.constant 0 : i32
    %dma_wait3A_2668 = arith.constant 1536 : i32
    %dma_wait3A_2669 = tpu.memref_slice %arg15[%dma_wait3A_2667, %dma_wait3A_2668] : memref<32x8192xf32, #tpu.memory_space<vmem>> -> memref<32x128xf32, #tpu.memory_space<vmem>>
    %dma_wait3A_2670 = arith.constant 0 : i32
    %dma_wait3A_2671 = tpu.memref_slice %arg4[%dma_wait3A_2670, %multiple_of3A_497] : memref<32x100000xf32, #tpu.memory_space<any>> -> memref<32x128xf32, #tpu.memory_space<any>>
    tpu.wait_dma2 semaphore(%arg17 : memref<!tpu.dma_semaphore, #tpu.memory_space<semaphore_mem>>) src(%dma_wait3A_2671 : memref<32x128xf32, #tpu.memory_space<any>>) dst(%dma_wait3A_2669 : memref<32x128xf32, #tpu.memory_space<vmem>>)
    %dma_wait3A_2672 = arith.constant 0 : i32
    %dma_wait3A_2673 = arith.constant 1536 : i32
    %dma_wait3A_2674 = tpu.memref_slice %arg16[%dma_wait3A_2672, %dma_wait3A_2673] : memref<64x8192xf32, #tpu.memory_space<vmem>> -> memref<64x128xf32, #tpu.memory_space<vmem>>
    %dma_wait3A_2675 = arith.constant 0 : i32
    %dma_wait3A_2676 = tpu.memref_slice %arg5[%dma_wait3A_2675, %multiple_of3A_497] : memref<64x100000xf32, #tpu.memory_space<any>> -> memref<64x128xf32, #tpu.memory_space<any>>
    tpu.wait_dma2 semaphore(%arg17 : memref<!tpu.dma_semaphore, #tpu.memory_space<semaphore_mem>>) src(%dma_wait3A_2676 : memref<64x128xf32, #tpu.memory_space<any>>) dst(%dma_wait3A_2674 : memref<64x128xf32, #tpu.memory_space<vmem>>)
    %dma_wait3A_2677 = arith.constant 0 : i32
    %dma_wait3A_2678 = arith.constant 1664 : i32
    %dma_wait3A_2679 = tpu.memref_slice %arg15[%dma_wait3A_2677, %dma_wait3A_2678] : memref<32x8192xf32, #tpu.memory_space<vmem>> -> memref<32x128xf32, #tpu.memory_space<vmem>>
    %dma_wait3A_2680 = arith.constant 0 : i32
    %dma_wait3A_2681 = tpu.memref_slice %arg4[%dma_wait3A_2680, %multiple_of3A_537] : memref<32x100000xf32, #tpu.memory_space<any>> -> memref<32x128xf32, #tpu.memory_space<any>>
    tpu.wait_dma2 semaphore(%arg17 : memref<!tpu.dma_semaphore, #tpu.memory_space<semaphore_mem>>) src(%dma_wait3A_2681 : memref<32x128xf32, #tpu.memory_space<any>>) dst(%dma_wait3A_2679 : memref<32x128xf32, #tpu.memory_space<vmem>>)
    %dma_wait3A_2682 = arith.constant 0 : i32
    %dma_wait3A_2683 = arith.constant 1664 : i32
    %dma_wait3A_2684 = tpu.memref_slice %arg16[%dma_wait3A_2682, %dma_wait3A_2683] : memref<64x8192xf32, #tpu.memory_space<vmem>> -> memref<64x128xf32, #tpu.memory_space<vmem>>
    %dma_wait3A_2685 = arith.constant 0 : i32
    %dma_wait3A_2686 = tpu.memref_slice %arg5[%dma_wait3A_2685, %multiple_of3A_537] : memref<64x100000xf32, #tpu.memory_space<any>> -> memref<64x128xf32, #tpu.memory_space<any>>
    tpu.wait_dma2 semaphore(%arg17 : memref<!tpu.dma_semaphore, #tpu.memory_space<semaphore_mem>>) src(%dma_wait3A_2686 : memref<64x128xf32, #tpu.memory_space<any>>) dst(%dma_wait3A_2684 : memref<64x128xf32, #tpu.memory_space<vmem>>)
    %dma_wait3A_2687 = arith.constant 0 : i32
    %dma_wait3A_2688 = arith.constant 1792 : i32
    %dma_wait3A_2689 = tpu.memref_slice %arg15[%dma_wait3A_2687, %dma_wait3A_2688] : memref<32x8192xf32, #tpu.memory_space<vmem>> -> memref<32x128xf32, #tpu.memory_space<vmem>>
    %dma_wait3A_2690 = arith.constant 0 : i32
    %dma_wait3A_2691 = tpu.memref_slice %arg4[%dma_wait3A_2690, %multiple_of3A_577] : memref<32x100000xf32, #tpu.memory_space<any>> -> memref<32x128xf32, #tpu.memory_space<any>>
    tpu.wait_dma2 semaphore(%arg17 : memref<!tpu.dma_semaphore, #tpu.memory_space<semaphore_mem>>) src(%dma_wait3A_2691 : memref<32x128xf32, #tpu.memory_space<any>>) dst(%dma_wait3A_2689 : memref<32x128xf32, #tpu.memory_space<vmem>>)
    %dma_wait3A_2692 = arith.constant 0 : i32
    %dma_wait3A_2693 = arith.constant 1792 : i32
    %dma_wait3A_2694 = tpu.memref_slice %arg16[%dma_wait3A_2692, %dma_wait3A_2693] : memref<64x8192xf32, #tpu.memory_space<vmem>> -> memref<64x128xf32, #tpu.memory_space<vmem>>
    %dma_wait3A_2695 = arith.constant 0 : i32
    %dma_wait3A_2696 = tpu.memref_slice %arg5[%dma_wait3A_2695, %multiple_of3A_577] : memref<64x100000xf32, #tpu.memory_space<any>> -> memref<64x128xf32, #tpu.memory_space<any>>
    tpu.wait_dma2 semaphore(%arg17 : memref<!tpu.dma_semaphore, #tpu.memory_space<semaphore_mem>>) src(%dma_wait3A_2696 : memref<64x128xf32, #tpu.memory_space<any>>) dst(%dma_wait3A_2694 : memref<64x128xf32, #tpu.memory_space<vmem>>)
    %dma_wait3A_2697 = arith.constant 0 : i32
    %dma_wait3A_2698 = arith.constant 1920 : i32
    %dma_wait3A_2699 = tpu.memref_slice %arg15[%dma_wait3A_2697, %dma_wait3A_2698] : memref<32x8192xf32, #tpu.memory_space<vmem>> -> memref<32x128xf32, #tpu.memory_space<vmem>>
    %dma_wait3A_2700 = arith.constant 0 : i32
    %dma_wait3A_2701 = tpu.memref_slice %arg4[%dma_wait3A_2700, %multiple_of3A_617] : memref<32x100000xf32, #tpu.memory_space<any>> -> memref<32x128xf32, #tpu.memory_space<any>>
    tpu.wait_dma2 semaphore(%arg17 : memref<!tpu.dma_semaphore, #tpu.memory_space<semaphore_mem>>) src(%dma_wait3A_2701 : memref<32x128xf32, #tpu.memory_space<any>>) dst(%dma_wait3A_2699 : memref<32x128xf32, #tpu.memory_space<vmem>>)
    %dma_wait3A_2702 = arith.constant 0 : i32
    %dma_wait3A_2703 = arith.constant 1920 : i32
    %dma_wait3A_2704 = tpu.memref_slice %arg16[%dma_wait3A_2702, %dma_wait3A_2703] : memref<64x8192xf32, #tpu.memory_space<vmem>> -> memref<64x128xf32, #tpu.memory_space<vmem>>
    %dma_wait3A_2705 = arith.constant 0 : i32
    %dma_wait3A_2706 = tpu.memref_slice %arg5[%dma_wait3A_2705, %multiple_of3A_617] : memref<64x100000xf32, #tpu.memory_space<any>> -> memref<64x128xf32, #tpu.memory_space<any>>
    tpu.wait_dma2 semaphore(%arg17 : memref<!tpu.dma_semaphore, #tpu.memory_space<semaphore_mem>>) src(%dma_wait3A_2706 : memref<64x128xf32, #tpu.memory_space<any>>) dst(%dma_wait3A_2704 : memref<64x128xf32, #tpu.memory_space<vmem>>)
    %dma_wait3A_2707 = arith.constant 0 : i32
    %dma_wait3A_2708 = arith.constant 2048 : i32
    %dma_wait3A_2709 = tpu.memref_slice %arg15[%dma_wait3A_2707, %dma_wait3A_2708] : memref<32x8192xf32, #tpu.memory_space<vmem>> -> memref<32x128xf32, #tpu.memory_space<vmem>>
    %dma_wait3A_2710 = arith.constant 0 : i32
    %dma_wait3A_2711 = tpu.memref_slice %arg4[%dma_wait3A_2710, %multiple_of3A_657] : memref<32x100000xf32, #tpu.memory_space<any>> -> memref<32x128xf32, #tpu.memory_space<any>>
    tpu.wait_dma2 semaphore(%arg17 : memref<!tpu.dma_semaphore, #tpu.memory_space<semaphore_mem>>) src(%dma_wait3A_2711 : memref<32x128xf32, #tpu.memory_space<any>>) dst(%dma_wait3A_2709 : memref<32x128xf32, #tpu.memory_space<vmem>>)
    %dma_wait3A_2712 = arith.constant 0 : i32
    %dma_wait3A_2713 = arith.constant 2048 : i32
    %dma_wait3A_2714 = tpu.memref_slice %arg16[%dma_wait3A_2712, %dma_wait3A_2713] : memref<64x8192xf32, #tpu.memory_space<vmem>> -> memref<64x128xf32, #tpu.memory_space<vmem>>
    %dma_wait3A_2715 = arith.constant 0 : i32
    %dma_wait3A_2716 = tpu.memref_slice %arg5[%dma_wait3A_2715, %multiple_of3A_657] : memref<64x100000xf32, #tpu.memory_space<any>> -> memref<64x128xf32, #tpu.memory_space<any>>
    tpu.wait_dma2 semaphore(%arg17 : memref<!tpu.dma_semaphore, #tpu.memory_space<semaphore_mem>>) src(%dma_wait3A_2716 : memref<64x128xf32, #tpu.memory_space<any>>) dst(%dma_wait3A_2714 : memref<64x128xf32, #tpu.memory_space<vmem>>)
    %dma_wait3A_2717 = arith.constant 0 : i32
    %dma_wait3A_2718 = arith.constant 2176 : i32
    %dma_wait3A_2719 = tpu.memref_slice %arg15[%dma_wait3A_2717, %dma_wait3A_2718] : memref<32x8192xf32, #tpu.memory_space<vmem>> -> memref<32x128xf32, #tpu.memory_space<vmem>>
    %dma_wait3A_2720 = arith.constant 0 : i32
    %dma_wait3A_2721 = tpu.memref_slice %arg4[%dma_wait3A_2720, %multiple_of3A_697] : memref<32x100000xf32, #tpu.memory_space<any>> -> memref<32x128xf32, #tpu.memory_space<any>>
    tpu.wait_dma2 semaphore(%arg17 : memref<!tpu.dma_semaphore, #tpu.memory_space<semaphore_mem>>) src(%dma_wait3A_2721 : memref<32x128xf32, #tpu.memory_space<any>>) dst(%dma_wait3A_2719 : memref<32x128xf32, #tpu.memory_space<vmem>>)
    %dma_wait3A_2722 = arith.constant 0 : i32
    %dma_wait3A_2723 = arith.constant 2176 : i32
    %dma_wait3A_2724 = tpu.memref_slice %arg16[%dma_wait3A_2722, %dma_wait3A_2723] : memref<64x8192xf32, #tpu.memory_space<vmem>> -> memref<64x128xf32, #tpu.memory_space<vmem>>
    %dma_wait3A_2725 = arith.constant 0 : i32
    %dma_wait3A_2726 = tpu.memref_slice %arg5[%dma_wait3A_2725, %multiple_of3A_697] : memref<64x100000xf32, #tpu.memory_space<any>> -> memref<64x128xf32, #tpu.memory_space<any>>
    tpu.wait_dma2 semaphore(%arg17 : memref<!tpu.dma_semaphore, #tpu.memory_space<semaphore_mem>>) src(%dma_wait3A_2726 : memref<64x128xf32, #tpu.memory_space<any>>) dst(%dma_wait3A_2724 : memref<64x128xf32, #tpu.memory_space<vmem>>)
    %dma_wait3A_2727 = arith.constant 0 : i32
    %dma_wait3A_2728 = arith.constant 2304 : i32
    %dma_wait3A_2729 = tpu.memref_slice %arg15[%dma_wait3A_2727, %dma_wait3A_2728] : memref<32x8192xf32, #tpu.memory_space<vmem>> -> memref<32x128xf32, #tpu.memory_space<vmem>>
    %dma_wait3A_2730 = arith.constant 0 : i32
    %dma_wait3A_2731 = tpu.memref_slice %arg4[%dma_wait3A_2730, %multiple_of3A_737] : memref<32x100000xf32, #tpu.memory_space<any>> -> memref<32x128xf32, #tpu.memory_space<any>>
    tpu.wait_dma2 semaphore(%arg17 : memref<!tpu.dma_semaphore, #tpu.memory_space<semaphore_mem>>) src(%dma_wait3A_2731 : memref<32x128xf32, #tpu.memory_space<any>>) dst(%dma_wait3A_2729 : memref<32x128xf32, #tpu.memory_space<vmem>>)
    %dma_wait3A_2732 = arith.constant 0 : i32
    %dma_wait3A_2733 = arith.constant 2304 : i32
    %dma_wait3A_2734 = tpu.memref_slice %arg16[%dma_wait3A_2732, %dma_wait3A_2733] : memref<64x8192xf32, #tpu.memory_space<vmem>> -> memref<64x128xf32, #tpu.memory_space<vmem>>
    %dma_wait3A_2735 = arith.constant 0 : i32
    %dma_wait3A_2736 = tpu.memref_slice %arg5[%dma_wait3A_2735, %multiple_of3A_737] : memref<64x100000xf32, #tpu.memory_space<any>> -> memref<64x128xf32, #tpu.memory_space<any>>
    tpu.wait_dma2 semaphore(%arg17 : memref<!tpu.dma_semaphore, #tpu.memory_space<semaphore_mem>>) src(%dma_wait3A_2736 : memref<64x128xf32, #tpu.memory_space<any>>) dst(%dma_wait3A_2734 : memref<64x128xf32, #tpu.memory_space<vmem>>)
    %dma_wait3A_2737 = arith.constant 0 : i32
    %dma_wait3A_2738 = arith.constant 2432 : i32
    %dma_wait3A_2739 = tpu.memref_slice %arg15[%dma_wait3A_2737, %dma_wait3A_2738] : memref<32x8192xf32, #tpu.memory_space<vmem>> -> memref<32x128xf32, #tpu.memory_space<vmem>>
    %dma_wait3A_2740 = arith.constant 0 : i32
    %dma_wait3A_2741 = tpu.memref_slice %arg4[%dma_wait3A_2740, %multiple_of3A_777] : memref<32x100000xf32, #tpu.memory_space<any>> -> memref<32x128xf32, #tpu.memory_space<any>>
    tpu.wait_dma2 semaphore(%arg17 : memref<!tpu.dma_semaphore, #tpu.memory_space<semaphore_mem>>) src(%dma_wait3A_2741 : memref<32x128xf32, #tpu.memory_space<any>>) dst(%dma_wait3A_2739 : memref<32x128xf32, #tpu.memory_space<vmem>>)
    %dma_wait3A_2742 = arith.constant 0 : i32
    %dma_wait3A_2743 = arith.constant 2432 : i32
    %dma_wait3A_2744 = tpu.memref_slice %arg16[%dma_wait3A_2742, %dma_wait3A_2743] : memref<64x8192xf32, #tpu.memory_space<vmem>> -> memref<64x128xf32, #tpu.memory_space<vmem>>
    %dma_wait3A_2745 = arith.constant 0 : i32
    %dma_wait3A_2746 = tpu.memref_slice %arg5[%dma_wait3A_2745, %multiple_of3A_777] : memref<64x100000xf32, #tpu.memory_space<any>> -> memref<64x128xf32, #tpu.memory_space<any>>
    tpu.wait_dma2 semaphore(%arg17 : memref<!tpu.dma_semaphore, #tpu.memory_space<semaphore_mem>>) src(%dma_wait3A_2746 : memref<64x128xf32, #tpu.memory_space<any>>) dst(%dma_wait3A_2744 : memref<64x128xf32, #tpu.memory_space<vmem>>)
    %dma_wait3A_2747 = arith.constant 0 : i32
    %dma_wait3A_2748 = arith.constant 2560 : i32
    %dma_wait3A_2749 = tpu.memref_slice %arg15[%dma_wait3A_2747, %dma_wait3A_2748] : memref<32x8192xf32, #tpu.memory_space<vmem>> -> memref<32x128xf32, #tpu.memory_space<vmem>>
    %dma_wait3A_2750 = arith.constant 0 : i32
    %dma_wait3A_2751 = tpu.memref_slice %arg4[%dma_wait3A_2750, %multiple_of3A_817] : memref<32x100000xf32, #tpu.memory_space<any>> -> memref<32x128xf32, #tpu.memory_space<any>>
    tpu.wait_dma2 semaphore(%arg17 : memref<!tpu.dma_semaphore, #tpu.memory_space<semaphore_mem>>) src(%dma_wait3A_2751 : memref<32x128xf32, #tpu.memory_space<any>>) dst(%dma_wait3A_2749 : memref<32x128xf32, #tpu.memory_space<vmem>>)
    %dma_wait3A_2752 = arith.constant 0 : i32
    %dma_wait3A_2753 = arith.constant 2560 : i32
    %dma_wait3A_2754 = tpu.memref_slice %arg16[%dma_wait3A_2752, %dma_wait3A_2753] : memref<64x8192xf32, #tpu.memory_space<vmem>> -> memref<64x128xf32, #tpu.memory_space<vmem>>
    %dma_wait3A_2755 = arith.constant 0 : i32
    %dma_wait3A_2756 = tpu.memref_slice %arg5[%dma_wait3A_2755, %multiple_of3A_817] : memref<64x100000xf32, #tpu.memory_space<any>> -> memref<64x128xf32, #tpu.memory_space<any>>
    tpu.wait_dma2 semaphore(%arg17 : memref<!tpu.dma_semaphore, #tpu.memory_space<semaphore_mem>>) src(%dma_wait3A_2756 : memref<64x128xf32, #tpu.memory_space<any>>) dst(%dma_wait3A_2754 : memref<64x128xf32, #tpu.memory_space<vmem>>)
    %dma_wait3A_2757 = arith.constant 0 : i32
    %dma_wait3A_2758 = arith.constant 2688 : i32
    %dma_wait3A_2759 = tpu.memref_slice %arg15[%dma_wait3A_2757, %dma_wait3A_2758] : memref<32x8192xf32, #tpu.memory_space<vmem>> -> memref<32x128xf32, #tpu.memory_space<vmem>>
    %dma_wait3A_2760 = arith.constant 0 : i32
    %dma_wait3A_2761 = tpu.memref_slice %arg4[%dma_wait3A_2760, %multiple_of3A_857] : memref<32x100000xf32, #tpu.memory_space<any>> -> memref<32x128xf32, #tpu.memory_space<any>>
    tpu.wait_dma2 semaphore(%arg17 : memref<!tpu.dma_semaphore, #tpu.memory_space<semaphore_mem>>) src(%dma_wait3A_2761 : memref<32x128xf32, #tpu.memory_space<any>>) dst(%dma_wait3A_2759 : memref<32x128xf32, #tpu.memory_space<vmem>>)
    %dma_wait3A_2762 = arith.constant 0 : i32
    %dma_wait3A_2763 = arith.constant 2688 : i32
    %dma_wait3A_2764 = tpu.memref_slice %arg16[%dma_wait3A_2762, %dma_wait3A_2763] : memref<64x8192xf32, #tpu.memory_space<vmem>> -> memref<64x128xf32, #tpu.memory_space<vmem>>
    %dma_wait3A_2765 = arith.constant 0 : i32
    %dma_wait3A_2766 = tpu.memref_slice %arg5[%dma_wait3A_2765, %multiple_of3A_857] : memref<64x100000xf32, #tpu.memory_space<any>> -> memref<64x128xf32, #tpu.memory_space<any>>
    tpu.wait_dma2 semaphore(%arg17 : memref<!tpu.dma_semaphore, #tpu.memory_space<semaphore_mem>>) src(%dma_wait3A_2766 : memref<64x128xf32, #tpu.memory_space<any>>) dst(%dma_wait3A_2764 : memref<64x128xf32, #tpu.memory_space<vmem>>)
    %dma_wait3A_2767 = arith.constant 0 : i32
    %dma_wait3A_2768 = arith.constant 2816 : i32
    %dma_wait3A_2769 = tpu.memref_slice %arg15[%dma_wait3A_2767, %dma_wait3A_2768] : memref<32x8192xf32, #tpu.memory_space<vmem>> -> memref<32x128xf32, #tpu.memory_space<vmem>>
    %dma_wait3A_2770 = arith.constant 0 : i32
    %dma_wait3A_2771 = tpu.memref_slice %arg4[%dma_wait3A_2770, %multiple_of3A_897] : memref<32x100000xf32, #tpu.memory_space<any>> -> memref<32x128xf32, #tpu.memory_space<any>>
    tpu.wait_dma2 semaphore(%arg17 : memref<!tpu.dma_semaphore, #tpu.memory_space<semaphore_mem>>) src(%dma_wait3A_2771 : memref<32x128xf32, #tpu.memory_space<any>>) dst(%dma_wait3A_2769 : memref<32x128xf32, #tpu.memory_space<vmem>>)
    %dma_wait3A_2772 = arith.constant 0 : i32
    %dma_wait3A_2773 = arith.constant 2816 : i32
    %dma_wait3A_2774 = tpu.memref_slice %arg16[%dma_wait3A_2772, %dma_wait3A_2773] : memref<64x8192xf32, #tpu.memory_space<vmem>> -> memref<64x128xf32, #tpu.memory_space<vmem>>
    %dma_wait3A_2775 = arith.constant 0 : i32
    %dma_wait3A_2776 = tpu.memref_slice %arg5[%dma_wait3A_2775, %multiple_of3A_897] : memref<64x100000xf32, #tpu.memory_space<any>> -> memref<64x128xf32, #tpu.memory_space<any>>
    tpu.wait_dma2 semaphore(%arg17 : memref<!tpu.dma_semaphore, #tpu.memory_space<semaphore_mem>>) src(%dma_wait3A_2776 : memref<64x128xf32, #tpu.memory_space<any>>) dst(%dma_wait3A_2774 : memref<64x128xf32, #tpu.memory_space<vmem>>)
    %dma_wait3A_2777 = arith.constant 0 : i32
    %dma_wait3A_2778 = arith.constant 2944 : i32
    %dma_wait3A_2779 = tpu.memref_slice %arg15[%dma_wait3A_2777, %dma_wait3A_2778] : memref<32x8192xf32, #tpu.memory_space<vmem>> -> memref<32x128xf32, #tpu.memory_space<vmem>>
    %dma_wait3A_2780 = arith.constant 0 : i32
    %dma_wait3A_2781 = tpu.memref_slice %arg4[%dma_wait3A_2780, %multiple_of3A_937] : memref<32x100000xf32, #tpu.memory_space<any>> -> memref<32x128xf32, #tpu.memory_space<any>>
    tpu.wait_dma2 semaphore(%arg17 : memref<!tpu.dma_semaphore, #tpu.memory_space<semaphore_mem>>) src(%dma_wait3A_2781 : memref<32x128xf32, #tpu.memory_space<any>>) dst(%dma_wait3A_2779 : memref<32x128xf32, #tpu.memory_space<vmem>>)
    %dma_wait3A_2782 = arith.constant 0 : i32
    %dma_wait3A_2783 = arith.constant 2944 : i32
    %dma_wait3A_2784 = tpu.memref_slice %arg16[%dma_wait3A_2782, %dma_wait3A_2783] : memref<64x8192xf32, #tpu.memory_space<vmem>> -> memref<64x128xf32, #tpu.memory_space<vmem>>
    %dma_wait3A_2785 = arith.constant 0 : i32
    %dma_wait3A_2786 = tpu.memref_slice %arg5[%dma_wait3A_2785, %multiple_of3A_937] : memref<64x100000xf32, #tpu.memory_space<any>> -> memref<64x128xf32, #tpu.memory_space<any>>
    tpu.wait_dma2 semaphore(%arg17 : memref<!tpu.dma_semaphore, #tpu.memory_space<semaphore_mem>>) src(%dma_wait3A_2786 : memref<64x128xf32, #tpu.memory_space<any>>) dst(%dma_wait3A_2784 : memref<64x128xf32, #tpu.memory_space<vmem>>)
    %dma_wait3A_2787 = arith.constant 0 : i32
    %dma_wait3A_2788 = arith.constant 3072 : i32
    %dma_wait3A_2789 = tpu.memref_slice %arg15[%dma_wait3A_2787, %dma_wait3A_2788] : memref<32x8192xf32, #tpu.memory_space<vmem>> -> memref<32x128xf32, #tpu.memory_space<vmem>>
    %dma_wait3A_2790 = arith.constant 0 : i32
    %dma_wait3A_2791 = tpu.memref_slice %arg4[%dma_wait3A_2790, %multiple_of3A_977] : memref<32x100000xf32, #tpu.memory_space<any>> -> memref<32x128xf32, #tpu.memory_space<any>>
    tpu.wait_dma2 semaphore(%arg17 : memref<!tpu.dma_semaphore, #tpu.memory_space<semaphore_mem>>) src(%dma_wait3A_2791 : memref<32x128xf32, #tpu.memory_space<any>>) dst(%dma_wait3A_2789 : memref<32x128xf32, #tpu.memory_space<vmem>>)
    %dma_wait3A_2792 = arith.constant 0 : i32
    %dma_wait3A_2793 = arith.constant 3072 : i32
    %dma_wait3A_2794 = tpu.memref_slice %arg16[%dma_wait3A_2792, %dma_wait3A_2793] : memref<64x8192xf32, #tpu.memory_space<vmem>> -> memref<64x128xf32, #tpu.memory_space<vmem>>
    %dma_wait3A_2795 = arith.constant 0 : i32
    %dma_wait3A_2796 = tpu.memref_slice %arg5[%dma_wait3A_2795, %multiple_of3A_977] : memref<64x100000xf32, #tpu.memory_space<any>> -> memref<64x128xf32, #tpu.memory_space<any>>
    tpu.wait_dma2 semaphore(%arg17 : memref<!tpu.dma_semaphore, #tpu.memory_space<semaphore_mem>>) src(%dma_wait3A_2796 : memref<64x128xf32, #tpu.memory_space<any>>) dst(%dma_wait3A_2794 : memref<64x128xf32, #tpu.memory_space<vmem>>)
    %dma_wait3A_2797 = arith.constant 0 : i32
    %dma_wait3A_2798 = arith.constant 3200 : i32
    %dma_wait3A_2799 = tpu.memref_slice %arg15[%dma_wait3A_2797, %dma_wait3A_2798] : memref<32x8192xf32, #tpu.memory_space<vmem>> -> memref<32x128xf32, #tpu.memory_space<vmem>>
    %dma_wait3A_2800 = arith.constant 0 : i32
    %dma_wait3A_2801 = tpu.memref_slice %arg4[%dma_wait3A_2800, %multiple_of3A_1017] : memref<32x100000xf32, #tpu.memory_space<any>> -> memref<32x128xf32, #tpu.memory_space<any>>
    tpu.wait_dma2 semaphore(%arg17 : memref<!tpu.dma_semaphore, #tpu.memory_space<semaphore_mem>>) src(%dma_wait3A_2801 : memref<32x128xf32, #tpu.memory_space<any>>) dst(%dma_wait3A_2799 : memref<32x128xf32, #tpu.memory_space<vmem>>)
    %dma_wait3A_2802 = arith.constant 0 : i32
    %dma_wait3A_2803 = arith.constant 3200 : i32
    %dma_wait3A_2804 = tpu.memref_slice %arg16[%dma_wait3A_2802, %dma_wait3A_2803] : memref<64x8192xf32, #tpu.memory_space<vmem>> -> memref<64x128xf32, #tpu.memory_space<vmem>>
    %dma_wait3A_2805 = arith.constant 0 : i32
    %dma_wait3A_2806 = tpu.memref_slice %arg5[%dma_wait3A_2805, %multiple_of3A_1017] : memref<64x100000xf32, #tpu.memory_space<any>> -> memref<64x128xf32, #tpu.memory_space<any>>
    tpu.wait_dma2 semaphore(%arg17 : memref<!tpu.dma_semaphore, #tpu.memory_space<semaphore_mem>>) src(%dma_wait3A_2806 : memref<64x128xf32, #tpu.memory_space<any>>) dst(%dma_wait3A_2804 : memref<64x128xf32, #tpu.memory_space<vmem>>)
    %dma_wait3A_2807 = arith.constant 0 : i32
    %dma_wait3A_2808 = arith.constant 3328 : i32
    %dma_wait3A_2809 = tpu.memref_slice %arg15[%dma_wait3A_2807, %dma_wait3A_2808] : memref<32x8192xf32, #tpu.memory_space<vmem>> -> memref<32x128xf32, #tpu.memory_space<vmem>>
    %dma_wait3A_2810 = arith.constant 0 : i32
    %dma_wait3A_2811 = tpu.memref_slice %arg4[%dma_wait3A_2810, %multiple_of3A_1057] : memref<32x100000xf32, #tpu.memory_space<any>> -> memref<32x128xf32, #tpu.memory_space<any>>
    tpu.wait_dma2 semaphore(%arg17 : memref<!tpu.dma_semaphore, #tpu.memory_space<semaphore_mem>>) src(%dma_wait3A_2811 : memref<32x128xf32, #tpu.memory_space<any>>) dst(%dma_wait3A_2809 : memref<32x128xf32, #tpu.memory_space<vmem>>)
    %dma_wait3A_2812 = arith.constant 0 : i32
    %dma_wait3A_2813 = arith.constant 3328 : i32
    %dma_wait3A_2814 = tpu.memref_slice %arg16[%dma_wait3A_2812, %dma_wait3A_2813] : memref<64x8192xf32, #tpu.memory_space<vmem>> -> memref<64x128xf32, #tpu.memory_space<vmem>>
    %dma_wait3A_2815 = arith.constant 0 : i32
    %dma_wait3A_2816 = tpu.memref_slice %arg5[%dma_wait3A_2815, %multiple_of3A_1057] : memref<64x100000xf32, #tpu.memory_space<any>> -> memref<64x128xf32, #tpu.memory_space<any>>
    tpu.wait_dma2 semaphore(%arg17 : memref<!tpu.dma_semaphore, #tpu.memory_space<semaphore_mem>>) src(%dma_wait3A_2816 : memref<64x128xf32, #tpu.memory_space<any>>) dst(%dma_wait3A_2814 : memref<64x128xf32, #tpu.memory_space<vmem>>)
    %dma_wait3A_2817 = arith.constant 0 : i32
    %dma_wait3A_2818 = arith.constant 3456 : i32
    %dma_wait3A_2819 = tpu.memref_slice %arg15[%dma_wait3A_2817, %dma_wait3A_2818] : memref<32x8192xf32, #tpu.memory_space<vmem>> -> memref<32x128xf32, #tpu.memory_space<vmem>>
    %dma_wait3A_2820 = arith.constant 0 : i32
    %dma_wait3A_2821 = tpu.memref_slice %arg4[%dma_wait3A_2820, %multiple_of3A_1097] : memref<32x100000xf32, #tpu.memory_space<any>> -> memref<32x128xf32, #tpu.memory_space<any>>
    tpu.wait_dma2 semaphore(%arg17 : memref<!tpu.dma_semaphore, #tpu.memory_space<semaphore_mem>>) src(%dma_wait3A_2821 : memref<32x128xf32, #tpu.memory_space<any>>) dst(%dma_wait3A_2819 : memref<32x128xf32, #tpu.memory_space<vmem>>)
    %dma_wait3A_2822 = arith.constant 0 : i32
    %dma_wait3A_2823 = arith.constant 3456 : i32
    %dma_wait3A_2824 = tpu.memref_slice %arg16[%dma_wait3A_2822, %dma_wait3A_2823] : memref<64x8192xf32, #tpu.memory_space<vmem>> -> memref<64x128xf32, #tpu.memory_space<vmem>>
    %dma_wait3A_2825 = arith.constant 0 : i32
    %dma_wait3A_2826 = tpu.memref_slice %arg5[%dma_wait3A_2825, %multiple_of3A_1097] : memref<64x100000xf32, #tpu.memory_space<any>> -> memref<64x128xf32, #tpu.memory_space<any>>
    tpu.wait_dma2 semaphore(%arg17 : memref<!tpu.dma_semaphore, #tpu.memory_space<semaphore_mem>>) src(%dma_wait3A_2826 : memref<64x128xf32, #tpu.memory_space<any>>) dst(%dma_wait3A_2824 : memref<64x128xf32, #tpu.memory_space<vmem>>)
    %dma_wait3A_2827 = arith.constant 0 : i32
    %dma_wait3A_2828 = arith.constant 3584 : i32
    %dma_wait3A_2829 = tpu.memref_slice %arg15[%dma_wait3A_2827, %dma_wait3A_2828] : memref<32x8192xf32, #tpu.memory_space<vmem>> -> memref<32x128xf32, #tpu.memory_space<vmem>>
    %dma_wait3A_2830 = arith.constant 0 : i32
    %dma_wait3A_2831 = tpu.memref_slice %arg4[%dma_wait3A_2830, %multiple_of3A_1137] : memref<32x100000xf32, #tpu.memory_space<any>> -> memref<32x128xf32, #tpu.memory_space<any>>
    tpu.wait_dma2 semaphore(%arg17 : memref<!tpu.dma_semaphore, #tpu.memory_space<semaphore_mem>>) src(%dma_wait3A_2831 : memref<32x128xf32, #tpu.memory_space<any>>) dst(%dma_wait3A_2829 : memref<32x128xf32, #tpu.memory_space<vmem>>)
    %dma_wait3A_2832 = arith.constant 0 : i32
    %dma_wait3A_2833 = arith.constant 3584 : i32
    %dma_wait3A_2834 = tpu.memref_slice %arg16[%dma_wait3A_2832, %dma_wait3A_2833] : memref<64x8192xf32, #tpu.memory_space<vmem>> -> memref<64x128xf32, #tpu.memory_space<vmem>>
    %dma_wait3A_2835 = arith.constant 0 : i32
    %dma_wait3A_2836 = tpu.memref_slice %arg5[%dma_wait3A_2835, %multiple_of3A_1137] : memref<64x100000xf32, #tpu.memory_space<any>> -> memref<64x128xf32, #tpu.memory_space<any>>
    tpu.wait_dma2 semaphore(%arg17 : memref<!tpu.dma_semaphore, #tpu.memory_space<semaphore_mem>>) src(%dma_wait3A_2836 : memref<64x128xf32, #tpu.memory_space<any>>) dst(%dma_wait3A_2834 : memref<64x128xf32, #tpu.memory_space<vmem>>)
    %dma_wait3A_2837 = arith.constant 0 : i32
    %dma_wait3A_2838 = arith.constant 3712 : i32
    %dma_wait3A_2839 = tpu.memref_slice %arg15[%dma_wait3A_2837, %dma_wait3A_2838] : memref<32x8192xf32, #tpu.memory_space<vmem>> -> memref<32x128xf32, #tpu.memory_space<vmem>>
    %dma_wait3A_2840 = arith.constant 0 : i32
    %dma_wait3A_2841 = tpu.memref_slice %arg4[%dma_wait3A_2840, %multiple_of3A_1177] : memref<32x100000xf32, #tpu.memory_space<any>> -> memref<32x128xf32, #tpu.memory_space<any>>
    tpu.wait_dma2 semaphore(%arg17 : memref<!tpu.dma_semaphore, #tpu.memory_space<semaphore_mem>>) src(%dma_wait3A_2841 : memref<32x128xf32, #tpu.memory_space<any>>) dst(%dma_wait3A_2839 : memref<32x128xf32, #tpu.memory_space<vmem>>)
    %dma_wait3A_2842 = arith.constant 0 : i32
    %dma_wait3A_2843 = arith.constant 3712 : i32
    %dma_wait3A_2844 = tpu.memref_slice %arg16[%dma_wait3A_2842, %dma_wait3A_2843] : memref<64x8192xf32, #tpu.memory_space<vmem>> -> memref<64x128xf32, #tpu.memory_space<vmem>>
    %dma_wait3A_2845 = arith.constant 0 : i32
    %dma_wait3A_2846 = tpu.memref_slice %arg5[%dma_wait3A_2845, %multiple_of3A_1177] : memref<64x100000xf32, #tpu.memory_space<any>> -> memref<64x128xf32, #tpu.memory_space<any>>
    tpu.wait_dma2 semaphore(%arg17 : memref<!tpu.dma_semaphore, #tpu.memory_space<semaphore_mem>>) src(%dma_wait3A_2846 : memref<64x128xf32, #tpu.memory_space<any>>) dst(%dma_wait3A_2844 : memref<64x128xf32, #tpu.memory_space<vmem>>)
    %dma_wait3A_2847 = arith.constant 0 : i32
    %dma_wait3A_2848 = arith.constant 3840 : i32
    %dma_wait3A_2849 = tpu.memref_slice %arg15[%dma_wait3A_2847, %dma_wait3A_2848] : memref<32x8192xf32, #tpu.memory_space<vmem>> -> memref<32x128xf32, #tpu.memory_space<vmem>>
    %dma_wait3A_2850 = arith.constant 0 : i32
    %dma_wait3A_2851 = tpu.memref_slice %arg4[%dma_wait3A_2850, %multiple_of3A_1217] : memref<32x100000xf32, #tpu.memory_space<any>> -> memref<32x128xf32, #tpu.memory_space<any>>
    tpu.wait_dma2 semaphore(%arg17 : memref<!tpu.dma_semaphore, #tpu.memory_space<semaphore_mem>>) src(%dma_wait3A_2851 : memref<32x128xf32, #tpu.memory_space<any>>) dst(%dma_wait3A_2849 : memref<32x128xf32, #tpu.memory_space<vmem>>)
    %dma_wait3A_2852 = arith.constant 0 : i32
    %dma_wait3A_2853 = arith.constant 3840 : i32
    %dma_wait3A_2854 = tpu.memref_slice %arg16[%dma_wait3A_2852, %dma_wait3A_2853] : memref<64x8192xf32, #tpu.memory_space<vmem>> -> memref<64x128xf32, #tpu.memory_space<vmem>>
    %dma_wait3A_2855 = arith.constant 0 : i32
    %dma_wait3A_2856 = tpu.memref_slice %arg5[%dma_wait3A_2855, %multiple_of3A_1217] : memref<64x100000xf32, #tpu.memory_space<any>> -> memref<64x128xf32, #tpu.memory_space<any>>
    tpu.wait_dma2 semaphore(%arg17 : memref<!tpu.dma_semaphore, #tpu.memory_space<semaphore_mem>>) src(%dma_wait3A_2856 : memref<64x128xf32, #tpu.memory_space<any>>) dst(%dma_wait3A_2854 : memref<64x128xf32, #tpu.memory_space<vmem>>)
    %dma_wait3A_2857 = arith.constant 0 : i32
    %dma_wait3A_2858 = arith.constant 3968 : i32
    %dma_wait3A_2859 = tpu.memref_slice %arg15[%dma_wait3A_2857, %dma_wait3A_2858] : memref<32x8192xf32, #tpu.memory_space<vmem>> -> memref<32x128xf32, #tpu.memory_space<vmem>>
    %dma_wait3A_2860 = arith.constant 0 : i32
    %dma_wait3A_2861 = tpu.memref_slice %arg4[%dma_wait3A_2860, %multiple_of3A_1257] : memref<32x100000xf32, #tpu.memory_space<any>> -> memref<32x128xf32, #tpu.memory_space<any>>
    tpu.wait_dma2 semaphore(%arg17 : memref<!tpu.dma_semaphore, #tpu.memory_space<semaphore_mem>>) src(%dma_wait3A_2861 : memref<32x128xf32, #tpu.memory_space<any>>) dst(%dma_wait3A_2859 : memref<32x128xf32, #tpu.memory_space<vmem>>)
    %dma_wait3A_2862 = arith.constant 0 : i32
    %dma_wait3A_2863 = arith.constant 3968 : i32
    %dma_wait3A_2864 = tpu.memref_slice %arg16[%dma_wait3A_2862, %dma_wait3A_2863] : memref<64x8192xf32, #tpu.memory_space<vmem>> -> memref<64x128xf32, #tpu.memory_space<vmem>>
    %dma_wait3A_2865 = arith.constant 0 : i32
    %dma_wait3A_2866 = tpu.memref_slice %arg5[%dma_wait3A_2865, %multiple_of3A_1257] : memref<64x100000xf32, #tpu.memory_space<any>> -> memref<64x128xf32, #tpu.memory_space<any>>
    tpu.wait_dma2 semaphore(%arg17 : memref<!tpu.dma_semaphore, #tpu.memory_space<semaphore_mem>>) src(%dma_wait3A_2866 : memref<64x128xf32, #tpu.memory_space<any>>) dst(%dma_wait3A_2864 : memref<64x128xf32, #tpu.memory_space<vmem>>)
    %dma_wait3A_2867 = arith.constant 0 : i32
    %dma_wait3A_2868 = arith.constant 4096 : i32
    %dma_wait3A_2869 = tpu.memref_slice %arg15[%dma_wait3A_2867, %dma_wait3A_2868] : memref<32x8192xf32, #tpu.memory_space<vmem>> -> memref<32x128xf32, #tpu.memory_space<vmem>>
    %dma_wait3A_2870 = arith.constant 0 : i32
    %dma_wait3A_2871 = tpu.memref_slice %arg4[%dma_wait3A_2870, %multiple_of3A_1297] : memref<32x100000xf32, #tpu.memory_space<any>> -> memref<32x128xf32, #tpu.memory_space<any>>
    tpu.wait_dma2 semaphore(%arg17 : memref<!tpu.dma_semaphore, #tpu.memory_space<semaphore_mem>>) src(%dma_wait3A_2871 : memref<32x128xf32, #tpu.memory_space<any>>) dst(%dma_wait3A_2869 : memref<32x128xf32, #tpu.memory_space<vmem>>)
    %dma_wait3A_2872 = arith.constant 0 : i32
    %dma_wait3A_2873 = arith.constant 4096 : i32
    %dma_wait3A_2874 = tpu.memref_slice %arg16[%dma_wait3A_2872, %dma_wait3A_2873] : memref<64x8192xf32, #tpu.memory_space<vmem>> -> memref<64x128xf32, #tpu.memory_space<vmem>>
    %dma_wait3A_2875 = arith.constant 0 : i32
    %dma_wait3A_2876 = tpu.memref_slice %arg5[%dma_wait3A_2875, %multiple_of3A_1297] : memref<64x100000xf32, #tpu.memory_space<any>> -> memref<64x128xf32, #tpu.memory_space<any>>
    tpu.wait_dma2 semaphore(%arg17 : memref<!tpu.dma_semaphore, #tpu.memory_space<semaphore_mem>>) src(%dma_wait3A_2876 : memref<64x128xf32, #tpu.memory_space<any>>) dst(%dma_wait3A_2874 : memref<64x128xf32, #tpu.memory_space<vmem>>)
    %dma_wait3A_2877 = arith.constant 0 : i32
    %dma_wait3A_2878 = arith.constant 4224 : i32
    %dma_wait3A_2879 = tpu.memref_slice %arg15[%dma_wait3A_2877, %dma_wait3A_2878] : memref<32x8192xf32, #tpu.memory_space<vmem>> -> memref<32x128xf32, #tpu.memory_space<vmem>>
    %dma_wait3A_2880 = arith.constant 0 : i32
    %dma_wait3A_2881 = tpu.memref_slice %arg4[%dma_wait3A_2880, %multiple_of3A_1337] : memref<32x100000xf32, #tpu.memory_space<any>> -> memref<32x128xf32, #tpu.memory_space<any>>
    tpu.wait_dma2 semaphore(%arg17 : memref<!tpu.dma_semaphore, #tpu.memory_space<semaphore_mem>>) src(%dma_wait3A_2881 : memref<32x128xf32, #tpu.memory_space<any>>) dst(%dma_wait3A_2879 : memref<32x128xf32, #tpu.memory_space<vmem>>)
    %dma_wait3A_2882 = arith.constant 0 : i32
    %dma_wait3A_2883 = arith.constant 4224 : i32
    %dma_wait3A_2884 = tpu.memref_slice %arg16[%dma_wait3A_2882, %dma_wait3A_2883] : memref<64x8192xf32, #tpu.memory_space<vmem>> -> memref<64x128xf32, #tpu.memory_space<vmem>>
    %dma_wait3A_2885 = arith.constant 0 : i32
    %dma_wait3A_2886 = tpu.memref_slice %arg5[%dma_wait3A_2885, %multiple_of3A_1337] : memref<64x100000xf32, #tpu.memory_space<any>> -> memref<64x128xf32, #tpu.memory_space<any>>
    tpu.wait_dma2 semaphore(%arg17 : memref<!tpu.dma_semaphore, #tpu.memory_space<semaphore_mem>>) src(%dma_wait3A_2886 : memref<64x128xf32, #tpu.memory_space<any>>) dst(%dma_wait3A_2884 : memref<64x128xf32, #tpu.memory_space<vmem>>)
    %dma_wait3A_2887 = arith.constant 0 : i32
    %dma_wait3A_2888 = arith.constant 4352 : i32
    %dma_wait3A_2889 = tpu.memref_slice %arg15[%dma_wait3A_2887, %dma_wait3A_2888] : memref<32x8192xf32, #tpu.memory_space<vmem>> -> memref<32x128xf32, #tpu.memory_space<vmem>>
    %dma_wait3A_2890 = arith.constant 0 : i32
    %dma_wait3A_2891 = tpu.memref_slice %arg4[%dma_wait3A_2890, %multiple_of3A_1377] : memref<32x100000xf32, #tpu.memory_space<any>> -> memref<32x128xf32, #tpu.memory_space<any>>
    tpu.wait_dma2 semaphore(%arg17 : memref<!tpu.dma_semaphore, #tpu.memory_space<semaphore_mem>>) src(%dma_wait3A_2891 : memref<32x128xf32, #tpu.memory_space<any>>) dst(%dma_wait3A_2889 : memref<32x128xf32, #tpu.memory_space<vmem>>)
    %dma_wait3A_2892 = arith.constant 0 : i32
    %dma_wait3A_2893 = arith.constant 4352 : i32
    %dma_wait3A_2894 = tpu.memref_slice %arg16[%dma_wait3A_2892, %dma_wait3A_2893] : memref<64x8192xf32, #tpu.memory_space<vmem>> -> memref<64x128xf32, #tpu.memory_space<vmem>>
    %dma_wait3A_2895 = arith.constant 0 : i32
    %dma_wait3A_2896 = tpu.memref_slice %arg5[%dma_wait3A_2895, %multiple_of3A_1377] : memref<64x100000xf32, #tpu.memory_space<any>> -> memref<64x128xf32, #tpu.memory_space<any>>
    tpu.wait_dma2 semaphore(%arg17 : memref<!tpu.dma_semaphore, #tpu.memory_space<semaphore_mem>>) src(%dma_wait3A_2896 : memref<64x128xf32, #tpu.memory_space<any>>) dst(%dma_wait3A_2894 : memref<64x128xf32, #tpu.memory_space<vmem>>)
    %dma_wait3A_2897 = arith.constant 0 : i32
    %dma_wait3A_2898 = arith.constant 4480 : i32
    %dma_wait3A_2899 = tpu.memref_slice %arg15[%dma_wait3A_2897, %dma_wait3A_2898] : memref<32x8192xf32, #tpu.memory_space<vmem>> -> memref<32x128xf32, #tpu.memory_space<vmem>>
    %dma_wait3A_2900 = arith.constant 0 : i32
    %dma_wait3A_2901 = tpu.memref_slice %arg4[%dma_wait3A_2900, %multiple_of3A_1417] : memref<32x100000xf32, #tpu.memory_space<any>> -> memref<32x128xf32, #tpu.memory_space<any>>
    tpu.wait_dma2 semaphore(%arg17 : memref<!tpu.dma_semaphore, #tpu.memory_space<semaphore_mem>>) src(%dma_wait3A_2901 : memref<32x128xf32, #tpu.memory_space<any>>) dst(%dma_wait3A_2899 : memref<32x128xf32, #tpu.memory_space<vmem>>)
    %dma_wait3A_2902 = arith.constant 0 : i32
    %dma_wait3A_2903 = arith.constant 4480 : i32
    %dma_wait3A_2904 = tpu.memref_slice %arg16[%dma_wait3A_2902, %dma_wait3A_2903] : memref<64x8192xf32, #tpu.memory_space<vmem>> -> memref<64x128xf32, #tpu.memory_space<vmem>>
    %dma_wait3A_2905 = arith.constant 0 : i32
    %dma_wait3A_2906 = tpu.memref_slice %arg5[%dma_wait3A_2905, %multiple_of3A_1417] : memref<64x100000xf32, #tpu.memory_space<any>> -> memref<64x128xf32, #tpu.memory_space<any>>
    tpu.wait_dma2 semaphore(%arg17 : memref<!tpu.dma_semaphore, #tpu.memory_space<semaphore_mem>>) src(%dma_wait3A_2906 : memref<64x128xf32, #tpu.memory_space<any>>) dst(%dma_wait3A_2904 : memref<64x128xf32, #tpu.memory_space<vmem>>)
    %dma_wait3A_2907 = arith.constant 0 : i32
    %dma_wait3A_2908 = arith.constant 4608 : i32
    %dma_wait3A_2909 = tpu.memref_slice %arg15[%dma_wait3A_2907, %dma_wait3A_2908] : memref<32x8192xf32, #tpu.memory_space<vmem>> -> memref<32x128xf32, #tpu.memory_space<vmem>>
    %dma_wait3A_2910 = arith.constant 0 : i32
    %dma_wait3A_2911 = tpu.memref_slice %arg4[%dma_wait3A_2910, %multiple_of3A_1457] : memref<32x100000xf32, #tpu.memory_space<any>> -> memref<32x128xf32, #tpu.memory_space<any>>
    tpu.wait_dma2 semaphore(%arg17 : memref<!tpu.dma_semaphore, #tpu.memory_space<semaphore_mem>>) src(%dma_wait3A_2911 : memref<32x128xf32, #tpu.memory_space<any>>) dst(%dma_wait3A_2909 : memref<32x128xf32, #tpu.memory_space<vmem>>)
    %dma_wait3A_2912 = arith.constant 0 : i32
    %dma_wait3A_2913 = arith.constant 4608 : i32
    %dma_wait3A_2914 = tpu.memref_slice %arg16[%dma_wait3A_2912, %dma_wait3A_2913] : memref<64x8192xf32, #tpu.memory_space<vmem>> -> memref<64x128xf32, #tpu.memory_space<vmem>>
    %dma_wait3A_2915 = arith.constant 0 : i32
    %dma_wait3A_2916 = tpu.memref_slice %arg5[%dma_wait3A_2915, %multiple_of3A_1457] : memref<64x100000xf32, #tpu.memory_space<any>> -> memref<64x128xf32, #tpu.memory_space<any>>
    tpu.wait_dma2 semaphore(%arg17 : memref<!tpu.dma_semaphore, #tpu.memory_space<semaphore_mem>>) src(%dma_wait3A_2916 : memref<64x128xf32, #tpu.memory_space<any>>) dst(%dma_wait3A_2914 : memref<64x128xf32, #tpu.memory_space<vmem>>)
    %dma_wait3A_2917 = arith.constant 0 : i32
    %dma_wait3A_2918 = arith.constant 4736 : i32
    %dma_wait3A_2919 = tpu.memref_slice %arg15[%dma_wait3A_2917, %dma_wait3A_2918] : memref<32x8192xf32, #tpu.memory_space<vmem>> -> memref<32x128xf32, #tpu.memory_space<vmem>>
    %dma_wait3A_2920 = arith.constant 0 : i32
    %dma_wait3A_2921 = tpu.memref_slice %arg4[%dma_wait3A_2920, %multiple_of3A_1497] : memref<32x100000xf32, #tpu.memory_space<any>> -> memref<32x128xf32, #tpu.memory_space<any>>
    tpu.wait_dma2 semaphore(%arg17 : memref<!tpu.dma_semaphore, #tpu.memory_space<semaphore_mem>>) src(%dma_wait3A_2921 : memref<32x128xf32, #tpu.memory_space<any>>) dst(%dma_wait3A_2919 : memref<32x128xf32, #tpu.memory_space<vmem>>)
    %dma_wait3A_2922 = arith.constant 0 : i32
    %dma_wait3A_2923 = arith.constant 4736 : i32
    %dma_wait3A_2924 = tpu.memref_slice %arg16[%dma_wait3A_2922, %dma_wait3A_2923] : memref<64x8192xf32, #tpu.memory_space<vmem>> -> memref<64x128xf32, #tpu.memory_space<vmem>>
    %dma_wait3A_2925 = arith.constant 0 : i32
    %dma_wait3A_2926 = tpu.memref_slice %arg5[%dma_wait3A_2925, %multiple_of3A_1497] : memref<64x100000xf32, #tpu.memory_space<any>> -> memref<64x128xf32, #tpu.memory_space<any>>
    tpu.wait_dma2 semaphore(%arg17 : memref<!tpu.dma_semaphore, #tpu.memory_space<semaphore_mem>>) src(%dma_wait3A_2926 : memref<64x128xf32, #tpu.memory_space<any>>) dst(%dma_wait3A_2924 : memref<64x128xf32, #tpu.memory_space<vmem>>)
    %dma_wait3A_2927 = arith.constant 0 : i32
    %dma_wait3A_2928 = arith.constant 4864 : i32
    %dma_wait3A_2929 = tpu.memref_slice %arg15[%dma_wait3A_2927, %dma_wait3A_2928] : memref<32x8192xf32, #tpu.memory_space<vmem>> -> memref<32x128xf32, #tpu.memory_space<vmem>>
    %dma_wait3A_2930 = arith.constant 0 : i32
    %dma_wait3A_2931 = tpu.memref_slice %arg4[%dma_wait3A_2930, %multiple_of3A_1537] : memref<32x100000xf32, #tpu.memory_space<any>> -> memref<32x128xf32, #tpu.memory_space<any>>
    tpu.wait_dma2 semaphore(%arg17 : memref<!tpu.dma_semaphore, #tpu.memory_space<semaphore_mem>>) src(%dma_wait3A_2931 : memref<32x128xf32, #tpu.memory_space<any>>) dst(%dma_wait3A_2929 : memref<32x128xf32, #tpu.memory_space<vmem>>)
    %dma_wait3A_2932 = arith.constant 0 : i32
    %dma_wait3A_2933 = arith.constant 4864 : i32
    %dma_wait3A_2934 = tpu.memref_slice %arg16[%dma_wait3A_2932, %dma_wait3A_2933] : memref<64x8192xf32, #tpu.memory_space<vmem>> -> memref<64x128xf32, #tpu.memory_space<vmem>>
    %dma_wait3A_2935 = arith.constant 0 : i32
    %dma_wait3A_2936 = tpu.memref_slice %arg5[%dma_wait3A_2935, %multiple_of3A_1537] : memref<64x100000xf32, #tpu.memory_space<any>> -> memref<64x128xf32, #tpu.memory_space<any>>
    tpu.wait_dma2 semaphore(%arg17 : memref<!tpu.dma_semaphore, #tpu.memory_space<semaphore_mem>>) src(%dma_wait3A_2936 : memref<64x128xf32, #tpu.memory_space<any>>) dst(%dma_wait3A_2934 : memref<64x128xf32, #tpu.memory_space<vmem>>)
    %dma_wait3A_2937 = arith.constant 0 : i32
    %dma_wait3A_2938 = arith.constant 4992 : i32
    %dma_wait3A_2939 = tpu.memref_slice %arg15[%dma_wait3A_2937, %dma_wait3A_2938] : memref<32x8192xf32, #tpu.memory_space<vmem>> -> memref<32x128xf32, #tpu.memory_space<vmem>>
    %dma_wait3A_2940 = arith.constant 0 : i32
    %dma_wait3A_2941 = tpu.memref_slice %arg4[%dma_wait3A_2940, %multiple_of3A_1577] : memref<32x100000xf32, #tpu.memory_space<any>> -> memref<32x128xf32, #tpu.memory_space<any>>
    tpu.wait_dma2 semaphore(%arg17 : memref<!tpu.dma_semaphore, #tpu.memory_space<semaphore_mem>>) src(%dma_wait3A_2941 : memref<32x128xf32, #tpu.memory_space<any>>) dst(%dma_wait3A_2939 : memref<32x128xf32, #tpu.memory_space<vmem>>)
    %dma_wait3A_2942 = arith.constant 0 : i32
    %dma_wait3A_2943 = arith.constant 4992 : i32
    %dma_wait3A_2944 = tpu.memref_slice %arg16[%dma_wait3A_2942, %dma_wait3A_2943] : memref<64x8192xf32, #tpu.memory_space<vmem>> -> memref<64x128xf32, #tpu.memory_space<vmem>>
    %dma_wait3A_2945 = arith.constant 0 : i32
    %dma_wait3A_2946 = tpu.memref_slice %arg5[%dma_wait3A_2945, %multiple_of3A_1577] : memref<64x100000xf32, #tpu.memory_space<any>> -> memref<64x128xf32, #tpu.memory_space<any>>
    tpu.wait_dma2 semaphore(%arg17 : memref<!tpu.dma_semaphore, #tpu.memory_space<semaphore_mem>>) src(%dma_wait3A_2946 : memref<64x128xf32, #tpu.memory_space<any>>) dst(%dma_wait3A_2944 : memref<64x128xf32, #tpu.memory_space<vmem>>)
    %dma_wait3A_2947 = arith.constant 0 : i32
    %dma_wait3A_2948 = arith.constant 5120 : i32
    %dma_wait3A_2949 = tpu.memref_slice %arg15[%dma_wait3A_2947, %dma_wait3A_2948] : memref<32x8192xf32, #tpu.memory_space<vmem>> -> memref<32x128xf32, #tpu.memory_space<vmem>>
    %dma_wait3A_2950 = arith.constant 0 : i32
    %dma_wait3A_2951 = tpu.memref_slice %arg4[%dma_wait3A_2950, %multiple_of3A_1617] : memref<32x100000xf32, #tpu.memory_space<any>> -> memref<32x128xf32, #tpu.memory_space<any>>
    tpu.wait_dma2 semaphore(%arg17 : memref<!tpu.dma_semaphore, #tpu.memory_space<semaphore_mem>>) src(%dma_wait3A_2951 : memref<32x128xf32, #tpu.memory_space<any>>) dst(%dma_wait3A_2949 : memref<32x128xf32, #tpu.memory_space<vmem>>)
    %dma_wait3A_2952 = arith.constant 0 : i32
    %dma_wait3A_2953 = arith.constant 5120 : i32
    %dma_wait3A_2954 = tpu.memref_slice %arg16[%dma_wait3A_2952, %dma_wait3A_2953] : memref<64x8192xf32, #tpu.memory_space<vmem>> -> memref<64x128xf32, #tpu.memory_space<vmem>>
    %dma_wait3A_2955 = arith.constant 0 : i32
    %dma_wait3A_2956 = tpu.memref_slice %arg5[%dma_wait3A_2955, %multiple_of3A_1617] : memref<64x100000xf32, #tpu.memory_space<any>> -> memref<64x128xf32, #tpu.memory_space<any>>
    tpu.wait_dma2 semaphore(%arg17 : memref<!tpu.dma_semaphore, #tpu.memory_space<semaphore_mem>>) src(%dma_wait3A_2956 : memref<64x128xf32, #tpu.memory_space<any>>) dst(%dma_wait3A_2954 : memref<64x128xf32, #tpu.memory_space<vmem>>)
    %dma_wait3A_2957 = arith.constant 0 : i32
    %dma_wait3A_2958 = arith.constant 5248 : i32
    %dma_wait3A_2959 = tpu.memref_slice %arg15[%dma_wait3A_2957, %dma_wait3A_2958] : memref<32x8192xf32, #tpu.memory_space<vmem>> -> memref<32x128xf32, #tpu.memory_space<vmem>>
    %dma_wait3A_2960 = arith.constant 0 : i32
    %dma_wait3A_2961 = tpu.memref_slice %arg4[%dma_wait3A_2960, %multiple_of3A_1657] : memref<32x100000xf32, #tpu.memory_space<any>> -> memref<32x128xf32, #tpu.memory_space<any>>
    tpu.wait_dma2 semaphore(%arg17 : memref<!tpu.dma_semaphore, #tpu.memory_space<semaphore_mem>>) src(%dma_wait3A_2961 : memref<32x128xf32, #tpu.memory_space<any>>) dst(%dma_wait3A_2959 : memref<32x128xf32, #tpu.memory_space<vmem>>)
    %dma_wait3A_2962 = arith.constant 0 : i32
    %dma_wait3A_2963 = arith.constant 5248 : i32
    %dma_wait3A_2964 = tpu.memref_slice %arg16[%dma_wait3A_2962, %dma_wait3A_2963] : memref<64x8192xf32, #tpu.memory_space<vmem>> -> memref<64x128xf32, #tpu.memory_space<vmem>>
    %dma_wait3A_2965 = arith.constant 0 : i32
    %dma_wait3A_2966 = tpu.memref_slice %arg5[%dma_wait3A_2965, %multiple_of3A_1657] : memref<64x100000xf32, #tpu.memory_space<any>> -> memref<64x128xf32, #tpu.memory_space<any>>
    tpu.wait_dma2 semaphore(%arg17 : memref<!tpu.dma_semaphore, #tpu.memory_space<semaphore_mem>>) src(%dma_wait3A_2966 : memref<64x128xf32, #tpu.memory_space<any>>) dst(%dma_wait3A_2964 : memref<64x128xf32, #tpu.memory_space<vmem>>)
    %dma_wait3A_2967 = arith.constant 0 : i32
    %dma_wait3A_2968 = arith.constant 5376 : i32
    %dma_wait3A_2969 = tpu.memref_slice %arg15[%dma_wait3A_2967, %dma_wait3A_2968] : memref<32x8192xf32, #tpu.memory_space<vmem>> -> memref<32x128xf32, #tpu.memory_space<vmem>>
    %dma_wait3A_2970 = arith.constant 0 : i32
    %dma_wait3A_2971 = tpu.memref_slice %arg4[%dma_wait3A_2970, %multiple_of3A_1697] : memref<32x100000xf32, #tpu.memory_space<any>> -> memref<32x128xf32, #tpu.memory_space<any>>
    tpu.wait_dma2 semaphore(%arg17 : memref<!tpu.dma_semaphore, #tpu.memory_space<semaphore_mem>>) src(%dma_wait3A_2971 : memref<32x128xf32, #tpu.memory_space<any>>) dst(%dma_wait3A_2969 : memref<32x128xf32, #tpu.memory_space<vmem>>)
    %dma_wait3A_2972 = arith.constant 0 : i32
    %dma_wait3A_2973 = arith.constant 5376 : i32
    %dma_wait3A_2974 = tpu.memref_slice %arg16[%dma_wait3A_2972, %dma_wait3A_2973] : memref<64x8192xf32, #tpu.memory_space<vmem>> -> memref<64x128xf32, #tpu.memory_space<vmem>>
    %dma_wait3A_2975 = arith.constant 0 : i32
    %dma_wait3A_2976 = tpu.memref_slice %arg5[%dma_wait3A_2975, %multiple_of3A_1697] : memref<64x100000xf32, #tpu.memory_space<any>> -> memref<64x128xf32, #tpu.memory_space<any>>
    tpu.wait_dma2 semaphore(%arg17 : memref<!tpu.dma_semaphore, #tpu.memory_space<semaphore_mem>>) src(%dma_wait3A_2976 : memref<64x128xf32, #tpu.memory_space<any>>) dst(%dma_wait3A_2974 : memref<64x128xf32, #tpu.memory_space<vmem>>)
    %dma_wait3A_2977 = arith.constant 0 : i32
    %dma_wait3A_2978 = arith.constant 5504 : i32
    %dma_wait3A_2979 = tpu.memref_slice %arg15[%dma_wait3A_2977, %dma_wait3A_2978] : memref<32x8192xf32, #tpu.memory_space<vmem>> -> memref<32x128xf32, #tpu.memory_space<vmem>>
    %dma_wait3A_2980 = arith.constant 0 : i32
    %dma_wait3A_2981 = tpu.memref_slice %arg4[%dma_wait3A_2980, %multiple_of3A_1737] : memref<32x100000xf32, #tpu.memory_space<any>> -> memref<32x128xf32, #tpu.memory_space<any>>
    tpu.wait_dma2 semaphore(%arg17 : memref<!tpu.dma_semaphore, #tpu.memory_space<semaphore_mem>>) src(%dma_wait3A_2981 : memref<32x128xf32, #tpu.memory_space<any>>) dst(%dma_wait3A_2979 : memref<32x128xf32, #tpu.memory_space<vmem>>)
    %dma_wait3A_2982 = arith.constant 0 : i32
    %dma_wait3A_2983 = arith.constant 5504 : i32
    %dma_wait3A_2984 = tpu.memref_slice %arg16[%dma_wait3A_2982, %dma_wait3A_2983] : memref<64x8192xf32, #tpu.memory_space<vmem>> -> memref<64x128xf32, #tpu.memory_space<vmem>>
    %dma_wait3A_2985 = arith.constant 0 : i32
    %dma_wait3A_2986 = tpu.memref_slice %arg5[%dma_wait3A_2985, %multiple_of3A_1737] : memref<64x100000xf32, #tpu.memory_space<any>> -> memref<64x128xf32, #tpu.memory_space<any>>
    tpu.wait_dma2 semaphore(%arg17 : memref<!tpu.dma_semaphore, #tpu.memory_space<semaphore_mem>>) src(%dma_wait3A_2986 : memref<64x128xf32, #tpu.memory_space<any>>) dst(%dma_wait3A_2984 : memref<64x128xf32, #tpu.memory_space<vmem>>)
    %dma_wait3A_2987 = arith.constant 0 : i32
    %dma_wait3A_2988 = arith.constant 5632 : i32
    %dma_wait3A_2989 = tpu.memref_slice %arg15[%dma_wait3A_2987, %dma_wait3A_2988] : memref<32x8192xf32, #tpu.memory_space<vmem>> -> memref<32x128xf32, #tpu.memory_space<vmem>>
    %dma_wait3A_2990 = arith.constant 0 : i32
    %dma_wait3A_2991 = tpu.memref_slice %arg4[%dma_wait3A_2990, %multiple_of3A_1777] : memref<32x100000xf32, #tpu.memory_space<any>> -> memref<32x128xf32, #tpu.memory_space<any>>
    tpu.wait_dma2 semaphore(%arg17 : memref<!tpu.dma_semaphore, #tpu.memory_space<semaphore_mem>>) src(%dma_wait3A_2991 : memref<32x128xf32, #tpu.memory_space<any>>) dst(%dma_wait3A_2989 : memref<32x128xf32, #tpu.memory_space<vmem>>)
    %dma_wait3A_2992 = arith.constant 0 : i32
    %dma_wait3A_2993 = arith.constant 5632 : i32
    %dma_wait3A_2994 = tpu.memref_slice %arg16[%dma_wait3A_2992, %dma_wait3A_2993] : memref<64x8192xf32, #tpu.memory_space<vmem>> -> memref<64x128xf32, #tpu.memory_space<vmem>>
    %dma_wait3A_2995 = arith.constant 0 : i32
    %dma_wait3A_2996 = tpu.memref_slice %arg5[%dma_wait3A_2995, %multiple_of3A_1777] : memref<64x100000xf32, #tpu.memory_space<any>> -> memref<64x128xf32, #tpu.memory_space<any>>
    tpu.wait_dma2 semaphore(%arg17 : memref<!tpu.dma_semaphore, #tpu.memory_space<semaphore_mem>>) src(%dma_wait3A_2996 : memref<64x128xf32, #tpu.memory_space<any>>) dst(%dma_wait3A_2994 : memref<64x128xf32, #tpu.memory_space<vmem>>)
    %dma_wait3A_2997 = arith.constant 0 : i32
    %dma_wait3A_2998 = arith.constant 5760 : i32
    %dma_wait3A_2999 = tpu.memref_slice %arg15[%dma_wait3A_2997, %dma_wait3A_2998] : memref<32x8192xf32, #tpu.memory_space<vmem>> -> memref<32x128xf32, #tpu.memory_space<vmem>>
    %dma_wait3A_3000 = arith.constant 0 : i32
    %dma_wait3A_3001 = tpu.memref_slice %arg4[%dma_wait3A_3000, %multiple_of3A_1817] : memref<32x100000xf32, #tpu.memory_space<any>> -> memref<32x128xf32, #tpu.memory_space<any>>
    tpu.wait_dma2 semaphore(%arg17 : memref<!tpu.dma_semaphore, #tpu.memory_space<semaphore_mem>>) src(%dma_wait3A_3001 : memref<32x128xf32, #tpu.memory_space<any>>) dst(%dma_wait3A_2999 : memref<32x128xf32, #tpu.memory_space<vmem>>)
    %dma_wait3A_3002 = arith.constant 0 : i32
    %dma_wait3A_3003 = arith.constant 5760 : i32
    %dma_wait3A_3004 = tpu.memref_slice %arg16[%dma_wait3A_3002, %dma_wait3A_3003] : memref<64x8192xf32, #tpu.memory_space<vmem>> -> memref<64x128xf32, #tpu.memory_space<vmem>>
    %dma_wait3A_3005 = arith.constant 0 : i32
    %dma_wait3A_3006 = tpu.memref_slice %arg5[%dma_wait3A_3005, %multiple_of3A_1817] : memref<64x100000xf32, #tpu.memory_space<any>> -> memref<64x128xf32, #tpu.memory_space<any>>
    tpu.wait_dma2 semaphore(%arg17 : memref<!tpu.dma_semaphore, #tpu.memory_space<semaphore_mem>>) src(%dma_wait3A_3006 : memref<64x128xf32, #tpu.memory_space<any>>) dst(%dma_wait3A_3004 : memref<64x128xf32, #tpu.memory_space<vmem>>)
    %dma_wait3A_3007 = arith.constant 0 : i32
    %dma_wait3A_3008 = arith.constant 5888 : i32
    %dma_wait3A_3009 = tpu.memref_slice %arg15[%dma_wait3A_3007, %dma_wait3A_3008] : memref<32x8192xf32, #tpu.memory_space<vmem>> -> memref<32x128xf32, #tpu.memory_space<vmem>>
    %dma_wait3A_3010 = arith.constant 0 : i32
    %dma_wait3A_3011 = tpu.memref_slice %arg4[%dma_wait3A_3010, %multiple_of3A_1857] : memref<32x100000xf32, #tpu.memory_space<any>> -> memref<32x128xf32, #tpu.memory_space<any>>
    tpu.wait_dma2 semaphore(%arg17 : memref<!tpu.dma_semaphore, #tpu.memory_space<semaphore_mem>>) src(%dma_wait3A_3011 : memref<32x128xf32, #tpu.memory_space<any>>) dst(%dma_wait3A_3009 : memref<32x128xf32, #tpu.memory_space<vmem>>)
    %dma_wait3A_3012 = arith.constant 0 : i32
    %dma_wait3A_3013 = arith.constant 5888 : i32
    %dma_wait3A_3014 = tpu.memref_slice %arg16[%dma_wait3A_3012, %dma_wait3A_3013] : memref<64x8192xf32, #tpu.memory_space<vmem>> -> memref<64x128xf32, #tpu.memory_space<vmem>>
    %dma_wait3A_3015 = arith.constant 0 : i32
    %dma_wait3A_3016 = tpu.memref_slice %arg5[%dma_wait3A_3015, %multiple_of3A_1857] : memref<64x100000xf32, #tpu.memory_space<any>> -> memref<64x128xf32, #tpu.memory_space<any>>
    tpu.wait_dma2 semaphore(%arg17 : memref<!tpu.dma_semaphore, #tpu.memory_space<semaphore_mem>>) src(%dma_wait3A_3016 : memref<64x128xf32, #tpu.memory_space<any>>) dst(%dma_wait3A_3014 : memref<64x128xf32, #tpu.memory_space<vmem>>)
    %dma_wait3A_3017 = arith.constant 0 : i32
    %dma_wait3A_3018 = arith.constant 6016 : i32
    %dma_wait3A_3019 = tpu.memref_slice %arg15[%dma_wait3A_3017, %dma_wait3A_3018] : memref<32x8192xf32, #tpu.memory_space<vmem>> -> memref<32x128xf32, #tpu.memory_space<vmem>>
    %dma_wait3A_3020 = arith.constant 0 : i32
    %dma_wait3A_3021 = tpu.memref_slice %arg4[%dma_wait3A_3020, %multiple_of3A_1897] : memref<32x100000xf32, #tpu.memory_space<any>> -> memref<32x128xf32, #tpu.memory_space<any>>
    tpu.wait_dma2 semaphore(%arg17 : memref<!tpu.dma_semaphore, #tpu.memory_space<semaphore_mem>>) src(%dma_wait3A_3021 : memref<32x128xf32, #tpu.memory_space<any>>) dst(%dma_wait3A_3019 : memref<32x128xf32, #tpu.memory_space<vmem>>)
    %dma_wait3A_3022 = arith.constant 0 : i32
    %dma_wait3A_3023 = arith.constant 6016 : i32
    %dma_wait3A_3024 = tpu.memref_slice %arg16[%dma_wait3A_3022, %dma_wait3A_3023] : memref<64x8192xf32, #tpu.memory_space<vmem>> -> memref<64x128xf32, #tpu.memory_space<vmem>>
    %dma_wait3A_3025 = arith.constant 0 : i32
    %dma_wait3A_3026 = tpu.memref_slice %arg5[%dma_wait3A_3025, %multiple_of3A_1897] : memref<64x100000xf32, #tpu.memory_space<any>> -> memref<64x128xf32, #tpu.memory_space<any>>
    tpu.wait_dma2 semaphore(%arg17 : memref<!tpu.dma_semaphore, #tpu.memory_space<semaphore_mem>>) src(%dma_wait3A_3026 : memref<64x128xf32, #tpu.memory_space<any>>) dst(%dma_wait3A_3024 : memref<64x128xf32, #tpu.memory_space<vmem>>)
    %dma_wait3A_3027 = arith.constant 0 : i32
    %dma_wait3A_3028 = arith.constant 6144 : i32
    %dma_wait3A_3029 = tpu.memref_slice %arg15[%dma_wait3A_3027, %dma_wait3A_3028] : memref<32x8192xf32, #tpu.memory_space<vmem>> -> memref<32x128xf32, #tpu.memory_space<vmem>>
    %dma_wait3A_3030 = arith.constant 0 : i32
    %dma_wait3A_3031 = tpu.memref_slice %arg4[%dma_wait3A_3030, %multiple_of3A_1937] : memref<32x100000xf32, #tpu.memory_space<any>> -> memref<32x128xf32, #tpu.memory_space<any>>
    tpu.wait_dma2 semaphore(%arg17 : memref<!tpu.dma_semaphore, #tpu.memory_space<semaphore_mem>>) src(%dma_wait3A_3031 : memref<32x128xf32, #tpu.memory_space<any>>) dst(%dma_wait3A_3029 : memref<32x128xf32, #tpu.memory_space<vmem>>)
    %dma_wait3A_3032 = arith.constant 0 : i32
    %dma_wait3A_3033 = arith.constant 6144 : i32
    %dma_wait3A_3034 = tpu.memref_slice %arg16[%dma_wait3A_3032, %dma_wait3A_3033] : memref<64x8192xf32, #tpu.memory_space<vmem>> -> memref<64x128xf32, #tpu.memory_space<vmem>>
    %dma_wait3A_3035 = arith.constant 0 : i32
    %dma_wait3A_3036 = tpu.memref_slice %arg5[%dma_wait3A_3035, %multiple_of3A_1937] : memref<64x100000xf32, #tpu.memory_space<any>> -> memref<64x128xf32, #tpu.memory_space<any>>
    tpu.wait_dma2 semaphore(%arg17 : memref<!tpu.dma_semaphore, #tpu.memory_space<semaphore_mem>>) src(%dma_wait3A_3036 : memref<64x128xf32, #tpu.memory_space<any>>) dst(%dma_wait3A_3034 : memref<64x128xf32, #tpu.memory_space<vmem>>)
    %dma_wait3A_3037 = arith.constant 0 : i32
    %dma_wait3A_3038 = arith.constant 6272 : i32
    %dma_wait3A_3039 = tpu.memref_slice %arg15[%dma_wait3A_3037, %dma_wait3A_3038] : memref<32x8192xf32, #tpu.memory_space<vmem>> -> memref<32x128xf32, #tpu.memory_space<vmem>>
    %dma_wait3A_3040 = arith.constant 0 : i32
    %dma_wait3A_3041 = tpu.memref_slice %arg4[%dma_wait3A_3040, %multiple_of3A_1977] : memref<32x100000xf32, #tpu.memory_space<any>> -> memref<32x128xf32, #tpu.memory_space<any>>
    tpu.wait_dma2 semaphore(%arg17 : memref<!tpu.dma_semaphore, #tpu.memory_space<semaphore_mem>>) src(%dma_wait3A_3041 : memref<32x128xf32, #tpu.memory_space<any>>) dst(%dma_wait3A_3039 : memref<32x128xf32, #tpu.memory_space<vmem>>)
    %dma_wait3A_3042 = arith.constant 0 : i32
    %dma_wait3A_3043 = arith.constant 6272 : i32
    %dma_wait3A_3044 = tpu.memref_slice %arg16[%dma_wait3A_3042, %dma_wait3A_3043] : memref<64x8192xf32, #tpu.memory_space<vmem>> -> memref<64x128xf32, #tpu.memory_space<vmem>>
    %dma_wait3A_3045 = arith.constant 0 : i32
    %dma_wait3A_3046 = tpu.memref_slice %arg5[%dma_wait3A_3045, %multiple_of3A_1977] : memref<64x100000xf32, #tpu.memory_space<any>> -> memref<64x128xf32, #tpu.memory_space<any>>
    tpu.wait_dma2 semaphore(%arg17 : memref<!tpu.dma_semaphore, #tpu.memory_space<semaphore_mem>>) src(%dma_wait3A_3046 : memref<64x128xf32, #tpu.memory_space<any>>) dst(%dma_wait3A_3044 : memref<64x128xf32, #tpu.memory_space<vmem>>)
    %dma_wait3A_3047 = arith.constant 0 : i32
    %dma_wait3A_3048 = arith.constant 6400 : i32
    %dma_wait3A_3049 = tpu.memref_slice %arg15[%dma_wait3A_3047, %dma_wait3A_3048] : memref<32x8192xf32, #tpu.memory_space<vmem>> -> memref<32x128xf32, #tpu.memory_space<vmem>>
    %dma_wait3A_3050 = arith.constant 0 : i32
    %dma_wait3A_3051 = tpu.memref_slice %arg4[%dma_wait3A_3050, %multiple_of3A_2017] : memref<32x100000xf32, #tpu.memory_space<any>> -> memref<32x128xf32, #tpu.memory_space<any>>
    tpu.wait_dma2 semaphore(%arg17 : memref<!tpu.dma_semaphore, #tpu.memory_space<semaphore_mem>>) src(%dma_wait3A_3051 : memref<32x128xf32, #tpu.memory_space<any>>) dst(%dma_wait3A_3049 : memref<32x128xf32, #tpu.memory_space<vmem>>)
    %dma_wait3A_3052 = arith.constant 0 : i32
    %dma_wait3A_3053 = arith.constant 6400 : i32
    %dma_wait3A_3054 = tpu.memref_slice %arg16[%dma_wait3A_3052, %dma_wait3A_3053] : memref<64x8192xf32, #tpu.memory_space<vmem>> -> memref<64x128xf32, #tpu.memory_space<vmem>>
    %dma_wait3A_3055 = arith.constant 0 : i32
    %dma_wait3A_3056 = tpu.memref_slice %arg5[%dma_wait3A_3055, %multiple_of3A_2017] : memref<64x100000xf32, #tpu.memory_space<any>> -> memref<64x128xf32, #tpu.memory_space<any>>
    tpu.wait_dma2 semaphore(%arg17 : memref<!tpu.dma_semaphore, #tpu.memory_space<semaphore_mem>>) src(%dma_wait3A_3056 : memref<64x128xf32, #tpu.memory_space<any>>) dst(%dma_wait3A_3054 : memref<64x128xf32, #tpu.memory_space<vmem>>)
    %dma_wait3A_3057 = arith.constant 0 : i32
    %dma_wait3A_3058 = arith.constant 6528 : i32
    %dma_wait3A_3059 = tpu.memref_slice %arg15[%dma_wait3A_3057, %dma_wait3A_3058] : memref<32x8192xf32, #tpu.memory_space<vmem>> -> memref<32x128xf32, #tpu.memory_space<vmem>>
    %dma_wait3A_3060 = arith.constant 0 : i32
    %dma_wait3A_3061 = tpu.memref_slice %arg4[%dma_wait3A_3060, %multiple_of3A_2057] : memref<32x100000xf32, #tpu.memory_space<any>> -> memref<32x128xf32, #tpu.memory_space<any>>
    tpu.wait_dma2 semaphore(%arg17 : memref<!tpu.dma_semaphore, #tpu.memory_space<semaphore_mem>>) src(%dma_wait3A_3061 : memref<32x128xf32, #tpu.memory_space<any>>) dst(%dma_wait3A_3059 : memref<32x128xf32, #tpu.memory_space<vmem>>)
    %dma_wait3A_3062 = arith.constant 0 : i32
    %dma_wait3A_3063 = arith.constant 6528 : i32
    %dma_wait3A_3064 = tpu.memref_slice %arg16[%dma_wait3A_3062, %dma_wait3A_3063] : memref<64x8192xf32, #tpu.memory_space<vmem>> -> memref<64x128xf32, #tpu.memory_space<vmem>>
    %dma_wait3A_3065 = arith.constant 0 : i32
    %dma_wait3A_3066 = tpu.memref_slice %arg5[%dma_wait3A_3065, %multiple_of3A_2057] : memref<64x100000xf32, #tpu.memory_space<any>> -> memref<64x128xf32, #tpu.memory_space<any>>
    tpu.wait_dma2 semaphore(%arg17 : memref<!tpu.dma_semaphore, #tpu.memory_space<semaphore_mem>>) src(%dma_wait3A_3066 : memref<64x128xf32, #tpu.memory_space<any>>) dst(%dma_wait3A_3064 : memref<64x128xf32, #tpu.memory_space<vmem>>)
    %dma_wait3A_3067 = arith.constant 0 : i32
    %dma_wait3A_3068 = arith.constant 6656 : i32
    %dma_wait3A_3069 = tpu.memref_slice %arg15[%dma_wait3A_3067, %dma_wait3A_3068] : memref<32x8192xf32, #tpu.memory_space<vmem>> -> memref<32x128xf32, #tpu.memory_space<vmem>>
    %dma_wait3A_3070 = arith.constant 0 : i32
    %dma_wait3A_3071 = tpu.memref_slice %arg4[%dma_wait3A_3070, %multiple_of3A_2097] : memref<32x100000xf32, #tpu.memory_space<any>> -> memref<32x128xf32, #tpu.memory_space<any>>
    tpu.wait_dma2 semaphore(%arg17 : memref<!tpu.dma_semaphore, #tpu.memory_space<semaphore_mem>>) src(%dma_wait3A_3071 : memref<32x128xf32, #tpu.memory_space<any>>) dst(%dma_wait3A_3069 : memref<32x128xf32, #tpu.memory_space<vmem>>)
    %dma_wait3A_3072 = arith.constant 0 : i32
    %dma_wait3A_3073 = arith.constant 6656 : i32
    %dma_wait3A_3074 = tpu.memref_slice %arg16[%dma_wait3A_3072, %dma_wait3A_3073] : memref<64x8192xf32, #tpu.memory_space<vmem>> -> memref<64x128xf32, #tpu.memory_space<vmem>>
    %dma_wait3A_3075 = arith.constant 0 : i32
    %dma_wait3A_3076 = tpu.memref_slice %arg5[%dma_wait3A_3075, %multiple_of3A_2097] : memref<64x100000xf32, #tpu.memory_space<any>> -> memref<64x128xf32, #tpu.memory_space<any>>
    tpu.wait_dma2 semaphore(%arg17 : memref<!tpu.dma_semaphore, #tpu.memory_space<semaphore_mem>>) src(%dma_wait3A_3076 : memref<64x128xf32, #tpu.memory_space<any>>) dst(%dma_wait3A_3074 : memref<64x128xf32, #tpu.memory_space<vmem>>)
    %dma_wait3A_3077 = arith.constant 0 : i32
    %dma_wait3A_3078 = arith.constant 6784 : i32
    %dma_wait3A_3079 = tpu.memref_slice %arg15[%dma_wait3A_3077, %dma_wait3A_3078] : memref<32x8192xf32, #tpu.memory_space<vmem>> -> memref<32x128xf32, #tpu.memory_space<vmem>>
    %dma_wait3A_3080 = arith.constant 0 : i32
    %dma_wait3A_3081 = tpu.memref_slice %arg4[%dma_wait3A_3080, %multiple_of3A_2137] : memref<32x100000xf32, #tpu.memory_space<any>> -> memref<32x128xf32, #tpu.memory_space<any>>
    tpu.wait_dma2 semaphore(%arg17 : memref<!tpu.dma_semaphore, #tpu.memory_space<semaphore_mem>>) src(%dma_wait3A_3081 : memref<32x128xf32, #tpu.memory_space<any>>) dst(%dma_wait3A_3079 : memref<32x128xf32, #tpu.memory_space<vmem>>)
    %dma_wait3A_3082 = arith.constant 0 : i32
    %dma_wait3A_3083 = arith.constant 6784 : i32
    %dma_wait3A_3084 = tpu.memref_slice %arg16[%dma_wait3A_3082, %dma_wait3A_3083] : memref<64x8192xf32, #tpu.memory_space<vmem>> -> memref<64x128xf32, #tpu.memory_space<vmem>>
    %dma_wait3A_3085 = arith.constant 0 : i32
    %dma_wait3A_3086 = tpu.memref_slice %arg5[%dma_wait3A_3085, %multiple_of3A_2137] : memref<64x100000xf32, #tpu.memory_space<any>> -> memref<64x128xf32, #tpu.memory_space<any>>
    tpu.wait_dma2 semaphore(%arg17 : memref<!tpu.dma_semaphore, #tpu.memory_space<semaphore_mem>>) src(%dma_wait3A_3086 : memref<64x128xf32, #tpu.memory_space<any>>) dst(%dma_wait3A_3084 : memref<64x128xf32, #tpu.memory_space<vmem>>)
    %dma_wait3A_3087 = arith.constant 0 : i32
    %dma_wait3A_3088 = arith.constant 6912 : i32
    %dma_wait3A_3089 = tpu.memref_slice %arg15[%dma_wait3A_3087, %dma_wait3A_3088] : memref<32x8192xf32, #tpu.memory_space<vmem>> -> memref<32x128xf32, #tpu.memory_space<vmem>>
    %dma_wait3A_3090 = arith.constant 0 : i32
    %dma_wait3A_3091 = tpu.memref_slice %arg4[%dma_wait3A_3090, %multiple_of3A_2177] : memref<32x100000xf32, #tpu.memory_space<any>> -> memref<32x128xf32, #tpu.memory_space<any>>
    tpu.wait_dma2 semaphore(%arg17 : memref<!tpu.dma_semaphore, #tpu.memory_space<semaphore_mem>>) src(%dma_wait3A_3091 : memref<32x128xf32, #tpu.memory_space<any>>) dst(%dma_wait3A_3089 : memref<32x128xf32, #tpu.memory_space<vmem>>)
    %dma_wait3A_3092 = arith.constant 0 : i32
    %dma_wait3A_3093 = arith.constant 6912 : i32
    %dma_wait3A_3094 = tpu.memref_slice %arg16[%dma_wait3A_3092, %dma_wait3A_3093] : memref<64x8192xf32, #tpu.memory_space<vmem>> -> memref<64x128xf32, #tpu.memory_space<vmem>>
    %dma_wait3A_3095 = arith.constant 0 : i32
    %dma_wait3A_3096 = tpu.memref_slice %arg5[%dma_wait3A_3095, %multiple_of3A_2177] : memref<64x100000xf32, #tpu.memory_space<any>> -> memref<64x128xf32, #tpu.memory_space<any>>
    tpu.wait_dma2 semaphore(%arg17 : memref<!tpu.dma_semaphore, #tpu.memory_space<semaphore_mem>>) src(%dma_wait3A_3096 : memref<64x128xf32, #tpu.memory_space<any>>) dst(%dma_wait3A_3094 : memref<64x128xf32, #tpu.memory_space<vmem>>)
    %dma_wait3A_3097 = arith.constant 0 : i32
    %dma_wait3A_3098 = arith.constant 7040 : i32
    %dma_wait3A_3099 = tpu.memref_slice %arg15[%dma_wait3A_3097, %dma_wait3A_3098] : memref<32x8192xf32, #tpu.memory_space<vmem>> -> memref<32x128xf32, #tpu.memory_space<vmem>>
    %dma_wait3A_3100 = arith.constant 0 : i32
    %dma_wait3A_3101 = tpu.memref_slice %arg4[%dma_wait3A_3100, %multiple_of3A_2217] : memref<32x100000xf32, #tpu.memory_space<any>> -> memref<32x128xf32, #tpu.memory_space<any>>
    tpu.wait_dma2 semaphore(%arg17 : memref<!tpu.dma_semaphore, #tpu.memory_space<semaphore_mem>>) src(%dma_wait3A_3101 : memref<32x128xf32, #tpu.memory_space<any>>) dst(%dma_wait3A_3099 : memref<32x128xf32, #tpu.memory_space<vmem>>)
    %dma_wait3A_3102 = arith.constant 0 : i32
    %dma_wait3A_3103 = arith.constant 7040 : i32
    %dma_wait3A_3104 = tpu.memref_slice %arg16[%dma_wait3A_3102, %dma_wait3A_3103] : memref<64x8192xf32, #tpu.memory_space<vmem>> -> memref<64x128xf32, #tpu.memory_space<vmem>>
    %dma_wait3A_3105 = arith.constant 0 : i32
    %dma_wait3A_3106 = tpu.memref_slice %arg5[%dma_wait3A_3105, %multiple_of3A_2217] : memref<64x100000xf32, #tpu.memory_space<any>> -> memref<64x128xf32, #tpu.memory_space<any>>
    tpu.wait_dma2 semaphore(%arg17 : memref<!tpu.dma_semaphore, #tpu.memory_space<semaphore_mem>>) src(%dma_wait3A_3106 : memref<64x128xf32, #tpu.memory_space<any>>) dst(%dma_wait3A_3104 : memref<64x128xf32, #tpu.memory_space<vmem>>)
    %dma_wait3A_3107 = arith.constant 0 : i32
    %dma_wait3A_3108 = arith.constant 7168 : i32
    %dma_wait3A_3109 = tpu.memref_slice %arg15[%dma_wait3A_3107, %dma_wait3A_3108] : memref<32x8192xf32, #tpu.memory_space<vmem>> -> memref<32x128xf32, #tpu.memory_space<vmem>>
    %dma_wait3A_3110 = arith.constant 0 : i32
    %dma_wait3A_3111 = tpu.memref_slice %arg4[%dma_wait3A_3110, %multiple_of3A_2257] : memref<32x100000xf32, #tpu.memory_space<any>> -> memref<32x128xf32, #tpu.memory_space<any>>
    tpu.wait_dma2 semaphore(%arg17 : memref<!tpu.dma_semaphore, #tpu.memory_space<semaphore_mem>>) src(%dma_wait3A_3111 : memref<32x128xf32, #tpu.memory_space<any>>) dst(%dma_wait3A_3109 : memref<32x128xf32, #tpu.memory_space<vmem>>)
    %dma_wait3A_3112 = arith.constant 0 : i32
    %dma_wait3A_3113 = arith.constant 7168 : i32
    %dma_wait3A_3114 = tpu.memref_slice %arg16[%dma_wait3A_3112, %dma_wait3A_3113] : memref<64x8192xf32, #tpu.memory_space<vmem>> -> memref<64x128xf32, #tpu.memory_space<vmem>>
    %dma_wait3A_3115 = arith.constant 0 : i32
    %dma_wait3A_3116 = tpu.memref_slice %arg5[%dma_wait3A_3115, %multiple_of3A_2257] : memref<64x100000xf32, #tpu.memory_space<any>> -> memref<64x128xf32, #tpu.memory_space<any>>
    tpu.wait_dma2 semaphore(%arg17 : memref<!tpu.dma_semaphore, #tpu.memory_space<semaphore_mem>>) src(%dma_wait3A_3116 : memref<64x128xf32, #tpu.memory_space<any>>) dst(%dma_wait3A_3114 : memref<64x128xf32, #tpu.memory_space<vmem>>)
    %dma_wait3A_3117 = arith.constant 0 : i32
    %dma_wait3A_3118 = arith.constant 7296 : i32
    %dma_wait3A_3119 = tpu.memref_slice %arg15[%dma_wait3A_3117, %dma_wait3A_3118] : memref<32x8192xf32, #tpu.memory_space<vmem>> -> memref<32x128xf32, #tpu.memory_space<vmem>>
    %dma_wait3A_3120 = arith.constant 0 : i32
    %dma_wait3A_3121 = tpu.memref_slice %arg4[%dma_wait3A_3120, %multiple_of3A_2297] : memref<32x100000xf32, #tpu.memory_space<any>> -> memref<32x128xf32, #tpu.memory_space<any>>
    tpu.wait_dma2 semaphore(%arg17 : memref<!tpu.dma_semaphore, #tpu.memory_space<semaphore_mem>>) src(%dma_wait3A_3121 : memref<32x128xf32, #tpu.memory_space<any>>) dst(%dma_wait3A_3119 : memref<32x128xf32, #tpu.memory_space<vmem>>)
    %dma_wait3A_3122 = arith.constant 0 : i32
    %dma_wait3A_3123 = arith.constant 7296 : i32
    %dma_wait3A_3124 = tpu.memref_slice %arg16[%dma_wait3A_3122, %dma_wait3A_3123] : memref<64x8192xf32, #tpu.memory_space<vmem>> -> memref<64x128xf32, #tpu.memory_space<vmem>>
    %dma_wait3A_3125 = arith.constant 0 : i32
    %dma_wait3A_3126 = tpu.memref_slice %arg5[%dma_wait3A_3125, %multiple_of3A_2297] : memref<64x100000xf32, #tpu.memory_space<any>> -> memref<64x128xf32, #tpu.memory_space<any>>
    tpu.wait_dma2 semaphore(%arg17 : memref<!tpu.dma_semaphore, #tpu.memory_space<semaphore_mem>>) src(%dma_wait3A_3126 : memref<64x128xf32, #tpu.memory_space<any>>) dst(%dma_wait3A_3124 : memref<64x128xf32, #tpu.memory_space<vmem>>)
    %dma_wait3A_3127 = arith.constant 0 : i32
    %dma_wait3A_3128 = arith.constant 7424 : i32
    %dma_wait3A_3129 = tpu.memref_slice %arg15[%dma_wait3A_3127, %dma_wait3A_3128] : memref<32x8192xf32, #tpu.memory_space<vmem>> -> memref<32x128xf32, #tpu.memory_space<vmem>>
    %dma_wait3A_3130 = arith.constant 0 : i32
    %dma_wait3A_3131 = tpu.memref_slice %arg4[%dma_wait3A_3130, %multiple_of3A_2337] : memref<32x100000xf32, #tpu.memory_space<any>> -> memref<32x128xf32, #tpu.memory_space<any>>
    tpu.wait_dma2 semaphore(%arg17 : memref<!tpu.dma_semaphore, #tpu.memory_space<semaphore_mem>>) src(%dma_wait3A_3131 : memref<32x128xf32, #tpu.memory_space<any>>) dst(%dma_wait3A_3129 : memref<32x128xf32, #tpu.memory_space<vmem>>)
    %dma_wait3A_3132 = arith.constant 0 : i32
    %dma_wait3A_3133 = arith.constant 7424 : i32
    %dma_wait3A_3134 = tpu.memref_slice %arg16[%dma_wait3A_3132, %dma_wait3A_3133] : memref<64x8192xf32, #tpu.memory_space<vmem>> -> memref<64x128xf32, #tpu.memory_space<vmem>>
    %dma_wait3A_3135 = arith.constant 0 : i32
    %dma_wait3A_3136 = tpu.memref_slice %arg5[%dma_wait3A_3135, %multiple_of3A_2337] : memref<64x100000xf32, #tpu.memory_space<any>> -> memref<64x128xf32, #tpu.memory_space<any>>
    tpu.wait_dma2 semaphore(%arg17 : memref<!tpu.dma_semaphore, #tpu.memory_space<semaphore_mem>>) src(%dma_wait3A_3136 : memref<64x128xf32, #tpu.memory_space<any>>) dst(%dma_wait3A_3134 : memref<64x128xf32, #tpu.memory_space<vmem>>)
    %dma_wait3A_3137 = arith.constant 0 : i32
    %dma_wait3A_3138 = arith.constant 7552 : i32
    %dma_wait3A_3139 = tpu.memref_slice %arg15[%dma_wait3A_3137, %dma_wait3A_3138] : memref<32x8192xf32, #tpu.memory_space<vmem>> -> memref<32x128xf32, #tpu.memory_space<vmem>>
    %dma_wait3A_3140 = arith.constant 0 : i32
    %dma_wait3A_3141 = tpu.memref_slice %arg4[%dma_wait3A_3140, %multiple_of3A_2377] : memref<32x100000xf32, #tpu.memory_space<any>> -> memref<32x128xf32, #tpu.memory_space<any>>
    tpu.wait_dma2 semaphore(%arg17 : memref<!tpu.dma_semaphore, #tpu.memory_space<semaphore_mem>>) src(%dma_wait3A_3141 : memref<32x128xf32, #tpu.memory_space<any>>) dst(%dma_wait3A_3139 : memref<32x128xf32, #tpu.memory_space<vmem>>)
    %dma_wait3A_3142 = arith.constant 0 : i32
    %dma_wait3A_3143 = arith.constant 7552 : i32
    %dma_wait3A_3144 = tpu.memref_slice %arg16[%dma_wait3A_3142, %dma_wait3A_3143] : memref<64x8192xf32, #tpu.memory_space<vmem>> -> memref<64x128xf32, #tpu.memory_space<vmem>>
    %dma_wait3A_3145 = arith.constant 0 : i32
    %dma_wait3A_3146 = tpu.memref_slice %arg5[%dma_wait3A_3145, %multiple_of3A_2377] : memref<64x100000xf32, #tpu.memory_space<any>> -> memref<64x128xf32, #tpu.memory_space<any>>
    tpu.wait_dma2 semaphore(%arg17 : memref<!tpu.dma_semaphore, #tpu.memory_space<semaphore_mem>>) src(%dma_wait3A_3146 : memref<64x128xf32, #tpu.memory_space<any>>) dst(%dma_wait3A_3144 : memref<64x128xf32, #tpu.memory_space<vmem>>)
    %dma_wait3A_3147 = arith.constant 0 : i32
    %dma_wait3A_3148 = arith.constant 7680 : i32
    %dma_wait3A_3149 = tpu.memref_slice %arg15[%dma_wait3A_3147, %dma_wait3A_3148] : memref<32x8192xf32, #tpu.memory_space<vmem>> -> memref<32x128xf32, #tpu.memory_space<vmem>>
    %dma_wait3A_3150 = arith.constant 0 : i32
    %dma_wait3A_3151 = tpu.memref_slice %arg4[%dma_wait3A_3150, %multiple_of3A_2417] : memref<32x100000xf32, #tpu.memory_space<any>> -> memref<32x128xf32, #tpu.memory_space<any>>
    tpu.wait_dma2 semaphore(%arg17 : memref<!tpu.dma_semaphore, #tpu.memory_space<semaphore_mem>>) src(%dma_wait3A_3151 : memref<32x128xf32, #tpu.memory_space<any>>) dst(%dma_wait3A_3149 : memref<32x128xf32, #tpu.memory_space<vmem>>)
    %dma_wait3A_3152 = arith.constant 0 : i32
    %dma_wait3A_3153 = arith.constant 7680 : i32
    %dma_wait3A_3154 = tpu.memref_slice %arg16[%dma_wait3A_3152, %dma_wait3A_3153] : memref<64x8192xf32, #tpu.memory_space<vmem>> -> memref<64x128xf32, #tpu.memory_space<vmem>>
    %dma_wait3A_3155 = arith.constant 0 : i32
    %dma_wait3A_3156 = tpu.memref_slice %arg5[%dma_wait3A_3155, %multiple_of3A_2417] : memref<64x100000xf32, #tpu.memory_space<any>> -> memref<64x128xf32, #tpu.memory_space<any>>
    tpu.wait_dma2 semaphore(%arg17 : memref<!tpu.dma_semaphore, #tpu.memory_space<semaphore_mem>>) src(%dma_wait3A_3156 : memref<64x128xf32, #tpu.memory_space<any>>) dst(%dma_wait3A_3154 : memref<64x128xf32, #tpu.memory_space<vmem>>)
    %dma_wait3A_3157 = arith.constant 0 : i32
    %dma_wait3A_3158 = arith.constant 7808 : i32
    %dma_wait3A_3159 = tpu.memref_slice %arg15[%dma_wait3A_3157, %dma_wait3A_3158] : memref<32x8192xf32, #tpu.memory_space<vmem>> -> memref<32x128xf32, #tpu.memory_space<vmem>>
    %dma_wait3A_3160 = arith.constant 0 : i32
    %dma_wait3A_3161 = tpu.memref_slice %arg4[%dma_wait3A_3160, %multiple_of3A_2457] : memref<32x100000xf32, #tpu.memory_space<any>> -> memref<32x128xf32, #tpu.memory_space<any>>
    tpu.wait_dma2 semaphore(%arg17 : memref<!tpu.dma_semaphore, #tpu.memory_space<semaphore_mem>>) src(%dma_wait3A_3161 : memref<32x128xf32, #tpu.memory_space<any>>) dst(%dma_wait3A_3159 : memref<32x128xf32, #tpu.memory_space<vmem>>)
    %dma_wait3A_3162 = arith.constant 0 : i32
    %dma_wait3A_3163 = arith.constant 7808 : i32
    %dma_wait3A_3164 = tpu.memref_slice %arg16[%dma_wait3A_3162, %dma_wait3A_3163] : memref<64x8192xf32, #tpu.memory_space<vmem>> -> memref<64x128xf32, #tpu.memory_space<vmem>>
    %dma_wait3A_3165 = arith.constant 0 : i32
    %dma_wait3A_3166 = tpu.memref_slice %arg5[%dma_wait3A_3165, %multiple_of3A_2457] : memref<64x100000xf32, #tpu.memory_space<any>> -> memref<64x128xf32, #tpu.memory_space<any>>
    tpu.wait_dma2 semaphore(%arg17 : memref<!tpu.dma_semaphore, #tpu.memory_space<semaphore_mem>>) src(%dma_wait3A_3166 : memref<64x128xf32, #tpu.memory_space<any>>) dst(%dma_wait3A_3164 : memref<64x128xf32, #tpu.memory_space<vmem>>)
    %dma_wait3A_3167 = arith.constant 0 : i32
    %dma_wait3A_3168 = arith.constant 7936 : i32
    %dma_wait3A_3169 = tpu.memref_slice %arg15[%dma_wait3A_3167, %dma_wait3A_3168] : memref<32x8192xf32, #tpu.memory_space<vmem>> -> memref<32x128xf32, #tpu.memory_space<vmem>>
    %dma_wait3A_3170 = arith.constant 0 : i32
    %dma_wait3A_3171 = tpu.memref_slice %arg4[%dma_wait3A_3170, %multiple_of3A_2497] : memref<32x100000xf32, #tpu.memory_space<any>> -> memref<32x128xf32, #tpu.memory_space<any>>
    tpu.wait_dma2 semaphore(%arg17 : memref<!tpu.dma_semaphore, #tpu.memory_space<semaphore_mem>>) src(%dma_wait3A_3171 : memref<32x128xf32, #tpu.memory_space<any>>) dst(%dma_wait3A_3169 : memref<32x128xf32, #tpu.memory_space<vmem>>)
    %dma_wait3A_3172 = arith.constant 0 : i32
    %dma_wait3A_3173 = arith.constant 7936 : i32
    %dma_wait3A_3174 = tpu.memref_slice %arg16[%dma_wait3A_3172, %dma_wait3A_3173] : memref<64x8192xf32, #tpu.memory_space<vmem>> -> memref<64x128xf32, #tpu.memory_space<vmem>>
    %dma_wait3A_3175 = arith.constant 0 : i32
    %dma_wait3A_3176 = tpu.memref_slice %arg5[%dma_wait3A_3175, %multiple_of3A_2497] : memref<64x100000xf32, #tpu.memory_space<any>> -> memref<64x128xf32, #tpu.memory_space<any>>
    tpu.wait_dma2 semaphore(%arg17 : memref<!tpu.dma_semaphore, #tpu.memory_space<semaphore_mem>>) src(%dma_wait3A_3176 : memref<64x128xf32, #tpu.memory_space<any>>) dst(%dma_wait3A_3174 : memref<64x128xf32, #tpu.memory_space<vmem>>)
    %dma_wait3A_3177 = arith.constant 0 : i32
    %dma_wait3A_3178 = arith.constant 8064 : i32
    %dma_wait3A_3179 = tpu.memref_slice %arg15[%dma_wait3A_3177, %dma_wait3A_3178] : memref<32x8192xf32, #tpu.memory_space<vmem>> -> memref<32x128xf32, #tpu.memory_space<vmem>>
    %dma_wait3A_3180 = arith.constant 0 : i32
    %dma_wait3A_3181 = tpu.memref_slice %arg4[%dma_wait3A_3180, %multiple_of3A_2537] : memref<32x100000xf32, #tpu.memory_space<any>> -> memref<32x128xf32, #tpu.memory_space<any>>
    tpu.wait_dma2 semaphore(%arg17 : memref<!tpu.dma_semaphore, #tpu.memory_space<semaphore_mem>>) src(%dma_wait3A_3181 : memref<32x128xf32, #tpu.memory_space<any>>) dst(%dma_wait3A_3179 : memref<32x128xf32, #tpu.memory_space<vmem>>)
    %dma_wait3A_3182 = arith.constant 0 : i32
    %dma_wait3A_3183 = arith.constant 8064 : i32
    %dma_wait3A_3184 = tpu.memref_slice %arg16[%dma_wait3A_3182, %dma_wait3A_3183] : memref<64x8192xf32, #tpu.memory_space<vmem>> -> memref<64x128xf32, #tpu.memory_space<vmem>>
    %dma_wait3A_3185 = arith.constant 0 : i32
    %dma_wait3A_3186 = tpu.memref_slice %arg5[%dma_wait3A_3185, %multiple_of3A_2537] : memref<64x100000xf32, #tpu.memory_space<any>> -> memref<64x128xf32, #tpu.memory_space<any>>
    tpu.wait_dma2 semaphore(%arg17 : memref<!tpu.dma_semaphore, #tpu.memory_space<semaphore_mem>>) src(%dma_wait3A_3186 : memref<64x128xf32, #tpu.memory_space<any>>) dst(%dma_wait3A_3184 : memref<64x128xf32, #tpu.memory_space<vmem>>)
    %get3A_3187 = arith.constant 0 : index
    %get3A_3188 = arith.constant 0 : index
    %get3A_3189 = vector.load %arg0[%get3A_3187, %get3A_3188] : memref<1x64xf32, #tpu.memory_space<vmem>>, vector<1x64xf32>
    %get3A_3190 = arith.constant 0 : index
    %get3A_3191 = arith.constant 0 : index
    %get3A_3192 = vector.load %arg2[%get3A_3190, %get3A_3191] : memref<1x64xi32, #tpu.memory_space<vmem>>, vector<1x64xi32>
    %iota3A = tpu.iota {dimensions = array<i32: 1>} : vector<1x64xi32>
    %and3A_3193 = arith.constant 127 : i32
    %and3A_3194 = vector.broadcast %and3A_3193 : i32 to vector<1x64xi32>
    %and3A_3195 = arith.andi %get3A_3192, %and3A_3194 : vector<1x64xi32>
    %mul3A_3196 = arith.constant 128 : i32
    %mul3A_3197 = vector.broadcast %mul3A_3196 : i32 to vector<1x64xi32>
    %mul3A_3198 = arith.muli %iota3A, %mul3A_3197 : vector<1x64xi32>
    %add3A = arith.addi %and3A_3195, %mul3A_3198 : vector<1x64xi32>
    %iota3A_3199 = tpu.iota {dimensions = array<i32: 0>} : vector<8192x64xi32>
    %eq3A = vector.broadcast %add3A : vector<1x64xi32> to vector<8192x64xi32>
    %eq3A_3200 = arith.cmpi eq, %iota3A_3199, %eq3A : vector<8192x64xi32>
    %convert_element_type3A = arith.extui %eq3A_3200 : vector<8192x64xi1> to vector<8192x64xi32>
    %convert_element_type3A_3201 = arith.sitofp %convert_element_type3A : vector<8192x64xi32> to vector<8192x64xf32>
    %get3A_3202 = arith.constant 0 : index
    %get3A_3203 = arith.constant 0 : index
    %get3A_3204 = vector.load %arg15[%get3A_3202, %get3A_3203] : memref<32x8192xf32, #tpu.memory_space<vmem>>, vector<32x8192xf32>
    %dot_general3A = arith.constant dense<0.000000e+00> : vector<32x64xf32>
    %dot_general3A_3205 = tpu.matmul %get3A_3204, %convert_element_type3A_3201, %dot_general3A {dimension_numbers = #tpu.dot_dimension_numbers<[1], [0], [0], [1], [0, 0, 1, 1], [], []>, precision = #tpu.contract_precision<fp32>, transpose_lhs_hint = false} : vector<32x8192xf32>, vector<8192x64xf32>, vector<32x64xf32> -> vector<32x64xf32>
    %get3A_3206 = arith.constant 0 : index
    %get3A_3207 = arith.constant 0 : index
    %get3A_3208 = vector.load %arg16[%get3A_3206, %get3A_3207] : memref<64x8192xf32, #tpu.memory_space<vmem>>, vector<64x8192xf32>
    %dot_general3A_3209 = arith.constant dense<0.000000e+00> : vector<64x64xf32>
    %dot_general3A_3210 = tpu.matmul %get3A_3208, %convert_element_type3A_3201, %dot_general3A_3209 {dimension_numbers = #tpu.dot_dimension_numbers<[1], [0], [0], [1], [0, 0, 1, 1], [], []>, precision = #tpu.contract_precision<fp32>, transpose_lhs_hint = false} : vector<64x8192xf32>, vector<8192x64xf32>, vector<64x64xf32> -> vector<64x64xf32>
    %get3A_3211 = arith.constant 0 : index
    %get3A_3212 = arith.constant 0 : index
    %get3A_3213 = vector.load %arg3[%get3A_3211, %get3A_3212] : memref<64x128xf32, #tpu.memory_space<vmem>>, vector<64x128xf32>
    %dot_general3A_3214 = arith.constant dense<0.000000e+00> : vector<1x128xf32>
    %dot_general3A_3215 = tpu.matmul %get3A_3189, %get3A_3213, %dot_general3A_3214 {dimension_numbers = #tpu.dot_dimension_numbers<[1], [0], [0], [1], [0, 0, 1, 1], [], []>, precision = #tpu.contract_precision<fp32>, transpose_lhs_hint = false} : vector<1x64xf32>, vector<64x128xf32>, vector<1x128xf32> -> vector<1x128xf32>
    %dot_general3A_3216 = arith.constant dense<0.000000e+00> : vector<1x32xf32>
    %dot_general3A_3217 = tpu.matmul %get3A_3189, %dot_general3A_3205, %dot_general3A_3216 {dimension_numbers = #tpu.dot_dimension_numbers<[1], [1], [0], [0], [0, 0, 1, 0], [], []>, precision = #tpu.contract_precision<fp32>, transpose_lhs_hint = false} : vector<1x64xf32>, vector<32x64xf32>, vector<1x32xf32> -> vector<1x32xf32>
    %dot_general3A_3218 = arith.constant dense<0.000000e+00> : vector<1x64xf32>
    %dot_general3A_3219 = tpu.matmul %get3A_3189, %dot_general3A_3210, %dot_general3A_3218 {dimension_numbers = #tpu.dot_dimension_numbers<[1], [1], [0], [0], [0, 0, 1, 0], [], []>, precision = #tpu.contract_precision<fp32>, transpose_lhs_hint = false} : vector<1x64xf32>, vector<64x64xf32>, vector<1x64xf32> -> vector<1x64xf32>
    %get3A_3220 = arith.constant 0 : index
    %get3A_3221 = arith.constant 0 : index
    %get3A_3222 = vector.load %arg6[%get3A_3220, %get3A_3221] : memref<64x128xf32, #tpu.memory_space<vmem>>, vector<64x128xf32>
    %dot_general3A_3223 = arith.constant dense<0.000000e+00> : vector<1x64xf32>
    %dot_general3A_3224 = tpu.matmul %dot_general3A_3215, %get3A_3222, %dot_general3A_3223 {dimension_numbers = #tpu.dot_dimension_numbers<[1], [1], [0], [0], [0, 0, 1, 0], [], []>, transpose_lhs_hint = false} : vector<1x128xf32>, vector<64x128xf32>, vector<1x64xf32> -> vector<1x64xf32>
    %get3A_3225 = arith.constant 0 : index
    %get3A_3226 = arith.constant 0 : index
    %get3A_3227 = vector.load %arg7[%get3A_3225, %get3A_3226] : memref<64x32xf32, #tpu.memory_space<vmem>>, vector<64x32xf32>
    %dot_general3A_3228 = arith.constant dense<0.000000e+00> : vector<1x64xf32>
    %dot_general3A_3229 = tpu.matmul %dot_general3A_3217, %get3A_3227, %dot_general3A_3228 {dimension_numbers = #tpu.dot_dimension_numbers<[1], [1], [0], [0], [0, 0, 1, 0], [], []>, transpose_lhs_hint = false} : vector<1x32xf32>, vector<64x32xf32>, vector<1x64xf32> -> vector<1x64xf32>
    %add3A_3230 = arith.addf %dot_general3A_3224, %dot_general3A_3229 : vector<1x64xf32>
    %get3A_3231 = arith.constant 0 : index
    %get3A_3232 = arith.constant 0 : index
    %get3A_3233 = vector.load %arg8[%get3A_3231, %get3A_3232] : memref<64x64xf32, #tpu.memory_space<vmem>>, vector<64x64xf32>
    %dot_general3A_3234 = arith.constant dense<0.000000e+00> : vector<1x64xf32>
    %dot_general3A_3235 = tpu.matmul %dot_general3A_3219, %get3A_3233, %dot_general3A_3234 {dimension_numbers = #tpu.dot_dimension_numbers<[1], [1], [0], [0], [0, 0, 1, 0], [], []>, transpose_lhs_hint = false} : vector<1x64xf32>, vector<64x64xf32>, vector<1x64xf32> -> vector<1x64xf32>
    %add3A_3236 = arith.addf %add3A_3230, %dot_general3A_3235 : vector<1x64xf32>
    %get3A_3237 = arith.constant 0 : index
    %get3A_3238 = arith.constant 0 : index
    %get3A_3239 = vector.load %arg9[%get3A_3237, %get3A_3238] : memref<1x64xf32, #tpu.memory_space<vmem>>, vector<1x64xf32>
    %add3A_3240 = arith.addf %add3A_3236, %get3A_3239 : vector<1x64xf32>
    %tanh3A = math.tanh %add3A_3240 : vector<1x64xf32>
    %get3A_3241 = arith.constant 0 : index
    %get3A_3242 = arith.constant 0 : index
    %get3A_3243 = vector.load %arg10[%get3A_3241, %get3A_3242] : memref<64x64xf32, #tpu.memory_space<vmem>>, vector<64x64xf32>
    %dot_general3A_3244 = arith.constant dense<0.000000e+00> : vector<1x64xf32>
    %dot_general3A_3245 = tpu.matmul %tanh3A, %get3A_3243, %dot_general3A_3244 {dimension_numbers = #tpu.dot_dimension_numbers<[1], [1], [0], [0], [0, 0, 1, 0], [], []>, transpose_lhs_hint = false} : vector<1x64xf32>, vector<64x64xf32>, vector<1x64xf32> -> vector<1x64xf32>
    %get3A_3246 = arith.constant 0 : index
    %get3A_3247 = arith.constant 0 : index
    %get3A_3248 = vector.load %arg11[%get3A_3246, %get3A_3247] : memref<1x64xf32, #tpu.memory_space<vmem>>, vector<1x64xf32>
    %add3A_3249 = arith.addf %dot_general3A_3245, %get3A_3248 : vector<1x64xf32>
    %tanh3A_3250 = math.tanh %add3A_3249 : vector<1x64xf32>
    %get3A_3251 = arith.constant 0 : index
    %get3A_3252 = arith.constant 0 : index
    %get3A_3253 = vector.load %arg12[%get3A_3251, %get3A_3252] : memref<128x64xf32, #tpu.memory_space<vmem>>, vector<128x64xf32>
    %dot_general3A_3254 = arith.constant dense<0.000000e+00> : vector<1x128xf32>
    %dot_general3A_3255 = tpu.matmul %tanh3A_3250, %get3A_3253, %dot_general3A_3254 {dimension_numbers = #tpu.dot_dimension_numbers<[1], [1], [0], [0], [0, 0, 1, 0], [], []>, transpose_lhs_hint = false} : vector<1x64xf32>, vector<128x64xf32>, vector<1x128xf32> -> vector<1x128xf32>
    %get3A_3256 = arith.constant 0 : index
    %get3A_3257 = arith.constant 0 : index
    %get3A_3258 = vector.load %arg13[%get3A_3256, %get3A_3257] : memref<1x128xf32, #tpu.memory_space<vmem>>, vector<1x128xf32>
    %add3A_3259 = arith.addf %dot_general3A_3255, %get3A_3258 : vector<1x128xf32>
    %jit3A_3260 = arith.constant 0.000000e+00 : f32
    %jit3A_3261 = arith.constant 0.000000e+00 : f32
    %jit3A_3262 = arith.constant 0.000000e+00 : f32
    %ne3A_3263 = arith.cmpf one, %add3A_3259, %add3A_3259 : vector<1x128xf32>
    %broadcast_in_dim3A = vector.broadcast %jit3A_3260 : f32 to vector<1x128xf32>
    %select_n3A_3264 = arith.select %ne3A_3263, %broadcast_in_dim3A, %add3A_3259 : vector<1x128xi1>, vector<1x128xf32>
    %eq3A_3265 = arith.constant 0x7F800000 : f32
    %eq3A_3266 = vector.broadcast %eq3A_3265 : f32 to vector<1x128xf32>
    %eq3A_3267 = arith.cmpf oeq, %select_n3A_3264, %eq3A_3266 : vector<1x128xf32>
    %broadcast_in_dim3A_3268 = vector.broadcast %jit3A_3262 : f32 to vector<1x128xf32>
    %select_n3A_3269 = arith.select %eq3A_3267, %broadcast_in_dim3A_3268, %select_n3A_3264 : vector<1x128xi1>, vector<1x128xf32>
    %eq3A_3270 = arith.constant 0xFF800000 : f32
    %eq3A_3271 = vector.broadcast %eq3A_3270 : f32 to vector<1x128xf32>
    %eq3A_3272 = arith.cmpf oeq, %select_n3A_3269, %eq3A_3271 : vector<1x128xf32>
    %broadcast_in_dim3A_3273 = vector.broadcast %jit3A_3261 : f32 to vector<1x128xf32>
    %select_n3A_3274 = arith.select %eq3A_3272, %broadcast_in_dim3A_3273, %select_n3A_3269 : vector<1x128xi1>, vector<1x128xf32>
    %swap3A = arith.constant 0 : index
    %swap3A_3275 = arith.constant 0 : index
    %swap3A_3276 = vector.load %arg14[%swap3A, %swap3A_3275] : memref<1x128xf32, #tpu.memory_space<vmem>>, vector<1x128xf32>
    tpu.vector_store %arg14[%swap3A, %swap3A_3275], %select_n3A_3274 {strides = array<i32>} : memref<1x128xf32, #tpu.memory_space<vmem>>, vector<1x128xf32>,
    return
  }
}

</mosaic_0001>

<sc_bundles>
// kernel: kernel.5.cloned.1.call-start
scs
__scs_entry_jumppad:
0x0: {  	(pc) =	sbr.rel $0x88, $3  }
0x1: {  	(tag) =	ssettag $0x0;
	lr =	simm.s32 $0x1  }
0x2: {  	[smem:$0x3F90] =	sst lr;
	_ =	strace $0xD0000000  }
0x3: {  	_ = 	snop  }
0x4: {  	_ = 	snop  }
0x5: {  	_ = 	snop  }
0x6: {  	_ = 	snop  }
0x7: {  	_ = 	snop  }
__scs_overlays_trampoline_lowered:
0x8: {  	[smem:$0x3F9F] =	sst s0  }
0x9: {  	[smem:$0x3FA0] =	sst s1  }
0xa: {  	[smem:$0x3FA1] =	sst s2  }
0xb: {  	[smem:$0x3FA2] =	sst s3  }
0xc: {  	[smem:$0x3FA3] =	sst s4  }
0xd: {  	[smem:$0x3FA4] =	sst s5  }
0xe: {  	[smem:$0x3FA5] =	sst s6  }
0xf: {  	[smem:$0x3FA6] =	sst s7  }
0x10: {  	[smem:$0x3FA7] =	sst s8  }
0x11: {  	[smem:$0x3FA8] =	sst s9;
	s0 =	simm.s32 @!p0 $0x0  }
0x12: {  	s1 =	sld [smem:$0x3F8E];
	s0 =	simm.s32 @p0 $0x1  }
0x13: {  	[smem:$0x3FA9] =	sst s0;
	s0 =	simm.s32 @!p1 $0x0  }
0x14: {  	s2 =	sld [smem:$0x3F8D];
	s0 =	simm.s32 @p1 $0x1  }
0x15: {  	[smem:$0x3FAA] =	sst s0;
	s0 =	simm.s32 @!p2 $0x0  }
0x16: {  	s3 =	sld [smem:$0x3FDB];
	s0 =	simm.s32 @p2 $0x1  }
0x17: {  	s4 =	simm.s32 $0x1BF5;
	[smem:$0x3FAC] =	sst s0  }
0x18: {  	s0 =	sld [smem:$0x3F8F];
	_ =	swait.ge [sflag:s4], $0x0  }
0x19: {  	s7 =	sld [smem:$0x3F90]  }
0x1a: {  	s8 =	sadd.s32 $0xFFFFE003, lr  }
0x1b: {  	s9 =	sadd.s32 $0xFFFFFEF7, lr;
	s5 =	simm.s32 $0xFFFFFFFF;
	p2 =	slt.u32 s8, $0xFFFFF086  }
0x1c: {  	p1 =	slt.u32 s9, $0xF7A;
	s5 =	simm.s32 @!p2 $0x0  }
0x1d: {  	s5 =	simm.s32 @p1 $0x1;
	p0 =	seq.s32 s7, s2  }
0x1e: {  	s7 =	smul.u32 @!p0 $0xF7A, s2;
	p2 =	seq.s32 @!p0 s5, $0x0  }
0x1f: {  	s9 =	smul.u32 $0xF7A, s1;
	s8 =	simm.s32 @!p0 $0x1BF5;
	p2 =	por !p2, p0  }
0x20: {  	[sflag:s8] =	ssyncset.s32 @!p0 $0xFFFFF086;
	s6 =	sadd.s32 @!p0 s3, s7;
	s7 =	simm.s32 @!p0 $0x108  }
0x21: {  	s3 =	sadd.s32 s3, s9;
	s6 =	sadd.s32 @!p0 $0x88, s6;
	s7 =	simm.s32 @p2 $0x1082  }
0x22: {  	[simem:s7], [sflag:s8] =	dma.local @!p0 [hbm:s6], $0xF7A  }
0x23: {  	s9 =	sor.u32 $0xD0000000, s2;
	s6 =	simm.s32 $0x108;
	_ =	swait.ge @!p0 [sflag:s8], $0x0  }
0x24: {  	s3 =	sadd.s32 $0x88, s3;
	s6 =	simm.s32 @!p1 $0x1082;
	[sflag:s4] =	ssyncset.s32 $0xFFFFF086  }
0x25: {  	[simem:s6], [sflag:s4] =	dma.local [hbm:s3], $0xF7A  }
0x26: {  	[smem:$0x3F90] =	sst s1;
	(tag) =	ssettag s2;
	_ =	strace s9  }
0x27: {  	s1 =	sld [smem:$0x3FA0]  }
0x28: {  	s2 =	sld [smem:$0x3FA1]  }
0x29: {  	s4 =	sld [smem:$0x3FA3]  }
0x2a: {  	p0 =	seq.s32 s5, $0x0;
	s5 =	sld [smem:$0x3FA4]  }
0x2b: {  	s6 =	sld [smem:$0x3FA5]  }
0x2c: {  	s7 =	sld [smem:$0x3FA6]  }
0x2d: {  	s3 =	simm.s32 $0x108;
	s8 =	sld [smem:$0x3FA7]  }
0x2e: {  	s3 =	simm.s32 @!p0 $0x1082;
	s9 =	sld [smem:$0x3FA8]  }
0x2f: {  	lr =	sadd.s32 s0, s3;
	s0 =	sld [smem:$0x3F9F]  }
0x30: {  	s3 =	sld [smem:$0x3FA2]  }
0x31: {  	[smem:$0x3FAB] =	sst s10  }
0x32: {  	s10 =	sld [smem:$0x3FA9];
	_ =	sdelay $0x3  }
0x33: {  	p0 =	seq.s32 s10, $0x1;
	s10 =	sld [smem:$0x3FAB];
	_ =	sdelay $0x3  }
0x34: {  	[smem:$0x3FAB] =	sst s10  }
0x35: {  	s10 =	sld [smem:$0x3FAA];
	_ =	sdelay $0x3  }
0x36: {  	p1 =	seq.s32 s10, $0x1;
	s10 =	sld [smem:$0x3FAB];
	_ =	sdelay $0x3  }
0x37: {  	[smem:$0x3FAB] =	sst s10  }
0x38: {  	s10 =	sld [smem:$0x3FAC]  }
0x39: {  	_ = 	snop;
	(pc) =	sbr.ind lr, $3  }
0x3a: {  	_ = 	snop  }
0x3b: {  	_ = 	snop  }
0x3c: {  	p2 =	seq.s32 s10, $0x1;
	s10 =	sld [smem:$0x3FAB]  }
0x3d: {  	_ =	shalt  }
0x3e: {  	_ =	shalt  }
0x3f: {  	_ =	shalt  }
0x40: {  	_ =	shalt  }
0x41: {  	_ =	shalt  }
0x42: {  	_ =	shalt  }
0x43: {  	_ =	shalt  }
0x44: {  	_ =	shalt  }
0x45: {  	_ =	shalt  }
0x46: {  	_ =	shalt  }
0x47: {  	_ =	shalt  }
0x48: {  	_ =	shalt  }
0x49: {  	_ =	shalt  }
0x4a: {  	_ =	shalt  }
0x4b: {  	_ =	shalt  }
0x4c: {  	_ =	shalt  }
0x4d: {  	_ =	shalt  }
0x4e: {  	_ =	shalt  }
0x4f: {  	_ =	shalt  }
0x50: {  	_ =	shalt  }
0x51: {  	_ =	shalt  }
0x52: {  	_ =	shalt  }
0x53: {  	_ =	shalt  }
0x54: {  	_ =	shalt  }
0x55: {  	_ =	shalt  }
0x56: {  	_ =	shalt  }
0x57: {  	_ =	shalt  }
0x58: {  	_ =	shalt  }
0x59: {  	_ =	shalt  }
0x5a: {  	_ =	shalt  }
0x5b: {  	_ =	shalt  }
0x5c: {  	_ =	shalt  }
0x5d: {  	_ =	shalt  }
0x5e: {  	_ =	shalt  }
0x5f: {  	_ =	shalt  }
0x60: {  	_ =	shalt  }
0x61: {  	_ =	shalt  }
0x62: {  	_ =	shalt  }
0x63: {  	_ =	shalt  }
0x64: {  	_ =	shalt  }
0x65: {  	_ =	shalt  }
0x66: {  	_ =	shalt  }
0x67: {  	_ =	shalt  }
0x68: {  	_ =	shalt  }
0x69: {  	_ =	shalt  }
0x6a: {  	_ =	shalt  }
0x6b: {  	_ =	shalt  }
0x6c: {  	_ =	shalt  }
0x6d: {  	_ =	shalt  }
0x6e: {  	_ =	shalt  }
0x6f: {  	_ =	shalt  }
0x70: {  	_ =	shalt  }
0x71: {  	_ =	shalt  }
0x72: {  	_ =	shalt  }
0x73: {  	_ =	shalt  }
0x74: {  	_ =	shalt  }
0x75: {  	_ =	shalt  }
0x76: {  	_ =	shalt  }
0x77: {  	_ =	shalt  }
0x78: {  	_ =	shalt  }
0x79: {  	_ =	shalt  }
0x7a: {  	_ =	shalt  }
0x7b: {  	_ =	shalt  }
0x7c: {  	_ =	shalt  }
0x7d: {  	_ =	shalt  }
0x7e: {  	_ =	shalt  }
0x7f: {  	_ =	shalt  }
0x80: {  	_ =	shalt  }
0x81: {  	_ =	shalt  }
0x82: {  	_ =	shalt  }
0x83: {  	_ =	shalt  }
0x84: {  	_ =	shalt  }
0x85: {  	_ =	shalt  }
0x86: {  	_ =	shalt  }
0x87: {  	_ =	shalt  }
.Lfunc_end0:
.L_simem_size_0:
called_computation_lowered:
.L_overlay_start_0:
0x88: {  	s2 =	sld [smem:$0x3FD9]  }
0x89: {  	s3 =	sld [smem:$0x3FFE];
	_ =	sdelay $0x1  }
0x8a: {  	s1 =	srdreg.scid  }
0x8b: {  	s0 =	sand.u32 $0x1, s1  }
0x8c: {  	s17 =	sshll.u32 s0, $0xA;
	s2 =	sadd.s32 s3, s2  }
0x8d: {  	s2 =	sadd.s32 s2, s17  }
0x8e: {  	[smem:$0x3FB7] =	sst s2  }
0x8f: {  	_ = 	snop  }
0x90: {  	s2 =	sld [smem:$0x3FC8]  }
0x91: {  	s18 =	sld [smem:$0x3FD0];
	(tm) =	ssettm $0x1  }
0x92: {  	s4 =	sld [smem:$0x3FFB];
	_ =	sdelay $0x3  }
0x93: {  	_ =	strace s4  }
0x94: {  	s4 =	sld [smem:$0x3FFC];
	_ =	sdelay $0x3  }
0x95: {  	_ =	strace s4  }
0x96: {  	s4 =	sld [smem:$0x3FFD];
	_ =	sdelay $0x3  }
0x97: {  	_ =	strace s4  }
0x98: {  	_ =	strace $0x8FFFFFFF  }
0x99: {  	s19 =	sld [smem:$0x3FDB];
	_ =	sdelay $0x1  }
0x9a: {  	s5 =	simm.s32 $_scs_section_size  }
0x9b: {  	s6 =	simm.s32 $_size__tile_overlayer_lowered;
	s7 =	simm.s32 $_tile_overlayer_lowered  }
0x9c: {  	s22 =	simm.s32 $0x1BFF;
	s21 =	sshll.u32 s7, $0x1;
	s4 =	sadd.s32 s5, s19  }
0x9d: {  	s8 =	simm.s32 $0x0;
	s20 =	sshll.u32 s6, $0x1;
	s6 =	sadd.s32 s21, s4  }
0x9e: {  	[timem:s8], [sflag:s22] =	dma.local [hbm:s6], s20  }
0x9f: {  	_ =	swait.ge [sflag:s22], s20  }
0xa0: {  	s5 =	ssub.s32 $0x0, s20;
	[sflag:s22] =	ssyncset.done $0x0  }
0xa1: {  	[sflag:s22] =	ssyncadd.s32 s5;
	_ =	sdelay $0x1  }
0xa2: {  	s23 =	simm.s32 $0x1B8B  }
0xa3: {  	_ =	swait.ge [sflag:s23], $0x1  }
0xa4: {  	[sflag:s23] =	ssyncset.done $0x0  }
0xa5: {  	s25 =	simm.s32 $0x1B8E;
	s24 =	sld [smem:$0x3FFE];
	[sflag:s23] =	ssyncadd.s32 $0xFFFFFFFF  }
0xa6: {  	s26 =	simm.s32 $execute0_lowered;
	[smem:$0x3FD2] =	sst s25  }
0xa7: {  	s6 =	sshll.u32 s26, $0x1;
	_ =	strace $0x80000046;
	[dreg:$0x1] =	wrdreg $0xFFFFFFFF  }
0xa8: {  	s28 =	simm.s32 $_size_execute0_lowered;
	s4 =	sadd.s32 s4, s6;
	[dreg:$0x0] =	wrdreg $0x0  }
0xa9: {  	s6 =	sshll.u32 s28, $0x1;
	[dreg:$0x2] =	wrdreg s4  }
0xaa: {  	[dreg:$0x3] =	wrdreg s6  }
0xab: {  	[dreg:$0x4] =	wrdreg $0xC0  }
0xac: {  	_ =	task [dreg:s8], $0x5FFFF  }
0xad: {  	[dreg:$0x1] =	wrdreg $0xFFFFFFFF  }
0xae: {  	[dreg:$0x0] =	wrdreg $0x60  }
0xaf: {  	[dreg:$0x2] =	wrdreg s18  }
0xb0: {  	[dreg:$0x3] =	wrdreg s2  }
0xb1: {  	[dreg:$0x4] =	wrdreg s24  }
0xb2: {  	[dreg:$0x5] =	wrdreg $0x9  }
0xb3: {  	_ =	task.clear_ibuf [dreg:s8], $0x6FFFF;
	_ =	strace $0x90000046  }
0xb4: {  	s29 =	simm.s32 $0x9;
	_ =	strace $0x80000048  }
0xb5: {  	_ =	swait.ge [sflag:s29], $0x1  }
0xb6: {  	[sflag:s29] =	ssyncadd.s32 $0xFFFFFFFF  }
0xb7: {  	_ =	strace $0x90000048  }
0xb8: {  	_ =	sfence  }
0xb9: {  	s30 =	sld [smem:$0x0];
	_ =	sdelay $0x2  }
0xba: {  	s31 =	sshll.u32 s1, $0xD;
	s1 =	sshrl.u32 s1, $0x2  }
0xbb: {  	s3 =	sand.u32 $0x4000, s31;
	s1 =	sadd.s32 s1, s30  }
0xbc: {  	s0 =	sor.u32 s3, s0;
	s1 =	sshll.u32 s1, $0x11  }
0xbd: {  	s0 =	sor.u32 s1, s0  }
0xbe: {  	s0 =	sadd.s32 $0x8F2B, s0  }
0xbf: {  	[sflag:s0] =	ssyncadd.remote.s32 $0x1  }
0xc0: {  	_ =	sfence.sel $0xFFFF  }
0xc1: {  	[dreg:$0x0] =	wrdreg $0xFFFFFFFF;
	(pc) =	sbr.abs _section_cstart, $3  }
0xc2: {  	[dreg:$0x1] =	wrdreg $0xFFFFFFFF  }
0xc3: {  	_ =	task.clear_ibuf [dreg:s8], $0x2FFFF;
	_ =	strace $0x9FFFFFFF  }
0xc4: {  	(tm) =	ssettm $0x7FFFFFFF  }
0xc5: {  	_ =	shalt  }
tec
execute0_lowered:
.L_overlay_start_1:
0x0: {  	(tag) =	ssettag $0x1  }
0x1: {  	s0 =	srdreg.scid  }
0x2: {  	s6 =	sand.u32 $0x1, s0;
	s0 =	stileid.u32  }
0x3: {  	s4 =	sshll.u32 s0, $0x1;
	s5 =	ssub.s32 $0x0, s6  }
0x4: {  	p0 =	sne.s32 s4, s5  }
.Ltmp0:
0x5: {  	_ = 	snop;
	(pc) =	sbr.rel @p0 .LBB2_4-.Ltmp0, $4  }
0x6: {  	s2 =	rddreg [dreg:$0x0]  }
0x7: {  	s3 =	rddreg [dreg:$0x1]  }
0x8: {  	s9 =	rddreg [dreg:$0x2]  }
0x9: {  	s1 =	rddreg [dreg:$0x3];
	_ =	strace $0x80000047  }
0xa: {  	s5 =	simm.s32 $0x0;
	s4 =	simm.s32 $0x2;
	s10 =	ssub.s32 $0x2, s6  }
0xb: {  	[tilespmem:s5], [sflag:$0x2] =	stream.linear.gather [hbm4b:s2+s5], $0x80, $0x38;
	[tilespmem:$0x2080] =	vst v63  }
0xc: {  	s6 =	simm.s32 $0x40;
	s11 =	sshrl.u32 s10, $0x1;
	_ =	swait.ge [sflag:s4], $0x80  }
0xd: {  	s7 =	simm.s32 $0x80;
	s10 =	ssub.s32 s10, s11;
	[sflag:s4] =	ssyncset.done $0x0  }
0xe: {  	s8 =	simm.s32 $0x1;
	s10 =	smax.u32 s10, $0x1;
	[sflag:s4] =	ssyncadd.s32 $0xFFFFFF80  }
0xf: {  	[tilespmem:s7], [sflag:$0x1] =	stream.indirect.gather [hbm4b:s3+s6], $0x80, s5, s6, $0xb8;
	[tilespmem:$0x2080] =	vst v63  }
0x10: {  	p0 =	sne.s32 s10, $0x1;
	_ =	swait.ge [sflag:s8], $0x2000  }
.Ltmp1:
0x11: {  	[sflag:s8] =	ssyncset.done $0x0;
	(pc) =	sbr.rel @!p0 .LBB2_3-.Ltmp1, $4  }
0x12: {  	s9 =	sadd.s32 $0x3400, s9;
	[sflag:s8] =	ssyncadd.s32 $0xFFFFE000  }
0x13: {  	[hbm4b:s9+s5] =	stream.linear.scatter [tilespmem:s7], [sflag:$0x2], $0x2000, $0x38;
	[tilespmem:$0x2080] =	vst v63  }
0x14: {  	_ =	swait.ge [sflag:s4], $0x2000  }
0x15: {  	s10 =	sadd.s32 $0xFFFFFFFF, s10;
	[sflag:s4] =	ssyncset.done $0x0  }
.LBB2_2:
0x16: {  	p0 =	sne.s32 s10, $0x1;
	s10 =	sadd.s32 $0xFFFFFFFF, s10;
	[sflag:s4] =	ssyncadd.s32 $0xFFFFE000  }
0x17: {  	[tilespmem:s5], [sflag:$0x2] =	stream.linear.gather [hbm4b:s2+s5], $0x80, $0x38;
	[tilespmem:$0x2080] =	vst v63  }
0x18: {  	_ =	swait.ge [sflag:s4], $0x80  }
0x19: {  	[sflag:s4] =	ssyncset.done $0x0  }
0x1a: {  	[sflag:s4] =	ssyncadd.s32 $0xFFFFFF80  }
0x1b: {  	[tilespmem:s7], [sflag:$0x1] =	stream.indirect.gather [hbm4b:s3+s6], $0x80, s5, s6, $0xb8;
	[tilespmem:$0x2080] =	vst v63  }
0x1c: {  	_ =	swait.ge [sflag:s8], $0x2000  }
.Ltmp2:
0x1d: {  	[sflag:s8] =	ssyncset.done $0x0;
	(pc) =	sbr.rel @p0 .LBB2_2-.Ltmp2, $4  }
0x1e: {  	[sflag:s8] =	ssyncadd.s32 $0xFFFFE000  }
0x1f: {  	[hbm4b:s9+s5] =	stream.linear.scatter [tilespmem:s7], [sflag:$0x2], $0x2000, $0x38;
	[tilespmem:$0x2080] =	vst v63  }
0x20: {  	_ =	swait.ge [sflag:s4], $0x2000  }
0x21: {  	[sflag:s4] =	ssyncset.done $0x0  }
.LBB2_3:
0x22: {  	[sflag:s4] =	ssyncadd.s32 $0xFFFFE000  }
.LBB2_4:
0x23: {  	_ =	sfence.sel $0x180000  }
0x24: {  	[bflag:$0x0] =	sbarrier.arrive $0xFFFF  }
0x25: {  	p0 =	sne.s32 s0, $0x0;
	_ =	strace $0x90000047  }
0x26: {  	s0 =	sadd.s32 @!p0 $0x100000, s1;
	[bflag:$0x2] =	sbarrier.arrive $0xFFFF  }
0x27: {  	[sflag:s0] =	ssyncadd.tile.s32 @!p0 $0x1;
	_ =	shalt  }
.Lfunc_end2:
_tile_overlayer_lowered:
.L_overlay_start_2:
0x28: {  	(tag) =	ssettag $0x2  }
0x29: {  	s0 =	rddreg [dreg:$0x0];
	s2 =	stileid.u32  }
0x2a: {  	s1 =	rddreg [dreg:$0x1];
	p0 =	sne.s32 s2, $0x0  }
0x2b: {  	s3 =	rddreg [dreg:$0x2];
	[bflag:$0x3] =	sbarrier.arrive $0xFFFF;
	s2 =	simm.s32 @!p0 $0x1C02  }
0x2c: {  	[timem:s3], [sflag:s2] =	dma.local @!p0 [hbm:s0], s1  }
0x2d: {  	s0 =	simm.s32 @!p0 $0x2  }
0x2e: {  	_ =	swait.ge @!p0 [sflag:s0], s1  }
0x2f: {  	s1 =	ssub.s32 @!p0 $0x0, s1;
	[sflag:s0] =	ssyncset.done @!p0 $0x0  }
0x30: {  	[sflag:s0] =	ssyncadd.s32 @!p0 s1  }
0x31: {  	[bflag:$0x3] =	sbarrier.arrive $0xFFFF  }
0x32: {  	_ =	shalt  }

</sc_bundles>
